<compile_context>
chip_gen: v7x
topology: tpu7x:2x2x1
jax: 0.10.2.dev20260603
libtpu: 0.0.44.dev20260713+nightly
codegen_flags: <defaults>
</compile_context>

<pallas_src>
import jax
import jax.numpy as jnp
from jax import lax
from jax.experimental import pallas as pl
from jax.experimental.pallas import tpu as pltpu
from jax.experimental.pallas import tpu_sc as plsc

NC = 2
NS = 16
NW = NC * NS

TABLE_ROWS = 256 * 256 * 256

N_ELEMS = 4 * 3 * 512 * 512
N_TRIPLES = N_ELEMS // 3
TRIPLES_PER_TILE = N_TRIPLES // NW
C = 2048
E = 3 * C
N_CHUNKS = TRIPLES_PER_TILE // C
ELEMS_PER_TILE = N_ELEMS // NW


def _sc_body(x_hbm, w0, w1, w2, k0, k1, k2, out_hbm,
             xv0, xv1, ix0, ix1, wv0, wv1, kv0, kv1, outv,
             sx0, sx1, sw0, sw1, sk0, sk1):
    wid = lax.axis_index("s") * NC + lax.axis_index("c")
    base0 = wid * ELEMS_PER_TILE
    iota = lax.iota(jnp.int32, 16)
    xv = (xv0, xv1)
    ix = (ix0, ix1)
    wv = (wv0, wv1)
    kv = (kv0, kv1)
    sx = (sx0, sx1)
    sw = (sw0, sw1)
    sk = (sk0, sk1)

    def fire_x(n):
        e0 = base0 + n * E
        return pltpu.async_copy(x_hbm.at[pl.ds(e0, E)], xv[n % 2], sx[n % 2])

    def build_and_fire(n):
        b = n % 2

        def idx_body(it, _):
            p = it * 48 + iota * 3
            r = plsc.load_gather(xv[b], [p])
            g = plsc.load_gather(xv[b], [p + 1])
            bb = plsc.load_gather(xv[b], [p + 2])
            ind = (r * 65536.0 + g * 256.0 + bb).astype(jnp.int32)
            plsc.store_scatter(ix[b], [it * 16 + iota], ind)
            return 0

        lax.fori_loop(0, C // 16, idx_body, 0)
        cps = []
        for j, t in enumerate((w0, w1, w2)):
            cps.append(pltpu.async_copy(
                t.at[ix[b]], wv[b].at[pl.ds(j * C, C)], sw[b]))
        for j, t in enumerate((k0, k1, k2)):
            cps.append(pltpu.async_copy(
                t.at[ix[b]], kv[b].at[pl.ds(j * C, C)], sk[b]))
        return cps

    def drain(n, cps):
        b = n % 2
        for cp in cps:
            cp.wait()

        def ew_body(u, _):
            sl = pl.ds(u * 16, 16)
            f = u * 16 + iota
            t3 = lax.shift_right_logical(f * 21846, 16)
            j3 = f - t3 * 3
            a = j3 * C + t3
            wz = plsc.load_gather(wv[b], [a])
            kz = plsc.load_gather(kv[b], [a])
            z = xv[b][sl] * wz + kz
            t = jnp.exp(-2.0 * jnp.abs(z))
            outv[sl] = jnp.sign(z) * ((1.0 - t) / (1.0 + t))
            return 0

        lax.fori_loop(0, E // 16, ew_body, 0)
        e0 = base0 + n * E
        pltpu.sync_copy(outv, out_hbm.at[pl.ds(e0, E)])

    fire_x(0).wait()
    pending = build_and_fire(0)
    nxt = fire_x(1)
    for n in range(1, N_CHUNKS):
        nxt.wait()
        cps = build_and_fire(n)
        drain(n - 1, pending)
        if n + 1 < N_CHUNKS:
            nxt = fire_x(n + 1)
        pending = cps
    drain(N_CHUNKS - 1, pending)


@jax.jit
def _sc_call(xf, w0, w1, w2, k0, k1, k2):
    mesh = plsc.VectorSubcoreMesh(
        core_axis_name="c", subcore_axis_name="s",
        num_cores=NC, num_subcores=NS)
    f = pl.kernel(
        _sc_body,
        out_type=jax.ShapeDtypeStruct((N_ELEMS,), jnp.float32),
        mesh=mesh,
        scratch_types=(
            [pltpu.VMEM((E,), jnp.float32)] * 2
            + [pltpu.VMEM((C,), jnp.int32)] * 2
            + [pltpu.VMEM((E,), jnp.float32)] * 2
            + [pltpu.VMEM((E,), jnp.float32)] * 2
            + [pltpu.VMEM((E,), jnp.float32)]
            + [pltpu.SemaphoreType.DMA] * 6
        ),
        compiler_params=pltpu.CompilerParams(needs_layout_passes=False),
    )
    return f(xf, w0, w1, w2, k0, k1, k2)


def kernel(x, w, k):
    b, c, h, wd = x.shape
    out = _sc_call(x.reshape(-1),
                   w[:, 0], w[:, 1], w[:, 2],
                   k[:, 0], k[:, 1], k[:, 2])
    return out.reshape(-1, 3, h, wd)

# --- scband reference (transcript-rebuilt; emitter-appended) ---
"""Pipeline reference for scband-color-map-generator-24773371363470 (READ-ONLY COPY).

The authoritative reference and input builder live on the scoring server;
editing this copy changes nothing except your own understanding.
"""

import jax, jax.numpy as jnp
import numpy as np

TABLE_ROWS = 256 * 256 * 256

def setup_inputs(seed: int = 0) -> dict:
    key = jax.random.key(seed)
    k1, = jax.random.split(key, 1)
    # x holds integer-valued pixel intensities in [0, 256) stored as float32,
    # matching the torch module which computes indices from float pixel values.
    x = jax.random.randint(k1, (4, 3, 512, 512), 0, 256).astype(jnp.float32)
    w = jnp.ones((TABLE_ROWS, 3), dtype=jnp.float32)
    k_param = jnp.zeros((TABLE_ROWS, 3), dtype=jnp.float32)
    return {"x": x, "w": w, "k": k_param}

def reference(x, w, k):
    b, c, h, wd = x.shape
    xf = x.reshape(-1, 3)
    inds = (xf[:, 0] * (256 * 256) + xf[:, 1] * 256 + xf[:, 2]).astype(jnp.int32)
    gathered_w = jnp.take(w, inds, axis=0)
    gathered_k = jnp.take(k, inds, axis=0)
    out = jnp.tanh(xf * gathered_w + gathered_k)
    return out.reshape(-1, 3, h, wd)

if __name__ == "__main__":
    import jax
    _d = setup_inputs()
    print(jax.jit(kernel)(*tuple(_d.values())))

</pallas_src>

<mosaic_0001>
#map = affine_map<(d0, d1) -> (0)>
module attributes {stable_mosaic.version = 14 : i64} {
  func.func @_sc_body(%arg0: i32, %arg1: i32, %arg2: memref<3145728xf32, #tpu.memory_space<hbm>>, %arg3: memref<16777216xf32, #tpu.memory_space<hbm>>, %arg4: memref<16777216xf32, #tpu.memory_space<hbm>>, %arg5: memref<16777216xf32, #tpu.memory_space<hbm>>, %arg6: memref<16777216xf32, #tpu.memory_space<hbm>>, %arg7: memref<16777216xf32, #tpu.memory_space<hbm>>, %arg8: memref<16777216xf32, #tpu.memory_space<hbm>>, %arg9: memref<3145728xf32, #tpu.memory_space<hbm>>, %arg10: memref<6144xf32, #tpu.memory_space<vmem>>, %arg11: memref<6144xf32, #tpu.memory_space<vmem>>, %arg12: memref<2048xi32, #tpu.memory_space<vmem>>, %arg13: memref<2048xi32, #tpu.memory_space<vmem>>, %arg14: memref<6144xf32, #tpu.memory_space<vmem>>, %arg15: memref<6144xf32, #tpu.memory_space<vmem>>, %arg16: memref<6144xf32, #tpu.memory_space<vmem>>, %arg17: memref<6144xf32, #tpu.memory_space<vmem>>, %arg18: memref<6144xf32, #tpu.memory_space<vmem>>, %arg19: memref<!tpu.dma_semaphore, #tpu.memory_space<semaphore_mem>>, %arg20: memref<!tpu.dma_semaphore, #tpu.memory_space<semaphore_mem>>, %arg21: memref<!tpu.dma_semaphore, #tpu.memory_space<semaphore_mem>>, %arg22: memref<!tpu.dma_semaphore, #tpu.memory_space<semaphore_mem>>, %arg23: memref<!tpu.dma_semaphore, #tpu.memory_space<semaphore_mem>>, %arg24: memref<!tpu.dma_semaphore, #tpu.memory_space<semaphore_mem>>) attributes {dimension_semantics = [#tpu.dimension_semantics<core_parallel>, #tpu.dimension_semantics<subcore_parallel>], iteration_bounds = array<i64: 2, 16>, scalar_prefetch = 0 : i64, scratch_operands = 15 : i64, tpu.core_type = #tpu.core_type<sc_vector_subcore>, window_params = [{transform_indices = #map}, {transform_indices = #map}, {transform_indices = #map}, {transform_indices = #map}, {transform_indices = #map}, {transform_indices = #map}, {transform_indices = #map}, {transform_indices = #map}]} {
    %mul3A = arith.constant 2 : i32
    %mul3A_0 = arith.muli %arg1, %mul3A : i32
    %add3A = arith.addi %mul3A_0, %arg0 : i32
    %mul3A_1 = arith.constant 98304 : i32
    %mul3A_2 = arith.muli %add3A, %mul3A_1 : i32
    %iota3A = tpu.iota {dimensions = array<i32: 0>} : vector<16xi32>
    %add3A_3 = arith.constant 0 : i32
    %add3A_4 = arith.addi %mul3A_2, %add3A_3 : i32
    %dma_start3A = tpu.memref_slice %arg2[%add3A_4] : memref<3145728xf32, #tpu.memory_space<hbm>> -> memref<6144xf32, #tpu.memory_space<hbm>>
    %dma_start3A_5 = tpu.memref_slice %arg2[%add3A_4] : memref<3145728xf32, #tpu.memory_space<hbm>> -> memref<6144xf32, #tpu.memory_space<hbm>>
    tpu.enqueue_dma source(%dma_start3A_5 : memref<6144xf32, #tpu.memory_space<hbm>>) target(%arg10 : memref<6144xf32, #tpu.memory_space<vmem>>) target_semaphore(%arg19 : memref<!tpu.dma_semaphore, #tpu.memory_space<semaphore_mem>>)
    %dma_wait3A = tpu.memref_slice %arg2[%add3A_4] : memref<3145728xf32, #tpu.memory_space<hbm>> -> memref<6144xf32, #tpu.memory_space<hbm>>
    %dma_wait3A_6 = tpu.memref_slice %arg2[%add3A_4] : memref<3145728xf32, #tpu.memory_space<hbm>> -> memref<6144xf32, #tpu.memory_space<hbm>>
    tpu.wait_dma2 semaphore(%arg19 : memref<!tpu.dma_semaphore, #tpu.memory_space<semaphore_mem>>) src(%dma_wait3A_6 : memref<6144xf32, #tpu.memory_space<hbm>>) dst(%arg10 : memref<6144xf32, #tpu.memory_space<vmem>>)
    %scan3A = arith.constant 0 : i32
    %scan3A_7 = arith.constant 0 : i32
    %scan3A_8 = arith.constant 128 : i32
    %scan3A_9 = arith.addi %scan3A_7, %scan3A_8 : i32
    %scan3A_10 = arith.constant 1 : i32
    %scan3A_11 = scf.for %scan3A_1120 = %scan3A_7 to %scan3A_9 step %scan3A_10 iter_args(%scan3A_1121 = %scan3A) -> (i32)  : i32 {
      %mul3A_1122 = arith.constant 48 : i32
      %mul3A_1123 = arith.muli %scan3A_1120, %mul3A_1122 : i32
      %mul3A_1124 = arith.constant 3 : i32
      %mul3A_1125 = vector.broadcast %mul3A_1124 : i32 to vector<16xi32>
      %mul3A_1126 = arith.muli %iota3A, %mul3A_1125 : vector<16xi32>
      %add3A_1127 = vector.broadcast %mul3A_1123 : i32 to vector<16xi32>
      %add3A_1128 = arith.addi %add3A_1127, %mul3A_1126 : vector<16xi32>
      %gather3A = tpu.vector_load_idx %arg10[%add3A_1128] : memref<6144xf32, #tpu.memory_space<vmem>>[vector<16xi32>], vector<16xf32>,
      %add3A_1129 = arith.constant 1 : i32
      %add3A_1130 = vector.broadcast %add3A_1129 : i32 to vector<16xi32>
      %add3A_1131 = arith.addi %add3A_1128, %add3A_1130 : vector<16xi32>
      %gather3A_1132 = tpu.vector_load_idx %arg10[%add3A_1131] : memref<6144xf32, #tpu.memory_space<vmem>>[vector<16xi32>], vector<16xf32>,
      %add3A_1133 = arith.constant 2 : i32
      %add3A_1134 = vector.broadcast %add3A_1133 : i32 to vector<16xi32>
      %add3A_1135 = arith.addi %add3A_1128, %add3A_1134 : vector<16xi32>
      %gather3A_1136 = tpu.vector_load_idx %arg10[%add3A_1135] : memref<6144xf32, #tpu.memory_space<vmem>>[vector<16xi32>], vector<16xf32>,
      %mul3A_1137 = arith.constant 6.553600e+04 : f32
      %mul3A_1138 = vector.broadcast %mul3A_1137 : f32 to vector<16xf32>
      %mul3A_1139 = arith.mulf %gather3A, %mul3A_1138 : vector<16xf32>
      %mul3A_1140 = arith.constant 2.560000e+02 : f32
      %mul3A_1141 = vector.broadcast %mul3A_1140 : f32 to vector<16xf32>
      %mul3A_1142 = arith.mulf %gather3A_1132, %mul3A_1141 : vector<16xf32>
      %add3A_1143 = arith.addf %mul3A_1139, %mul3A_1142 : vector<16xf32>
      %add3A_1144 = arith.addf %add3A_1143, %gather3A_1136 : vector<16xf32>
      %convert_element_type3A = arith.fptosi %add3A_1144 : vector<16xf32> to vector<16xi32>
      %mul3A_1145 = arith.constant 16 : i32
      %mul3A_1146 = arith.muli %scan3A_1120, %mul3A_1145 : i32
      %add3A_1147 = vector.broadcast %mul3A_1146 : i32 to vector<16xi32>
      %add3A_1148 = arith.addi %add3A_1147, %iota3A : vector<16xi32>
      tpu.vector_store_idx %arg12[%add3A_1148], %convert_element_type3A : memref<2048xi32, #tpu.memory_space<vmem>>[vector<16xi32>], vector<16xi32>,
      %scan3A_1149 = arith.constant 0 : i32
      scf.yield %scan3A_1149 : i32
    }
    %scan3A_12 = arith.constant 128 : i32
    %dma_start3A_13 = arith.constant 0 : i32
    %dma_start3A_14 = tpu.memref_slice %arg14[%dma_start3A_13] : memref<6144xf32, #tpu.memory_space<vmem>> -> memref<2048xf32, #tpu.memory_space<vmem>>
    %dma_start3A_15 = arith.constant 0 : i32
    %dma_start3A_16 = tpu.memref_slice %arg3[%dma_start3A_15] : memref<16777216xf32, #tpu.memory_space<hbm>> -> memref<16777216xf32, #tpu.memory_space<hbm>>
    tpu.enqueue_indirect_dma source(%dma_start3A_16 : memref<16777216xf32, #tpu.memory_space<hbm>>) target(%dma_start3A_14 : memref<2048xf32, #tpu.memory_space<vmem>>) offsets(%arg12 : memref<2048xi32, #tpu.memory_space<vmem>>) semaphore(%arg21 : memref<!tpu.dma_semaphore, #tpu.memory_space<semaphore_mem>>)
    %dma_start3A_17 = arith.constant 2048 : i32
    %dma_start3A_18 = tpu.memref_slice %arg14[%dma_start3A_17] : memref<6144xf32, #tpu.memory_space<vmem>> -> memref<2048xf32, #tpu.memory_space<vmem>>
    %dma_start3A_19 = arith.constant 0 : i32
    %dma_start3A_20 = tpu.memref_slice %arg4[%dma_start3A_19] : memref<16777216xf32, #tpu.memory_space<hbm>> -> memref<16777216xf32, #tpu.memory_space<hbm>>
    tpu.enqueue_indirect_dma source(%dma_start3A_20 : memref<16777216xf32, #tpu.memory_space<hbm>>) target(%dma_start3A_18 : memref<2048xf32, #tpu.memory_space<vmem>>) offsets(%arg12 : memref<2048xi32, #tpu.memory_space<vmem>>) semaphore(%arg21 : memref<!tpu.dma_semaphore, #tpu.memory_space<semaphore_mem>>)
    %dma_start3A_21 = arith.constant 4096 : i32
    %dma_start3A_22 = tpu.memref_slice %arg14[%dma_start3A_21] : memref<6144xf32, #tpu.memory_space<vmem>> -> memref<2048xf32, #tpu.memory_space<vmem>>
    %dma_start3A_23 = arith.constant 0 : i32
    %dma_start3A_24 = tpu.memref_slice %arg5[%dma_start3A_23] : memref<16777216xf32, #tpu.memory_space<hbm>> -> memref<16777216xf32, #tpu.memory_space<hbm>>
    tpu.enqueue_indirect_dma source(%dma_start3A_24 : memref<16777216xf32, #tpu.memory_space<hbm>>) target(%dma_start3A_22 : memref<2048xf32, #tpu.memory_space<vmem>>) offsets(%arg12 : memref<2048xi32, #tpu.memory_space<vmem>>) semaphore(%arg21 : memref<!tpu.dma_semaphore, #tpu.memory_space<semaphore_mem>>)
    %dma_start3A_25 = arith.constant 0 : i32
    %dma_start3A_26 = tpu.memref_slice %arg16[%dma_start3A_25] : memref<6144xf32, #tpu.memory_space<vmem>> -> memref<2048xf32, #tpu.memory_space<vmem>>
    %dma_start3A_27 = arith.constant 0 : i32
    %dma_start3A_28 = tpu.memref_slice %arg6[%dma_start3A_27] : memref<16777216xf32, #tpu.memory_space<hbm>> -> memref<16777216xf32, #tpu.memory_space<hbm>>
    tpu.enqueue_indirect_dma source(%dma_start3A_28 : memref<16777216xf32, #tpu.memory_space<hbm>>) target(%dma_start3A_26 : memref<2048xf32, #tpu.memory_space<vmem>>) offsets(%arg12 : memref<2048xi32, #tpu.memory_space<vmem>>) semaphore(%arg23 : memref<!tpu.dma_semaphore, #tpu.memory_space<semaphore_mem>>)
    %dma_start3A_29 = arith.constant 2048 : i32
    %dma_start3A_30 = tpu.memref_slice %arg16[%dma_start3A_29] : memref<6144xf32, #tpu.memory_space<vmem>> -> memref<2048xf32, #tpu.memory_space<vmem>>
    %dma_start3A_31 = arith.constant 0 : i32
    %dma_start3A_32 = tpu.memref_slice %arg7[%dma_start3A_31] : memref<16777216xf32, #tpu.memory_space<hbm>> -> memref<16777216xf32, #tpu.memory_space<hbm>>
    tpu.enqueue_indirect_dma source(%dma_start3A_32 : memref<16777216xf32, #tpu.memory_space<hbm>>) target(%dma_start3A_30 : memref<2048xf32, #tpu.memory_space<vmem>>) offsets(%arg12 : memref<2048xi32, #tpu.memory_space<vmem>>) semaphore(%arg23 : memref<!tpu.dma_semaphore, #tpu.memory_space<semaphore_mem>>)
    %dma_start3A_33 = arith.constant 4096 : i32
    %dma_start3A_34 = tpu.memref_slice %arg16[%dma_start3A_33] : memref<6144xf32, #tpu.memory_space<vmem>> -> memref<2048xf32, #tpu.memory_space<vmem>>
    %dma_start3A_35 = arith.constant 0 : i32
    %dma_start3A_36 = tpu.memref_slice %arg8[%dma_start3A_35] : memref<16777216xf32, #tpu.memory_space<hbm>> -> memref<16777216xf32, #tpu.memory_space<hbm>>
    tpu.enqueue_indirect_dma source(%dma_start3A_36 : memref<16777216xf32, #tpu.memory_space<hbm>>) target(%dma_start3A_34 : memref<2048xf32, #tpu.memory_space<vmem>>) offsets(%arg12 : memref<2048xi32, #tpu.memory_space<vmem>>) semaphore(%arg23 : memref<!tpu.dma_semaphore, #tpu.memory_space<semaphore_mem>>)
    %add3A_37 = arith.constant 6144 : i32
    %add3A_38 = arith.addi %mul3A_2, %add3A_37 : i32
    %dma_start3A_39 = tpu.memref_slice %arg2[%add3A_38] : memref<3145728xf32, #tpu.memory_space<hbm>> -> memref<6144xf32, #tpu.memory_space<hbm>>
    %dma_start3A_40 = tpu.memref_slice %arg2[%add3A_38] : memref<3145728xf32, #tpu.memory_space<hbm>> -> memref<6144xf32, #tpu.memory_space<hbm>>
    tpu.enqueue_dma source(%dma_start3A_40 : memref<6144xf32, #tpu.memory_space<hbm>>) target(%arg11 : memref<6144xf32, #tpu.memory_space<vmem>>) target_semaphore(%arg20 : memref<!tpu.dma_semaphore, #tpu.memory_space<semaphore_mem>>)
    %dma_wait3A_41 = tpu.memref_slice %arg2[%add3A_38] : memref<3145728xf32, #tpu.memory_space<hbm>> -> memref<6144xf32, #tpu.memory_space<hbm>>
    %dma_wait3A_42 = tpu.memref_slice %arg2[%add3A_38] : memref<3145728xf32, #tpu.memory_space<hbm>> -> memref<6144xf32, #tpu.memory_space<hbm>>
    tpu.wait_dma2 semaphore(%arg20 : memref<!tpu.dma_semaphore, #tpu.memory_space<semaphore_mem>>) src(%dma_wait3A_42 : memref<6144xf32, #tpu.memory_space<hbm>>) dst(%arg11 : memref<6144xf32, #tpu.memory_space<vmem>>)
    %scan3A_43 = arith.constant 0 : i32
    %scan3A_44 = arith.constant 0 : i32
    %scan3A_45 = arith.constant 128 : i32
    %scan3A_46 = arith.addi %scan3A_44, %scan3A_45 : i32
    %scan3A_47 = arith.constant 1 : i32
    %scan3A_48 = scf.for %scan3A_1120 = %scan3A_44 to %scan3A_46 step %scan3A_47 iter_args(%scan3A_1121 = %scan3A_43) -> (i32)  : i32 {
      %mul3A_1122 = arith.constant 48 : i32
      %mul3A_1123 = arith.muli %scan3A_1120, %mul3A_1122 : i32
      %mul3A_1124 = arith.constant 3 : i32
      %mul3A_1125 = vector.broadcast %mul3A_1124 : i32 to vector<16xi32>
      %mul3A_1126 = arith.muli %iota3A, %mul3A_1125 : vector<16xi32>
      %add3A_1127 = vector.broadcast %mul3A_1123 : i32 to vector<16xi32>
      %add3A_1128 = arith.addi %add3A_1127, %mul3A_1126 : vector<16xi32>
      %gather3A = tpu.vector_load_idx %arg11[%add3A_1128] : memref<6144xf32, #tpu.memory_space<vmem>>[vector<16xi32>], vector<16xf32>,
      %add3A_1129 = arith.constant 1 : i32
      %add3A_1130 = vector.broadcast %add3A_1129 : i32 to vector<16xi32>
      %add3A_1131 = arith.addi %add3A_1128, %add3A_1130 : vector<16xi32>
      %gather3A_1132 = tpu.vector_load_idx %arg11[%add3A_1131] : memref<6144xf32, #tpu.memory_space<vmem>>[vector<16xi32>], vector<16xf32>,
      %add3A_1133 = arith.constant 2 : i32
      %add3A_1134 = vector.broadcast %add3A_1133 : i32 to vector<16xi32>
      %add3A_1135 = arith.addi %add3A_1128, %add3A_1134 : vector<16xi32>
      %gather3A_1136 = tpu.vector_load_idx %arg11[%add3A_1135] : memref<6144xf32, #tpu.memory_space<vmem>>[vector<16xi32>], vector<16xf32>,
      %mul3A_1137 = arith.constant 6.553600e+04 : f32
      %mul3A_1138 = vector.broadcast %mul3A_1137 : f32 to vector<16xf32>
      %mul3A_1139 = arith.mulf %gather3A, %mul3A_1138 : vector<16xf32>
      %mul3A_1140 = arith.constant 2.560000e+02 : f32
      %mul3A_1141 = vector.broadcast %mul3A_1140 : f32 to vector<16xf32>
      %mul3A_1142 = arith.mulf %gather3A_1132, %mul3A_1141 : vector<16xf32>
      %add3A_1143 = arith.addf %mul3A_1139, %mul3A_1142 : vector<16xf32>
      %add3A_1144 = arith.addf %add3A_1143, %gather3A_1136 : vector<16xf32>
      %convert_element_type3A = arith.fptosi %add3A_1144 : vector<16xf32> to vector<16xi32>
      %mul3A_1145 = arith.constant 16 : i32
      %mul3A_1146 = arith.muli %scan3A_1120, %mul3A_1145 : i32
      %add3A_1147 = vector.broadcast %mul3A_1146 : i32 to vector<16xi32>
      %add3A_1148 = arith.addi %add3A_1147, %iota3A : vector<16xi32>
      tpu.vector_store_idx %arg13[%add3A_1148], %convert_element_type3A : memref<2048xi32, #tpu.memory_space<vmem>>[vector<16xi32>], vector<16xi32>,
      %scan3A_1149 = arith.constant 0 : i32
      scf.yield %scan3A_1149 : i32
    }
    %scan3A_49 = arith.constant 128 : i32
    %dma_start3A_50 = arith.constant 0 : i32
    %dma_start3A_51 = tpu.memref_slice %arg15[%dma_start3A_50] : memref<6144xf32, #tpu.memory_space<vmem>> -> memref<2048xf32, #tpu.memory_space<vmem>>
    %dma_start3A_52 = arith.constant 0 : i32
    %dma_start3A_53 = tpu.memref_slice %arg3[%dma_start3A_52] : memref<16777216xf32, #tpu.memory_space<hbm>> -> memref<16777216xf32, #tpu.memory_space<hbm>>
    tpu.enqueue_indirect_dma source(%dma_start3A_53 : memref<16777216xf32, #tpu.memory_space<hbm>>) target(%dma_start3A_51 : memref<2048xf32, #tpu.memory_space<vmem>>) offsets(%arg13 : memref<2048xi32, #tpu.memory_space<vmem>>) semaphore(%arg22 : memref<!tpu.dma_semaphore, #tpu.memory_space<semaphore_mem>>)
    %dma_start3A_54 = arith.constant 2048 : i32
    %dma_start3A_55 = tpu.memref_slice %arg15[%dma_start3A_54] : memref<6144xf32, #tpu.memory_space<vmem>> -> memref<2048xf32, #tpu.memory_space<vmem>>
    %dma_start3A_56 = arith.constant 0 : i32
    %dma_start3A_57 = tpu.memref_slice %arg4[%dma_start3A_56] : memref<16777216xf32, #tpu.memory_space<hbm>> -> memref<16777216xf32, #tpu.memory_space<hbm>>
    tpu.enqueue_indirect_dma source(%dma_start3A_57 : memref<16777216xf32, #tpu.memory_space<hbm>>) target(%dma_start3A_55 : memref<2048xf32, #tpu.memory_space<vmem>>) offsets(%arg13 : memref<2048xi32, #tpu.memory_space<vmem>>) semaphore(%arg22 : memref<!tpu.dma_semaphore, #tpu.memory_space<semaphore_mem>>)
    %dma_start3A_58 = arith.constant 4096 : i32
    %dma_start3A_59 = tpu.memref_slice %arg15[%dma_start3A_58] : memref<6144xf32, #tpu.memory_space<vmem>> -> memref<2048xf32, #tpu.memory_space<vmem>>
    %dma_start3A_60 = arith.constant 0 : i32
    %dma_start3A_61 = tpu.memref_slice %arg5[%dma_start3A_60] : memref<16777216xf32, #tpu.memory_space<hbm>> -> memref<16777216xf32, #tpu.memory_space<hbm>>
    tpu.enqueue_indirect_dma source(%dma_start3A_61 : memref<16777216xf32, #tpu.memory_space<hbm>>) target(%dma_start3A_59 : memref<2048xf32, #tpu.memory_space<vmem>>) offsets(%arg13 : memref<2048xi32, #tpu.memory_space<vmem>>) semaphore(%arg22 : memref<!tpu.dma_semaphore, #tpu.memory_space<semaphore_mem>>)
    %dma_start3A_62 = arith.constant 0 : i32
    %dma_start3A_63 = tpu.memref_slice %arg17[%dma_start3A_62] : memref<6144xf32, #tpu.memory_space<vmem>> -> memref<2048xf32, #tpu.memory_space<vmem>>
    %dma_start3A_64 = arith.constant 0 : i32
    %dma_start3A_65 = tpu.memref_slice %arg6[%dma_start3A_64] : memref<16777216xf32, #tpu.memory_space<hbm>> -> memref<16777216xf32, #tpu.memory_space<hbm>>
    tpu.enqueue_indirect_dma source(%dma_start3A_65 : memref<16777216xf32, #tpu.memory_space<hbm>>) target(%dma_start3A_63 : memref<2048xf32, #tpu.memory_space<vmem>>) offsets(%arg13 : memref<2048xi32, #tpu.memory_space<vmem>>) semaphore(%arg24 : memref<!tpu.dma_semaphore, #tpu.memory_space<semaphore_mem>>)
    %dma_start3A_66 = arith.constant 2048 : i32
    %dma_start3A_67 = tpu.memref_slice %arg17[%dma_start3A_66] : memref<6144xf32, #tpu.memory_space<vmem>> -> memref<2048xf32, #tpu.memory_space<vmem>>
    %dma_start3A_68 = arith.constant 0 : i32
    %dma_start3A_69 = tpu.memref_slice %arg7[%dma_start3A_68] : memref<16777216xf32, #tpu.memory_space<hbm>> -> memref<16777216xf32, #tpu.memory_space<hbm>>
    tpu.enqueue_indirect_dma source(%dma_start3A_69 : memref<16777216xf32, #tpu.memory_space<hbm>>) target(%dma_start3A_67 : memref<2048xf32, #tpu.memory_space<vmem>>) offsets(%arg13 : memref<2048xi32, #tpu.memory_space<vmem>>) semaphore(%arg24 : memref<!tpu.dma_semaphore, #tpu.memory_space<semaphore_mem>>)
    %dma_start3A_70 = arith.constant 4096 : i32
    %dma_start3A_71 = tpu.memref_slice %arg17[%dma_start3A_70] : memref<6144xf32, #tpu.memory_space<vmem>> -> memref<2048xf32, #tpu.memory_space<vmem>>
    %dma_start3A_72 = arith.constant 0 : i32
    %dma_start3A_73 = tpu.memref_slice %arg8[%dma_start3A_72] : memref<16777216xf32, #tpu.memory_space<hbm>> -> memref<16777216xf32, #tpu.memory_space<hbm>>
    tpu.enqueue_indirect_dma source(%dma_start3A_73 : memref<16777216xf32, #tpu.memory_space<hbm>>) target(%dma_start3A_71 : memref<2048xf32, #tpu.memory_space<vmem>>) offsets(%arg13 : memref<2048xi32, #tpu.memory_space<vmem>>) semaphore(%arg24 : memref<!tpu.dma_semaphore, #tpu.memory_space<semaphore_mem>>)
    %dma_wait3A_74 = arith.constant 0 : i32
    %dma_wait3A_75 = tpu.memref_slice %arg14[%dma_wait3A_74] : memref<6144xf32, #tpu.memory_space<vmem>> -> memref<2048xf32, #tpu.memory_space<vmem>>
    %dma_wait3A_76 = arith.constant 0 : i32
    %dma_wait3A_77 = tpu.memref_slice %arg3[%dma_wait3A_76] : memref<16777216xf32, #tpu.memory_space<hbm>> -> memref<16777216xf32, #tpu.memory_space<hbm>>
    tpu.wait_indirect_dma semaphore(%arg21 : memref<!tpu.dma_semaphore, #tpu.memory_space<semaphore_mem>>) src(%dma_wait3A_77 : memref<16777216xf32, #tpu.memory_space<hbm>>) dst(%dma_wait3A_75 : memref<2048xf32, #tpu.memory_space<vmem>>)
    %dma_wait3A_78 = arith.constant 2048 : i32
    %dma_wait3A_79 = tpu.memref_slice %arg14[%dma_wait3A_78] : memref<6144xf32, #tpu.memory_space<vmem>> -> memref<2048xf32, #tpu.memory_space<vmem>>
    %dma_wait3A_80 = arith.constant 0 : i32
    %dma_wait3A_81 = tpu.memref_slice %arg4[%dma_wait3A_80] : memref<16777216xf32, #tpu.memory_space<hbm>> -> memref<16777216xf32, #tpu.memory_space<hbm>>
    tpu.wait_indirect_dma semaphore(%arg21 : memref<!tpu.dma_semaphore, #tpu.memory_space<semaphore_mem>>) src(%dma_wait3A_81 : memref<16777216xf32, #tpu.memory_space<hbm>>) dst(%dma_wait3A_79 : memref<2048xf32, #tpu.memory_space<vmem>>)
    %dma_wait3A_82 = arith.constant 4096 : i32
    %dma_wait3A_83 = tpu.memref_slice %arg14[%dma_wait3A_82] : memref<6144xf32, #tpu.memory_space<vmem>> -> memref<2048xf32, #tpu.memory_space<vmem>>
    %dma_wait3A_84 = arith.constant 0 : i32
    %dma_wait3A_85 = tpu.memref_slice %arg5[%dma_wait3A_84] : memref<16777216xf32, #tpu.memory_space<hbm>> -> memref<16777216xf32, #tpu.memory_space<hbm>>
    tpu.wait_indirect_dma semaphore(%arg21 : memref<!tpu.dma_semaphore, #tpu.memory_space<semaphore_mem>>) src(%dma_wait3A_85 : memref<16777216xf32, #tpu.memory_space<hbm>>) dst(%dma_wait3A_83 : memref<2048xf32, #tpu.memory_space<vmem>>)
    %dma_wait3A_86 = arith.constant 0 : i32
    %dma_wait3A_87 = tpu.memref_slice %arg16[%dma_wait3A_86] : memref<6144xf32, #tpu.memory_space<vmem>> -> memref<2048xf32, #tpu.memory_space<vmem>>
    %dma_wait3A_88 = arith.constant 0 : i32
    %dma_wait3A_89 = tpu.memref_slice %arg6[%dma_wait3A_88] : memref<16777216xf32, #tpu.memory_space<hbm>> -> memref<16777216xf32, #tpu.memory_space<hbm>>
    tpu.wait_indirect_dma semaphore(%arg23 : memref<!tpu.dma_semaphore, #tpu.memory_space<semaphore_mem>>) src(%dma_wait3A_89 : memref<16777216xf32, #tpu.memory_space<hbm>>) dst(%dma_wait3A_87 : memref<2048xf32, #tpu.memory_space<vmem>>)
    %dma_wait3A_90 = arith.constant 2048 : i32
    %dma_wait3A_91 = tpu.memref_slice %arg16[%dma_wait3A_90] : memref<6144xf32, #tpu.memory_space<vmem>> -> memref<2048xf32, #tpu.memory_space<vmem>>
    %dma_wait3A_92 = arith.constant 0 : i32
    %dma_wait3A_93 = tpu.memref_slice %arg7[%dma_wait3A_92] : memref<16777216xf32, #tpu.memory_space<hbm>> -> memref<16777216xf32, #tpu.memory_space<hbm>>
    tpu.wait_indirect_dma semaphore(%arg23 : memref<!tpu.dma_semaphore, #tpu.memory_space<semaphore_mem>>) src(%dma_wait3A_93 : memref<16777216xf32, #tpu.memory_space<hbm>>) dst(%dma_wait3A_91 : memref<2048xf32, #tpu.memory_space<vmem>>)
    %dma_wait3A_94 = arith.constant 4096 : i32
    %dma_wait3A_95 = tpu.memref_slice %arg16[%dma_wait3A_94] : memref<6144xf32, #tpu.memory_space<vmem>> -> memref<2048xf32, #tpu.memory_space<vmem>>
    %dma_wait3A_96 = arith.constant 0 : i32
    %dma_wait3A_97 = tpu.memref_slice %arg8[%dma_wait3A_96] : memref<16777216xf32, #tpu.memory_space<hbm>> -> memref<16777216xf32, #tpu.memory_space<hbm>>
    tpu.wait_indirect_dma semaphore(%arg23 : memref<!tpu.dma_semaphore, #tpu.memory_space<semaphore_mem>>) src(%dma_wait3A_97 : memref<16777216xf32, #tpu.memory_space<hbm>>) dst(%dma_wait3A_95 : memref<2048xf32, #tpu.memory_space<vmem>>)
    %scan3A_98 = arith.constant 0 : i32
    %scan3A_99 = arith.constant 0 : i32
    %scan3A_100 = arith.constant 384 : i32
    %scan3A_101 = arith.addi %scan3A_99, %scan3A_100 : i32
    %scan3A_102 = arith.constant 1 : i32
    %scan3A_103 = scf.for %scan3A_1120 = %scan3A_99 to %scan3A_101 step %scan3A_102 iter_args(%scan3A_1121 = %scan3A_98) -> (i32)  : i32 {
      %mul3A_1122 = arith.constant 16 : i32
      %mul3A_1123 = arith.muli %scan3A_1120, %mul3A_1122 : i32
      %mul3A_1124 = arith.constant 16 : i32
      %mul3A_1125 = arith.muli %scan3A_1120, %mul3A_1124 : i32
      %add3A_1126 = vector.broadcast %mul3A_1125 : i32 to vector<16xi32>
      %add3A_1127 = arith.addi %add3A_1126, %iota3A : vector<16xi32>
      %mul3A_1128 = arith.constant 21846 : i32
      %mul3A_1129 = vector.broadcast %mul3A_1128 : i32 to vector<16xi32>
      %mul3A_1130 = arith.muli %add3A_1127, %mul3A_1129 : vector<16xi32>
      %shift_right_logical3A = arith.constant 16 : i32
      %shift_right_logical3A_1131 = vector.broadcast %shift_right_logical3A : i32 to vector<16xi32>
      %shift_right_logical3A_1132 = arith.shrui %mul3A_1130, %shift_right_logical3A_1131 : vector<16xi32>
      %mul3A_1133 = arith.constant 3 : i32
      %mul3A_1134 = vector.broadcast %mul3A_1133 : i32 to vector<16xi32>
      %mul3A_1135 = arith.muli %shift_right_logical3A_1132, %mul3A_1134 : vector<16xi32>
      %sub3A = arith.subi %add3A_1127, %mul3A_1135 : vector<16xi32>
      %mul3A_1136 = arith.constant 2048 : i32
      %mul3A_1137 = vector.broadcast %mul3A_1136 : i32 to vector<16xi32>
      %mul3A_1138 = arith.muli %sub3A, %mul3A_1137 : vector<16xi32>
      %add3A_1139 = arith.addi %mul3A_1138, %shift_right_logical3A_1132 : vector<16xi32>
      %gather3A = tpu.vector_load_idx %arg14[%add3A_1139] : memref<6144xf32, #tpu.memory_space<vmem>>[vector<16xi32>], vector<16xf32>,
      %gather3A_1140 = tpu.vector_load_idx %arg16[%add3A_1139] : memref<6144xf32, #tpu.memory_space<vmem>>[vector<16xi32>], vector<16xf32>,
      %get3A = arith.index_cast %mul3A_1123 : i32 to index
      %get3A_1141 = tpu.vector_load %arg10[%get3A] {strides = array<i32>} : memref<6144xf32, #tpu.memory_space<vmem>>, vector<16xf32>,
      %mul3A_1142 = arith.mulf %get3A_1141, %gather3A : vector<16xf32>
      %add3A_1143 = arith.addf %mul3A_1142, %gather3A_1140 : vector<16xf32>
      %abs3A = math.absf %add3A_1143 : vector<16xf32>
      %mul3A_1144 = arith.constant -2.000000e+00 : f32
      %mul3A_1145 = vector.broadcast %mul3A_1144 : f32 to vector<16xf32>
      %mul3A_1146 = arith.mulf %mul3A_1145, %abs3A : vector<16xf32>
      %exp3A = math.exp %mul3A_1146 : vector<16xf32>
      %sign3A = tpu.bitcast %add3A_1143 : vector<16xf32> -> vector<16xi32>
      %sign3A_1147 = arith.constant -2147483648 : i32
      %sign3A_1148 = vector.broadcast %sign3A_1147 : i32 to vector<16xi32>
      %sign3A_1149 = arith.andi %sign3A, %sign3A_1148 : vector<16xi32>
      %sign3A_1150 = arith.constant 1065353216 : i32
      %sign3A_1151 = vector.broadcast %sign3A_1150 : i32 to vector<16xi32>
      %sign3A_1152 = arith.ori %sign3A_1151, %sign3A_1149 : vector<16xi32>
      %sign3A_1153 = tpu.bitcast %sign3A_1152 : vector<16xi32> -> vector<16xf32>
      %sign3A_1154 = math.absf %add3A_1143 : vector<16xf32>
      %sign3A_1155 = arith.constant 0.000000e+00 : f32
      %sign3A_1156 = vector.broadcast %sign3A_1155 : f32 to vector<16xf32>
      %sign3A_1157 = arith.cmpf ogt, %sign3A_1154, %sign3A_1156 : vector<16xf32>
      %sign3A_1158 = arith.select %sign3A_1157, %sign3A_1153, %add3A_1143 : vector<16xi1>, vector<16xf32>
      %sub3A_1159 = arith.constant 1.000000e+00 : f32
      %sub3A_1160 = vector.broadcast %sub3A_1159 : f32 to vector<16xf32>
      %sub3A_1161 = arith.subf %sub3A_1160, %exp3A : vector<16xf32>
      %add3A_1162 = arith.constant 1.000000e+00 : f32
      %add3A_1163 = vector.broadcast %add3A_1162 : f32 to vector<16xf32>
      %add3A_1164 = arith.addf %add3A_1163, %exp3A : vector<16xf32>
      %div3A = arith.divf %sub3A_1161, %add3A_1164 : vector<16xf32>
      %mul3A_1165 = arith.mulf %sign3A_1158, %div3A : vector<16xf32>
      %swap3A = arith.index_cast %mul3A_1123 : i32 to index
      %swap3A_1166 = tpu.vector_load %arg18[%swap3A] {strides = array<i32>} : memref<6144xf32, #tpu.memory_space<vmem>>, vector<16xf32>,
      tpu.vector_store %arg18[%swap3A], %mul3A_1165 {strides = array<i32>} : memref<6144xf32, #tpu.memory_space<vmem>>, vector<16xf32>,
      %scan3A_1167 = arith.constant 0 : i32
      scf.yield %scan3A_1167 : i32
    }
    %scan3A_104 = arith.constant 384 : i32
    %add3A_105 = arith.constant 0 : i32
    %add3A_106 = arith.addi %mul3A_2, %add3A_105 : i32
    "tpu.region"() ({
      %run_scoped3A = tpu.sem_alloc : memref<!tpu.dma_semaphore, #tpu.memory_space<semaphore_mem>>
      %dma_start3A_1120 = tpu.memref_slice %arg9[%add3A_106] : memref<3145728xf32, #tpu.memory_space<hbm>> -> memref<6144xf32, #tpu.memory_space<hbm>>
      %dma_start3A_1121 = tpu.memref_slice %arg9[%add3A_106] : memref<3145728xf32, #tpu.memory_space<hbm>> -> memref<6144xf32, #tpu.memory_space<hbm>>
      tpu.enqueue_dma source(%arg18 : memref<6144xf32, #tpu.memory_space<vmem>>) target(%dma_start3A_1121 : memref<6144xf32, #tpu.memory_space<hbm>>) target_semaphore(%run_scoped3A : memref<!tpu.dma_semaphore, #tpu.memory_space<semaphore_mem>>)
      %dma_wait3A_1122 = tpu.memref_slice %arg9[%add3A_106] : memref<3145728xf32, #tpu.memory_space<hbm>> -> memref<6144xf32, #tpu.memory_space<hbm>>
      %dma_wait3A_1123 = tpu.memref_slice %arg9[%add3A_106] : memref<3145728xf32, #tpu.memory_space<hbm>> -> memref<6144xf32, #tpu.memory_space<hbm>>
      tpu.wait_dma2 semaphore(%run_scoped3A : memref<!tpu.dma_semaphore, #tpu.memory_space<semaphore_mem>>) src(%arg18 : memref<6144xf32, #tpu.memory_space<vmem>>) dst(%dma_wait3A_1123 : memref<6144xf32, #tpu.memory_space<hbm>>)
      tpu.yield
    }) : () -> ()
    %add3A_107 = arith.constant 12288 : i32
    %add3A_108 = arith.addi %mul3A_2, %add3A_107 : i32
    %dma_start3A_109 = tpu.memref_slice %arg2[%add3A_108] : memref<3145728xf32, #tpu.memory_space<hbm>> -> memref<6144xf32, #tpu.memory_space<hbm>>
    %dma_start3A_110 = tpu.memref_slice %arg2[%add3A_108] : memref<3145728xf32, #tpu.memory_space<hbm>> -> memref<6144xf32, #tpu.memory_space<hbm>>
    tpu.enqueue_dma source(%dma_start3A_110 : memref<6144xf32, #tpu.memory_space<hbm>>) target(%arg10 : memref<6144xf32, #tpu.memory_space<vmem>>) target_semaphore(%arg19 : memref<!tpu.dma_semaphore, #tpu.memory_space<semaphore_mem>>)
    %dma_wait3A_111 = tpu.memref_slice %arg2[%add3A_108] : memref<3145728xf32, #tpu.memory_space<hbm>> -> memref<6144xf32, #tpu.memory_space<hbm>>
    %dma_wait3A_112 = tpu.memref_slice %arg2[%add3A_108] : memref<3145728xf32, #tpu.memory_space<hbm>> -> memref<6144xf32, #tpu.memory_space<hbm>>
    tpu.wait_dma2 semaphore(%arg19 : memref<!tpu.dma_semaphore, #tpu.memory_space<semaphore_mem>>) src(%dma_wait3A_112 : memref<6144xf32, #tpu.memory_space<hbm>>) dst(%arg10 : memref<6144xf32, #tpu.memory_space<vmem>>)
    %scan3A_113 = arith.constant 0 : i32
    %scan3A_114 = arith.constant 0 : i32
    %scan3A_115 = arith.constant 128 : i32
    %scan3A_116 = arith.addi %scan3A_114, %scan3A_115 : i32
    %scan3A_117 = arith.constant 1 : i32
    %scan3A_118 = scf.for %scan3A_1120 = %scan3A_114 to %scan3A_116 step %scan3A_117 iter_args(%scan3A_1121 = %scan3A_113) -> (i32)  : i32 {
      %mul3A_1122 = arith.constant 48 : i32
      %mul3A_1123 = arith.muli %scan3A_1120, %mul3A_1122 : i32
      %mul3A_1124 = arith.constant 3 : i32
      %mul3A_1125 = vector.broadcast %mul3A_1124 : i32 to vector<16xi32>
      %mul3A_1126 = arith.muli %iota3A, %mul3A_1125 : vector<16xi32>
      %add3A_1127 = vector.broadcast %mul3A_1123 : i32 to vector<16xi32>
      %add3A_1128 = arith.addi %add3A_1127, %mul3A_1126 : vector<16xi32>
      %gather3A = tpu.vector_load_idx %arg10[%add3A_1128] : memref<6144xf32, #tpu.memory_space<vmem>>[vector<16xi32>], vector<16xf32>,
      %add3A_1129 = arith.constant 1 : i32
      %add3A_1130 = vector.broadcast %add3A_1129 : i32 to vector<16xi32>
      %add3A_1131 = arith.addi %add3A_1128, %add3A_1130 : vector<16xi32>
      %gather3A_1132 = tpu.vector_load_idx %arg10[%add3A_1131] : memref<6144xf32, #tpu.memory_space<vmem>>[vector<16xi32>], vector<16xf32>,
      %add3A_1133 = arith.constant 2 : i32
      %add3A_1134 = vector.broadcast %add3A_1133 : i32 to vector<16xi32>
      %add3A_1135 = arith.addi %add3A_1128, %add3A_1134 : vector<16xi32>
      %gather3A_1136 = tpu.vector_load_idx %arg10[%add3A_1135] : memref<6144xf32, #tpu.memory_space<vmem>>[vector<16xi32>], vector<16xf32>,
      %mul3A_1137 = arith.constant 6.553600e+04 : f32
      %mul3A_1138 = vector.broadcast %mul3A_1137 : f32 to vector<16xf32>
      %mul3A_1139 = arith.mulf %gather3A, %mul3A_1138 : vector<16xf32>
      %mul3A_1140 = arith.constant 2.560000e+02 : f32
      %mul3A_1141 = vector.broadcast %mul3A_1140 : f32 to vector<16xf32>
      %mul3A_1142 = arith.mulf %gather3A_1132, %mul3A_1141 : vector<16xf32>
      %add3A_1143 = arith.addf %mul3A_1139, %mul3A_1142 : vector<16xf32>
      %add3A_1144 = arith.addf %add3A_1143, %gather3A_1136 : vector<16xf32>
      %convert_element_type3A = arith.fptosi %add3A_1144 : vector<16xf32> to vector<16xi32>
      %mul3A_1145 = arith.constant 16 : i32
      %mul3A_1146 = arith.muli %scan3A_1120, %mul3A_1145 : i32
      %add3A_1147 = vector.broadcast %mul3A_1146 : i32 to vector<16xi32>
      %add3A_1148 = arith.addi %add3A_1147, %iota3A : vector<16xi32>
      tpu.vector_store_idx %arg12[%add3A_1148], %convert_element_type3A : memref<2048xi32, #tpu.memory_space<vmem>>[vector<16xi32>], vector<16xi32>,
      %scan3A_1149 = arith.constant 0 : i32
      scf.yield %scan3A_1149 : i32
    }
    %scan3A_119 = arith.constant 128 : i32
    %dma_start3A_120 = arith.constant 0 : i32
    %dma_start3A_121 = tpu.memref_slice %arg14[%dma_start3A_120] : memref<6144xf32, #tpu.memory_space<vmem>> -> memref<2048xf32, #tpu.memory_space<vmem>>
    %dma_start3A_122 = arith.constant 0 : i32
    %dma_start3A_123 = tpu.memref_slice %arg3[%dma_start3A_122] : memref<16777216xf32, #tpu.memory_space<hbm>> -> memref<16777216xf32, #tpu.memory_space<hbm>>
    tpu.enqueue_indirect_dma source(%dma_start3A_123 : memref<16777216xf32, #tpu.memory_space<hbm>>) target(%dma_start3A_121 : memref<2048xf32, #tpu.memory_space<vmem>>) offsets(%arg12 : memref<2048xi32, #tpu.memory_space<vmem>>) semaphore(%arg21 : memref<!tpu.dma_semaphore, #tpu.memory_space<semaphore_mem>>)
    %dma_start3A_124 = arith.constant 2048 : i32
    %dma_start3A_125 = tpu.memref_slice %arg14[%dma_start3A_124] : memref<6144xf32, #tpu.memory_space<vmem>> -> memref<2048xf32, #tpu.memory_space<vmem>>
    %dma_start3A_126 = arith.constant 0 : i32
    %dma_start3A_127 = tpu.memref_slice %arg4[%dma_start3A_126] : memref<16777216xf32, #tpu.memory_space<hbm>> -> memref<16777216xf32, #tpu.memory_space<hbm>>
    tpu.enqueue_indirect_dma source(%dma_start3A_127 : memref<16777216xf32, #tpu.memory_space<hbm>>) target(%dma_start3A_125 : memref<2048xf32, #tpu.memory_space<vmem>>) offsets(%arg12 : memref<2048xi32, #tpu.memory_space<vmem>>) semaphore(%arg21 : memref<!tpu.dma_semaphore, #tpu.memory_space<semaphore_mem>>)
    %dma_start3A_128 = arith.constant 4096 : i32
    %dma_start3A_129 = tpu.memref_slice %arg14[%dma_start3A_128] : memref<6144xf32, #tpu.memory_space<vmem>> -> memref<2048xf32, #tpu.memory_space<vmem>>
    %dma_start3A_130 = arith.constant 0 : i32
    %dma_start3A_131 = tpu.memref_slice %arg5[%dma_start3A_130] : memref<16777216xf32, #tpu.memory_space<hbm>> -> memref<16777216xf32, #tpu.memory_space<hbm>>
    tpu.enqueue_indirect_dma source(%dma_start3A_131 : memref<16777216xf32, #tpu.memory_space<hbm>>) target(%dma_start3A_129 : memref<2048xf32, #tpu.memory_space<vmem>>) offsets(%arg12 : memref<2048xi32, #tpu.memory_space<vmem>>) semaphore(%arg21 : memref<!tpu.dma_semaphore, #tpu.memory_space<semaphore_mem>>)
    %dma_start3A_132 = arith.constant 0 : i32
    %dma_start3A_133 = tpu.memref_slice %arg16[%dma_start3A_132] : memref<6144xf32, #tpu.memory_space<vmem>> -> memref<2048xf32, #tpu.memory_space<vmem>>
    %dma_start3A_134 = arith.constant 0 : i32
    %dma_start3A_135 = tpu.memref_slice %arg6[%dma_start3A_134] : memref<16777216xf32, #tpu.memory_space<hbm>> -> memref<16777216xf32, #tpu.memory_space<hbm>>
    tpu.enqueue_indirect_dma source(%dma_start3A_135 : memref<16777216xf32, #tpu.memory_space<hbm>>) target(%dma_start3A_133 : memref<2048xf32, #tpu.memory_space<vmem>>) offsets(%arg12 : memref<2048xi32, #tpu.memory_space<vmem>>) semaphore(%arg23 : memref<!tpu.dma_semaphore, #tpu.memory_space<semaphore_mem>>)
    %dma_start3A_136 = arith.constant 2048 : i32
    %dma_start3A_137 = tpu.memref_slice %arg16[%dma_start3A_136] : memref<6144xf32, #tpu.memory_space<vmem>> -> memref<2048xf32, #tpu.memory_space<vmem>>
    %dma_start3A_138 = arith.constant 0 : i32
    %dma_start3A_139 = tpu.memref_slice %arg7[%dma_start3A_138] : memref<16777216xf32, #tpu.memory_space<hbm>> -> memref<16777216xf32, #tpu.memory_space<hbm>>
    tpu.enqueue_indirect_dma source(%dma_start3A_139 : memref<16777216xf32, #tpu.memory_space<hbm>>) target(%dma_start3A_137 : memref<2048xf32, #tpu.memory_space<vmem>>) offsets(%arg12 : memref<2048xi32, #tpu.memory_space<vmem>>) semaphore(%arg23 : memref<!tpu.dma_semaphore, #tpu.memory_space<semaphore_mem>>)
    %dma_start3A_140 = arith.constant 4096 : i32
    %dma_start3A_141 = tpu.memref_slice %arg16[%dma_start3A_140] : memref<6144xf32, #tpu.memory_space<vmem>> -> memref<2048xf32, #tpu.memory_space<vmem>>
    %dma_start3A_142 = arith.constant 0 : i32
    %dma_start3A_143 = tpu.memref_slice %arg8[%dma_start3A_142] : memref<16777216xf32, #tpu.memory_space<hbm>> -> memref<16777216xf32, #tpu.memory_space<hbm>>
    tpu.enqueue_indirect_dma source(%dma_start3A_143 : memref<16777216xf32, #tpu.memory_space<hbm>>) target(%dma_start3A_141 : memref<2048xf32, #tpu.memory_space<vmem>>) offsets(%arg12 : memref<2048xi32, #tpu.memory_space<vmem>>) semaphore(%arg23 : memref<!tpu.dma_semaphore, #tpu.memory_space<semaphore_mem>>)
    %dma_wait3A_144 = arith.constant 0 : i32
    %dma_wait3A_145 = tpu.memref_slice %arg15[%dma_wait3A_144] : memref<6144xf32, #tpu.memory_space<vmem>> -> memref<2048xf32, #tpu.memory_space<vmem>>
    %dma_wait3A_146 = arith.constant 0 : i32
    %dma_wait3A_147 = tpu.memref_slice %arg3[%dma_wait3A_146] : memref<16777216xf32, #tpu.memory_space<hbm>> -> memref<16777216xf32, #tpu.memory_space<hbm>>
    tpu.wait_indirect_dma semaphore(%arg22 : memref<!tpu.dma_semaphore, #tpu.memory_space<semaphore_mem>>) src(%dma_wait3A_147 : memref<16777216xf32, #tpu.memory_space<hbm>>) dst(%dma_wait3A_145 : memref<2048xf32, #tpu.memory_space<vmem>>)
    %dma_wait3A_148 = arith.constant 2048 : i32
    %dma_wait3A_149 = tpu.memref_slice %arg15[%dma_wait3A_148] : memref<6144xf32, #tpu.memory_space<vmem>> -> memref<2048xf32, #tpu.memory_space<vmem>>
    %dma_wait3A_150 = arith.constant 0 : i32
    %dma_wait3A_151 = tpu.memref_slice %arg4[%dma_wait3A_150] : memref<16777216xf32, #tpu.memory_space<hbm>> -> memref<16777216xf32, #tpu.memory_space<hbm>>
    tpu.wait_indirect_dma semaphore(%arg22 : memref<!tpu.dma_semaphore, #tpu.memory_space<semaphore_mem>>) src(%dma_wait3A_151 : memref<16777216xf32, #tpu.memory_space<hbm>>) dst(%dma_wait3A_149 : memref<2048xf32, #tpu.memory_space<vmem>>)
    %dma_wait3A_152 = arith.constant 4096 : i32
    %dma_wait3A_153 = tpu.memref_slice %arg15[%dma_wait3A_152] : memref<6144xf32, #tpu.memory_space<vmem>> -> memref<2048xf32, #tpu.memory_space<vmem>>
    %dma_wait3A_154 = arith.constant 0 : i32
    %dma_wait3A_155 = tpu.memref_slice %arg5[%dma_wait3A_154] : memref<16777216xf32, #tpu.memory_space<hbm>> -> memref<16777216xf32, #tpu.memory_space<hbm>>
    tpu.wait_indirect_dma semaphore(%arg22 : memref<!tpu.dma_semaphore, #tpu.memory_space<semaphore_mem>>) src(%dma_wait3A_155 : memref<16777216xf32, #tpu.memory_space<hbm>>) dst(%dma_wait3A_153 : memref<2048xf32, #tpu.memory_space<vmem>>)
    %dma_wait3A_156 = arith.constant 0 : i32
    %dma_wait3A_157 = tpu.memref_slice %arg17[%dma_wait3A_156] : memref<6144xf32, #tpu.memory_space<vmem>> -> memref<2048xf32, #tpu.memory_space<vmem>>
    %dma_wait3A_158 = arith.constant 0 : i32
    %dma_wait3A_159 = tpu.memref_slice %arg6[%dma_wait3A_158] : memref<16777216xf32, #tpu.memory_space<hbm>> -> memref<16777216xf32, #tpu.memory_space<hbm>>
    tpu.wait_indirect_dma semaphore(%arg24 : memref<!tpu.dma_semaphore, #tpu.memory_space<semaphore_mem>>) src(%dma_wait3A_159 : memref<16777216xf32, #tpu.memory_space<hbm>>) dst(%dma_wait3A_157 : memref<2048xf32, #tpu.memory_space<vmem>>)
    %dma_wait3A_160 = arith.constant 2048 : i32
    %dma_wait3A_161 = tpu.memref_slice %arg17[%dma_wait3A_160] : memref<6144xf32, #tpu.memory_space<vmem>> -> memref<2048xf32, #tpu.memory_space<vmem>>
    %dma_wait3A_162 = arith.constant 0 : i32
    %dma_wait3A_163 = tpu.memref_slice %arg7[%dma_wait3A_162] : memref<16777216xf32, #tpu.memory_space<hbm>> -> memref<16777216xf32, #tpu.memory_space<hbm>>
    tpu.wait_indirect_dma semaphore(%arg24 : memref<!tpu.dma_semaphore, #tpu.memory_space<semaphore_mem>>) src(%dma_wait3A_163 : memref<16777216xf32, #tpu.memory_space<hbm>>) dst(%dma_wait3A_161 : memref<2048xf32, #tpu.memory_space<vmem>>)
    %dma_wait3A_164 = arith.constant 4096 : i32
    %dma_wait3A_165 = tpu.memref_slice %arg17[%dma_wait3A_164] : memref<6144xf32, #tpu.memory_space<vmem>> -> memref<2048xf32, #tpu.memory_space<vmem>>
    %dma_wait3A_166 = arith.constant 0 : i32
    %dma_wait3A_167 = tpu.memref_slice %arg8[%dma_wait3A_166] : memref<16777216xf32, #tpu.memory_space<hbm>> -> memref<16777216xf32, #tpu.memory_space<hbm>>
    tpu.wait_indirect_dma semaphore(%arg24 : memref<!tpu.dma_semaphore, #tpu.memory_space<semaphore_mem>>) src(%dma_wait3A_167 : memref<16777216xf32, #tpu.memory_space<hbm>>) dst(%dma_wait3A_165 : memref<2048xf32, #tpu.memory_space<vmem>>)
    %scan3A_168 = arith.constant 0 : i32
    %scan3A_169 = arith.constant 0 : i32
    %scan3A_170 = arith.constant 384 : i32
    %scan3A_171 = arith.addi %scan3A_169, %scan3A_170 : i32
    %scan3A_172 = arith.constant 1 : i32
    %scan3A_173 = scf.for %scan3A_1120 = %scan3A_169 to %scan3A_171 step %scan3A_172 iter_args(%scan3A_1121 = %scan3A_168) -> (i32)  : i32 {
      %mul3A_1122 = arith.constant 16 : i32
      %mul3A_1123 = arith.muli %scan3A_1120, %mul3A_1122 : i32
      %mul3A_1124 = arith.constant 16 : i32
      %mul3A_1125 = arith.muli %scan3A_1120, %mul3A_1124 : i32
      %add3A_1126 = vector.broadcast %mul3A_1125 : i32 to vector<16xi32>
      %add3A_1127 = arith.addi %add3A_1126, %iota3A : vector<16xi32>
      %mul3A_1128 = arith.constant 21846 : i32
      %mul3A_1129 = vector.broadcast %mul3A_1128 : i32 to vector<16xi32>
      %mul3A_1130 = arith.muli %add3A_1127, %mul3A_1129 : vector<16xi32>
      %shift_right_logical3A = arith.constant 16 : i32
      %shift_right_logical3A_1131 = vector.broadcast %shift_right_logical3A : i32 to vector<16xi32>
      %shift_right_logical3A_1132 = arith.shrui %mul3A_1130, %shift_right_logical3A_1131 : vector<16xi32>
      %mul3A_1133 = arith.constant 3 : i32
      %mul3A_1134 = vector.broadcast %mul3A_1133 : i32 to vector<16xi32>
      %mul3A_1135 = arith.muli %shift_right_logical3A_1132, %mul3A_1134 : vector<16xi32>
      %sub3A = arith.subi %add3A_1127, %mul3A_1135 : vector<16xi32>
      %mul3A_1136 = arith.constant 2048 : i32
      %mul3A_1137 = vector.broadcast %mul3A_1136 : i32 to vector<16xi32>
      %mul3A_1138 = arith.muli %sub3A, %mul3A_1137 : vector<16xi32>
      %add3A_1139 = arith.addi %mul3A_1138, %shift_right_logical3A_1132 : vector<16xi32>
      %gather3A = tpu.vector_load_idx %arg15[%add3A_1139] : memref<6144xf32, #tpu.memory_space<vmem>>[vector<16xi32>], vector<16xf32>,
      %gather3A_1140 = tpu.vector_load_idx %arg17[%add3A_1139] : memref<6144xf32, #tpu.memory_space<vmem>>[vector<16xi32>], vector<16xf32>,
      %get3A = arith.index_cast %mul3A_1123 : i32 to index
      %get3A_1141 = tpu.vector_load %arg11[%get3A] {strides = array<i32>} : memref<6144xf32, #tpu.memory_space<vmem>>, vector<16xf32>,
      %mul3A_1142 = arith.mulf %get3A_1141, %gather3A : vector<16xf32>
      %add3A_1143 = arith.addf %mul3A_1142, %gather3A_1140 : vector<16xf32>
      %abs3A = math.absf %add3A_1143 : vector<16xf32>
      %mul3A_1144 = arith.constant -2.000000e+00 : f32
      %mul3A_1145 = vector.broadcast %mul3A_1144 : f32 to vector<16xf32>
      %mul3A_1146 = arith.mulf %mul3A_1145, %abs3A : vector<16xf32>
      %exp3A = math.exp %mul3A_1146 : vector<16xf32>
      %sign3A = tpu.bitcast %add3A_1143 : vector<16xf32> -> vector<16xi32>
      %sign3A_1147 = arith.constant -2147483648 : i32
      %sign3A_1148 = vector.broadcast %sign3A_1147 : i32 to vector<16xi32>
      %sign3A_1149 = arith.andi %sign3A, %sign3A_1148 : vector<16xi32>
      %sign3A_1150 = arith.constant 1065353216 : i32
      %sign3A_1151 = vector.broadcast %sign3A_1150 : i32 to vector<16xi32>
      %sign3A_1152 = arith.ori %sign3A_1151, %sign3A_1149 : vector<16xi32>
      %sign3A_1153 = tpu.bitcast %sign3A_1152 : vector<16xi32> -> vector<16xf32>
      %sign3A_1154 = math.absf %add3A_1143 : vector<16xf32>
      %sign3A_1155 = arith.constant 0.000000e+00 : f32
      %sign3A_1156 = vector.broadcast %sign3A_1155 : f32 to vector<16xf32>
      %sign3A_1157 = arith.cmpf ogt, %sign3A_1154, %sign3A_1156 : vector<16xf32>
      %sign3A_1158 = arith.select %sign3A_1157, %sign3A_1153, %add3A_1143 : vector<16xi1>, vector<16xf32>
      %sub3A_1159 = arith.constant 1.000000e+00 : f32
      %sub3A_1160 = vector.broadcast %sub3A_1159 : f32 to vector<16xf32>
      %sub3A_1161 = arith.subf %sub3A_1160, %exp3A : vector<16xf32>
      %add3A_1162 = arith.constant 1.000000e+00 : f32
      %add3A_1163 = vector.broadcast %add3A_1162 : f32 to vector<16xf32>
      %add3A_1164 = arith.addf %add3A_1163, %exp3A : vector<16xf32>
      %div3A = arith.divf %sub3A_1161, %add3A_1164 : vector<16xf32>
      %mul3A_1165 = arith.mulf %sign3A_1158, %div3A : vector<16xf32>
      %swap3A = arith.index_cast %mul3A_1123 : i32 to index
      %swap3A_1166 = tpu.vector_load %arg18[%swap3A] {strides = array<i32>} : memref<6144xf32, #tpu.memory_space<vmem>>, vector<16xf32>,
      tpu.vector_store %arg18[%swap3A], %mul3A_1165 {strides = array<i32>} : memref<6144xf32, #tpu.memory_space<vmem>>, vector<16xf32>,
      %scan3A_1167 = arith.constant 0 : i32
      scf.yield %scan3A_1167 : i32
    }
    %scan3A_174 = arith.constant 384 : i32
    %add3A_175 = arith.constant 6144 : i32
    %add3A_176 = arith.addi %mul3A_2, %add3A_175 : i32
    "tpu.region"() ({
      %run_scoped3A = tpu.sem_alloc : memref<!tpu.dma_semaphore, #tpu.memory_space<semaphore_mem>>
      %dma_start3A_1120 = tpu.memref_slice %arg9[%add3A_176] : memref<3145728xf32, #tpu.memory_space<hbm>> -> memref<6144xf32, #tpu.memory_space<hbm>>
      %dma_start3A_1121 = tpu.memref_slice %arg9[%add3A_176] : memref<3145728xf32, #tpu.memory_space<hbm>> -> memref<6144xf32, #tpu.memory_space<hbm>>
      tpu.enqueue_dma source(%arg18 : memref<6144xf32, #tpu.memory_space<vmem>>) target(%dma_start3A_1121 : memref<6144xf32, #tpu.memory_space<hbm>>) target_semaphore(%run_scoped3A : memref<!tpu.dma_semaphore, #tpu.memory_space<semaphore_mem>>)
      %dma_wait3A_1122 = tpu.memref_slice %arg9[%add3A_176] : memref<3145728xf32, #tpu.memory_space<hbm>> -> memref<6144xf32, #tpu.memory_space<hbm>>
      %dma_wait3A_1123 = tpu.memref_slice %arg9[%add3A_176] : memref<3145728xf32, #tpu.memory_space<hbm>> -> memref<6144xf32, #tpu.memory_space<hbm>>
      tpu.wait_dma2 semaphore(%run_scoped3A : memref<!tpu.dma_semaphore, #tpu.memory_space<semaphore_mem>>) src(%arg18 : memref<6144xf32, #tpu.memory_space<vmem>>) dst(%dma_wait3A_1123 : memref<6144xf32, #tpu.memory_space<hbm>>)
      tpu.yield
    }) : () -> ()
    %add3A_177 = arith.constant 18432 : i32
    %add3A_178 = arith.addi %mul3A_2, %add3A_177 : i32
    %dma_start3A_179 = tpu.memref_slice %arg2[%add3A_178] : memref<3145728xf32, #tpu.memory_space<hbm>> -> memref<6144xf32, #tpu.memory_space<hbm>>
    %dma_start3A_180 = tpu.memref_slice %arg2[%add3A_178] : memref<3145728xf32, #tpu.memory_space<hbm>> -> memref<6144xf32, #tpu.memory_space<hbm>>
    tpu.enqueue_dma source(%dma_start3A_180 : memref<6144xf32, #tpu.memory_space<hbm>>) target(%arg11 : memref<6144xf32, #tpu.memory_space<vmem>>) target_semaphore(%arg20 : memref<!tpu.dma_semaphore, #tpu.memory_space<semaphore_mem>>)
    %dma_wait3A_181 = tpu.memref_slice %arg2[%add3A_178] : memref<3145728xf32, #tpu.memory_space<hbm>> -> memref<6144xf32, #tpu.memory_space<hbm>>
    %dma_wait3A_182 = tpu.memref_slice %arg2[%add3A_178] : memref<3145728xf32, #tpu.memory_space<hbm>> -> memref<6144xf32, #tpu.memory_space<hbm>>
    tpu.wait_dma2 semaphore(%arg20 : memref<!tpu.dma_semaphore, #tpu.memory_space<semaphore_mem>>) src(%dma_wait3A_182 : memref<6144xf32, #tpu.memory_space<hbm>>) dst(%arg11 : memref<6144xf32, #tpu.memory_space<vmem>>)
    %scan3A_183 = arith.constant 0 : i32
    %scan3A_184 = arith.constant 0 : i32
    %scan3A_185 = arith.constant 128 : i32
    %scan3A_186 = arith.addi %scan3A_184, %scan3A_185 : i32
    %scan3A_187 = arith.constant 1 : i32
    %scan3A_188 = scf.for %scan3A_1120 = %scan3A_184 to %scan3A_186 step %scan3A_187 iter_args(%scan3A_1121 = %scan3A_183) -> (i32)  : i32 {
      %mul3A_1122 = arith.constant 48 : i32
      %mul3A_1123 = arith.muli %scan3A_1120, %mul3A_1122 : i32
      %mul3A_1124 = arith.constant 3 : i32
      %mul3A_1125 = vector.broadcast %mul3A_1124 : i32 to vector<16xi32>
      %mul3A_1126 = arith.muli %iota3A, %mul3A_1125 : vector<16xi32>
      %add3A_1127 = vector.broadcast %mul3A_1123 : i32 to vector<16xi32>
      %add3A_1128 = arith.addi %add3A_1127, %mul3A_1126 : vector<16xi32>
      %gather3A = tpu.vector_load_idx %arg11[%add3A_1128] : memref<6144xf32, #tpu.memory_space<vmem>>[vector<16xi32>], vector<16xf32>,
      %add3A_1129 = arith.constant 1 : i32
      %add3A_1130 = vector.broadcast %add3A_1129 : i32 to vector<16xi32>
      %add3A_1131 = arith.addi %add3A_1128, %add3A_1130 : vector<16xi32>
      %gather3A_1132 = tpu.vector_load_idx %arg11[%add3A_1131] : memref<6144xf32, #tpu.memory_space<vmem>>[vector<16xi32>], vector<16xf32>,
      %add3A_1133 = arith.constant 2 : i32
      %add3A_1134 = vector.broadcast %add3A_1133 : i32 to vector<16xi32>
      %add3A_1135 = arith.addi %add3A_1128, %add3A_1134 : vector<16xi32>
      %gather3A_1136 = tpu.vector_load_idx %arg11[%add3A_1135] : memref<6144xf32, #tpu.memory_space<vmem>>[vector<16xi32>], vector<16xf32>,
      %mul3A_1137 = arith.constant 6.553600e+04 : f32
      %mul3A_1138 = vector.broadcast %mul3A_1137 : f32 to vector<16xf32>
      %mul3A_1139 = arith.mulf %gather3A, %mul3A_1138 : vector<16xf32>
      %mul3A_1140 = arith.constant 2.560000e+02 : f32
      %mul3A_1141 = vector.broadcast %mul3A_1140 : f32 to vector<16xf32>
      %mul3A_1142 = arith.mulf %gather3A_1132, %mul3A_1141 : vector<16xf32>
      %add3A_1143 = arith.addf %mul3A_1139, %mul3A_1142 : vector<16xf32>
      %add3A_1144 = arith.addf %add3A_1143, %gather3A_1136 : vector<16xf32>
      %convert_element_type3A = arith.fptosi %add3A_1144 : vector<16xf32> to vector<16xi32>
      %mul3A_1145 = arith.constant 16 : i32
      %mul3A_1146 = arith.muli %scan3A_1120, %mul3A_1145 : i32
      %add3A_1147 = vector.broadcast %mul3A_1146 : i32 to vector<16xi32>
      %add3A_1148 = arith.addi %add3A_1147, %iota3A : vector<16xi32>
      tpu.vector_store_idx %arg13[%add3A_1148], %convert_element_type3A : memref<2048xi32, #tpu.memory_space<vmem>>[vector<16xi32>], vector<16xi32>,
      %scan3A_1149 = arith.constant 0 : i32
      scf.yield %scan3A_1149 : i32
    }
    %scan3A_189 = arith.constant 128 : i32
    %dma_start3A_190 = arith.constant 0 : i32
    %dma_start3A_191 = tpu.memref_slice %arg15[%dma_start3A_190] : memref<6144xf32, #tpu.memory_space<vmem>> -> memref<2048xf32, #tpu.memory_space<vmem>>
    %dma_start3A_192 = arith.constant 0 : i32
    %dma_start3A_193 = tpu.memref_slice %arg3[%dma_start3A_192] : memref<16777216xf32, #tpu.memory_space<hbm>> -> memref<16777216xf32, #tpu.memory_space<hbm>>
    tpu.enqueue_indirect_dma source(%dma_start3A_193 : memref<16777216xf32, #tpu.memory_space<hbm>>) target(%dma_start3A_191 : memref<2048xf32, #tpu.memory_space<vmem>>) offsets(%arg13 : memref<2048xi32, #tpu.memory_space<vmem>>) semaphore(%arg22 : memref<!tpu.dma_semaphore, #tpu.memory_space<semaphore_mem>>)
    %dma_start3A_194 = arith.constant 2048 : i32
    %dma_start3A_195 = tpu.memref_slice %arg15[%dma_start3A_194] : memref<6144xf32, #tpu.memory_space<vmem>> -> memref<2048xf32, #tpu.memory_space<vmem>>
    %dma_start3A_196 = arith.constant 0 : i32
    %dma_start3A_197 = tpu.memref_slice %arg4[%dma_start3A_196] : memref<16777216xf32, #tpu.memory_space<hbm>> -> memref<16777216xf32, #tpu.memory_space<hbm>>
    tpu.enqueue_indirect_dma source(%dma_start3A_197 : memref<16777216xf32, #tpu.memory_space<hbm>>) target(%dma_start3A_195 : memref<2048xf32, #tpu.memory_space<vmem>>) offsets(%arg13 : memref<2048xi32, #tpu.memory_space<vmem>>) semaphore(%arg22 : memref<!tpu.dma_semaphore, #tpu.memory_space<semaphore_mem>>)
    %dma_start3A_198 = arith.constant 4096 : i32
    %dma_start3A_199 = tpu.memref_slice %arg15[%dma_start3A_198] : memref<6144xf32, #tpu.memory_space<vmem>> -> memref<2048xf32, #tpu.memory_space<vmem>>
    %dma_start3A_200 = arith.constant 0 : i32
    %dma_start3A_201 = tpu.memref_slice %arg5[%dma_start3A_200] : memref<16777216xf32, #tpu.memory_space<hbm>> -> memref<16777216xf32, #tpu.memory_space<hbm>>
    tpu.enqueue_indirect_dma source(%dma_start3A_201 : memref<16777216xf32, #tpu.memory_space<hbm>>) target(%dma_start3A_199 : memref<2048xf32, #tpu.memory_space<vmem>>) offsets(%arg13 : memref<2048xi32, #tpu.memory_space<vmem>>) semaphore(%arg22 : memref<!tpu.dma_semaphore, #tpu.memory_space<semaphore_mem>>)
    %dma_start3A_202 = arith.constant 0 : i32
    %dma_start3A_203 = tpu.memref_slice %arg17[%dma_start3A_202] : memref<6144xf32, #tpu.memory_space<vmem>> -> memref<2048xf32, #tpu.memory_space<vmem>>
    %dma_start3A_204 = arith.constant 0 : i32
    %dma_start3A_205 = tpu.memref_slice %arg6[%dma_start3A_204] : memref<16777216xf32, #tpu.memory_space<hbm>> -> memref<16777216xf32, #tpu.memory_space<hbm>>
    tpu.enqueue_indirect_dma source(%dma_start3A_205 : memref<16777216xf32, #tpu.memory_space<hbm>>) target(%dma_start3A_203 : memref<2048xf32, #tpu.memory_space<vmem>>) offsets(%arg13 : memref<2048xi32, #tpu.memory_space<vmem>>) semaphore(%arg24 : memref<!tpu.dma_semaphore, #tpu.memory_space<semaphore_mem>>)
    %dma_start3A_206 = arith.constant 2048 : i32
    %dma_start3A_207 = tpu.memref_slice %arg17[%dma_start3A_206] : memref<6144xf32, #tpu.memory_space<vmem>> -> memref<2048xf32, #tpu.memory_space<vmem>>
    %dma_start3A_208 = arith.constant 0 : i32
    %dma_start3A_209 = tpu.memref_slice %arg7[%dma_start3A_208] : memref<16777216xf32, #tpu.memory_space<hbm>> -> memref<16777216xf32, #tpu.memory_space<hbm>>
    tpu.enqueue_indirect_dma source(%dma_start3A_209 : memref<16777216xf32, #tpu.memory_space<hbm>>) target(%dma_start3A_207 : memref<2048xf32, #tpu.memory_space<vmem>>) offsets(%arg13 : memref<2048xi32, #tpu.memory_space<vmem>>) semaphore(%arg24 : memref<!tpu.dma_semaphore, #tpu.memory_space<semaphore_mem>>)
    %dma_start3A_210 = arith.constant 4096 : i32
    %dma_start3A_211 = tpu.memref_slice %arg17[%dma_start3A_210] : memref<6144xf32, #tpu.memory_space<vmem>> -> memref<2048xf32, #tpu.memory_space<vmem>>
    %dma_start3A_212 = arith.constant 0 : i32
    %dma_start3A_213 = tpu.memref_slice %arg8[%dma_start3A_212] : memref<16777216xf32, #tpu.memory_space<hbm>> -> memref<16777216xf32, #tpu.memory_space<hbm>>
    tpu.enqueue_indirect_dma source(%dma_start3A_213 : memref<16777216xf32, #tpu.memory_space<hbm>>) target(%dma_start3A_211 : memref<2048xf32, #tpu.memory_space<vmem>>) offsets(%arg13 : memref<2048xi32, #tpu.memory_space<vmem>>) semaphore(%arg24 : memref<!tpu.dma_semaphore, #tpu.memory_space<semaphore_mem>>)
    %dma_wait3A_214 = arith.constant 0 : i32
    %dma_wait3A_215 = tpu.memref_slice %arg14[%dma_wait3A_214] : memref<6144xf32, #tpu.memory_space<vmem>> -> memref<2048xf32, #tpu.memory_space<vmem>>
    %dma_wait3A_216 = arith.constant 0 : i32
    %dma_wait3A_217 = tpu.memref_slice %arg3[%dma_wait3A_216] : memref<16777216xf32, #tpu.memory_space<hbm>> -> memref<16777216xf32, #tpu.memory_space<hbm>>
    tpu.wait_indirect_dma semaphore(%arg21 : memref<!tpu.dma_semaphore, #tpu.memory_space<semaphore_mem>>) src(%dma_wait3A_217 : memref<16777216xf32, #tpu.memory_space<hbm>>) dst(%dma_wait3A_215 : memref<2048xf32, #tpu.memory_space<vmem>>)
    %dma_wait3A_218 = arith.constant 2048 : i32
    %dma_wait3A_219 = tpu.memref_slice %arg14[%dma_wait3A_218] : memref<6144xf32, #tpu.memory_space<vmem>> -> memref<2048xf32, #tpu.memory_space<vmem>>
    %dma_wait3A_220 = arith.constant 0 : i32
    %dma_wait3A_221 = tpu.memref_slice %arg4[%dma_wait3A_220] : memref<16777216xf32, #tpu.memory_space<hbm>> -> memref<16777216xf32, #tpu.memory_space<hbm>>
    tpu.wait_indirect_dma semaphore(%arg21 : memref<!tpu.dma_semaphore, #tpu.memory_space<semaphore_mem>>) src(%dma_wait3A_221 : memref<16777216xf32, #tpu.memory_space<hbm>>) dst(%dma_wait3A_219 : memref<2048xf32, #tpu.memory_space<vmem>>)
    %dma_wait3A_222 = arith.constant 4096 : i32
    %dma_wait3A_223 = tpu.memref_slice %arg14[%dma_wait3A_222] : memref<6144xf32, #tpu.memory_space<vmem>> -> memref<2048xf32, #tpu.memory_space<vmem>>
    %dma_wait3A_224 = arith.constant 0 : i32
    %dma_wait3A_225 = tpu.memref_slice %arg5[%dma_wait3A_224] : memref<16777216xf32, #tpu.memory_space<hbm>> -> memref<16777216xf32, #tpu.memory_space<hbm>>
    tpu.wait_indirect_dma semaphore(%arg21 : memref<!tpu.dma_semaphore, #tpu.memory_space<semaphore_mem>>) src(%dma_wait3A_225 : memref<16777216xf32, #tpu.memory_space<hbm>>) dst(%dma_wait3A_223 : memref<2048xf32, #tpu.memory_space<vmem>>)
    %dma_wait3A_226 = arith.constant 0 : i32
    %dma_wait3A_227 = tpu.memref_slice %arg16[%dma_wait3A_226] : memref<6144xf32, #tpu.memory_space<vmem>> -> memref<2048xf32, #tpu.memory_space<vmem>>
    %dma_wait3A_228 = arith.constant 0 : i32
    %dma_wait3A_229 = tpu.memref_slice %arg6[%dma_wait3A_228] : memref<16777216xf32, #tpu.memory_space<hbm>> -> memref<16777216xf32, #tpu.memory_space<hbm>>
    tpu.wait_indirect_dma semaphore(%arg23 : memref<!tpu.dma_semaphore, #tpu.memory_space<semaphore_mem>>) src(%dma_wait3A_229 : memref<16777216xf32, #tpu.memory_space<hbm>>) dst(%dma_wait3A_227 : memref<2048xf32, #tpu.memory_space<vmem>>)
    %dma_wait3A_230 = arith.constant 2048 : i32
    %dma_wait3A_231 = tpu.memref_slice %arg16[%dma_wait3A_230] : memref<6144xf32, #tpu.memory_space<vmem>> -> memref<2048xf32, #tpu.memory_space<vmem>>
    %dma_wait3A_232 = arith.constant 0 : i32
    %dma_wait3A_233 = tpu.memref_slice %arg7[%dma_wait3A_232] : memref<16777216xf32, #tpu.memory_space<hbm>> -> memref<16777216xf32, #tpu.memory_space<hbm>>
    tpu.wait_indirect_dma semaphore(%arg23 : memref<!tpu.dma_semaphore, #tpu.memory_space<semaphore_mem>>) src(%dma_wait3A_233 : memref<16777216xf32, #tpu.memory_space<hbm>>) dst(%dma_wait3A_231 : memref<2048xf32, #tpu.memory_space<vmem>>)
    %dma_wait3A_234 = arith.constant 4096 : i32
    %dma_wait3A_235 = tpu.memref_slice %arg16[%dma_wait3A_234] : memref<6144xf32, #tpu.memory_space<vmem>> -> memref<2048xf32, #tpu.memory_space<vmem>>
    %dma_wait3A_236 = arith.constant 0 : i32
    %dma_wait3A_237 = tpu.memref_slice %arg8[%dma_wait3A_236] : memref<16777216xf32, #tpu.memory_space<hbm>> -> memref<16777216xf32, #tpu.memory_space<hbm>>
    tpu.wait_indirect_dma semaphore(%arg23 : memref<!tpu.dma_semaphore, #tpu.memory_space<semaphore_mem>>) src(%dma_wait3A_237 : memref<16777216xf32, #tpu.memory_space<hbm>>) dst(%dma_wait3A_235 : memref<2048xf32, #tpu.memory_space<vmem>>)
    %scan3A_238 = arith.constant 0 : i32
    %scan3A_239 = arith.constant 0 : i32
    %scan3A_240 = arith.constant 384 : i32
    %scan3A_241 = arith.addi %scan3A_239, %scan3A_240 : i32
    %scan3A_242 = arith.constant 1 : i32
    %scan3A_243 = scf.for %scan3A_1120 = %scan3A_239 to %scan3A_241 step %scan3A_242 iter_args(%scan3A_1121 = %scan3A_238) -> (i32)  : i32 {
      %mul3A_1122 = arith.constant 16 : i32
      %mul3A_1123 = arith.muli %scan3A_1120, %mul3A_1122 : i32
      %mul3A_1124 = arith.constant 16 : i32
      %mul3A_1125 = arith.muli %scan3A_1120, %mul3A_1124 : i32
      %add3A_1126 = vector.broadcast %mul3A_1125 : i32 to vector<16xi32>
      %add3A_1127 = arith.addi %add3A_1126, %iota3A : vector<16xi32>
      %mul3A_1128 = arith.constant 21846 : i32
      %mul3A_1129 = vector.broadcast %mul3A_1128 : i32 to vector<16xi32>
      %mul3A_1130 = arith.muli %add3A_1127, %mul3A_1129 : vector<16xi32>
      %shift_right_logical3A = arith.constant 16 : i32
      %shift_right_logical3A_1131 = vector.broadcast %shift_right_logical3A : i32 to vector<16xi32>
      %shift_right_logical3A_1132 = arith.shrui %mul3A_1130, %shift_right_logical3A_1131 : vector<16xi32>
      %mul3A_1133 = arith.constant 3 : i32
      %mul3A_1134 = vector.broadcast %mul3A_1133 : i32 to vector<16xi32>
      %mul3A_1135 = arith.muli %shift_right_logical3A_1132, %mul3A_1134 : vector<16xi32>
      %sub3A = arith.subi %add3A_1127, %mul3A_1135 : vector<16xi32>
      %mul3A_1136 = arith.constant 2048 : i32
      %mul3A_1137 = vector.broadcast %mul3A_1136 : i32 to vector<16xi32>
      %mul3A_1138 = arith.muli %sub3A, %mul3A_1137 : vector<16xi32>
      %add3A_1139 = arith.addi %mul3A_1138, %shift_right_logical3A_1132 : vector<16xi32>
      %gather3A = tpu.vector_load_idx %arg14[%add3A_1139] : memref<6144xf32, #tpu.memory_space<vmem>>[vector<16xi32>], vector<16xf32>,
      %gather3A_1140 = tpu.vector_load_idx %arg16[%add3A_1139] : memref<6144xf32, #tpu.memory_space<vmem>>[vector<16xi32>], vector<16xf32>,
      %get3A = arith.index_cast %mul3A_1123 : i32 to index
      %get3A_1141 = tpu.vector_load %arg10[%get3A] {strides = array<i32>} : memref<6144xf32, #tpu.memory_space<vmem>>, vector<16xf32>,
      %mul3A_1142 = arith.mulf %get3A_1141, %gather3A : vector<16xf32>
      %add3A_1143 = arith.addf %mul3A_1142, %gather3A_1140 : vector<16xf32>
      %abs3A = math.absf %add3A_1143 : vector<16xf32>
      %mul3A_1144 = arith.constant -2.000000e+00 : f32
      %mul3A_1145 = vector.broadcast %mul3A_1144 : f32 to vector<16xf32>
      %mul3A_1146 = arith.mulf %mul3A_1145, %abs3A : vector<16xf32>
      %exp3A = math.exp %mul3A_1146 : vector<16xf32>
      %sign3A = tpu.bitcast %add3A_1143 : vector<16xf32> -> vector<16xi32>
      %sign3A_1147 = arith.constant -2147483648 : i32
      %sign3A_1148 = vector.broadcast %sign3A_1147 : i32 to vector<16xi32>
      %sign3A_1149 = arith.andi %sign3A, %sign3A_1148 : vector<16xi32>
      %sign3A_1150 = arith.constant 1065353216 : i32
      %sign3A_1151 = vector.broadcast %sign3A_1150 : i32 to vector<16xi32>
      %sign3A_1152 = arith.ori %sign3A_1151, %sign3A_1149 : vector<16xi32>
      %sign3A_1153 = tpu.bitcast %sign3A_1152 : vector<16xi32> -> vector<16xf32>
      %sign3A_1154 = math.absf %add3A_1143 : vector<16xf32>
      %sign3A_1155 = arith.constant 0.000000e+00 : f32
      %sign3A_1156 = vector.broadcast %sign3A_1155 : f32 to vector<16xf32>
      %sign3A_1157 = arith.cmpf ogt, %sign3A_1154, %sign3A_1156 : vector<16xf32>
      %sign3A_1158 = arith.select %sign3A_1157, %sign3A_1153, %add3A_1143 : vector<16xi1>, vector<16xf32>
      %sub3A_1159 = arith.constant 1.000000e+00 : f32
      %sub3A_1160 = vector.broadcast %sub3A_1159 : f32 to vector<16xf32>
      %sub3A_1161 = arith.subf %sub3A_1160, %exp3A : vector<16xf32>
      %add3A_1162 = arith.constant 1.000000e+00 : f32
      %add3A_1163 = vector.broadcast %add3A_1162 : f32 to vector<16xf32>
      %add3A_1164 = arith.addf %add3A_1163, %exp3A : vector<16xf32>
      %div3A = arith.divf %sub3A_1161, %add3A_1164 : vector<16xf32>
      %mul3A_1165 = arith.mulf %sign3A_1158, %div3A : vector<16xf32>
      %swap3A = arith.index_cast %mul3A_1123 : i32 to index
      %swap3A_1166 = tpu.vector_load %arg18[%swap3A] {strides = array<i32>} : memref<6144xf32, #tpu.memory_space<vmem>>, vector<16xf32>,
      tpu.vector_store %arg18[%swap3A], %mul3A_1165 {strides = array<i32>} : memref<6144xf32, #tpu.memory_space<vmem>>, vector<16xf32>,
      %scan3A_1167 = arith.constant 0 : i32
      scf.yield %scan3A_1167 : i32
    }
    %scan3A_244 = arith.constant 384 : i32
    %add3A_245 = arith.constant 12288 : i32
    %add3A_246 = arith.addi %mul3A_2, %add3A_245 : i32
    "tpu.region"() ({
      %run_scoped3A = tpu.sem_alloc : memref<!tpu.dma_semaphore, #tpu.memory_space<semaphore_mem>>
      %dma_start3A_1120 = tpu.memref_slice %arg9[%add3A_246] : memref<3145728xf32, #tpu.memory_space<hbm>> -> memref<6144xf32, #tpu.memory_space<hbm>>
      %dma_start3A_1121 = tpu.memref_slice %arg9[%add3A_246] : memref<3145728xf32, #tpu.memory_space<hbm>> -> memref<6144xf32, #tpu.memory_space<hbm>>
      tpu.enqueue_dma source(%arg18 : memref<6144xf32, #tpu.memory_space<vmem>>) target(%dma_start3A_1121 : memref<6144xf32, #tpu.memory_space<hbm>>) target_semaphore(%run_scoped3A : memref<!tpu.dma_semaphore, #tpu.memory_space<semaphore_mem>>)
      %dma_wait3A_1122 = tpu.memref_slice %arg9[%add3A_246] : memref<3145728xf32, #tpu.memory_space<hbm>> -> memref<6144xf32, #tpu.memory_space<hbm>>
      %dma_wait3A_1123 = tpu.memref_slice %arg9[%add3A_246] : memref<3145728xf32, #tpu.memory_space<hbm>> -> memref<6144xf32, #tpu.memory_space<hbm>>
      tpu.wait_dma2 semaphore(%run_scoped3A : memref<!tpu.dma_semaphore, #tpu.memory_space<semaphore_mem>>) src(%arg18 : memref<6144xf32, #tpu.memory_space<vmem>>) dst(%dma_wait3A_1123 : memref<6144xf32, #tpu.memory_space<hbm>>)
      tpu.yield
    }) : () -> ()
    %add3A_247 = arith.constant 24576 : i32
    %add3A_248 = arith.addi %mul3A_2, %add3A_247 : i32
    %dma_start3A_249 = tpu.memref_slice %arg2[%add3A_248] : memref<3145728xf32, #tpu.memory_space<hbm>> -> memref<6144xf32, #tpu.memory_space<hbm>>
    %dma_start3A_250 = tpu.memref_slice %arg2[%add3A_248] : memref<3145728xf32, #tpu.memory_space<hbm>> -> memref<6144xf32, #tpu.memory_space<hbm>>
    tpu.enqueue_dma source(%dma_start3A_250 : memref<6144xf32, #tpu.memory_space<hbm>>) target(%arg10 : memref<6144xf32, #tpu.memory_space<vmem>>) target_semaphore(%arg19 : memref<!tpu.dma_semaphore, #tpu.memory_space<semaphore_mem>>)
    %dma_wait3A_251 = tpu.memref_slice %arg2[%add3A_248] : memref<3145728xf32, #tpu.memory_space<hbm>> -> memref<6144xf32, #tpu.memory_space<hbm>>
    %dma_wait3A_252 = tpu.memref_slice %arg2[%add3A_248] : memref<3145728xf32, #tpu.memory_space<hbm>> -> memref<6144xf32, #tpu.memory_space<hbm>>
    tpu.wait_dma2 semaphore(%arg19 : memref<!tpu.dma_semaphore, #tpu.memory_space<semaphore_mem>>) src(%dma_wait3A_252 : memref<6144xf32, #tpu.memory_space<hbm>>) dst(%arg10 : memref<6144xf32, #tpu.memory_space<vmem>>)
    %scan3A_253 = arith.constant 0 : i32
    %scan3A_254 = arith.constant 0 : i32
    %scan3A_255 = arith.constant 128 : i32
    %scan3A_256 = arith.addi %scan3A_254, %scan3A_255 : i32
    %scan3A_257 = arith.constant 1 : i32
    %scan3A_258 = scf.for %scan3A_1120 = %scan3A_254 to %scan3A_256 step %scan3A_257 iter_args(%scan3A_1121 = %scan3A_253) -> (i32)  : i32 {
      %mul3A_1122 = arith.constant 48 : i32
      %mul3A_1123 = arith.muli %scan3A_1120, %mul3A_1122 : i32
      %mul3A_1124 = arith.constant 3 : i32
      %mul3A_1125 = vector.broadcast %mul3A_1124 : i32 to vector<16xi32>
      %mul3A_1126 = arith.muli %iota3A, %mul3A_1125 : vector<16xi32>
      %add3A_1127 = vector.broadcast %mul3A_1123 : i32 to vector<16xi32>
      %add3A_1128 = arith.addi %add3A_1127, %mul3A_1126 : vector<16xi32>
      %gather3A = tpu.vector_load_idx %arg10[%add3A_1128] : memref<6144xf32, #tpu.memory_space<vmem>>[vector<16xi32>], vector<16xf32>,
      %add3A_1129 = arith.constant 1 : i32
      %add3A_1130 = vector.broadcast %add3A_1129 : i32 to vector<16xi32>
      %add3A_1131 = arith.addi %add3A_1128, %add3A_1130 : vector<16xi32>
      %gather3A_1132 = tpu.vector_load_idx %arg10[%add3A_1131] : memref<6144xf32, #tpu.memory_space<vmem>>[vector<16xi32>], vector<16xf32>,
      %add3A_1133 = arith.constant 2 : i32
      %add3A_1134 = vector.broadcast %add3A_1133 : i32 to vector<16xi32>
      %add3A_1135 = arith.addi %add3A_1128, %add3A_1134 : vector<16xi32>
      %gather3A_1136 = tpu.vector_load_idx %arg10[%add3A_1135] : memref<6144xf32, #tpu.memory_space<vmem>>[vector<16xi32>], vector<16xf32>,
      %mul3A_1137 = arith.constant 6.553600e+04 : f32
      %mul3A_1138 = vector.broadcast %mul3A_1137 : f32 to vector<16xf32>
      %mul3A_1139 = arith.mulf %gather3A, %mul3A_1138 : vector<16xf32>
      %mul3A_1140 = arith.constant 2.560000e+02 : f32
      %mul3A_1141 = vector.broadcast %mul3A_1140 : f32 to vector<16xf32>
      %mul3A_1142 = arith.mulf %gather3A_1132, %mul3A_1141 : vector<16xf32>
      %add3A_1143 = arith.addf %mul3A_1139, %mul3A_1142 : vector<16xf32>
      %add3A_1144 = arith.addf %add3A_1143, %gather3A_1136 : vector<16xf32>
      %convert_element_type3A = arith.fptosi %add3A_1144 : vector<16xf32> to vector<16xi32>
      %mul3A_1145 = arith.constant 16 : i32
      %mul3A_1146 = arith.muli %scan3A_1120, %mul3A_1145 : i32
      %add3A_1147 = vector.broadcast %mul3A_1146 : i32 to vector<16xi32>
      %add3A_1148 = arith.addi %add3A_1147, %iota3A : vector<16xi32>
      tpu.vector_store_idx %arg12[%add3A_1148], %convert_element_type3A : memref<2048xi32, #tpu.memory_space<vmem>>[vector<16xi32>], vector<16xi32>,
      %scan3A_1149 = arith.constant 0 : i32
      scf.yield %scan3A_1149 : i32
    }
    %scan3A_259 = arith.constant 128 : i32
    %dma_start3A_260 = arith.constant 0 : i32
    %dma_start3A_261 = tpu.memref_slice %arg14[%dma_start3A_260] : memref<6144xf32, #tpu.memory_space<vmem>> -> memref<2048xf32, #tpu.memory_space<vmem>>
    %dma_start3A_262 = arith.constant 0 : i32
    %dma_start3A_263 = tpu.memref_slice %arg3[%dma_start3A_262] : memref<16777216xf32, #tpu.memory_space<hbm>> -> memref<16777216xf32, #tpu.memory_space<hbm>>
    tpu.enqueue_indirect_dma source(%dma_start3A_263 : memref<16777216xf32, #tpu.memory_space<hbm>>) target(%dma_start3A_261 : memref<2048xf32, #tpu.memory_space<vmem>>) offsets(%arg12 : memref<2048xi32, #tpu.memory_space<vmem>>) semaphore(%arg21 : memref<!tpu.dma_semaphore, #tpu.memory_space<semaphore_mem>>)
    %dma_start3A_264 = arith.constant 2048 : i32
    %dma_start3A_265 = tpu.memref_slice %arg14[%dma_start3A_264] : memref<6144xf32, #tpu.memory_space<vmem>> -> memref<2048xf32, #tpu.memory_space<vmem>>
    %dma_start3A_266 = arith.constant 0 : i32
    %dma_start3A_267 = tpu.memref_slice %arg4[%dma_start3A_266] : memref<16777216xf32, #tpu.memory_space<hbm>> -> memref<16777216xf32, #tpu.memory_space<hbm>>
    tpu.enqueue_indirect_dma source(%dma_start3A_267 : memref<16777216xf32, #tpu.memory_space<hbm>>) target(%dma_start3A_265 : memref<2048xf32, #tpu.memory_space<vmem>>) offsets(%arg12 : memref<2048xi32, #tpu.memory_space<vmem>>) semaphore(%arg21 : memref<!tpu.dma_semaphore, #tpu.memory_space<semaphore_mem>>)
    %dma_start3A_268 = arith.constant 4096 : i32
    %dma_start3A_269 = tpu.memref_slice %arg14[%dma_start3A_268] : memref<6144xf32, #tpu.memory_space<vmem>> -> memref<2048xf32, #tpu.memory_space<vmem>>
    %dma_start3A_270 = arith.constant 0 : i32
    %dma_start3A_271 = tpu.memref_slice %arg5[%dma_start3A_270] : memref<16777216xf32, #tpu.memory_space<hbm>> -> memref<16777216xf32, #tpu.memory_space<hbm>>
    tpu.enqueue_indirect_dma source(%dma_start3A_271 : memref<16777216xf32, #tpu.memory_space<hbm>>) target(%dma_start3A_269 : memref<2048xf32, #tpu.memory_space<vmem>>) offsets(%arg12 : memref<2048xi32, #tpu.memory_space<vmem>>) semaphore(%arg21 : memref<!tpu.dma_semaphore, #tpu.memory_space<semaphore_mem>>)
    %dma_start3A_272 = arith.constant 0 : i32
    %dma_start3A_273 = tpu.memref_slice %arg16[%dma_start3A_272] : memref<6144xf32, #tpu.memory_space<vmem>> -> memref<2048xf32, #tpu.memory_space<vmem>>
    %dma_start3A_274 = arith.constant 0 : i32
    %dma_start3A_275 = tpu.memref_slice %arg6[%dma_start3A_274] : memref<16777216xf32, #tpu.memory_space<hbm>> -> memref<16777216xf32, #tpu.memory_space<hbm>>
    tpu.enqueue_indirect_dma source(%dma_start3A_275 : memref<16777216xf32, #tpu.memory_space<hbm>>) target(%dma_start3A_273 : memref<2048xf32, #tpu.memory_space<vmem>>) offsets(%arg12 : memref<2048xi32, #tpu.memory_space<vmem>>) semaphore(%arg23 : memref<!tpu.dma_semaphore, #tpu.memory_space<semaphore_mem>>)
    %dma_start3A_276 = arith.constant 2048 : i32
    %dma_start3A_277 = tpu.memref_slice %arg16[%dma_start3A_276] : memref<6144xf32, #tpu.memory_space<vmem>> -> memref<2048xf32, #tpu.memory_space<vmem>>
    %dma_start3A_278 = arith.constant 0 : i32
    %dma_start3A_279 = tpu.memref_slice %arg7[%dma_start3A_278] : memref<16777216xf32, #tpu.memory_space<hbm>> -> memref<16777216xf32, #tpu.memory_space<hbm>>
    tpu.enqueue_indirect_dma source(%dma_start3A_279 : memref<16777216xf32, #tpu.memory_space<hbm>>) target(%dma_start3A_277 : memref<2048xf32, #tpu.memory_space<vmem>>) offsets(%arg12 : memref<2048xi32, #tpu.memory_space<vmem>>) semaphore(%arg23 : memref<!tpu.dma_semaphore, #tpu.memory_space<semaphore_mem>>)
    %dma_start3A_280 = arith.constant 4096 : i32
    %dma_start3A_281 = tpu.memref_slice %arg16[%dma_start3A_280] : memref<6144xf32, #tpu.memory_space<vmem>> -> memref<2048xf32, #tpu.memory_space<vmem>>
    %dma_start3A_282 = arith.constant 0 : i32
    %dma_start3A_283 = tpu.memref_slice %arg8[%dma_start3A_282] : memref<16777216xf32, #tpu.memory_space<hbm>> -> memref<16777216xf32, #tpu.memory_space<hbm>>
    tpu.enqueue_indirect_dma source(%dma_start3A_283 : memref<16777216xf32, #tpu.memory_space<hbm>>) target(%dma_start3A_281 : memref<2048xf32, #tpu.memory_space<vmem>>) offsets(%arg12 : memref<2048xi32, #tpu.memory_space<vmem>>) semaphore(%arg23 : memref<!tpu.dma_semaphore, #tpu.memory_space<semaphore_mem>>)
    %dma_wait3A_284 = arith.constant 0 : i32
    %dma_wait3A_285 = tpu.memref_slice %arg15[%dma_wait3A_284] : memref<6144xf32, #tpu.memory_space<vmem>> -> memref<2048xf32, #tpu.memory_space<vmem>>
    %dma_wait3A_286 = arith.constant 0 : i32
    %dma_wait3A_287 = tpu.memref_slice %arg3[%dma_wait3A_286] : memref<16777216xf32, #tpu.memory_space<hbm>> -> memref<16777216xf32, #tpu.memory_space<hbm>>
    tpu.wait_indirect_dma semaphore(%arg22 : memref<!tpu.dma_semaphore, #tpu.memory_space<semaphore_mem>>) src(%dma_wait3A_287 : memref<16777216xf32, #tpu.memory_space<hbm>>) dst(%dma_wait3A_285 : memref<2048xf32, #tpu.memory_space<vmem>>)
    %dma_wait3A_288 = arith.constant 2048 : i32
    %dma_wait3A_289 = tpu.memref_slice %arg15[%dma_wait3A_288] : memref<6144xf32, #tpu.memory_space<vmem>> -> memref<2048xf32, #tpu.memory_space<vmem>>
    %dma_wait3A_290 = arith.constant 0 : i32
    %dma_wait3A_291 = tpu.memref_slice %arg4[%dma_wait3A_290] : memref<16777216xf32, #tpu.memory_space<hbm>> -> memref<16777216xf32, #tpu.memory_space<hbm>>
    tpu.wait_indirect_dma semaphore(%arg22 : memref<!tpu.dma_semaphore, #tpu.memory_space<semaphore_mem>>) src(%dma_wait3A_291 : memref<16777216xf32, #tpu.memory_space<hbm>>) dst(%dma_wait3A_289 : memref<2048xf32, #tpu.memory_space<vmem>>)
    %dma_wait3A_292 = arith.constant 4096 : i32
    %dma_wait3A_293 = tpu.memref_slice %arg15[%dma_wait3A_292] : memref<6144xf32, #tpu.memory_space<vmem>> -> memref<2048xf32, #tpu.memory_space<vmem>>
    %dma_wait3A_294 = arith.constant 0 : i32
    %dma_wait3A_295 = tpu.memref_slice %arg5[%dma_wait3A_294] : memref<16777216xf32, #tpu.memory_space<hbm>> -> memref<16777216xf32, #tpu.memory_space<hbm>>
    tpu.wait_indirect_dma semaphore(%arg22 : memref<!tpu.dma_semaphore, #tpu.memory_space<semaphore_mem>>) src(%dma_wait3A_295 : memref<16777216xf32, #tpu.memory_space<hbm>>) dst(%dma_wait3A_293 : memref<2048xf32, #tpu.memory_space<vmem>>)
    %dma_wait3A_296 = arith.constant 0 : i32
    %dma_wait3A_297 = tpu.memref_slice %arg17[%dma_wait3A_296] : memref<6144xf32, #tpu.memory_space<vmem>> -> memref<2048xf32, #tpu.memory_space<vmem>>
    %dma_wait3A_298 = arith.constant 0 : i32
    %dma_wait3A_299 = tpu.memref_slice %arg6[%dma_wait3A_298] : memref<16777216xf32, #tpu.memory_space<hbm>> -> memref<16777216xf32, #tpu.memory_space<hbm>>
    tpu.wait_indirect_dma semaphore(%arg24 : memref<!tpu.dma_semaphore, #tpu.memory_space<semaphore_mem>>) src(%dma_wait3A_299 : memref<16777216xf32, #tpu.memory_space<hbm>>) dst(%dma_wait3A_297 : memref<2048xf32, #tpu.memory_space<vmem>>)
    %dma_wait3A_300 = arith.constant 2048 : i32
    %dma_wait3A_301 = tpu.memref_slice %arg17[%dma_wait3A_300] : memref<6144xf32, #tpu.memory_space<vmem>> -> memref<2048xf32, #tpu.memory_space<vmem>>
    %dma_wait3A_302 = arith.constant 0 : i32
    %dma_wait3A_303 = tpu.memref_slice %arg7[%dma_wait3A_302] : memref<16777216xf32, #tpu.memory_space<hbm>> -> memref<16777216xf32, #tpu.memory_space<hbm>>
    tpu.wait_indirect_dma semaphore(%arg24 : memref<!tpu.dma_semaphore, #tpu.memory_space<semaphore_mem>>) src(%dma_wait3A_303 : memref<16777216xf32, #tpu.memory_space<hbm>>) dst(%dma_wait3A_301 : memref<2048xf32, #tpu.memory_space<vmem>>)
    %dma_wait3A_304 = arith.constant 4096 : i32
    %dma_wait3A_305 = tpu.memref_slice %arg17[%dma_wait3A_304] : memref<6144xf32, #tpu.memory_space<vmem>> -> memref<2048xf32, #tpu.memory_space<vmem>>
    %dma_wait3A_306 = arith.constant 0 : i32
    %dma_wait3A_307 = tpu.memref_slice %arg8[%dma_wait3A_306] : memref<16777216xf32, #tpu.memory_space<hbm>> -> memref<16777216xf32, #tpu.memory_space<hbm>>
    tpu.wait_indirect_dma semaphore(%arg24 : memref<!tpu.dma_semaphore, #tpu.memory_space<semaphore_mem>>) src(%dma_wait3A_307 : memref<16777216xf32, #tpu.memory_space<hbm>>) dst(%dma_wait3A_305 : memref<2048xf32, #tpu.memory_space<vmem>>)
    %scan3A_308 = arith.constant 0 : i32
    %scan3A_309 = arith.constant 0 : i32
    %scan3A_310 = arith.constant 384 : i32
    %scan3A_311 = arith.addi %scan3A_309, %scan3A_310 : i32
    %scan3A_312 = arith.constant 1 : i32
    %scan3A_313 = scf.for %scan3A_1120 = %scan3A_309 to %scan3A_311 step %scan3A_312 iter_args(%scan3A_1121 = %scan3A_308) -> (i32)  : i32 {
      %mul3A_1122 = arith.constant 16 : i32
      %mul3A_1123 = arith.muli %scan3A_1120, %mul3A_1122 : i32
      %mul3A_1124 = arith.constant 16 : i32
      %mul3A_1125 = arith.muli %scan3A_1120, %mul3A_1124 : i32
      %add3A_1126 = vector.broadcast %mul3A_1125 : i32 to vector<16xi32>
      %add3A_1127 = arith.addi %add3A_1126, %iota3A : vector<16xi32>
      %mul3A_1128 = arith.constant 21846 : i32
      %mul3A_1129 = vector.broadcast %mul3A_1128 : i32 to vector<16xi32>
      %mul3A_1130 = arith.muli %add3A_1127, %mul3A_1129 : vector<16xi32>
      %shift_right_logical3A = arith.constant 16 : i32
      %shift_right_logical3A_1131 = vector.broadcast %shift_right_logical3A : i32 to vector<16xi32>
      %shift_right_logical3A_1132 = arith.shrui %mul3A_1130, %shift_right_logical3A_1131 : vector<16xi32>
      %mul3A_1133 = arith.constant 3 : i32
      %mul3A_1134 = vector.broadcast %mul3A_1133 : i32 to vector<16xi32>
      %mul3A_1135 = arith.muli %shift_right_logical3A_1132, %mul3A_1134 : vector<16xi32>
      %sub3A = arith.subi %add3A_1127, %mul3A_1135 : vector<16xi32>
      %mul3A_1136 = arith.constant 2048 : i32
      %mul3A_1137 = vector.broadcast %mul3A_1136 : i32 to vector<16xi32>
      %mul3A_1138 = arith.muli %sub3A, %mul3A_1137 : vector<16xi32>
      %add3A_1139 = arith.addi %mul3A_1138, %shift_right_logical3A_1132 : vector<16xi32>
      %gather3A = tpu.vector_load_idx %arg15[%add3A_1139] : memref<6144xf32, #tpu.memory_space<vmem>>[vector<16xi32>], vector<16xf32>,
      %gather3A_1140 = tpu.vector_load_idx %arg17[%add3A_1139] : memref<6144xf32, #tpu.memory_space<vmem>>[vector<16xi32>], vector<16xf32>,
      %get3A = arith.index_cast %mul3A_1123 : i32 to index
      %get3A_1141 = tpu.vector_load %arg11[%get3A] {strides = array<i32>} : memref<6144xf32, #tpu.memory_space<vmem>>, vector<16xf32>,
      %mul3A_1142 = arith.mulf %get3A_1141, %gather3A : vector<16xf32>
      %add3A_1143 = arith.addf %mul3A_1142, %gather3A_1140 : vector<16xf32>
      %abs3A = math.absf %add3A_1143 : vector<16xf32>
      %mul3A_1144 = arith.constant -2.000000e+00 : f32
      %mul3A_1145 = vector.broadcast %mul3A_1144 : f32 to vector<16xf32>
      %mul3A_1146 = arith.mulf %mul3A_1145, %abs3A : vector<16xf32>
      %exp3A = math.exp %mul3A_1146 : vector<16xf32>
      %sign3A = tpu.bitcast %add3A_1143 : vector<16xf32> -> vector<16xi32>
      %sign3A_1147 = arith.constant -2147483648 : i32
      %sign3A_1148 = vector.broadcast %sign3A_1147 : i32 to vector<16xi32>
      %sign3A_1149 = arith.andi %sign3A, %sign3A_1148 : vector<16xi32>
      %sign3A_1150 = arith.constant 1065353216 : i32
      %sign3A_1151 = vector.broadcast %sign3A_1150 : i32 to vector<16xi32>
      %sign3A_1152 = arith.ori %sign3A_1151, %sign3A_1149 : vector<16xi32>
      %sign3A_1153 = tpu.bitcast %sign3A_1152 : vector<16xi32> -> vector<16xf32>
      %sign3A_1154 = math.absf %add3A_1143 : vector<16xf32>
      %sign3A_1155 = arith.constant 0.000000e+00 : f32
      %sign3A_1156 = vector.broadcast %sign3A_1155 : f32 to vector<16xf32>
      %sign3A_1157 = arith.cmpf ogt, %sign3A_1154, %sign3A_1156 : vector<16xf32>
      %sign3A_1158 = arith.select %sign3A_1157, %sign3A_1153, %add3A_1143 : vector<16xi1>, vector<16xf32>
      %sub3A_1159 = arith.constant 1.000000e+00 : f32
      %sub3A_1160 = vector.broadcast %sub3A_1159 : f32 to vector<16xf32>
      %sub3A_1161 = arith.subf %sub3A_1160, %exp3A : vector<16xf32>
      %add3A_1162 = arith.constant 1.000000e+00 : f32
      %add3A_1163 = vector.broadcast %add3A_1162 : f32 to vector<16xf32>
      %add3A_1164 = arith.addf %add3A_1163, %exp3A : vector<16xf32>
      %div3A = arith.divf %sub3A_1161, %add3A_1164 : vector<16xf32>
      %mul3A_1165 = arith.mulf %sign3A_1158, %div3A : vector<16xf32>
      %swap3A = arith.index_cast %mul3A_1123 : i32 to index
      %swap3A_1166 = tpu.vector_load %arg18[%swap3A] {strides = array<i32>} : memref<6144xf32, #tpu.memory_space<vmem>>, vector<16xf32>,
      tpu.vector_store %arg18[%swap3A], %mul3A_1165 {strides = array<i32>} : memref<6144xf32, #tpu.memory_space<vmem>>, vector<16xf32>,
      %scan3A_1167 = arith.constant 0 : i32
      scf.yield %scan3A_1167 : i32
    }
    %scan3A_314 = arith.constant 384 : i32
    %add3A_315 = arith.constant 18432 : i32
    %add3A_316 = arith.addi %mul3A_2, %add3A_315 : i32
    "tpu.region"() ({
      %run_scoped3A = tpu.sem_alloc : memref<!tpu.dma_semaphore, #tpu.memory_space<semaphore_mem>>
      %dma_start3A_1120 = tpu.memref_slice %arg9[%add3A_316] : memref<3145728xf32, #tpu.memory_space<hbm>> -> memref<6144xf32, #tpu.memory_space<hbm>>
      %dma_start3A_1121 = tpu.memref_slice %arg9[%add3A_316] : memref<3145728xf32, #tpu.memory_space<hbm>> -> memref<6144xf32, #tpu.memory_space<hbm>>
      tpu.enqueue_dma source(%arg18 : memref<6144xf32, #tpu.memory_space<vmem>>) target(%dma_start3A_1121 : memref<6144xf32, #tpu.memory_space<hbm>>) target_semaphore(%run_scoped3A : memref<!tpu.dma_semaphore, #tpu.memory_space<semaphore_mem>>)
      %dma_wait3A_1122 = tpu.memref_slice %arg9[%add3A_316] : memref<3145728xf32, #tpu.memory_space<hbm>> -> memref<6144xf32, #tpu.memory_space<hbm>>
      %dma_wait3A_1123 = tpu.memref_slice %arg9[%add3A_316] : memref<3145728xf32, #tpu.memory_space<hbm>> -> memref<6144xf32, #tpu.memory_space<hbm>>
      tpu.wait_dma2 semaphore(%run_scoped3A : memref<!tpu.dma_semaphore, #tpu.memory_space<semaphore_mem>>) src(%arg18 : memref<6144xf32, #tpu.memory_space<vmem>>) dst(%dma_wait3A_1123 : memref<6144xf32, #tpu.memory_space<hbm>>)
      tpu.yield
    }) : () -> ()
    %add3A_317 = arith.constant 30720 : i32
    %add3A_318 = arith.addi %mul3A_2, %add3A_317 : i32
    %dma_start3A_319 = tpu.memref_slice %arg2[%add3A_318] : memref<3145728xf32, #tpu.memory_space<hbm>> -> memref<6144xf32, #tpu.memory_space<hbm>>
    %dma_start3A_320 = tpu.memref_slice %arg2[%add3A_318] : memref<3145728xf32, #tpu.memory_space<hbm>> -> memref<6144xf32, #tpu.memory_space<hbm>>
    tpu.enqueue_dma source(%dma_start3A_320 : memref<6144xf32, #tpu.memory_space<hbm>>) target(%arg11 : memref<6144xf32, #tpu.memory_space<vmem>>) target_semaphore(%arg20 : memref<!tpu.dma_semaphore, #tpu.memory_space<semaphore_mem>>)
    %dma_wait3A_321 = tpu.memref_slice %arg2[%add3A_318] : memref<3145728xf32, #tpu.memory_space<hbm>> -> memref<6144xf32, #tpu.memory_space<hbm>>
    %dma_wait3A_322 = tpu.memref_slice %arg2[%add3A_318] : memref<3145728xf32, #tpu.memory_space<hbm>> -> memref<6144xf32, #tpu.memory_space<hbm>>
    tpu.wait_dma2 semaphore(%arg20 : memref<!tpu.dma_semaphore, #tpu.memory_space<semaphore_mem>>) src(%dma_wait3A_322 : memref<6144xf32, #tpu.memory_space<hbm>>) dst(%arg11 : memref<6144xf32, #tpu.memory_space<vmem>>)
    %scan3A_323 = arith.constant 0 : i32
    %scan3A_324 = arith.constant 0 : i32
    %scan3A_325 = arith.constant 128 : i32
    %scan3A_326 = arith.addi %scan3A_324, %scan3A_325 : i32
    %scan3A_327 = arith.constant 1 : i32
    %scan3A_328 = scf.for %scan3A_1120 = %scan3A_324 to %scan3A_326 step %scan3A_327 iter_args(%scan3A_1121 = %scan3A_323) -> (i32)  : i32 {
      %mul3A_1122 = arith.constant 48 : i32
      %mul3A_1123 = arith.muli %scan3A_1120, %mul3A_1122 : i32
      %mul3A_1124 = arith.constant 3 : i32
      %mul3A_1125 = vector.broadcast %mul3A_1124 : i32 to vector<16xi32>
      %mul3A_1126 = arith.muli %iota3A, %mul3A_1125 : vector<16xi32>
      %add3A_1127 = vector.broadcast %mul3A_1123 : i32 to vector<16xi32>
      %add3A_1128 = arith.addi %add3A_1127, %mul3A_1126 : vector<16xi32>
      %gather3A = tpu.vector_load_idx %arg11[%add3A_1128] : memref<6144xf32, #tpu.memory_space<vmem>>[vector<16xi32>], vector<16xf32>,
      %add3A_1129 = arith.constant 1 : i32
      %add3A_1130 = vector.broadcast %add3A_1129 : i32 to vector<16xi32>
      %add3A_1131 = arith.addi %add3A_1128, %add3A_1130 : vector<16xi32>
      %gather3A_1132 = tpu.vector_load_idx %arg11[%add3A_1131] : memref<6144xf32, #tpu.memory_space<vmem>>[vector<16xi32>], vector<16xf32>,
      %add3A_1133 = arith.constant 2 : i32
      %add3A_1134 = vector.broadcast %add3A_1133 : i32 to vector<16xi32>
      %add3A_1135 = arith.addi %add3A_1128, %add3A_1134 : vector<16xi32>
      %gather3A_1136 = tpu.vector_load_idx %arg11[%add3A_1135] : memref<6144xf32, #tpu.memory_space<vmem>>[vector<16xi32>], vector<16xf32>,
      %mul3A_1137 = arith.constant 6.553600e+04 : f32
      %mul3A_1138 = vector.broadcast %mul3A_1137 : f32 to vector<16xf32>
      %mul3A_1139 = arith.mulf %gather3A, %mul3A_1138 : vector<16xf32>
      %mul3A_1140 = arith.constant 2.560000e+02 : f32
      %mul3A_1141 = vector.broadcast %mul3A_1140 : f32 to vector<16xf32>
      %mul3A_1142 = arith.mulf %gather3A_1132, %mul3A_1141 : vector<16xf32>
      %add3A_1143 = arith.addf %mul3A_1139, %mul3A_1142 : vector<16xf32>
      %add3A_1144 = arith.addf %add3A_1143, %gather3A_1136 : vector<16xf32>
      %convert_element_type3A = arith.fptosi %add3A_1144 : vector<16xf32> to vector<16xi32>
      %mul3A_1145 = arith.constant 16 : i32
      %mul3A_1146 = arith.muli %scan3A_1120, %mul3A_1145 : i32
      %add3A_1147 = vector.broadcast %mul3A_1146 : i32 to vector<16xi32>
      %add3A_1148 = arith.addi %add3A_1147, %iota3A : vector<16xi32>
      tpu.vector_store_idx %arg13[%add3A_1148], %convert_element_type3A : memref<2048xi32, #tpu.memory_space<vmem>>[vector<16xi32>], vector<16xi32>,
      %scan3A_1149 = arith.constant 0 : i32
      scf.yield %scan3A_1149 : i32
    }
    %scan3A_329 = arith.constant 128 : i32
    %dma_start3A_330 = arith.constant 0 : i32
    %dma_start3A_331 = tpu.memref_slice %arg15[%dma_start3A_330] : memref<6144xf32, #tpu.memory_space<vmem>> -> memref<2048xf32, #tpu.memory_space<vmem>>
    %dma_start3A_332 = arith.constant 0 : i32
    %dma_start3A_333 = tpu.memref_slice %arg3[%dma_start3A_332] : memref<16777216xf32, #tpu.memory_space<hbm>> -> memref<16777216xf32, #tpu.memory_space<hbm>>
    tpu.enqueue_indirect_dma source(%dma_start3A_333 : memref<16777216xf32, #tpu.memory_space<hbm>>) target(%dma_start3A_331 : memref<2048xf32, #tpu.memory_space<vmem>>) offsets(%arg13 : memref<2048xi32, #tpu.memory_space<vmem>>) semaphore(%arg22 : memref<!tpu.dma_semaphore, #tpu.memory_space<semaphore_mem>>)
    %dma_start3A_334 = arith.constant 2048 : i32
    %dma_start3A_335 = tpu.memref_slice %arg15[%dma_start3A_334] : memref<6144xf32, #tpu.memory_space<vmem>> -> memref<2048xf32, #tpu.memory_space<vmem>>
    %dma_start3A_336 = arith.constant 0 : i32
    %dma_start3A_337 = tpu.memref_slice %arg4[%dma_start3A_336] : memref<16777216xf32, #tpu.memory_space<hbm>> -> memref<16777216xf32, #tpu.memory_space<hbm>>
    tpu.enqueue_indirect_dma source(%dma_start3A_337 : memref<16777216xf32, #tpu.memory_space<hbm>>) target(%dma_start3A_335 : memref<2048xf32, #tpu.memory_space<vmem>>) offsets(%arg13 : memref<2048xi32, #tpu.memory_space<vmem>>) semaphore(%arg22 : memref<!tpu.dma_semaphore, #tpu.memory_space<semaphore_mem>>)
    %dma_start3A_338 = arith.constant 4096 : i32
    %dma_start3A_339 = tpu.memref_slice %arg15[%dma_start3A_338] : memref<6144xf32, #tpu.memory_space<vmem>> -> memref<2048xf32, #tpu.memory_space<vmem>>
    %dma_start3A_340 = arith.constant 0 : i32
    %dma_start3A_341 = tpu.memref_slice %arg5[%dma_start3A_340] : memref<16777216xf32, #tpu.memory_space<hbm>> -> memref<16777216xf32, #tpu.memory_space<hbm>>
    tpu.enqueue_indirect_dma source(%dma_start3A_341 : memref<16777216xf32, #tpu.memory_space<hbm>>) target(%dma_start3A_339 : memref<2048xf32, #tpu.memory_space<vmem>>) offsets(%arg13 : memref<2048xi32, #tpu.memory_space<vmem>>) semaphore(%arg22 : memref<!tpu.dma_semaphore, #tpu.memory_space<semaphore_mem>>)
    %dma_start3A_342 = arith.constant 0 : i32
    %dma_start3A_343 = tpu.memref_slice %arg17[%dma_start3A_342] : memref<6144xf32, #tpu.memory_space<vmem>> -> memref<2048xf32, #tpu.memory_space<vmem>>
    %dma_start3A_344 = arith.constant 0 : i32
    %dma_start3A_345 = tpu.memref_slice %arg6[%dma_start3A_344] : memref<16777216xf32, #tpu.memory_space<hbm>> -> memref<16777216xf32, #tpu.memory_space<hbm>>
    tpu.enqueue_indirect_dma source(%dma_start3A_345 : memref<16777216xf32, #tpu.memory_space<hbm>>) target(%dma_start3A_343 : memref<2048xf32, #tpu.memory_space<vmem>>) offsets(%arg13 : memref<2048xi32, #tpu.memory_space<vmem>>) semaphore(%arg24 : memref<!tpu.dma_semaphore, #tpu.memory_space<semaphore_mem>>)
    %dma_start3A_346 = arith.constant 2048 : i32
    %dma_start3A_347 = tpu.memref_slice %arg17[%dma_start3A_346] : memref<6144xf32, #tpu.memory_space<vmem>> -> memref<2048xf32, #tpu.memory_space<vmem>>
    %dma_start3A_348 = arith.constant 0 : i32
    %dma_start3A_349 = tpu.memref_slice %arg7[%dma_start3A_348] : memref<16777216xf32, #tpu.memory_space<hbm>> -> memref<16777216xf32, #tpu.memory_space<hbm>>
    tpu.enqueue_indirect_dma source(%dma_start3A_349 : memref<16777216xf32, #tpu.memory_space<hbm>>) target(%dma_start3A_347 : memref<2048xf32, #tpu.memory_space<vmem>>) offsets(%arg13 : memref<2048xi32, #tpu.memory_space<vmem>>) semaphore(%arg24 : memref<!tpu.dma_semaphore, #tpu.memory_space<semaphore_mem>>)
    %dma_start3A_350 = arith.constant 4096 : i32
    %dma_start3A_351 = tpu.memref_slice %arg17[%dma_start3A_350] : memref<6144xf32, #tpu.memory_space<vmem>> -> memref<2048xf32, #tpu.memory_space<vmem>>
    %dma_start3A_352 = arith.constant 0 : i32
    %dma_start3A_353 = tpu.memref_slice %arg8[%dma_start3A_352] : memref<16777216xf32, #tpu.memory_space<hbm>> -> memref<16777216xf32, #tpu.memory_space<hbm>>
    tpu.enqueue_indirect_dma source(%dma_start3A_353 : memref<16777216xf32, #tpu.memory_space<hbm>>) target(%dma_start3A_351 : memref<2048xf32, #tpu.memory_space<vmem>>) offsets(%arg13 : memref<2048xi32, #tpu.memory_space<vmem>>) semaphore(%arg24 : memref<!tpu.dma_semaphore, #tpu.memory_space<semaphore_mem>>)
    %dma_wait3A_354 = arith.constant 0 : i32
    %dma_wait3A_355 = tpu.memref_slice %arg14[%dma_wait3A_354] : memref<6144xf32, #tpu.memory_space<vmem>> -> memref<2048xf32, #tpu.memory_space<vmem>>
    %dma_wait3A_356 = arith.constant 0 : i32
    %dma_wait3A_357 = tpu.memref_slice %arg3[%dma_wait3A_356] : memref<16777216xf32, #tpu.memory_space<hbm>> -> memref<16777216xf32, #tpu.memory_space<hbm>>
    tpu.wait_indirect_dma semaphore(%arg21 : memref<!tpu.dma_semaphore, #tpu.memory_space<semaphore_mem>>) src(%dma_wait3A_357 : memref<16777216xf32, #tpu.memory_space<hbm>>) dst(%dma_wait3A_355 : memref<2048xf32, #tpu.memory_space<vmem>>)
    %dma_wait3A_358 = arith.constant 2048 : i32
    %dma_wait3A_359 = tpu.memref_slice %arg14[%dma_wait3A_358] : memref<6144xf32, #tpu.memory_space<vmem>> -> memref<2048xf32, #tpu.memory_space<vmem>>
    %dma_wait3A_360 = arith.constant 0 : i32
    %dma_wait3A_361 = tpu.memref_slice %arg4[%dma_wait3A_360] : memref<16777216xf32, #tpu.memory_space<hbm>> -> memref<16777216xf32, #tpu.memory_space<hbm>>
    tpu.wait_indirect_dma semaphore(%arg21 : memref<!tpu.dma_semaphore, #tpu.memory_space<semaphore_mem>>) src(%dma_wait3A_361 : memref<16777216xf32, #tpu.memory_space<hbm>>) dst(%dma_wait3A_359 : memref<2048xf32, #tpu.memory_space<vmem>>)
    %dma_wait3A_362 = arith.constant 4096 : i32
    %dma_wait3A_363 = tpu.memref_slice %arg14[%dma_wait3A_362] : memref<6144xf32, #tpu.memory_space<vmem>> -> memref<2048xf32, #tpu.memory_space<vmem>>
    %dma_wait3A_364 = arith.constant 0 : i32
    %dma_wait3A_365 = tpu.memref_slice %arg5[%dma_wait3A_364] : memref<16777216xf32, #tpu.memory_space<hbm>> -> memref<16777216xf32, #tpu.memory_space<hbm>>
    tpu.wait_indirect_dma semaphore(%arg21 : memref<!tpu.dma_semaphore, #tpu.memory_space<semaphore_mem>>) src(%dma_wait3A_365 : memref<16777216xf32, #tpu.memory_space<hbm>>) dst(%dma_wait3A_363 : memref<2048xf32, #tpu.memory_space<vmem>>)
    %dma_wait3A_366 = arith.constant 0 : i32
    %dma_wait3A_367 = tpu.memref_slice %arg16[%dma_wait3A_366] : memref<6144xf32, #tpu.memory_space<vmem>> -> memref<2048xf32, #tpu.memory_space<vmem>>
    %dma_wait3A_368 = arith.constant 0 : i32
    %dma_wait3A_369 = tpu.memref_slice %arg6[%dma_wait3A_368] : memref<16777216xf32, #tpu.memory_space<hbm>> -> memref<16777216xf32, #tpu.memory_space<hbm>>
    tpu.wait_indirect_dma semaphore(%arg23 : memref<!tpu.dma_semaphore, #tpu.memory_space<semaphore_mem>>) src(%dma_wait3A_369 : memref<16777216xf32, #tpu.memory_space<hbm>>) dst(%dma_wait3A_367 : memref<2048xf32, #tpu.memory_space<vmem>>)
    %dma_wait3A_370 = arith.constant 2048 : i32
    %dma_wait3A_371 = tpu.memref_slice %arg16[%dma_wait3A_370] : memref<6144xf32, #tpu.memory_space<vmem>> -> memref<2048xf32, #tpu.memory_space<vmem>>
    %dma_wait3A_372 = arith.constant 0 : i32
    %dma_wait3A_373 = tpu.memref_slice %arg7[%dma_wait3A_372] : memref<16777216xf32, #tpu.memory_space<hbm>> -> memref<16777216xf32, #tpu.memory_space<hbm>>
    tpu.wait_indirect_dma semaphore(%arg23 : memref<!tpu.dma_semaphore, #tpu.memory_space<semaphore_mem>>) src(%dma_wait3A_373 : memref<16777216xf32, #tpu.memory_space<hbm>>) dst(%dma_wait3A_371 : memref<2048xf32, #tpu.memory_space<vmem>>)
    %dma_wait3A_374 = arith.constant 4096 : i32
    %dma_wait3A_375 = tpu.memref_slice %arg16[%dma_wait3A_374] : memref<6144xf32, #tpu.memory_space<vmem>> -> memref<2048xf32, #tpu.memory_space<vmem>>
    %dma_wait3A_376 = arith.constant 0 : i32
    %dma_wait3A_377 = tpu.memref_slice %arg8[%dma_wait3A_376] : memref<16777216xf32, #tpu.memory_space<hbm>> -> memref<16777216xf32, #tpu.memory_space<hbm>>
    tpu.wait_indirect_dma semaphore(%arg23 : memref<!tpu.dma_semaphore, #tpu.memory_space<semaphore_mem>>) src(%dma_wait3A_377 : memref<16777216xf32, #tpu.memory_space<hbm>>) dst(%dma_wait3A_375 : memref<2048xf32, #tpu.memory_space<vmem>>)
    %scan3A_378 = arith.constant 0 : i32
    %scan3A_379 = arith.constant 0 : i32
    %scan3A_380 = arith.constant 384 : i32
    %scan3A_381 = arith.addi %scan3A_379, %scan3A_380 : i32
    %scan3A_382 = arith.constant 1 : i32
    %scan3A_383 = scf.for %scan3A_1120 = %scan3A_379 to %scan3A_381 step %scan3A_382 iter_args(%scan3A_1121 = %scan3A_378) -> (i32)  : i32 {
      %mul3A_1122 = arith.constant 16 : i32
      %mul3A_1123 = arith.muli %scan3A_1120, %mul3A_1122 : i32
      %mul3A_1124 = arith.constant 16 : i32
      %mul3A_1125 = arith.muli %scan3A_1120, %mul3A_1124 : i32
      %add3A_1126 = vector.broadcast %mul3A_1125 : i32 to vector<16xi32>
      %add3A_1127 = arith.addi %add3A_1126, %iota3A : vector<16xi32>
      %mul3A_1128 = arith.constant 21846 : i32
      %mul3A_1129 = vector.broadcast %mul3A_1128 : i32 to vector<16xi32>
      %mul3A_1130 = arith.muli %add3A_1127, %mul3A_1129 : vector<16xi32>
      %shift_right_logical3A = arith.constant 16 : i32
      %shift_right_logical3A_1131 = vector.broadcast %shift_right_logical3A : i32 to vector<16xi32>
      %shift_right_logical3A_1132 = arith.shrui %mul3A_1130, %shift_right_logical3A_1131 : vector<16xi32>
      %mul3A_1133 = arith.constant 3 : i32
      %mul3A_1134 = vector.broadcast %mul3A_1133 : i32 to vector<16xi32>
      %mul3A_1135 = arith.muli %shift_right_logical3A_1132, %mul3A_1134 : vector<16xi32>
      %sub3A = arith.subi %add3A_1127, %mul3A_1135 : vector<16xi32>
      %mul3A_1136 = arith.constant 2048 : i32
      %mul3A_1137 = vector.broadcast %mul3A_1136 : i32 to vector<16xi32>
      %mul3A_1138 = arith.muli %sub3A, %mul3A_1137 : vector<16xi32>
      %add3A_1139 = arith.addi %mul3A_1138, %shift_right_logical3A_1132 : vector<16xi32>
      %gather3A = tpu.vector_load_idx %arg14[%add3A_1139] : memref<6144xf32, #tpu.memory_space<vmem>>[vector<16xi32>], vector<16xf32>,
      %gather3A_1140 = tpu.vector_load_idx %arg16[%add3A_1139] : memref<6144xf32, #tpu.memory_space<vmem>>[vector<16xi32>], vector<16xf32>,
      %get3A = arith.index_cast %mul3A_1123 : i32 to index
      %get3A_1141 = tpu.vector_load %arg10[%get3A] {strides = array<i32>} : memref<6144xf32, #tpu.memory_space<vmem>>, vector<16xf32>,
      %mul3A_1142 = arith.mulf %get3A_1141, %gather3A : vector<16xf32>
      %add3A_1143 = arith.addf %mul3A_1142, %gather3A_1140 : vector<16xf32>
      %abs3A = math.absf %add3A_1143 : vector<16xf32>
      %mul3A_1144 = arith.constant -2.000000e+00 : f32
      %mul3A_1145 = vector.broadcast %mul3A_1144 : f32 to vector<16xf32>
      %mul3A_1146 = arith.mulf %mul3A_1145, %abs3A : vector<16xf32>
      %exp3A = math.exp %mul3A_1146 : vector<16xf32>
      %sign3A = tpu.bitcast %add3A_1143 : vector<16xf32> -> vector<16xi32>
      %sign3A_1147 = arith.constant -2147483648 : i32
      %sign3A_1148 = vector.broadcast %sign3A_1147 : i32 to vector<16xi32>
      %sign3A_1149 = arith.andi %sign3A, %sign3A_1148 : vector<16xi32>
      %sign3A_1150 = arith.constant 1065353216 : i32
      %sign3A_1151 = vector.broadcast %sign3A_1150 : i32 to vector<16xi32>
      %sign3A_1152 = arith.ori %sign3A_1151, %sign3A_1149 : vector<16xi32>
      %sign3A_1153 = tpu.bitcast %sign3A_1152 : vector<16xi32> -> vector<16xf32>
      %sign3A_1154 = math.absf %add3A_1143 : vector<16xf32>
      %sign3A_1155 = arith.constant 0.000000e+00 : f32
      %sign3A_1156 = vector.broadcast %sign3A_1155 : f32 to vector<16xf32>
      %sign3A_1157 = arith.cmpf ogt, %sign3A_1154, %sign3A_1156 : vector<16xf32>
      %sign3A_1158 = arith.select %sign3A_1157, %sign3A_1153, %add3A_1143 : vector<16xi1>, vector<16xf32>
      %sub3A_1159 = arith.constant 1.000000e+00 : f32
      %sub3A_1160 = vector.broadcast %sub3A_1159 : f32 to vector<16xf32>
      %sub3A_1161 = arith.subf %sub3A_1160, %exp3A : vector<16xf32>
      %add3A_1162 = arith.constant 1.000000e+00 : f32
      %add3A_1163 = vector.broadcast %add3A_1162 : f32 to vector<16xf32>
      %add3A_1164 = arith.addf %add3A_1163, %exp3A : vector<16xf32>
      %div3A = arith.divf %sub3A_1161, %add3A_1164 : vector<16xf32>
      %mul3A_1165 = arith.mulf %sign3A_1158, %div3A : vector<16xf32>
      %swap3A = arith.index_cast %mul3A_1123 : i32 to index
      %swap3A_1166 = tpu.vector_load %arg18[%swap3A] {strides = array<i32>} : memref<6144xf32, #tpu.memory_space<vmem>>, vector<16xf32>,
      tpu.vector_store %arg18[%swap3A], %mul3A_1165 {strides = array<i32>} : memref<6144xf32, #tpu.memory_space<vmem>>, vector<16xf32>,
      %scan3A_1167 = arith.constant 0 : i32
      scf.yield %scan3A_1167 : i32
    }
    %scan3A_384 = arith.constant 384 : i32
    %add3A_385 = arith.constant 24576 : i32
    %add3A_386 = arith.addi %mul3A_2, %add3A_385 : i32
    "tpu.region"() ({
      %run_scoped3A = tpu.sem_alloc : memref<!tpu.dma_semaphore, #tpu.memory_space<semaphore_mem>>
      %dma_start3A_1120 = tpu.memref_slice %arg9[%add3A_386] : memref<3145728xf32, #tpu.memory_space<hbm>> -> memref<6144xf32, #tpu.memory_space<hbm>>
      %dma_start3A_1121 = tpu.memref_slice %arg9[%add3A_386] : memref<3145728xf32, #tpu.memory_space<hbm>> -> memref<6144xf32, #tpu.memory_space<hbm>>
      tpu.enqueue_dma source(%arg18 : memref<6144xf32, #tpu.memory_space<vmem>>) target(%dma_start3A_1121 : memref<6144xf32, #tpu.memory_space<hbm>>) target_semaphore(%run_scoped3A : memref<!tpu.dma_semaphore, #tpu.memory_space<semaphore_mem>>)
      %dma_wait3A_1122 = tpu.memref_slice %arg9[%add3A_386] : memref<3145728xf32, #tpu.memory_space<hbm>> -> memref<6144xf32, #tpu.memory_space<hbm>>
      %dma_wait3A_1123 = tpu.memref_slice %arg9[%add3A_386] : memref<3145728xf32, #tpu.memory_space<hbm>> -> memref<6144xf32, #tpu.memory_space<hbm>>
      tpu.wait_dma2 semaphore(%run_scoped3A : memref<!tpu.dma_semaphore, #tpu.memory_space<semaphore_mem>>) src(%arg18 : memref<6144xf32, #tpu.memory_space<vmem>>) dst(%dma_wait3A_1123 : memref<6144xf32, #tpu.memory_space<hbm>>)
      tpu.yield
    }) : () -> ()
    %add3A_387 = arith.constant 36864 : i32
    %add3A_388 = arith.addi %mul3A_2, %add3A_387 : i32
    %dma_start3A_389 = tpu.memref_slice %arg2[%add3A_388] : memref<3145728xf32, #tpu.memory_space<hbm>> -> memref<6144xf32, #tpu.memory_space<hbm>>
    %dma_start3A_390 = tpu.memref_slice %arg2[%add3A_388] : memref<3145728xf32, #tpu.memory_space<hbm>> -> memref<6144xf32, #tpu.memory_space<hbm>>
    tpu.enqueue_dma source(%dma_start3A_390 : memref<6144xf32, #tpu.memory_space<hbm>>) target(%arg10 : memref<6144xf32, #tpu.memory_space<vmem>>) target_semaphore(%arg19 : memref<!tpu.dma_semaphore, #tpu.memory_space<semaphore_mem>>)
    %dma_wait3A_391 = tpu.memref_slice %arg2[%add3A_388] : memref<3145728xf32, #tpu.memory_space<hbm>> -> memref<6144xf32, #tpu.memory_space<hbm>>
    %dma_wait3A_392 = tpu.memref_slice %arg2[%add3A_388] : memref<3145728xf32, #tpu.memory_space<hbm>> -> memref<6144xf32, #tpu.memory_space<hbm>>
    tpu.wait_dma2 semaphore(%arg19 : memref<!tpu.dma_semaphore, #tpu.memory_space<semaphore_mem>>) src(%dma_wait3A_392 : memref<6144xf32, #tpu.memory_space<hbm>>) dst(%arg10 : memref<6144xf32, #tpu.memory_space<vmem>>)
    %scan3A_393 = arith.constant 0 : i32
    %scan3A_394 = arith.constant 0 : i32
    %scan3A_395 = arith.constant 128 : i32
    %scan3A_396 = arith.addi %scan3A_394, %scan3A_395 : i32
    %scan3A_397 = arith.constant 1 : i32
    %scan3A_398 = scf.for %scan3A_1120 = %scan3A_394 to %scan3A_396 step %scan3A_397 iter_args(%scan3A_1121 = %scan3A_393) -> (i32)  : i32 {
      %mul3A_1122 = arith.constant 48 : i32
      %mul3A_1123 = arith.muli %scan3A_1120, %mul3A_1122 : i32
      %mul3A_1124 = arith.constant 3 : i32
      %mul3A_1125 = vector.broadcast %mul3A_1124 : i32 to vector<16xi32>
      %mul3A_1126 = arith.muli %iota3A, %mul3A_1125 : vector<16xi32>
      %add3A_1127 = vector.broadcast %mul3A_1123 : i32 to vector<16xi32>
      %add3A_1128 = arith.addi %add3A_1127, %mul3A_1126 : vector<16xi32>
      %gather3A = tpu.vector_load_idx %arg10[%add3A_1128] : memref<6144xf32, #tpu.memory_space<vmem>>[vector<16xi32>], vector<16xf32>,
      %add3A_1129 = arith.constant 1 : i32
      %add3A_1130 = vector.broadcast %add3A_1129 : i32 to vector<16xi32>
      %add3A_1131 = arith.addi %add3A_1128, %add3A_1130 : vector<16xi32>
      %gather3A_1132 = tpu.vector_load_idx %arg10[%add3A_1131] : memref<6144xf32, #tpu.memory_space<vmem>>[vector<16xi32>], vector<16xf32>,
      %add3A_1133 = arith.constant 2 : i32
      %add3A_1134 = vector.broadcast %add3A_1133 : i32 to vector<16xi32>
      %add3A_1135 = arith.addi %add3A_1128, %add3A_1134 : vector<16xi32>
      %gather3A_1136 = tpu.vector_load_idx %arg10[%add3A_1135] : memref<6144xf32, #tpu.memory_space<vmem>>[vector<16xi32>], vector<16xf32>,
      %mul3A_1137 = arith.constant 6.553600e+04 : f32
      %mul3A_1138 = vector.broadcast %mul3A_1137 : f32 to vector<16xf32>
      %mul3A_1139 = arith.mulf %gather3A, %mul3A_1138 : vector<16xf32>
      %mul3A_1140 = arith.constant 2.560000e+02 : f32
      %mul3A_1141 = vector.broadcast %mul3A_1140 : f32 to vector<16xf32>
      %mul3A_1142 = arith.mulf %gather3A_1132, %mul3A_1141 : vector<16xf32>
      %add3A_1143 = arith.addf %mul3A_1139, %mul3A_1142 : vector<16xf32>
      %add3A_1144 = arith.addf %add3A_1143, %gather3A_1136 : vector<16xf32>
      %convert_element_type3A = arith.fptosi %add3A_1144 : vector<16xf32> to vector<16xi32>
      %mul3A_1145 = arith.constant 16 : i32
      %mul3A_1146 = arith.muli %scan3A_1120, %mul3A_1145 : i32
      %add3A_1147 = vector.broadcast %mul3A_1146 : i32 to vector<16xi32>
      %add3A_1148 = arith.addi %add3A_1147, %iota3A : vector<16xi32>
      tpu.vector_store_idx %arg12[%add3A_1148], %convert_element_type3A : memref<2048xi32, #tpu.memory_space<vmem>>[vector<16xi32>], vector<16xi32>,
      %scan3A_1149 = arith.constant 0 : i32
      scf.yield %scan3A_1149 : i32
    }
    %scan3A_399 = arith.constant 128 : i32
    %dma_start3A_400 = arith.constant 0 : i32
    %dma_start3A_401 = tpu.memref_slice %arg14[%dma_start3A_400] : memref<6144xf32, #tpu.memory_space<vmem>> -> memref<2048xf32, #tpu.memory_space<vmem>>
    %dma_start3A_402 = arith.constant 0 : i32
    %dma_start3A_403 = tpu.memref_slice %arg3[%dma_start3A_402] : memref<16777216xf32, #tpu.memory_space<hbm>> -> memref<16777216xf32, #tpu.memory_space<hbm>>
    tpu.enqueue_indirect_dma source(%dma_start3A_403 : memref<16777216xf32, #tpu.memory_space<hbm>>) target(%dma_start3A_401 : memref<2048xf32, #tpu.memory_space<vmem>>) offsets(%arg12 : memref<2048xi32, #tpu.memory_space<vmem>>) semaphore(%arg21 : memref<!tpu.dma_semaphore, #tpu.memory_space<semaphore_mem>>)
    %dma_start3A_404 = arith.constant 2048 : i32
    %dma_start3A_405 = tpu.memref_slice %arg14[%dma_start3A_404] : memref<6144xf32, #tpu.memory_space<vmem>> -> memref<2048xf32, #tpu.memory_space<vmem>>
    %dma_start3A_406 = arith.constant 0 : i32
    %dma_start3A_407 = tpu.memref_slice %arg4[%dma_start3A_406] : memref<16777216xf32, #tpu.memory_space<hbm>> -> memref<16777216xf32, #tpu.memory_space<hbm>>
    tpu.enqueue_indirect_dma source(%dma_start3A_407 : memref<16777216xf32, #tpu.memory_space<hbm>>) target(%dma_start3A_405 : memref<2048xf32, #tpu.memory_space<vmem>>) offsets(%arg12 : memref<2048xi32, #tpu.memory_space<vmem>>) semaphore(%arg21 : memref<!tpu.dma_semaphore, #tpu.memory_space<semaphore_mem>>)
    %dma_start3A_408 = arith.constant 4096 : i32
    %dma_start3A_409 = tpu.memref_slice %arg14[%dma_start3A_408] : memref<6144xf32, #tpu.memory_space<vmem>> -> memref<2048xf32, #tpu.memory_space<vmem>>
    %dma_start3A_410 = arith.constant 0 : i32
    %dma_start3A_411 = tpu.memref_slice %arg5[%dma_start3A_410] : memref<16777216xf32, #tpu.memory_space<hbm>> -> memref<16777216xf32, #tpu.memory_space<hbm>>
    tpu.enqueue_indirect_dma source(%dma_start3A_411 : memref<16777216xf32, #tpu.memory_space<hbm>>) target(%dma_start3A_409 : memref<2048xf32, #tpu.memory_space<vmem>>) offsets(%arg12 : memref<2048xi32, #tpu.memory_space<vmem>>) semaphore(%arg21 : memref<!tpu.dma_semaphore, #tpu.memory_space<semaphore_mem>>)
    %dma_start3A_412 = arith.constant 0 : i32
    %dma_start3A_413 = tpu.memref_slice %arg16[%dma_start3A_412] : memref<6144xf32, #tpu.memory_space<vmem>> -> memref<2048xf32, #tpu.memory_space<vmem>>
    %dma_start3A_414 = arith.constant 0 : i32
    %dma_start3A_415 = tpu.memref_slice %arg6[%dma_start3A_414] : memref<16777216xf32, #tpu.memory_space<hbm>> -> memref<16777216xf32, #tpu.memory_space<hbm>>
    tpu.enqueue_indirect_dma source(%dma_start3A_415 : memref<16777216xf32, #tpu.memory_space<hbm>>) target(%dma_start3A_413 : memref<2048xf32, #tpu.memory_space<vmem>>) offsets(%arg12 : memref<2048xi32, #tpu.memory_space<vmem>>) semaphore(%arg23 : memref<!tpu.dma_semaphore, #tpu.memory_space<semaphore_mem>>)
    %dma_start3A_416 = arith.constant 2048 : i32
    %dma_start3A_417 = tpu.memref_slice %arg16[%dma_start3A_416] : memref<6144xf32, #tpu.memory_space<vmem>> -> memref<2048xf32, #tpu.memory_space<vmem>>
    %dma_start3A_418 = arith.constant 0 : i32
    %dma_start3A_419 = tpu.memref_slice %arg7[%dma_start3A_418] : memref<16777216xf32, #tpu.memory_space<hbm>> -> memref<16777216xf32, #tpu.memory_space<hbm>>
    tpu.enqueue_indirect_dma source(%dma_start3A_419 : memref<16777216xf32, #tpu.memory_space<hbm>>) target(%dma_start3A_417 : memref<2048xf32, #tpu.memory_space<vmem>>) offsets(%arg12 : memref<2048xi32, #tpu.memory_space<vmem>>) semaphore(%arg23 : memref<!tpu.dma_semaphore, #tpu.memory_space<semaphore_mem>>)
    %dma_start3A_420 = arith.constant 4096 : i32
    %dma_start3A_421 = tpu.memref_slice %arg16[%dma_start3A_420] : memref<6144xf32, #tpu.memory_space<vmem>> -> memref<2048xf32, #tpu.memory_space<vmem>>
    %dma_start3A_422 = arith.constant 0 : i32
    %dma_start3A_423 = tpu.memref_slice %arg8[%dma_start3A_422] : memref<16777216xf32, #tpu.memory_space<hbm>> -> memref<16777216xf32, #tpu.memory_space<hbm>>
    tpu.enqueue_indirect_dma source(%dma_start3A_423 : memref<16777216xf32, #tpu.memory_space<hbm>>) target(%dma_start3A_421 : memref<2048xf32, #tpu.memory_space<vmem>>) offsets(%arg12 : memref<2048xi32, #tpu.memory_space<vmem>>) semaphore(%arg23 : memref<!tpu.dma_semaphore, #tpu.memory_space<semaphore_mem>>)
    %dma_wait3A_424 = arith.constant 0 : i32
    %dma_wait3A_425 = tpu.memref_slice %arg15[%dma_wait3A_424] : memref<6144xf32, #tpu.memory_space<vmem>> -> memref<2048xf32, #tpu.memory_space<vmem>>
    %dma_wait3A_426 = arith.constant 0 : i32
    %dma_wait3A_427 = tpu.memref_slice %arg3[%dma_wait3A_426] : memref<16777216xf32, #tpu.memory_space<hbm>> -> memref<16777216xf32, #tpu.memory_space<hbm>>
    tpu.wait_indirect_dma semaphore(%arg22 : memref<!tpu.dma_semaphore, #tpu.memory_space<semaphore_mem>>) src(%dma_wait3A_427 : memref<16777216xf32, #tpu.memory_space<hbm>>) dst(%dma_wait3A_425 : memref<2048xf32, #tpu.memory_space<vmem>>)
    %dma_wait3A_428 = arith.constant 2048 : i32
    %dma_wait3A_429 = tpu.memref_slice %arg15[%dma_wait3A_428] : memref<6144xf32, #tpu.memory_space<vmem>> -> memref<2048xf32, #tpu.memory_space<vmem>>
    %dma_wait3A_430 = arith.constant 0 : i32
    %dma_wait3A_431 = tpu.memref_slice %arg4[%dma_wait3A_430] : memref<16777216xf32, #tpu.memory_space<hbm>> -> memref<16777216xf32, #tpu.memory_space<hbm>>
    tpu.wait_indirect_dma semaphore(%arg22 : memref<!tpu.dma_semaphore, #tpu.memory_space<semaphore_mem>>) src(%dma_wait3A_431 : memref<16777216xf32, #tpu.memory_space<hbm>>) dst(%dma_wait3A_429 : memref<2048xf32, #tpu.memory_space<vmem>>)
    %dma_wait3A_432 = arith.constant 4096 : i32
    %dma_wait3A_433 = tpu.memref_slice %arg15[%dma_wait3A_432] : memref<6144xf32, #tpu.memory_space<vmem>> -> memref<2048xf32, #tpu.memory_space<vmem>>
    %dma_wait3A_434 = arith.constant 0 : i32
    %dma_wait3A_435 = tpu.memref_slice %arg5[%dma_wait3A_434] : memref<16777216xf32, #tpu.memory_space<hbm>> -> memref<16777216xf32, #tpu.memory_space<hbm>>
    tpu.wait_indirect_dma semaphore(%arg22 : memref<!tpu.dma_semaphore, #tpu.memory_space<semaphore_mem>>) src(%dma_wait3A_435 : memref<16777216xf32, #tpu.memory_space<hbm>>) dst(%dma_wait3A_433 : memref<2048xf32, #tpu.memory_space<vmem>>)
    %dma_wait3A_436 = arith.constant 0 : i32
    %dma_wait3A_437 = tpu.memref_slice %arg17[%dma_wait3A_436] : memref<6144xf32, #tpu.memory_space<vmem>> -> memref<2048xf32, #tpu.memory_space<vmem>>
    %dma_wait3A_438 = arith.constant 0 : i32
    %dma_wait3A_439 = tpu.memref_slice %arg6[%dma_wait3A_438] : memref<16777216xf32, #tpu.memory_space<hbm>> -> memref<16777216xf32, #tpu.memory_space<hbm>>
    tpu.wait_indirect_dma semaphore(%arg24 : memref<!tpu.dma_semaphore, #tpu.memory_space<semaphore_mem>>) src(%dma_wait3A_439 : memref<16777216xf32, #tpu.memory_space<hbm>>) dst(%dma_wait3A_437 : memref<2048xf32, #tpu.memory_space<vmem>>)
    %dma_wait3A_440 = arith.constant 2048 : i32
    %dma_wait3A_441 = tpu.memref_slice %arg17[%dma_wait3A_440] : memref<6144xf32, #tpu.memory_space<vmem>> -> memref<2048xf32, #tpu.memory_space<vmem>>
    %dma_wait3A_442 = arith.constant 0 : i32
    %dma_wait3A_443 = tpu.memref_slice %arg7[%dma_wait3A_442] : memref<16777216xf32, #tpu.memory_space<hbm>> -> memref<16777216xf32, #tpu.memory_space<hbm>>
    tpu.wait_indirect_dma semaphore(%arg24 : memref<!tpu.dma_semaphore, #tpu.memory_space<semaphore_mem>>) src(%dma_wait3A_443 : memref<16777216xf32, #tpu.memory_space<hbm>>) dst(%dma_wait3A_441 : memref<2048xf32, #tpu.memory_space<vmem>>)
    %dma_wait3A_444 = arith.constant 4096 : i32
    %dma_wait3A_445 = tpu.memref_slice %arg17[%dma_wait3A_444] : memref<6144xf32, #tpu.memory_space<vmem>> -> memref<2048xf32, #tpu.memory_space<vmem>>
    %dma_wait3A_446 = arith.constant 0 : i32
    %dma_wait3A_447 = tpu.memref_slice %arg8[%dma_wait3A_446] : memref<16777216xf32, #tpu.memory_space<hbm>> -> memref<16777216xf32, #tpu.memory_space<hbm>>
    tpu.wait_indirect_dma semaphore(%arg24 : memref<!tpu.dma_semaphore, #tpu.memory_space<semaphore_mem>>) src(%dma_wait3A_447 : memref<16777216xf32, #tpu.memory_space<hbm>>) dst(%dma_wait3A_445 : memref<2048xf32, #tpu.memory_space<vmem>>)
    %scan3A_448 = arith.constant 0 : i32
    %scan3A_449 = arith.constant 0 : i32
    %scan3A_450 = arith.constant 384 : i32
    %scan3A_451 = arith.addi %scan3A_449, %scan3A_450 : i32
    %scan3A_452 = arith.constant 1 : i32
    %scan3A_453 = scf.for %scan3A_1120 = %scan3A_449 to %scan3A_451 step %scan3A_452 iter_args(%scan3A_1121 = %scan3A_448) -> (i32)  : i32 {
      %mul3A_1122 = arith.constant 16 : i32
      %mul3A_1123 = arith.muli %scan3A_1120, %mul3A_1122 : i32
      %mul3A_1124 = arith.constant 16 : i32
      %mul3A_1125 = arith.muli %scan3A_1120, %mul3A_1124 : i32
      %add3A_1126 = vector.broadcast %mul3A_1125 : i32 to vector<16xi32>
      %add3A_1127 = arith.addi %add3A_1126, %iota3A : vector<16xi32>
      %mul3A_1128 = arith.constant 21846 : i32
      %mul3A_1129 = vector.broadcast %mul3A_1128 : i32 to vector<16xi32>
      %mul3A_1130 = arith.muli %add3A_1127, %mul3A_1129 : vector<16xi32>
      %shift_right_logical3A = arith.constant 16 : i32
      %shift_right_logical3A_1131 = vector.broadcast %shift_right_logical3A : i32 to vector<16xi32>
      %shift_right_logical3A_1132 = arith.shrui %mul3A_1130, %shift_right_logical3A_1131 : vector<16xi32>
      %mul3A_1133 = arith.constant 3 : i32
      %mul3A_1134 = vector.broadcast %mul3A_1133 : i32 to vector<16xi32>
      %mul3A_1135 = arith.muli %shift_right_logical3A_1132, %mul3A_1134 : vector<16xi32>
      %sub3A = arith.subi %add3A_1127, %mul3A_1135 : vector<16xi32>
      %mul3A_1136 = arith.constant 2048 : i32
      %mul3A_1137 = vector.broadcast %mul3A_1136 : i32 to vector<16xi32>
      %mul3A_1138 = arith.muli %sub3A, %mul3A_1137 : vector<16xi32>
      %add3A_1139 = arith.addi %mul3A_1138, %shift_right_logical3A_1132 : vector<16xi32>
      %gather3A = tpu.vector_load_idx %arg15[%add3A_1139] : memref<6144xf32, #tpu.memory_space<vmem>>[vector<16xi32>], vector<16xf32>,
      %gather3A_1140 = tpu.vector_load_idx %arg17[%add3A_1139] : memref<6144xf32, #tpu.memory_space<vmem>>[vector<16xi32>], vector<16xf32>,
      %get3A = arith.index_cast %mul3A_1123 : i32 to index
      %get3A_1141 = tpu.vector_load %arg11[%get3A] {strides = array<i32>} : memref<6144xf32, #tpu.memory_space<vmem>>, vector<16xf32>,
      %mul3A_1142 = arith.mulf %get3A_1141, %gather3A : vector<16xf32>
      %add3A_1143 = arith.addf %mul3A_1142, %gather3A_1140 : vector<16xf32>
      %abs3A = math.absf %add3A_1143 : vector<16xf32>
      %mul3A_1144 = arith.constant -2.000000e+00 : f32
      %mul3A_1145 = vector.broadcast %mul3A_1144 : f32 to vector<16xf32>
      %mul3A_1146 = arith.mulf %mul3A_1145, %abs3A : vector<16xf32>
      %exp3A = math.exp %mul3A_1146 : vector<16xf32>
      %sign3A = tpu.bitcast %add3A_1143 : vector<16xf32> -> vector<16xi32>
      %sign3A_1147 = arith.constant -2147483648 : i32
      %sign3A_1148 = vector.broadcast %sign3A_1147 : i32 to vector<16xi32>
      %sign3A_1149 = arith.andi %sign3A, %sign3A_1148 : vector<16xi32>
      %sign3A_1150 = arith.constant 1065353216 : i32
      %sign3A_1151 = vector.broadcast %sign3A_1150 : i32 to vector<16xi32>
      %sign3A_1152 = arith.ori %sign3A_1151, %sign3A_1149 : vector<16xi32>
      %sign3A_1153 = tpu.bitcast %sign3A_1152 : vector<16xi32> -> vector<16xf32>
      %sign3A_1154 = math.absf %add3A_1143 : vector<16xf32>
      %sign3A_1155 = arith.constant 0.000000e+00 : f32
      %sign3A_1156 = vector.broadcast %sign3A_1155 : f32 to vector<16xf32>
      %sign3A_1157 = arith.cmpf ogt, %sign3A_1154, %sign3A_1156 : vector<16xf32>
      %sign3A_1158 = arith.select %sign3A_1157, %sign3A_1153, %add3A_1143 : vector<16xi1>, vector<16xf32>
      %sub3A_1159 = arith.constant 1.000000e+00 : f32
      %sub3A_1160 = vector.broadcast %sub3A_1159 : f32 to vector<16xf32>
      %sub3A_1161 = arith.subf %sub3A_1160, %exp3A : vector<16xf32>
      %add3A_1162 = arith.constant 1.000000e+00 : f32
      %add3A_1163 = vector.broadcast %add3A_1162 : f32 to vector<16xf32>
      %add3A_1164 = arith.addf %add3A_1163, %exp3A : vector<16xf32>
      %div3A = arith.divf %sub3A_1161, %add3A_1164 : vector<16xf32>
      %mul3A_1165 = arith.mulf %sign3A_1158, %div3A : vector<16xf32>
      %swap3A = arith.index_cast %mul3A_1123 : i32 to index
      %swap3A_1166 = tpu.vector_load %arg18[%swap3A] {strides = array<i32>} : memref<6144xf32, #tpu.memory_space<vmem>>, vector<16xf32>,
      tpu.vector_store %arg18[%swap3A], %mul3A_1165 {strides = array<i32>} : memref<6144xf32, #tpu.memory_space<vmem>>, vector<16xf32>,
      %scan3A_1167 = arith.constant 0 : i32
      scf.yield %scan3A_1167 : i32
    }
    %scan3A_454 = arith.constant 384 : i32
    %add3A_455 = arith.constant 30720 : i32
    %add3A_456 = arith.addi %mul3A_2, %add3A_455 : i32
    "tpu.region"() ({
      %run_scoped3A = tpu.sem_alloc : memref<!tpu.dma_semaphore, #tpu.memory_space<semaphore_mem>>
      %dma_start3A_1120 = tpu.memref_slice %arg9[%add3A_456] : memref<3145728xf32, #tpu.memory_space<hbm>> -> memref<6144xf32, #tpu.memory_space<hbm>>
      %dma_start3A_1121 = tpu.memref_slice %arg9[%add3A_456] : memref<3145728xf32, #tpu.memory_space<hbm>> -> memref<6144xf32, #tpu.memory_space<hbm>>
      tpu.enqueue_dma source(%arg18 : memref<6144xf32, #tpu.memory_space<vmem>>) target(%dma_start3A_1121 : memref<6144xf32, #tpu.memory_space<hbm>>) target_semaphore(%run_scoped3A : memref<!tpu.dma_semaphore, #tpu.memory_space<semaphore_mem>>)
      %dma_wait3A_1122 = tpu.memref_slice %arg9[%add3A_456] : memref<3145728xf32, #tpu.memory_space<hbm>> -> memref<6144xf32, #tpu.memory_space<hbm>>
      %dma_wait3A_1123 = tpu.memref_slice %arg9[%add3A_456] : memref<3145728xf32, #tpu.memory_space<hbm>> -> memref<6144xf32, #tpu.memory_space<hbm>>
      tpu.wait_dma2 semaphore(%run_scoped3A : memref<!tpu.dma_semaphore, #tpu.memory_space<semaphore_mem>>) src(%arg18 : memref<6144xf32, #tpu.memory_space<vmem>>) dst(%dma_wait3A_1123 : memref<6144xf32, #tpu.memory_space<hbm>>)
      tpu.yield
    }) : () -> ()
    %add3A_457 = arith.constant 43008 : i32
    %add3A_458 = arith.addi %mul3A_2, %add3A_457 : i32
    %dma_start3A_459 = tpu.memref_slice %arg2[%add3A_458] : memref<3145728xf32, #tpu.memory_space<hbm>> -> memref<6144xf32, #tpu.memory_space<hbm>>
    %dma_start3A_460 = tpu.memref_slice %arg2[%add3A_458] : memref<3145728xf32, #tpu.memory_space<hbm>> -> memref<6144xf32, #tpu.memory_space<hbm>>
    tpu.enqueue_dma source(%dma_start3A_460 : memref<6144xf32, #tpu.memory_space<hbm>>) target(%arg11 : memref<6144xf32, #tpu.memory_space<vmem>>) target_semaphore(%arg20 : memref<!tpu.dma_semaphore, #tpu.memory_space<semaphore_mem>>)
    %dma_wait3A_461 = tpu.memref_slice %arg2[%add3A_458] : memref<3145728xf32, #tpu.memory_space<hbm>> -> memref<6144xf32, #tpu.memory_space<hbm>>
    %dma_wait3A_462 = tpu.memref_slice %arg2[%add3A_458] : memref<3145728xf32, #tpu.memory_space<hbm>> -> memref<6144xf32, #tpu.memory_space<hbm>>
    tpu.wait_dma2 semaphore(%arg20 : memref<!tpu.dma_semaphore, #tpu.memory_space<semaphore_mem>>) src(%dma_wait3A_462 : memref<6144xf32, #tpu.memory_space<hbm>>) dst(%arg11 : memref<6144xf32, #tpu.memory_space<vmem>>)
    %scan3A_463 = arith.constant 0 : i32
    %scan3A_464 = arith.constant 0 : i32
    %scan3A_465 = arith.constant 128 : i32
    %scan3A_466 = arith.addi %scan3A_464, %scan3A_465 : i32
    %scan3A_467 = arith.constant 1 : i32
    %scan3A_468 = scf.for %scan3A_1120 = %scan3A_464 to %scan3A_466 step %scan3A_467 iter_args(%scan3A_1121 = %scan3A_463) -> (i32)  : i32 {
      %mul3A_1122 = arith.constant 48 : i32
      %mul3A_1123 = arith.muli %scan3A_1120, %mul3A_1122 : i32
      %mul3A_1124 = arith.constant 3 : i32
      %mul3A_1125 = vector.broadcast %mul3A_1124 : i32 to vector<16xi32>
      %mul3A_1126 = arith.muli %iota3A, %mul3A_1125 : vector<16xi32>
      %add3A_1127 = vector.broadcast %mul3A_1123 : i32 to vector<16xi32>
      %add3A_1128 = arith.addi %add3A_1127, %mul3A_1126 : vector<16xi32>
      %gather3A = tpu.vector_load_idx %arg11[%add3A_1128] : memref<6144xf32, #tpu.memory_space<vmem>>[vector<16xi32>], vector<16xf32>,
      %add3A_1129 = arith.constant 1 : i32
      %add3A_1130 = vector.broadcast %add3A_1129 : i32 to vector<16xi32>
      %add3A_1131 = arith.addi %add3A_1128, %add3A_1130 : vector<16xi32>
      %gather3A_1132 = tpu.vector_load_idx %arg11[%add3A_1131] : memref<6144xf32, #tpu.memory_space<vmem>>[vector<16xi32>], vector<16xf32>,
      %add3A_1133 = arith.constant 2 : i32
      %add3A_1134 = vector.broadcast %add3A_1133 : i32 to vector<16xi32>
      %add3A_1135 = arith.addi %add3A_1128, %add3A_1134 : vector<16xi32>
      %gather3A_1136 = tpu.vector_load_idx %arg11[%add3A_1135] : memref<6144xf32, #tpu.memory_space<vmem>>[vector<16xi32>], vector<16xf32>,
      %mul3A_1137 = arith.constant 6.553600e+04 : f32
      %mul3A_1138 = vector.broadcast %mul3A_1137 : f32 to vector<16xf32>
      %mul3A_1139 = arith.mulf %gather3A, %mul3A_1138 : vector<16xf32>
      %mul3A_1140 = arith.constant 2.560000e+02 : f32
      %mul3A_1141 = vector.broadcast %mul3A_1140 : f32 to vector<16xf32>
      %mul3A_1142 = arith.mulf %gather3A_1132, %mul3A_1141 : vector<16xf32>
      %add3A_1143 = arith.addf %mul3A_1139, %mul3A_1142 : vector<16xf32>
      %add3A_1144 = arith.addf %add3A_1143, %gather3A_1136 : vector<16xf32>
      %convert_element_type3A = arith.fptosi %add3A_1144 : vector<16xf32> to vector<16xi32>
      %mul3A_1145 = arith.constant 16 : i32
      %mul3A_1146 = arith.muli %scan3A_1120, %mul3A_1145 : i32
      %add3A_1147 = vector.broadcast %mul3A_1146 : i32 to vector<16xi32>
      %add3A_1148 = arith.addi %add3A_1147, %iota3A : vector<16xi32>
      tpu.vector_store_idx %arg13[%add3A_1148], %convert_element_type3A : memref<2048xi32, #tpu.memory_space<vmem>>[vector<16xi32>], vector<16xi32>,
      %scan3A_1149 = arith.constant 0 : i32
      scf.yield %scan3A_1149 : i32
    }
    %scan3A_469 = arith.constant 128 : i32
    %dma_start3A_470 = arith.constant 0 : i32
    %dma_start3A_471 = tpu.memref_slice %arg15[%dma_start3A_470] : memref<6144xf32, #tpu.memory_space<vmem>> -> memref<2048xf32, #tpu.memory_space<vmem>>
    %dma_start3A_472 = arith.constant 0 : i32
    %dma_start3A_473 = tpu.memref_slice %arg3[%dma_start3A_472] : memref<16777216xf32, #tpu.memory_space<hbm>> -> memref<16777216xf32, #tpu.memory_space<hbm>>
    tpu.enqueue_indirect_dma source(%dma_start3A_473 : memref<16777216xf32, #tpu.memory_space<hbm>>) target(%dma_start3A_471 : memref<2048xf32, #tpu.memory_space<vmem>>) offsets(%arg13 : memref<2048xi32, #tpu.memory_space<vmem>>) semaphore(%arg22 : memref<!tpu.dma_semaphore, #tpu.memory_space<semaphore_mem>>)
    %dma_start3A_474 = arith.constant 2048 : i32
    %dma_start3A_475 = tpu.memref_slice %arg15[%dma_start3A_474] : memref<6144xf32, #tpu.memory_space<vmem>> -> memref<2048xf32, #tpu.memory_space<vmem>>
    %dma_start3A_476 = arith.constant 0 : i32
    %dma_start3A_477 = tpu.memref_slice %arg4[%dma_start3A_476] : memref<16777216xf32, #tpu.memory_space<hbm>> -> memref<16777216xf32, #tpu.memory_space<hbm>>
    tpu.enqueue_indirect_dma source(%dma_start3A_477 : memref<16777216xf32, #tpu.memory_space<hbm>>) target(%dma_start3A_475 : memref<2048xf32, #tpu.memory_space<vmem>>) offsets(%arg13 : memref<2048xi32, #tpu.memory_space<vmem>>) semaphore(%arg22 : memref<!tpu.dma_semaphore, #tpu.memory_space<semaphore_mem>>)
    %dma_start3A_478 = arith.constant 4096 : i32
    %dma_start3A_479 = tpu.memref_slice %arg15[%dma_start3A_478] : memref<6144xf32, #tpu.memory_space<vmem>> -> memref<2048xf32, #tpu.memory_space<vmem>>
    %dma_start3A_480 = arith.constant 0 : i32
    %dma_start3A_481 = tpu.memref_slice %arg5[%dma_start3A_480] : memref<16777216xf32, #tpu.memory_space<hbm>> -> memref<16777216xf32, #tpu.memory_space<hbm>>
    tpu.enqueue_indirect_dma source(%dma_start3A_481 : memref<16777216xf32, #tpu.memory_space<hbm>>) target(%dma_start3A_479 : memref<2048xf32, #tpu.memory_space<vmem>>) offsets(%arg13 : memref<2048xi32, #tpu.memory_space<vmem>>) semaphore(%arg22 : memref<!tpu.dma_semaphore, #tpu.memory_space<semaphore_mem>>)
    %dma_start3A_482 = arith.constant 0 : i32
    %dma_start3A_483 = tpu.memref_slice %arg17[%dma_start3A_482] : memref<6144xf32, #tpu.memory_space<vmem>> -> memref<2048xf32, #tpu.memory_space<vmem>>
    %dma_start3A_484 = arith.constant 0 : i32
    %dma_start3A_485 = tpu.memref_slice %arg6[%dma_start3A_484] : memref<16777216xf32, #tpu.memory_space<hbm>> -> memref<16777216xf32, #tpu.memory_space<hbm>>
    tpu.enqueue_indirect_dma source(%dma_start3A_485 : memref<16777216xf32, #tpu.memory_space<hbm>>) target(%dma_start3A_483 : memref<2048xf32, #tpu.memory_space<vmem>>) offsets(%arg13 : memref<2048xi32, #tpu.memory_space<vmem>>) semaphore(%arg24 : memref<!tpu.dma_semaphore, #tpu.memory_space<semaphore_mem>>)
    %dma_start3A_486 = arith.constant 2048 : i32
    %dma_start3A_487 = tpu.memref_slice %arg17[%dma_start3A_486] : memref<6144xf32, #tpu.memory_space<vmem>> -> memref<2048xf32, #tpu.memory_space<vmem>>
    %dma_start3A_488 = arith.constant 0 : i32
    %dma_start3A_489 = tpu.memref_slice %arg7[%dma_start3A_488] : memref<16777216xf32, #tpu.memory_space<hbm>> -> memref<16777216xf32, #tpu.memory_space<hbm>>
    tpu.enqueue_indirect_dma source(%dma_start3A_489 : memref<16777216xf32, #tpu.memory_space<hbm>>) target(%dma_start3A_487 : memref<2048xf32, #tpu.memory_space<vmem>>) offsets(%arg13 : memref<2048xi32, #tpu.memory_space<vmem>>) semaphore(%arg24 : memref<!tpu.dma_semaphore, #tpu.memory_space<semaphore_mem>>)
    %dma_start3A_490 = arith.constant 4096 : i32
    %dma_start3A_491 = tpu.memref_slice %arg17[%dma_start3A_490] : memref<6144xf32, #tpu.memory_space<vmem>> -> memref<2048xf32, #tpu.memory_space<vmem>>
    %dma_start3A_492 = arith.constant 0 : i32
    %dma_start3A_493 = tpu.memref_slice %arg8[%dma_start3A_492] : memref<16777216xf32, #tpu.memory_space<hbm>> -> memref<16777216xf32, #tpu.memory_space<hbm>>
    tpu.enqueue_indirect_dma source(%dma_start3A_493 : memref<16777216xf32, #tpu.memory_space<hbm>>) target(%dma_start3A_491 : memref<2048xf32, #tpu.memory_space<vmem>>) offsets(%arg13 : memref<2048xi32, #tpu.memory_space<vmem>>) semaphore(%arg24 : memref<!tpu.dma_semaphore, #tpu.memory_space<semaphore_mem>>)
    %dma_wait3A_494 = arith.constant 0 : i32
    %dma_wait3A_495 = tpu.memref_slice %arg14[%dma_wait3A_494] : memref<6144xf32, #tpu.memory_space<vmem>> -> memref<2048xf32, #tpu.memory_space<vmem>>
    %dma_wait3A_496 = arith.constant 0 : i32
    %dma_wait3A_497 = tpu.memref_slice %arg3[%dma_wait3A_496] : memref<16777216xf32, #tpu.memory_space<hbm>> -> memref<16777216xf32, #tpu.memory_space<hbm>>
    tpu.wait_indirect_dma semaphore(%arg21 : memref<!tpu.dma_semaphore, #tpu.memory_space<semaphore_mem>>) src(%dma_wait3A_497 : memref<16777216xf32, #tpu.memory_space<hbm>>) dst(%dma_wait3A_495 : memref<2048xf32, #tpu.memory_space<vmem>>)
    %dma_wait3A_498 = arith.constant 2048 : i32
    %dma_wait3A_499 = tpu.memref_slice %arg14[%dma_wait3A_498] : memref<6144xf32, #tpu.memory_space<vmem>> -> memref<2048xf32, #tpu.memory_space<vmem>>
    %dma_wait3A_500 = arith.constant 0 : i32
    %dma_wait3A_501 = tpu.memref_slice %arg4[%dma_wait3A_500] : memref<16777216xf32, #tpu.memory_space<hbm>> -> memref<16777216xf32, #tpu.memory_space<hbm>>
    tpu.wait_indirect_dma semaphore(%arg21 : memref<!tpu.dma_semaphore, #tpu.memory_space<semaphore_mem>>) src(%dma_wait3A_501 : memref<16777216xf32, #tpu.memory_space<hbm>>) dst(%dma_wait3A_499 : memref<2048xf32, #tpu.memory_space<vmem>>)
    %dma_wait3A_502 = arith.constant 4096 : i32
    %dma_wait3A_503 = tpu.memref_slice %arg14[%dma_wait3A_502] : memref<6144xf32, #tpu.memory_space<vmem>> -> memref<2048xf32, #tpu.memory_space<vmem>>
    %dma_wait3A_504 = arith.constant 0 : i32
    %dma_wait3A_505 = tpu.memref_slice %arg5[%dma_wait3A_504] : memref<16777216xf32, #tpu.memory_space<hbm>> -> memref<16777216xf32, #tpu.memory_space<hbm>>
    tpu.wait_indirect_dma semaphore(%arg21 : memref<!tpu.dma_semaphore, #tpu.memory_space<semaphore_mem>>) src(%dma_wait3A_505 : memref<16777216xf32, #tpu.memory_space<hbm>>) dst(%dma_wait3A_503 : memref<2048xf32, #tpu.memory_space<vmem>>)
    %dma_wait3A_506 = arith.constant 0 : i32
    %dma_wait3A_507 = tpu.memref_slice %arg16[%dma_wait3A_506] : memref<6144xf32, #tpu.memory_space<vmem>> -> memref<2048xf32, #tpu.memory_space<vmem>>
    %dma_wait3A_508 = arith.constant 0 : i32
    %dma_wait3A_509 = tpu.memref_slice %arg6[%dma_wait3A_508] : memref<16777216xf32, #tpu.memory_space<hbm>> -> memref<16777216xf32, #tpu.memory_space<hbm>>
    tpu.wait_indirect_dma semaphore(%arg23 : memref<!tpu.dma_semaphore, #tpu.memory_space<semaphore_mem>>) src(%dma_wait3A_509 : memref<16777216xf32, #tpu.memory_space<hbm>>) dst(%dma_wait3A_507 : memref<2048xf32, #tpu.memory_space<vmem>>)
    %dma_wait3A_510 = arith.constant 2048 : i32
    %dma_wait3A_511 = tpu.memref_slice %arg16[%dma_wait3A_510] : memref<6144xf32, #tpu.memory_space<vmem>> -> memref<2048xf32, #tpu.memory_space<vmem>>
    %dma_wait3A_512 = arith.constant 0 : i32
    %dma_wait3A_513 = tpu.memref_slice %arg7[%dma_wait3A_512] : memref<16777216xf32, #tpu.memory_space<hbm>> -> memref<16777216xf32, #tpu.memory_space<hbm>>
    tpu.wait_indirect_dma semaphore(%arg23 : memref<!tpu.dma_semaphore, #tpu.memory_space<semaphore_mem>>) src(%dma_wait3A_513 : memref<16777216xf32, #tpu.memory_space<hbm>>) dst(%dma_wait3A_511 : memref<2048xf32, #tpu.memory_space<vmem>>)
    %dma_wait3A_514 = arith.constant 4096 : i32
    %dma_wait3A_515 = tpu.memref_slice %arg16[%dma_wait3A_514] : memref<6144xf32, #tpu.memory_space<vmem>> -> memref<2048xf32, #tpu.memory_space<vmem>>
    %dma_wait3A_516 = arith.constant 0 : i32
    %dma_wait3A_517 = tpu.memref_slice %arg8[%dma_wait3A_516] : memref<16777216xf32, #tpu.memory_space<hbm>> -> memref<16777216xf32, #tpu.memory_space<hbm>>
    tpu.wait_indirect_dma semaphore(%arg23 : memref<!tpu.dma_semaphore, #tpu.memory_space<semaphore_mem>>) src(%dma_wait3A_517 : memref<16777216xf32, #tpu.memory_space<hbm>>) dst(%dma_wait3A_515 : memref<2048xf32, #tpu.memory_space<vmem>>)
    %scan3A_518 = arith.constant 0 : i32
    %scan3A_519 = arith.constant 0 : i32
    %scan3A_520 = arith.constant 384 : i32
    %scan3A_521 = arith.addi %scan3A_519, %scan3A_520 : i32
    %scan3A_522 = arith.constant 1 : i32
    %scan3A_523 = scf.for %scan3A_1120 = %scan3A_519 to %scan3A_521 step %scan3A_522 iter_args(%scan3A_1121 = %scan3A_518) -> (i32)  : i32 {
      %mul3A_1122 = arith.constant 16 : i32
      %mul3A_1123 = arith.muli %scan3A_1120, %mul3A_1122 : i32
      %mul3A_1124 = arith.constant 16 : i32
      %mul3A_1125 = arith.muli %scan3A_1120, %mul3A_1124 : i32
      %add3A_1126 = vector.broadcast %mul3A_1125 : i32 to vector<16xi32>
      %add3A_1127 = arith.addi %add3A_1126, %iota3A : vector<16xi32>
      %mul3A_1128 = arith.constant 21846 : i32
      %mul3A_1129 = vector.broadcast %mul3A_1128 : i32 to vector<16xi32>
      %mul3A_1130 = arith.muli %add3A_1127, %mul3A_1129 : vector<16xi32>
      %shift_right_logical3A = arith.constant 16 : i32
      %shift_right_logical3A_1131 = vector.broadcast %shift_right_logical3A : i32 to vector<16xi32>
      %shift_right_logical3A_1132 = arith.shrui %mul3A_1130, %shift_right_logical3A_1131 : vector<16xi32>
      %mul3A_1133 = arith.constant 3 : i32
      %mul3A_1134 = vector.broadcast %mul3A_1133 : i32 to vector<16xi32>
      %mul3A_1135 = arith.muli %shift_right_logical3A_1132, %mul3A_1134 : vector<16xi32>
      %sub3A = arith.subi %add3A_1127, %mul3A_1135 : vector<16xi32>
      %mul3A_1136 = arith.constant 2048 : i32
      %mul3A_1137 = vector.broadcast %mul3A_1136 : i32 to vector<16xi32>
      %mul3A_1138 = arith.muli %sub3A, %mul3A_1137 : vector<16xi32>
      %add3A_1139 = arith.addi %mul3A_1138, %shift_right_logical3A_1132 : vector<16xi32>
      %gather3A = tpu.vector_load_idx %arg14[%add3A_1139] : memref<6144xf32, #tpu.memory_space<vmem>>[vector<16xi32>], vector<16xf32>,
      %gather3A_1140 = tpu.vector_load_idx %arg16[%add3A_1139] : memref<6144xf32, #tpu.memory_space<vmem>>[vector<16xi32>], vector<16xf32>,
      %get3A = arith.index_cast %mul3A_1123 : i32 to index
      %get3A_1141 = tpu.vector_load %arg10[%get3A] {strides = array<i32>} : memref<6144xf32, #tpu.memory_space<vmem>>, vector<16xf32>,
      %mul3A_1142 = arith.mulf %get3A_1141, %gather3A : vector<16xf32>
      %add3A_1143 = arith.addf %mul3A_1142, %gather3A_1140 : vector<16xf32>
      %abs3A = math.absf %add3A_1143 : vector<16xf32>
      %mul3A_1144 = arith.constant -2.000000e+00 : f32
      %mul3A_1145 = vector.broadcast %mul3A_1144 : f32 to vector<16xf32>
      %mul3A_1146 = arith.mulf %mul3A_1145, %abs3A : vector<16xf32>
      %exp3A = math.exp %mul3A_1146 : vector<16xf32>
      %sign3A = tpu.bitcast %add3A_1143 : vector<16xf32> -> vector<16xi32>
      %sign3A_1147 = arith.constant -2147483648 : i32
      %sign3A_1148 = vector.broadcast %sign3A_1147 : i32 to vector<16xi32>
      %sign3A_1149 = arith.andi %sign3A, %sign3A_1148 : vector<16xi32>
      %sign3A_1150 = arith.constant 1065353216 : i32
      %sign3A_1151 = vector.broadcast %sign3A_1150 : i32 to vector<16xi32>
      %sign3A_1152 = arith.ori %sign3A_1151, %sign3A_1149 : vector<16xi32>
      %sign3A_1153 = tpu.bitcast %sign3A_1152 : vector<16xi32> -> vector<16xf32>
      %sign3A_1154 = math.absf %add3A_1143 : vector<16xf32>
      %sign3A_1155 = arith.constant 0.000000e+00 : f32
      %sign3A_1156 = vector.broadcast %sign3A_1155 : f32 to vector<16xf32>
      %sign3A_1157 = arith.cmpf ogt, %sign3A_1154, %sign3A_1156 : vector<16xf32>
      %sign3A_1158 = arith.select %sign3A_1157, %sign3A_1153, %add3A_1143 : vector<16xi1>, vector<16xf32>
      %sub3A_1159 = arith.constant 1.000000e+00 : f32
      %sub3A_1160 = vector.broadcast %sub3A_1159 : f32 to vector<16xf32>
      %sub3A_1161 = arith.subf %sub3A_1160, %exp3A : vector<16xf32>
      %add3A_1162 = arith.constant 1.000000e+00 : f32
      %add3A_1163 = vector.broadcast %add3A_1162 : f32 to vector<16xf32>
      %add3A_1164 = arith.addf %add3A_1163, %exp3A : vector<16xf32>
      %div3A = arith.divf %sub3A_1161, %add3A_1164 : vector<16xf32>
      %mul3A_1165 = arith.mulf %sign3A_1158, %div3A : vector<16xf32>
      %swap3A = arith.index_cast %mul3A_1123 : i32 to index
      %swap3A_1166 = tpu.vector_load %arg18[%swap3A] {strides = array<i32>} : memref<6144xf32, #tpu.memory_space<vmem>>, vector<16xf32>,
      tpu.vector_store %arg18[%swap3A], %mul3A_1165 {strides = array<i32>} : memref<6144xf32, #tpu.memory_space<vmem>>, vector<16xf32>,
      %scan3A_1167 = arith.constant 0 : i32
      scf.yield %scan3A_1167 : i32
    }
    %scan3A_524 = arith.constant 384 : i32
    %add3A_525 = arith.constant 36864 : i32
    %add3A_526 = arith.addi %mul3A_2, %add3A_525 : i32
    "tpu.region"() ({
      %run_scoped3A = tpu.sem_alloc : memref<!tpu.dma_semaphore, #tpu.memory_space<semaphore_mem>>
      %dma_start3A_1120 = tpu.memref_slice %arg9[%add3A_526] : memref<3145728xf32, #tpu.memory_space<hbm>> -> memref<6144xf32, #tpu.memory_space<hbm>>
      %dma_start3A_1121 = tpu.memref_slice %arg9[%add3A_526] : memref<3145728xf32, #tpu.memory_space<hbm>> -> memref<6144xf32, #tpu.memory_space<hbm>>
      tpu.enqueue_dma source(%arg18 : memref<6144xf32, #tpu.memory_space<vmem>>) target(%dma_start3A_1121 : memref<6144xf32, #tpu.memory_space<hbm>>) target_semaphore(%run_scoped3A : memref<!tpu.dma_semaphore, #tpu.memory_space<semaphore_mem>>)
      %dma_wait3A_1122 = tpu.memref_slice %arg9[%add3A_526] : memref<3145728xf32, #tpu.memory_space<hbm>> -> memref<6144xf32, #tpu.memory_space<hbm>>
      %dma_wait3A_1123 = tpu.memref_slice %arg9[%add3A_526] : memref<3145728xf32, #tpu.memory_space<hbm>> -> memref<6144xf32, #tpu.memory_space<hbm>>
      tpu.wait_dma2 semaphore(%run_scoped3A : memref<!tpu.dma_semaphore, #tpu.memory_space<semaphore_mem>>) src(%arg18 : memref<6144xf32, #tpu.memory_space<vmem>>) dst(%dma_wait3A_1123 : memref<6144xf32, #tpu.memory_space<hbm>>)
      tpu.yield
    }) : () -> ()
    %add3A_527 = arith.constant 49152 : i32
    %add3A_528 = arith.addi %mul3A_2, %add3A_527 : i32
    %dma_start3A_529 = tpu.memref_slice %arg2[%add3A_528] : memref<3145728xf32, #tpu.memory_space<hbm>> -> memref<6144xf32, #tpu.memory_space<hbm>>
    %dma_start3A_530 = tpu.memref_slice %arg2[%add3A_528] : memref<3145728xf32, #tpu.memory_space<hbm>> -> memref<6144xf32, #tpu.memory_space<hbm>>
    tpu.enqueue_dma source(%dma_start3A_530 : memref<6144xf32, #tpu.memory_space<hbm>>) target(%arg10 : memref<6144xf32, #tpu.memory_space<vmem>>) target_semaphore(%arg19 : memref<!tpu.dma_semaphore, #tpu.memory_space<semaphore_mem>>)
    %dma_wait3A_531 = tpu.memref_slice %arg2[%add3A_528] : memref<3145728xf32, #tpu.memory_space<hbm>> -> memref<6144xf32, #tpu.memory_space<hbm>>
    %dma_wait3A_532 = tpu.memref_slice %arg2[%add3A_528] : memref<3145728xf32, #tpu.memory_space<hbm>> -> memref<6144xf32, #tpu.memory_space<hbm>>
    tpu.wait_dma2 semaphore(%arg19 : memref<!tpu.dma_semaphore, #tpu.memory_space<semaphore_mem>>) src(%dma_wait3A_532 : memref<6144xf32, #tpu.memory_space<hbm>>) dst(%arg10 : memref<6144xf32, #tpu.memory_space<vmem>>)
    %scan3A_533 = arith.constant 0 : i32
    %scan3A_534 = arith.constant 0 : i32
    %scan3A_535 = arith.constant 128 : i32
    %scan3A_536 = arith.addi %scan3A_534, %scan3A_535 : i32
    %scan3A_537 = arith.constant 1 : i32
    %scan3A_538 = scf.for %scan3A_1120 = %scan3A_534 to %scan3A_536 step %scan3A_537 iter_args(%scan3A_1121 = %scan3A_533) -> (i32)  : i32 {
      %mul3A_1122 = arith.constant 48 : i32
      %mul3A_1123 = arith.muli %scan3A_1120, %mul3A_1122 : i32
      %mul3A_1124 = arith.constant 3 : i32
      %mul3A_1125 = vector.broadcast %mul3A_1124 : i32 to vector<16xi32>
      %mul3A_1126 = arith.muli %iota3A, %mul3A_1125 : vector<16xi32>
      %add3A_1127 = vector.broadcast %mul3A_1123 : i32 to vector<16xi32>
      %add3A_1128 = arith.addi %add3A_1127, %mul3A_1126 : vector<16xi32>
      %gather3A = tpu.vector_load_idx %arg10[%add3A_1128] : memref<6144xf32, #tpu.memory_space<vmem>>[vector<16xi32>], vector<16xf32>,
      %add3A_1129 = arith.constant 1 : i32
      %add3A_1130 = vector.broadcast %add3A_1129 : i32 to vector<16xi32>
      %add3A_1131 = arith.addi %add3A_1128, %add3A_1130 : vector<16xi32>
      %gather3A_1132 = tpu.vector_load_idx %arg10[%add3A_1131] : memref<6144xf32, #tpu.memory_space<vmem>>[vector<16xi32>], vector<16xf32>,
      %add3A_1133 = arith.constant 2 : i32
      %add3A_1134 = vector.broadcast %add3A_1133 : i32 to vector<16xi32>
      %add3A_1135 = arith.addi %add3A_1128, %add3A_1134 : vector<16xi32>
      %gather3A_1136 = tpu.vector_load_idx %arg10[%add3A_1135] : memref<6144xf32, #tpu.memory_space<vmem>>[vector<16xi32>], vector<16xf32>,
      %mul3A_1137 = arith.constant 6.553600e+04 : f32
      %mul3A_1138 = vector.broadcast %mul3A_1137 : f32 to vector<16xf32>
      %mul3A_1139 = arith.mulf %gather3A, %mul3A_1138 : vector<16xf32>
      %mul3A_1140 = arith.constant 2.560000e+02 : f32
      %mul3A_1141 = vector.broadcast %mul3A_1140 : f32 to vector<16xf32>
      %mul3A_1142 = arith.mulf %gather3A_1132, %mul3A_1141 : vector<16xf32>
      %add3A_1143 = arith.addf %mul3A_1139, %mul3A_1142 : vector<16xf32>
      %add3A_1144 = arith.addf %add3A_1143, %gather3A_1136 : vector<16xf32>
      %convert_element_type3A = arith.fptosi %add3A_1144 : vector<16xf32> to vector<16xi32>
      %mul3A_1145 = arith.constant 16 : i32
      %mul3A_1146 = arith.muli %scan3A_1120, %mul3A_1145 : i32
      %add3A_1147 = vector.broadcast %mul3A_1146 : i32 to vector<16xi32>
      %add3A_1148 = arith.addi %add3A_1147, %iota3A : vector<16xi32>
      tpu.vector_store_idx %arg12[%add3A_1148], %convert_element_type3A : memref<2048xi32, #tpu.memory_space<vmem>>[vector<16xi32>], vector<16xi32>,
      %scan3A_1149 = arith.constant 0 : i32
      scf.yield %scan3A_1149 : i32
    }
    %scan3A_539 = arith.constant 128 : i32
    %dma_start3A_540 = arith.constant 0 : i32
    %dma_start3A_541 = tpu.memref_slice %arg14[%dma_start3A_540] : memref<6144xf32, #tpu.memory_space<vmem>> -> memref<2048xf32, #tpu.memory_space<vmem>>
    %dma_start3A_542 = arith.constant 0 : i32
    %dma_start3A_543 = tpu.memref_slice %arg3[%dma_start3A_542] : memref<16777216xf32, #tpu.memory_space<hbm>> -> memref<16777216xf32, #tpu.memory_space<hbm>>
    tpu.enqueue_indirect_dma source(%dma_start3A_543 : memref<16777216xf32, #tpu.memory_space<hbm>>) target(%dma_start3A_541 : memref<2048xf32, #tpu.memory_space<vmem>>) offsets(%arg12 : memref<2048xi32, #tpu.memory_space<vmem>>) semaphore(%arg21 : memref<!tpu.dma_semaphore, #tpu.memory_space<semaphore_mem>>)
    %dma_start3A_544 = arith.constant 2048 : i32
    %dma_start3A_545 = tpu.memref_slice %arg14[%dma_start3A_544] : memref<6144xf32, #tpu.memory_space<vmem>> -> memref<2048xf32, #tpu.memory_space<vmem>>
    %dma_start3A_546 = arith.constant 0 : i32
    %dma_start3A_547 = tpu.memref_slice %arg4[%dma_start3A_546] : memref<16777216xf32, #tpu.memory_space<hbm>> -> memref<16777216xf32, #tpu.memory_space<hbm>>
    tpu.enqueue_indirect_dma source(%dma_start3A_547 : memref<16777216xf32, #tpu.memory_space<hbm>>) target(%dma_start3A_545 : memref<2048xf32, #tpu.memory_space<vmem>>) offsets(%arg12 : memref<2048xi32, #tpu.memory_space<vmem>>) semaphore(%arg21 : memref<!tpu.dma_semaphore, #tpu.memory_space<semaphore_mem>>)
    %dma_start3A_548 = arith.constant 4096 : i32
    %dma_start3A_549 = tpu.memref_slice %arg14[%dma_start3A_548] : memref<6144xf32, #tpu.memory_space<vmem>> -> memref<2048xf32, #tpu.memory_space<vmem>>
    %dma_start3A_550 = arith.constant 0 : i32
    %dma_start3A_551 = tpu.memref_slice %arg5[%dma_start3A_550] : memref<16777216xf32, #tpu.memory_space<hbm>> -> memref<16777216xf32, #tpu.memory_space<hbm>>
    tpu.enqueue_indirect_dma source(%dma_start3A_551 : memref<16777216xf32, #tpu.memory_space<hbm>>) target(%dma_start3A_549 : memref<2048xf32, #tpu.memory_space<vmem>>) offsets(%arg12 : memref<2048xi32, #tpu.memory_space<vmem>>) semaphore(%arg21 : memref<!tpu.dma_semaphore, #tpu.memory_space<semaphore_mem>>)
    %dma_start3A_552 = arith.constant 0 : i32
    %dma_start3A_553 = tpu.memref_slice %arg16[%dma_start3A_552] : memref<6144xf32, #tpu.memory_space<vmem>> -> memref<2048xf32, #tpu.memory_space<vmem>>
    %dma_start3A_554 = arith.constant 0 : i32
    %dma_start3A_555 = tpu.memref_slice %arg6[%dma_start3A_554] : memref<16777216xf32, #tpu.memory_space<hbm>> -> memref<16777216xf32, #tpu.memory_space<hbm>>
    tpu.enqueue_indirect_dma source(%dma_start3A_555 : memref<16777216xf32, #tpu.memory_space<hbm>>) target(%dma_start3A_553 : memref<2048xf32, #tpu.memory_space<vmem>>) offsets(%arg12 : memref<2048xi32, #tpu.memory_space<vmem>>) semaphore(%arg23 : memref<!tpu.dma_semaphore, #tpu.memory_space<semaphore_mem>>)
    %dma_start3A_556 = arith.constant 2048 : i32
    %dma_start3A_557 = tpu.memref_slice %arg16[%dma_start3A_556] : memref<6144xf32, #tpu.memory_space<vmem>> -> memref<2048xf32, #tpu.memory_space<vmem>>
    %dma_start3A_558 = arith.constant 0 : i32
    %dma_start3A_559 = tpu.memref_slice %arg7[%dma_start3A_558] : memref<16777216xf32, #tpu.memory_space<hbm>> -> memref<16777216xf32, #tpu.memory_space<hbm>>
    tpu.enqueue_indirect_dma source(%dma_start3A_559 : memref<16777216xf32, #tpu.memory_space<hbm>>) target(%dma_start3A_557 : memref<2048xf32, #tpu.memory_space<vmem>>) offsets(%arg12 : memref<2048xi32, #tpu.memory_space<vmem>>) semaphore(%arg23 : memref<!tpu.dma_semaphore, #tpu.memory_space<semaphore_mem>>)
    %dma_start3A_560 = arith.constant 4096 : i32
    %dma_start3A_561 = tpu.memref_slice %arg16[%dma_start3A_560] : memref<6144xf32, #tpu.memory_space<vmem>> -> memref<2048xf32, #tpu.memory_space<vmem>>
    %dma_start3A_562 = arith.constant 0 : i32
    %dma_start3A_563 = tpu.memref_slice %arg8[%dma_start3A_562] : memref<16777216xf32, #tpu.memory_space<hbm>> -> memref<16777216xf32, #tpu.memory_space<hbm>>
    tpu.enqueue_indirect_dma source(%dma_start3A_563 : memref<16777216xf32, #tpu.memory_space<hbm>>) target(%dma_start3A_561 : memref<2048xf32, #tpu.memory_space<vmem>>) offsets(%arg12 : memref<2048xi32, #tpu.memory_space<vmem>>) semaphore(%arg23 : memref<!tpu.dma_semaphore, #tpu.memory_space<semaphore_mem>>)
    %dma_wait3A_564 = arith.constant 0 : i32
    %dma_wait3A_565 = tpu.memref_slice %arg15[%dma_wait3A_564] : memref<6144xf32, #tpu.memory_space<vmem>> -> memref<2048xf32, #tpu.memory_space<vmem>>
    %dma_wait3A_566 = arith.constant 0 : i32
    %dma_wait3A_567 = tpu.memref_slice %arg3[%dma_wait3A_566] : memref<16777216xf32, #tpu.memory_space<hbm>> -> memref<16777216xf32, #tpu.memory_space<hbm>>
    tpu.wait_indirect_dma semaphore(%arg22 : memref<!tpu.dma_semaphore, #tpu.memory_space<semaphore_mem>>) src(%dma_wait3A_567 : memref<16777216xf32, #tpu.memory_space<hbm>>) dst(%dma_wait3A_565 : memref<2048xf32, #tpu.memory_space<vmem>>)
    %dma_wait3A_568 = arith.constant 2048 : i32
    %dma_wait3A_569 = tpu.memref_slice %arg15[%dma_wait3A_568] : memref<6144xf32, #tpu.memory_space<vmem>> -> memref<2048xf32, #tpu.memory_space<vmem>>
    %dma_wait3A_570 = arith.constant 0 : i32
    %dma_wait3A_571 = tpu.memref_slice %arg4[%dma_wait3A_570] : memref<16777216xf32, #tpu.memory_space<hbm>> -> memref<16777216xf32, #tpu.memory_space<hbm>>
    tpu.wait_indirect_dma semaphore(%arg22 : memref<!tpu.dma_semaphore, #tpu.memory_space<semaphore_mem>>) src(%dma_wait3A_571 : memref<16777216xf32, #tpu.memory_space<hbm>>) dst(%dma_wait3A_569 : memref<2048xf32, #tpu.memory_space<vmem>>)
    %dma_wait3A_572 = arith.constant 4096 : i32
    %dma_wait3A_573 = tpu.memref_slice %arg15[%dma_wait3A_572] : memref<6144xf32, #tpu.memory_space<vmem>> -> memref<2048xf32, #tpu.memory_space<vmem>>
    %dma_wait3A_574 = arith.constant 0 : i32
    %dma_wait3A_575 = tpu.memref_slice %arg5[%dma_wait3A_574] : memref<16777216xf32, #tpu.memory_space<hbm>> -> memref<16777216xf32, #tpu.memory_space<hbm>>
    tpu.wait_indirect_dma semaphore(%arg22 : memref<!tpu.dma_semaphore, #tpu.memory_space<semaphore_mem>>) src(%dma_wait3A_575 : memref<16777216xf32, #tpu.memory_space<hbm>>) dst(%dma_wait3A_573 : memref<2048xf32, #tpu.memory_space<vmem>>)
    %dma_wait3A_576 = arith.constant 0 : i32
    %dma_wait3A_577 = tpu.memref_slice %arg17[%dma_wait3A_576] : memref<6144xf32, #tpu.memory_space<vmem>> -> memref<2048xf32, #tpu.memory_space<vmem>>
    %dma_wait3A_578 = arith.constant 0 : i32
    %dma_wait3A_579 = tpu.memref_slice %arg6[%dma_wait3A_578] : memref<16777216xf32, #tpu.memory_space<hbm>> -> memref<16777216xf32, #tpu.memory_space<hbm>>
    tpu.wait_indirect_dma semaphore(%arg24 : memref<!tpu.dma_semaphore, #tpu.memory_space<semaphore_mem>>) src(%dma_wait3A_579 : memref<16777216xf32, #tpu.memory_space<hbm>>) dst(%dma_wait3A_577 : memref<2048xf32, #tpu.memory_space<vmem>>)
    %dma_wait3A_580 = arith.constant 2048 : i32
    %dma_wait3A_581 = tpu.memref_slice %arg17[%dma_wait3A_580] : memref<6144xf32, #tpu.memory_space<vmem>> -> memref<2048xf32, #tpu.memory_space<vmem>>
    %dma_wait3A_582 = arith.constant 0 : i32
    %dma_wait3A_583 = tpu.memref_slice %arg7[%dma_wait3A_582] : memref<16777216xf32, #tpu.memory_space<hbm>> -> memref<16777216xf32, #tpu.memory_space<hbm>>
    tpu.wait_indirect_dma semaphore(%arg24 : memref<!tpu.dma_semaphore, #tpu.memory_space<semaphore_mem>>) src(%dma_wait3A_583 : memref<16777216xf32, #tpu.memory_space<hbm>>) dst(%dma_wait3A_581 : memref<2048xf32, #tpu.memory_space<vmem>>)
    %dma_wait3A_584 = arith.constant 4096 : i32
    %dma_wait3A_585 = tpu.memref_slice %arg17[%dma_wait3A_584] : memref<6144xf32, #tpu.memory_space<vmem>> -> memref<2048xf32, #tpu.memory_space<vmem>>
    %dma_wait3A_586 = arith.constant 0 : i32
    %dma_wait3A_587 = tpu.memref_slice %arg8[%dma_wait3A_586] : memref<16777216xf32, #tpu.memory_space<hbm>> -> memref<16777216xf32, #tpu.memory_space<hbm>>
    tpu.wait_indirect_dma semaphore(%arg24 : memref<!tpu.dma_semaphore, #tpu.memory_space<semaphore_mem>>) src(%dma_wait3A_587 : memref<16777216xf32, #tpu.memory_space<hbm>>) dst(%dma_wait3A_585 : memref<2048xf32, #tpu.memory_space<vmem>>)
    %scan3A_588 = arith.constant 0 : i32
    %scan3A_589 = arith.constant 0 : i32
    %scan3A_590 = arith.constant 384 : i32
    %scan3A_591 = arith.addi %scan3A_589, %scan3A_590 : i32
    %scan3A_592 = arith.constant 1 : i32
    %scan3A_593 = scf.for %scan3A_1120 = %scan3A_589 to %scan3A_591 step %scan3A_592 iter_args(%scan3A_1121 = %scan3A_588) -> (i32)  : i32 {
      %mul3A_1122 = arith.constant 16 : i32
      %mul3A_1123 = arith.muli %scan3A_1120, %mul3A_1122 : i32
      %mul3A_1124 = arith.constant 16 : i32
      %mul3A_1125 = arith.muli %scan3A_1120, %mul3A_1124 : i32
      %add3A_1126 = vector.broadcast %mul3A_1125 : i32 to vector<16xi32>
      %add3A_1127 = arith.addi %add3A_1126, %iota3A : vector<16xi32>
      %mul3A_1128 = arith.constant 21846 : i32
      %mul3A_1129 = vector.broadcast %mul3A_1128 : i32 to vector<16xi32>
      %mul3A_1130 = arith.muli %add3A_1127, %mul3A_1129 : vector<16xi32>
      %shift_right_logical3A = arith.constant 16 : i32
      %shift_right_logical3A_1131 = vector.broadcast %shift_right_logical3A : i32 to vector<16xi32>
      %shift_right_logical3A_1132 = arith.shrui %mul3A_1130, %shift_right_logical3A_1131 : vector<16xi32>
      %mul3A_1133 = arith.constant 3 : i32
      %mul3A_1134 = vector.broadcast %mul3A_1133 : i32 to vector<16xi32>
      %mul3A_1135 = arith.muli %shift_right_logical3A_1132, %mul3A_1134 : vector<16xi32>
      %sub3A = arith.subi %add3A_1127, %mul3A_1135 : vector<16xi32>
      %mul3A_1136 = arith.constant 2048 : i32
      %mul3A_1137 = vector.broadcast %mul3A_1136 : i32 to vector<16xi32>
      %mul3A_1138 = arith.muli %sub3A, %mul3A_1137 : vector<16xi32>
      %add3A_1139 = arith.addi %mul3A_1138, %shift_right_logical3A_1132 : vector<16xi32>
      %gather3A = tpu.vector_load_idx %arg15[%add3A_1139] : memref<6144xf32, #tpu.memory_space<vmem>>[vector<16xi32>], vector<16xf32>,
      %gather3A_1140 = tpu.vector_load_idx %arg17[%add3A_1139] : memref<6144xf32, #tpu.memory_space<vmem>>[vector<16xi32>], vector<16xf32>,
      %get3A = arith.index_cast %mul3A_1123 : i32 to index
      %get3A_1141 = tpu.vector_load %arg11[%get3A] {strides = array<i32>} : memref<6144xf32, #tpu.memory_space<vmem>>, vector<16xf32>,
      %mul3A_1142 = arith.mulf %get3A_1141, %gather3A : vector<16xf32>
      %add3A_1143 = arith.addf %mul3A_1142, %gather3A_1140 : vector<16xf32>
      %abs3A = math.absf %add3A_1143 : vector<16xf32>
      %mul3A_1144 = arith.constant -2.000000e+00 : f32
      %mul3A_1145 = vector.broadcast %mul3A_1144 : f32 to vector<16xf32>
      %mul3A_1146 = arith.mulf %mul3A_1145, %abs3A : vector<16xf32>
      %exp3A = math.exp %mul3A_1146 : vector<16xf32>
      %sign3A = tpu.bitcast %add3A_1143 : vector<16xf32> -> vector<16xi32>
      %sign3A_1147 = arith.constant -2147483648 : i32
      %sign3A_1148 = vector.broadcast %sign3A_1147 : i32 to vector<16xi32>
      %sign3A_1149 = arith.andi %sign3A, %sign3A_1148 : vector<16xi32>
      %sign3A_1150 = arith.constant 1065353216 : i32
      %sign3A_1151 = vector.broadcast %sign3A_1150 : i32 to vector<16xi32>
      %sign3A_1152 = arith.ori %sign3A_1151, %sign3A_1149 : vector<16xi32>
      %sign3A_1153 = tpu.bitcast %sign3A_1152 : vector<16xi32> -> vector<16xf32>
      %sign3A_1154 = math.absf %add3A_1143 : vector<16xf32>
      %sign3A_1155 = arith.constant 0.000000e+00 : f32
      %sign3A_1156 = vector.broadcast %sign3A_1155 : f32 to vector<16xf32>
      %sign3A_1157 = arith.cmpf ogt, %sign3A_1154, %sign3A_1156 : vector<16xf32>
      %sign3A_1158 = arith.select %sign3A_1157, %sign3A_1153, %add3A_1143 : vector<16xi1>, vector<16xf32>
      %sub3A_1159 = arith.constant 1.000000e+00 : f32
      %sub3A_1160 = vector.broadcast %sub3A_1159 : f32 to vector<16xf32>
      %sub3A_1161 = arith.subf %sub3A_1160, %exp3A : vector<16xf32>
      %add3A_1162 = arith.constant 1.000000e+00 : f32
      %add3A_1163 = vector.broadcast %add3A_1162 : f32 to vector<16xf32>
      %add3A_1164 = arith.addf %add3A_1163, %exp3A : vector<16xf32>
      %div3A = arith.divf %sub3A_1161, %add3A_1164 : vector<16xf32>
      %mul3A_1165 = arith.mulf %sign3A_1158, %div3A : vector<16xf32>
      %swap3A = arith.index_cast %mul3A_1123 : i32 to index
      %swap3A_1166 = tpu.vector_load %arg18[%swap3A] {strides = array<i32>} : memref<6144xf32, #tpu.memory_space<vmem>>, vector<16xf32>,
      tpu.vector_store %arg18[%swap3A], %mul3A_1165 {strides = array<i32>} : memref<6144xf32, #tpu.memory_space<vmem>>, vector<16xf32>,
      %scan3A_1167 = arith.constant 0 : i32
      scf.yield %scan3A_1167 : i32
    }
    %scan3A_594 = arith.constant 384 : i32
    %add3A_595 = arith.constant 43008 : i32
    %add3A_596 = arith.addi %mul3A_2, %add3A_595 : i32
    "tpu.region"() ({
      %run_scoped3A = tpu.sem_alloc : memref<!tpu.dma_semaphore, #tpu.memory_space<semaphore_mem>>
      %dma_start3A_1120 = tpu.memref_slice %arg9[%add3A_596] : memref<3145728xf32, #tpu.memory_space<hbm>> -> memref<6144xf32, #tpu.memory_space<hbm>>
      %dma_start3A_1121 = tpu.memref_slice %arg9[%add3A_596] : memref<3145728xf32, #tpu.memory_space<hbm>> -> memref<6144xf32, #tpu.memory_space<hbm>>
      tpu.enqueue_dma source(%arg18 : memref<6144xf32, #tpu.memory_space<vmem>>) target(%dma_start3A_1121 : memref<6144xf32, #tpu.memory_space<hbm>>) target_semaphore(%run_scoped3A : memref<!tpu.dma_semaphore, #tpu.memory_space<semaphore_mem>>)
      %dma_wait3A_1122 = tpu.memref_slice %arg9[%add3A_596] : memref<3145728xf32, #tpu.memory_space<hbm>> -> memref<6144xf32, #tpu.memory_space<hbm>>
      %dma_wait3A_1123 = tpu.memref_slice %arg9[%add3A_596] : memref<3145728xf32, #tpu.memory_space<hbm>> -> memref<6144xf32, #tpu.memory_space<hbm>>
      tpu.wait_dma2 semaphore(%run_scoped3A : memref<!tpu.dma_semaphore, #tpu.memory_space<semaphore_mem>>) src(%arg18 : memref<6144xf32, #tpu.memory_space<vmem>>) dst(%dma_wait3A_1123 : memref<6144xf32, #tpu.memory_space<hbm>>)
      tpu.yield
    }) : () -> ()
    %add3A_597 = arith.constant 55296 : i32
    %add3A_598 = arith.addi %mul3A_2, %add3A_597 : i32
    %dma_start3A_599 = tpu.memref_slice %arg2[%add3A_598] : memref<3145728xf32, #tpu.memory_space<hbm>> -> memref<6144xf32, #tpu.memory_space<hbm>>
    %dma_start3A_600 = tpu.memref_slice %arg2[%add3A_598] : memref<3145728xf32, #tpu.memory_space<hbm>> -> memref<6144xf32, #tpu.memory_space<hbm>>
    tpu.enqueue_dma source(%dma_start3A_600 : memref<6144xf32, #tpu.memory_space<hbm>>) target(%arg11 : memref<6144xf32, #tpu.memory_space<vmem>>) target_semaphore(%arg20 : memref<!tpu.dma_semaphore, #tpu.memory_space<semaphore_mem>>)
    %dma_wait3A_601 = tpu.memref_slice %arg2[%add3A_598] : memref<3145728xf32, #tpu.memory_space<hbm>> -> memref<6144xf32, #tpu.memory_space<hbm>>
    %dma_wait3A_602 = tpu.memref_slice %arg2[%add3A_598] : memref<3145728xf32, #tpu.memory_space<hbm>> -> memref<6144xf32, #tpu.memory_space<hbm>>
    tpu.wait_dma2 semaphore(%arg20 : memref<!tpu.dma_semaphore, #tpu.memory_space<semaphore_mem>>) src(%dma_wait3A_602 : memref<6144xf32, #tpu.memory_space<hbm>>) dst(%arg11 : memref<6144xf32, #tpu.memory_space<vmem>>)
    %scan3A_603 = arith.constant 0 : i32
    %scan3A_604 = arith.constant 0 : i32
    %scan3A_605 = arith.constant 128 : i32
    %scan3A_606 = arith.addi %scan3A_604, %scan3A_605 : i32
    %scan3A_607 = arith.constant 1 : i32
    %scan3A_608 = scf.for %scan3A_1120 = %scan3A_604 to %scan3A_606 step %scan3A_607 iter_args(%scan3A_1121 = %scan3A_603) -> (i32)  : i32 {
      %mul3A_1122 = arith.constant 48 : i32
      %mul3A_1123 = arith.muli %scan3A_1120, %mul3A_1122 : i32
      %mul3A_1124 = arith.constant 3 : i32
      %mul3A_1125 = vector.broadcast %mul3A_1124 : i32 to vector<16xi32>
      %mul3A_1126 = arith.muli %iota3A, %mul3A_1125 : vector<16xi32>
      %add3A_1127 = vector.broadcast %mul3A_1123 : i32 to vector<16xi32>
      %add3A_1128 = arith.addi %add3A_1127, %mul3A_1126 : vector<16xi32>
      %gather3A = tpu.vector_load_idx %arg11[%add3A_1128] : memref<6144xf32, #tpu.memory_space<vmem>>[vector<16xi32>], vector<16xf32>,
      %add3A_1129 = arith.constant 1 : i32
      %add3A_1130 = vector.broadcast %add3A_1129 : i32 to vector<16xi32>
      %add3A_1131 = arith.addi %add3A_1128, %add3A_1130 : vector<16xi32>
      %gather3A_1132 = tpu.vector_load_idx %arg11[%add3A_1131] : memref<6144xf32, #tpu.memory_space<vmem>>[vector<16xi32>], vector<16xf32>,
      %add3A_1133 = arith.constant 2 : i32
      %add3A_1134 = vector.broadcast %add3A_1133 : i32 to vector<16xi32>
      %add3A_1135 = arith.addi %add3A_1128, %add3A_1134 : vector<16xi32>
      %gather3A_1136 = tpu.vector_load_idx %arg11[%add3A_1135] : memref<6144xf32, #tpu.memory_space<vmem>>[vector<16xi32>], vector<16xf32>,
      %mul3A_1137 = arith.constant 6.553600e+04 : f32
      %mul3A_1138 = vector.broadcast %mul3A_1137 : f32 to vector<16xf32>
      %mul3A_1139 = arith.mulf %gather3A, %mul3A_1138 : vector<16xf32>
      %mul3A_1140 = arith.constant 2.560000e+02 : f32
      %mul3A_1141 = vector.broadcast %mul3A_1140 : f32 to vector<16xf32>
      %mul3A_1142 = arith.mulf %gather3A_1132, %mul3A_1141 : vector<16xf32>
      %add3A_1143 = arith.addf %mul3A_1139, %mul3A_1142 : vector<16xf32>
      %add3A_1144 = arith.addf %add3A_1143, %gather3A_1136 : vector<16xf32>
      %convert_element_type3A = arith.fptosi %add3A_1144 : vector<16xf32> to vector<16xi32>
      %mul3A_1145 = arith.constant 16 : i32
      %mul3A_1146 = arith.muli %scan3A_1120, %mul3A_1145 : i32
      %add3A_1147 = vector.broadcast %mul3A_1146 : i32 to vector<16xi32>
      %add3A_1148 = arith.addi %add3A_1147, %iota3A : vector<16xi32>
      tpu.vector_store_idx %arg13[%add3A_1148], %convert_element_type3A : memref<2048xi32, #tpu.memory_space<vmem>>[vector<16xi32>], vector<16xi32>,
      %scan3A_1149 = arith.constant 0 : i32
      scf.yield %scan3A_1149 : i32
    }
    %scan3A_609 = arith.constant 128 : i32
    %dma_start3A_610 = arith.constant 0 : i32
    %dma_start3A_611 = tpu.memref_slice %arg15[%dma_start3A_610] : memref<6144xf32, #tpu.memory_space<vmem>> -> memref<2048xf32, #tpu.memory_space<vmem>>
    %dma_start3A_612 = arith.constant 0 : i32
    %dma_start3A_613 = tpu.memref_slice %arg3[%dma_start3A_612] : memref<16777216xf32, #tpu.memory_space<hbm>> -> memref<16777216xf32, #tpu.memory_space<hbm>>
    tpu.enqueue_indirect_dma source(%dma_start3A_613 : memref<16777216xf32, #tpu.memory_space<hbm>>) target(%dma_start3A_611 : memref<2048xf32, #tpu.memory_space<vmem>>) offsets(%arg13 : memref<2048xi32, #tpu.memory_space<vmem>>) semaphore(%arg22 : memref<!tpu.dma_semaphore, #tpu.memory_space<semaphore_mem>>)
    %dma_start3A_614 = arith.constant 2048 : i32
    %dma_start3A_615 = tpu.memref_slice %arg15[%dma_start3A_614] : memref<6144xf32, #tpu.memory_space<vmem>> -> memref<2048xf32, #tpu.memory_space<vmem>>
    %dma_start3A_616 = arith.constant 0 : i32
    %dma_start3A_617 = tpu.memref_slice %arg4[%dma_start3A_616] : memref<16777216xf32, #tpu.memory_space<hbm>> -> memref<16777216xf32, #tpu.memory_space<hbm>>
    tpu.enqueue_indirect_dma source(%dma_start3A_617 : memref<16777216xf32, #tpu.memory_space<hbm>>) target(%dma_start3A_615 : memref<2048xf32, #tpu.memory_space<vmem>>) offsets(%arg13 : memref<2048xi32, #tpu.memory_space<vmem>>) semaphore(%arg22 : memref<!tpu.dma_semaphore, #tpu.memory_space<semaphore_mem>>)
    %dma_start3A_618 = arith.constant 4096 : i32
    %dma_start3A_619 = tpu.memref_slice %arg15[%dma_start3A_618] : memref<6144xf32, #tpu.memory_space<vmem>> -> memref<2048xf32, #tpu.memory_space<vmem>>
    %dma_start3A_620 = arith.constant 0 : i32
    %dma_start3A_621 = tpu.memref_slice %arg5[%dma_start3A_620] : memref<16777216xf32, #tpu.memory_space<hbm>> -> memref<16777216xf32, #tpu.memory_space<hbm>>
    tpu.enqueue_indirect_dma source(%dma_start3A_621 : memref<16777216xf32, #tpu.memory_space<hbm>>) target(%dma_start3A_619 : memref<2048xf32, #tpu.memory_space<vmem>>) offsets(%arg13 : memref<2048xi32, #tpu.memory_space<vmem>>) semaphore(%arg22 : memref<!tpu.dma_semaphore, #tpu.memory_space<semaphore_mem>>)
    %dma_start3A_622 = arith.constant 0 : i32
    %dma_start3A_623 = tpu.memref_slice %arg17[%dma_start3A_622] : memref<6144xf32, #tpu.memory_space<vmem>> -> memref<2048xf32, #tpu.memory_space<vmem>>
    %dma_start3A_624 = arith.constant 0 : i32
    %dma_start3A_625 = tpu.memref_slice %arg6[%dma_start3A_624] : memref<16777216xf32, #tpu.memory_space<hbm>> -> memref<16777216xf32, #tpu.memory_space<hbm>>
    tpu.enqueue_indirect_dma source(%dma_start3A_625 : memref<16777216xf32, #tpu.memory_space<hbm>>) target(%dma_start3A_623 : memref<2048xf32, #tpu.memory_space<vmem>>) offsets(%arg13 : memref<2048xi32, #tpu.memory_space<vmem>>) semaphore(%arg24 : memref<!tpu.dma_semaphore, #tpu.memory_space<semaphore_mem>>)
    %dma_start3A_626 = arith.constant 2048 : i32
    %dma_start3A_627 = tpu.memref_slice %arg17[%dma_start3A_626] : memref<6144xf32, #tpu.memory_space<vmem>> -> memref<2048xf32, #tpu.memory_space<vmem>>
    %dma_start3A_628 = arith.constant 0 : i32
    %dma_start3A_629 = tpu.memref_slice %arg7[%dma_start3A_628] : memref<16777216xf32, #tpu.memory_space<hbm>> -> memref<16777216xf32, #tpu.memory_space<hbm>>
    tpu.enqueue_indirect_dma source(%dma_start3A_629 : memref<16777216xf32, #tpu.memory_space<hbm>>) target(%dma_start3A_627 : memref<2048xf32, #tpu.memory_space<vmem>>) offsets(%arg13 : memref<2048xi32, #tpu.memory_space<vmem>>) semaphore(%arg24 : memref<!tpu.dma_semaphore, #tpu.memory_space<semaphore_mem>>)
    %dma_start3A_630 = arith.constant 4096 : i32
    %dma_start3A_631 = tpu.memref_slice %arg17[%dma_start3A_630] : memref<6144xf32, #tpu.memory_space<vmem>> -> memref<2048xf32, #tpu.memory_space<vmem>>
    %dma_start3A_632 = arith.constant 0 : i32
    %dma_start3A_633 = tpu.memref_slice %arg8[%dma_start3A_632] : memref<16777216xf32, #tpu.memory_space<hbm>> -> memref<16777216xf32, #tpu.memory_space<hbm>>
    tpu.enqueue_indirect_dma source(%dma_start3A_633 : memref<16777216xf32, #tpu.memory_space<hbm>>) target(%dma_start3A_631 : memref<2048xf32, #tpu.memory_space<vmem>>) offsets(%arg13 : memref<2048xi32, #tpu.memory_space<vmem>>) semaphore(%arg24 : memref<!tpu.dma_semaphore, #tpu.memory_space<semaphore_mem>>)
    %dma_wait3A_634 = arith.constant 0 : i32
    %dma_wait3A_635 = tpu.memref_slice %arg14[%dma_wait3A_634] : memref<6144xf32, #tpu.memory_space<vmem>> -> memref<2048xf32, #tpu.memory_space<vmem>>
    %dma_wait3A_636 = arith.constant 0 : i32
    %dma_wait3A_637 = tpu.memref_slice %arg3[%dma_wait3A_636] : memref<16777216xf32, #tpu.memory_space<hbm>> -> memref<16777216xf32, #tpu.memory_space<hbm>>
    tpu.wait_indirect_dma semaphore(%arg21 : memref<!tpu.dma_semaphore, #tpu.memory_space<semaphore_mem>>) src(%dma_wait3A_637 : memref<16777216xf32, #tpu.memory_space<hbm>>) dst(%dma_wait3A_635 : memref<2048xf32, #tpu.memory_space<vmem>>)
    %dma_wait3A_638 = arith.constant 2048 : i32
    %dma_wait3A_639 = tpu.memref_slice %arg14[%dma_wait3A_638] : memref<6144xf32, #tpu.memory_space<vmem>> -> memref<2048xf32, #tpu.memory_space<vmem>>
    %dma_wait3A_640 = arith.constant 0 : i32
    %dma_wait3A_641 = tpu.memref_slice %arg4[%dma_wait3A_640] : memref<16777216xf32, #tpu.memory_space<hbm>> -> memref<16777216xf32, #tpu.memory_space<hbm>>
    tpu.wait_indirect_dma semaphore(%arg21 : memref<!tpu.dma_semaphore, #tpu.memory_space<semaphore_mem>>) src(%dma_wait3A_641 : memref<16777216xf32, #tpu.memory_space<hbm>>) dst(%dma_wait3A_639 : memref<2048xf32, #tpu.memory_space<vmem>>)
    %dma_wait3A_642 = arith.constant 4096 : i32
    %dma_wait3A_643 = tpu.memref_slice %arg14[%dma_wait3A_642] : memref<6144xf32, #tpu.memory_space<vmem>> -> memref<2048xf32, #tpu.memory_space<vmem>>
    %dma_wait3A_644 = arith.constant 0 : i32
    %dma_wait3A_645 = tpu.memref_slice %arg5[%dma_wait3A_644] : memref<16777216xf32, #tpu.memory_space<hbm>> -> memref<16777216xf32, #tpu.memory_space<hbm>>
    tpu.wait_indirect_dma semaphore(%arg21 : memref<!tpu.dma_semaphore, #tpu.memory_space<semaphore_mem>>) src(%dma_wait3A_645 : memref<16777216xf32, #tpu.memory_space<hbm>>) dst(%dma_wait3A_643 : memref<2048xf32, #tpu.memory_space<vmem>>)
    %dma_wait3A_646 = arith.constant 0 : i32
    %dma_wait3A_647 = tpu.memref_slice %arg16[%dma_wait3A_646] : memref<6144xf32, #tpu.memory_space<vmem>> -> memref<2048xf32, #tpu.memory_space<vmem>>
    %dma_wait3A_648 = arith.constant 0 : i32
    %dma_wait3A_649 = tpu.memref_slice %arg6[%dma_wait3A_648] : memref<16777216xf32, #tpu.memory_space<hbm>> -> memref<16777216xf32, #tpu.memory_space<hbm>>
    tpu.wait_indirect_dma semaphore(%arg23 : memref<!tpu.dma_semaphore, #tpu.memory_space<semaphore_mem>>) src(%dma_wait3A_649 : memref<16777216xf32, #tpu.memory_space<hbm>>) dst(%dma_wait3A_647 : memref<2048xf32, #tpu.memory_space<vmem>>)
    %dma_wait3A_650 = arith.constant 2048 : i32
    %dma_wait3A_651 = tpu.memref_slice %arg16[%dma_wait3A_650] : memref<6144xf32, #tpu.memory_space<vmem>> -> memref<2048xf32, #tpu.memory_space<vmem>>
    %dma_wait3A_652 = arith.constant 0 : i32
    %dma_wait3A_653 = tpu.memref_slice %arg7[%dma_wait3A_652] : memref<16777216xf32, #tpu.memory_space<hbm>> -> memref<16777216xf32, #tpu.memory_space<hbm>>
    tpu.wait_indirect_dma semaphore(%arg23 : memref<!tpu.dma_semaphore, #tpu.memory_space<semaphore_mem>>) src(%dma_wait3A_653 : memref<16777216xf32, #tpu.memory_space<hbm>>) dst(%dma_wait3A_651 : memref<2048xf32, #tpu.memory_space<vmem>>)
    %dma_wait3A_654 = arith.constant 4096 : i32
    %dma_wait3A_655 = tpu.memref_slice %arg16[%dma_wait3A_654] : memref<6144xf32, #tpu.memory_space<vmem>> -> memref<2048xf32, #tpu.memory_space<vmem>>
    %dma_wait3A_656 = arith.constant 0 : i32
    %dma_wait3A_657 = tpu.memref_slice %arg8[%dma_wait3A_656] : memref<16777216xf32, #tpu.memory_space<hbm>> -> memref<16777216xf32, #tpu.memory_space<hbm>>
    tpu.wait_indirect_dma semaphore(%arg23 : memref<!tpu.dma_semaphore, #tpu.memory_space<semaphore_mem>>) src(%dma_wait3A_657 : memref<16777216xf32, #tpu.memory_space<hbm>>) dst(%dma_wait3A_655 : memref<2048xf32, #tpu.memory_space<vmem>>)
    %scan3A_658 = arith.constant 0 : i32
    %scan3A_659 = arith.constant 0 : i32
    %scan3A_660 = arith.constant 384 : i32
    %scan3A_661 = arith.addi %scan3A_659, %scan3A_660 : i32
    %scan3A_662 = arith.constant 1 : i32
    %scan3A_663 = scf.for %scan3A_1120 = %scan3A_659 to %scan3A_661 step %scan3A_662 iter_args(%scan3A_1121 = %scan3A_658) -> (i32)  : i32 {
      %mul3A_1122 = arith.constant 16 : i32
      %mul3A_1123 = arith.muli %scan3A_1120, %mul3A_1122 : i32
      %mul3A_1124 = arith.constant 16 : i32
      %mul3A_1125 = arith.muli %scan3A_1120, %mul3A_1124 : i32
      %add3A_1126 = vector.broadcast %mul3A_1125 : i32 to vector<16xi32>
      %add3A_1127 = arith.addi %add3A_1126, %iota3A : vector<16xi32>
      %mul3A_1128 = arith.constant 21846 : i32
      %mul3A_1129 = vector.broadcast %mul3A_1128 : i32 to vector<16xi32>
      %mul3A_1130 = arith.muli %add3A_1127, %mul3A_1129 : vector<16xi32>
      %shift_right_logical3A = arith.constant 16 : i32
      %shift_right_logical3A_1131 = vector.broadcast %shift_right_logical3A : i32 to vector<16xi32>
      %shift_right_logical3A_1132 = arith.shrui %mul3A_1130, %shift_right_logical3A_1131 : vector<16xi32>
      %mul3A_1133 = arith.constant 3 : i32
      %mul3A_1134 = vector.broadcast %mul3A_1133 : i32 to vector<16xi32>
      %mul3A_1135 = arith.muli %shift_right_logical3A_1132, %mul3A_1134 : vector<16xi32>
      %sub3A = arith.subi %add3A_1127, %mul3A_1135 : vector<16xi32>
      %mul3A_1136 = arith.constant 2048 : i32
      %mul3A_1137 = vector.broadcast %mul3A_1136 : i32 to vector<16xi32>
      %mul3A_1138 = arith.muli %sub3A, %mul3A_1137 : vector<16xi32>
      %add3A_1139 = arith.addi %mul3A_1138, %shift_right_logical3A_1132 : vector<16xi32>
      %gather3A = tpu.vector_load_idx %arg14[%add3A_1139] : memref<6144xf32, #tpu.memory_space<vmem>>[vector<16xi32>], vector<16xf32>,
      %gather3A_1140 = tpu.vector_load_idx %arg16[%add3A_1139] : memref<6144xf32, #tpu.memory_space<vmem>>[vector<16xi32>], vector<16xf32>,
      %get3A = arith.index_cast %mul3A_1123 : i32 to index
      %get3A_1141 = tpu.vector_load %arg10[%get3A] {strides = array<i32>} : memref<6144xf32, #tpu.memory_space<vmem>>, vector<16xf32>,
      %mul3A_1142 = arith.mulf %get3A_1141, %gather3A : vector<16xf32>
      %add3A_1143 = arith.addf %mul3A_1142, %gather3A_1140 : vector<16xf32>
      %abs3A = math.absf %add3A_1143 : vector<16xf32>
      %mul3A_1144 = arith.constant -2.000000e+00 : f32
      %mul3A_1145 = vector.broadcast %mul3A_1144 : f32 to vector<16xf32>
      %mul3A_1146 = arith.mulf %mul3A_1145, %abs3A : vector<16xf32>
      %exp3A = math.exp %mul3A_1146 : vector<16xf32>
      %sign3A = tpu.bitcast %add3A_1143 : vector<16xf32> -> vector<16xi32>
      %sign3A_1147 = arith.constant -2147483648 : i32
      %sign3A_1148 = vector.broadcast %sign3A_1147 : i32 to vector<16xi32>
      %sign3A_1149 = arith.andi %sign3A, %sign3A_1148 : vector<16xi32>
      %sign3A_1150 = arith.constant 1065353216 : i32
      %sign3A_1151 = vector.broadcast %sign3A_1150 : i32 to vector<16xi32>
      %sign3A_1152 = arith.ori %sign3A_1151, %sign3A_1149 : vector<16xi32>
      %sign3A_1153 = tpu.bitcast %sign3A_1152 : vector<16xi32> -> vector<16xf32>
      %sign3A_1154 = math.absf %add3A_1143 : vector<16xf32>
      %sign3A_1155 = arith.constant 0.000000e+00 : f32
      %sign3A_1156 = vector.broadcast %sign3A_1155 : f32 to vector<16xf32>
      %sign3A_1157 = arith.cmpf ogt, %sign3A_1154, %sign3A_1156 : vector<16xf32>
      %sign3A_1158 = arith.select %sign3A_1157, %sign3A_1153, %add3A_1143 : vector<16xi1>, vector<16xf32>
      %sub3A_1159 = arith.constant 1.000000e+00 : f32
      %sub3A_1160 = vector.broadcast %sub3A_1159 : f32 to vector<16xf32>
      %sub3A_1161 = arith.subf %sub3A_1160, %exp3A : vector<16xf32>
      %add3A_1162 = arith.constant 1.000000e+00 : f32
      %add3A_1163 = vector.broadcast %add3A_1162 : f32 to vector<16xf32>
      %add3A_1164 = arith.addf %add3A_1163, %exp3A : vector<16xf32>
      %div3A = arith.divf %sub3A_1161, %add3A_1164 : vector<16xf32>
      %mul3A_1165 = arith.mulf %sign3A_1158, %div3A : vector<16xf32>
      %swap3A = arith.index_cast %mul3A_1123 : i32 to index
      %swap3A_1166 = tpu.vector_load %arg18[%swap3A] {strides = array<i32>} : memref<6144xf32, #tpu.memory_space<vmem>>, vector<16xf32>,
      tpu.vector_store %arg18[%swap3A], %mul3A_1165 {strides = array<i32>} : memref<6144xf32, #tpu.memory_space<vmem>>, vector<16xf32>,
      %scan3A_1167 = arith.constant 0 : i32
      scf.yield %scan3A_1167 : i32
    }
    %scan3A_664 = arith.constant 384 : i32
    %add3A_665 = arith.constant 49152 : i32
    %add3A_666 = arith.addi %mul3A_2, %add3A_665 : i32
    "tpu.region"() ({
      %run_scoped3A = tpu.sem_alloc : memref<!tpu.dma_semaphore, #tpu.memory_space<semaphore_mem>>
      %dma_start3A_1120 = tpu.memref_slice %arg9[%add3A_666] : memref<3145728xf32, #tpu.memory_space<hbm>> -> memref<6144xf32, #tpu.memory_space<hbm>>
      %dma_start3A_1121 = tpu.memref_slice %arg9[%add3A_666] : memref<3145728xf32, #tpu.memory_space<hbm>> -> memref<6144xf32, #tpu.memory_space<hbm>>
      tpu.enqueue_dma source(%arg18 : memref<6144xf32, #tpu.memory_space<vmem>>) target(%dma_start3A_1121 : memref<6144xf32, #tpu.memory_space<hbm>>) target_semaphore(%run_scoped3A : memref<!tpu.dma_semaphore, #tpu.memory_space<semaphore_mem>>)
      %dma_wait3A_1122 = tpu.memref_slice %arg9[%add3A_666] : memref<3145728xf32, #tpu.memory_space<hbm>> -> memref<6144xf32, #tpu.memory_space<hbm>>
      %dma_wait3A_1123 = tpu.memref_slice %arg9[%add3A_666] : memref<3145728xf32, #tpu.memory_space<hbm>> -> memref<6144xf32, #tpu.memory_space<hbm>>
      tpu.wait_dma2 semaphore(%run_scoped3A : memref<!tpu.dma_semaphore, #tpu.memory_space<semaphore_mem>>) src(%arg18 : memref<6144xf32, #tpu.memory_space<vmem>>) dst(%dma_wait3A_1123 : memref<6144xf32, #tpu.memory_space<hbm>>)
      tpu.yield
    }) : () -> ()
    %add3A_667 = arith.constant 61440 : i32
    %add3A_668 = arith.addi %mul3A_2, %add3A_667 : i32
    %dma_start3A_669 = tpu.memref_slice %arg2[%add3A_668] : memref<3145728xf32, #tpu.memory_space<hbm>> -> memref<6144xf32, #tpu.memory_space<hbm>>
    %dma_start3A_670 = tpu.memref_slice %arg2[%add3A_668] : memref<3145728xf32, #tpu.memory_space<hbm>> -> memref<6144xf32, #tpu.memory_space<hbm>>
    tpu.enqueue_dma source(%dma_start3A_670 : memref<6144xf32, #tpu.memory_space<hbm>>) target(%arg10 : memref<6144xf32, #tpu.memory_space<vmem>>) target_semaphore(%arg19 : memref<!tpu.dma_semaphore, #tpu.memory_space<semaphore_mem>>)
    %dma_wait3A_671 = tpu.memref_slice %arg2[%add3A_668] : memref<3145728xf32, #tpu.memory_space<hbm>> -> memref<6144xf32, #tpu.memory_space<hbm>>
    %dma_wait3A_672 = tpu.memref_slice %arg2[%add3A_668] : memref<3145728xf32, #tpu.memory_space<hbm>> -> memref<6144xf32, #tpu.memory_space<hbm>>
    tpu.wait_dma2 semaphore(%arg19 : memref<!tpu.dma_semaphore, #tpu.memory_space<semaphore_mem>>) src(%dma_wait3A_672 : memref<6144xf32, #tpu.memory_space<hbm>>) dst(%arg10 : memref<6144xf32, #tpu.memory_space<vmem>>)
    %scan3A_673 = arith.constant 0 : i32
    %scan3A_674 = arith.constant 0 : i32
    %scan3A_675 = arith.constant 128 : i32
    %scan3A_676 = arith.addi %scan3A_674, %scan3A_675 : i32
    %scan3A_677 = arith.constant 1 : i32
    %scan3A_678 = scf.for %scan3A_1120 = %scan3A_674 to %scan3A_676 step %scan3A_677 iter_args(%scan3A_1121 = %scan3A_673) -> (i32)  : i32 {
      %mul3A_1122 = arith.constant 48 : i32
      %mul3A_1123 = arith.muli %scan3A_1120, %mul3A_1122 : i32
      %mul3A_1124 = arith.constant 3 : i32
      %mul3A_1125 = vector.broadcast %mul3A_1124 : i32 to vector<16xi32>
      %mul3A_1126 = arith.muli %iota3A, %mul3A_1125 : vector<16xi32>
      %add3A_1127 = vector.broadcast %mul3A_1123 : i32 to vector<16xi32>
      %add3A_1128 = arith.addi %add3A_1127, %mul3A_1126 : vector<16xi32>
      %gather3A = tpu.vector_load_idx %arg10[%add3A_1128] : memref<6144xf32, #tpu.memory_space<vmem>>[vector<16xi32>], vector<16xf32>,
      %add3A_1129 = arith.constant 1 : i32
      %add3A_1130 = vector.broadcast %add3A_1129 : i32 to vector<16xi32>
      %add3A_1131 = arith.addi %add3A_1128, %add3A_1130 : vector<16xi32>
      %gather3A_1132 = tpu.vector_load_idx %arg10[%add3A_1131] : memref<6144xf32, #tpu.memory_space<vmem>>[vector<16xi32>], vector<16xf32>,
      %add3A_1133 = arith.constant 2 : i32
      %add3A_1134 = vector.broadcast %add3A_1133 : i32 to vector<16xi32>
      %add3A_1135 = arith.addi %add3A_1128, %add3A_1134 : vector<16xi32>
      %gather3A_1136 = tpu.vector_load_idx %arg10[%add3A_1135] : memref<6144xf32, #tpu.memory_space<vmem>>[vector<16xi32>], vector<16xf32>,
      %mul3A_1137 = arith.constant 6.553600e+04 : f32
      %mul3A_1138 = vector.broadcast %mul3A_1137 : f32 to vector<16xf32>
      %mul3A_1139 = arith.mulf %gather3A, %mul3A_1138 : vector<16xf32>
      %mul3A_1140 = arith.constant 2.560000e+02 : f32
      %mul3A_1141 = vector.broadcast %mul3A_1140 : f32 to vector<16xf32>
      %mul3A_1142 = arith.mulf %gather3A_1132, %mul3A_1141 : vector<16xf32>
      %add3A_1143 = arith.addf %mul3A_1139, %mul3A_1142 : vector<16xf32>
      %add3A_1144 = arith.addf %add3A_1143, %gather3A_1136 : vector<16xf32>
      %convert_element_type3A = arith.fptosi %add3A_1144 : vector<16xf32> to vector<16xi32>
      %mul3A_1145 = arith.constant 16 : i32
      %mul3A_1146 = arith.muli %scan3A_1120, %mul3A_1145 : i32
      %add3A_1147 = vector.broadcast %mul3A_1146 : i32 to vector<16xi32>
      %add3A_1148 = arith.addi %add3A_1147, %iota3A : vector<16xi32>
      tpu.vector_store_idx %arg12[%add3A_1148], %convert_element_type3A : memref<2048xi32, #tpu.memory_space<vmem>>[vector<16xi32>], vector<16xi32>,
      %scan3A_1149 = arith.constant 0 : i32
      scf.yield %scan3A_1149 : i32
    }
    %scan3A_679 = arith.constant 128 : i32
    %dma_start3A_680 = arith.constant 0 : i32
    %dma_start3A_681 = tpu.memref_slice %arg14[%dma_start3A_680] : memref<6144xf32, #tpu.memory_space<vmem>> -> memref<2048xf32, #tpu.memory_space<vmem>>
    %dma_start3A_682 = arith.constant 0 : i32
    %dma_start3A_683 = tpu.memref_slice %arg3[%dma_start3A_682] : memref<16777216xf32, #tpu.memory_space<hbm>> -> memref<16777216xf32, #tpu.memory_space<hbm>>
    tpu.enqueue_indirect_dma source(%dma_start3A_683 : memref<16777216xf32, #tpu.memory_space<hbm>>) target(%dma_start3A_681 : memref<2048xf32, #tpu.memory_space<vmem>>) offsets(%arg12 : memref<2048xi32, #tpu.memory_space<vmem>>) semaphore(%arg21 : memref<!tpu.dma_semaphore, #tpu.memory_space<semaphore_mem>>)
    %dma_start3A_684 = arith.constant 2048 : i32
    %dma_start3A_685 = tpu.memref_slice %arg14[%dma_start3A_684] : memref<6144xf32, #tpu.memory_space<vmem>> -> memref<2048xf32, #tpu.memory_space<vmem>>
    %dma_start3A_686 = arith.constant 0 : i32
    %dma_start3A_687 = tpu.memref_slice %arg4[%dma_start3A_686] : memref<16777216xf32, #tpu.memory_space<hbm>> -> memref<16777216xf32, #tpu.memory_space<hbm>>
    tpu.enqueue_indirect_dma source(%dma_start3A_687 : memref<16777216xf32, #tpu.memory_space<hbm>>) target(%dma_start3A_685 : memref<2048xf32, #tpu.memory_space<vmem>>) offsets(%arg12 : memref<2048xi32, #tpu.memory_space<vmem>>) semaphore(%arg21 : memref<!tpu.dma_semaphore, #tpu.memory_space<semaphore_mem>>)
    %dma_start3A_688 = arith.constant 4096 : i32
    %dma_start3A_689 = tpu.memref_slice %arg14[%dma_start3A_688] : memref<6144xf32, #tpu.memory_space<vmem>> -> memref<2048xf32, #tpu.memory_space<vmem>>
    %dma_start3A_690 = arith.constant 0 : i32
    %dma_start3A_691 = tpu.memref_slice %arg5[%dma_start3A_690] : memref<16777216xf32, #tpu.memory_space<hbm>> -> memref<16777216xf32, #tpu.memory_space<hbm>>
    tpu.enqueue_indirect_dma source(%dma_start3A_691 : memref<16777216xf32, #tpu.memory_space<hbm>>) target(%dma_start3A_689 : memref<2048xf32, #tpu.memory_space<vmem>>) offsets(%arg12 : memref<2048xi32, #tpu.memory_space<vmem>>) semaphore(%arg21 : memref<!tpu.dma_semaphore, #tpu.memory_space<semaphore_mem>>)
    %dma_start3A_692 = arith.constant 0 : i32
    %dma_start3A_693 = tpu.memref_slice %arg16[%dma_start3A_692] : memref<6144xf32, #tpu.memory_space<vmem>> -> memref<2048xf32, #tpu.memory_space<vmem>>
    %dma_start3A_694 = arith.constant 0 : i32
    %dma_start3A_695 = tpu.memref_slice %arg6[%dma_start3A_694] : memref<16777216xf32, #tpu.memory_space<hbm>> -> memref<16777216xf32, #tpu.memory_space<hbm>>
    tpu.enqueue_indirect_dma source(%dma_start3A_695 : memref<16777216xf32, #tpu.memory_space<hbm>>) target(%dma_start3A_693 : memref<2048xf32, #tpu.memory_space<vmem>>) offsets(%arg12 : memref<2048xi32, #tpu.memory_space<vmem>>) semaphore(%arg23 : memref<!tpu.dma_semaphore, #tpu.memory_space<semaphore_mem>>)
    %dma_start3A_696 = arith.constant 2048 : i32
    %dma_start3A_697 = tpu.memref_slice %arg16[%dma_start3A_696] : memref<6144xf32, #tpu.memory_space<vmem>> -> memref<2048xf32, #tpu.memory_space<vmem>>
    %dma_start3A_698 = arith.constant 0 : i32
    %dma_start3A_699 = tpu.memref_slice %arg7[%dma_start3A_698] : memref<16777216xf32, #tpu.memory_space<hbm>> -> memref<16777216xf32, #tpu.memory_space<hbm>>
    tpu.enqueue_indirect_dma source(%dma_start3A_699 : memref<16777216xf32, #tpu.memory_space<hbm>>) target(%dma_start3A_697 : memref<2048xf32, #tpu.memory_space<vmem>>) offsets(%arg12 : memref<2048xi32, #tpu.memory_space<vmem>>) semaphore(%arg23 : memref<!tpu.dma_semaphore, #tpu.memory_space<semaphore_mem>>)
    %dma_start3A_700 = arith.constant 4096 : i32
    %dma_start3A_701 = tpu.memref_slice %arg16[%dma_start3A_700] : memref<6144xf32, #tpu.memory_space<vmem>> -> memref<2048xf32, #tpu.memory_space<vmem>>
    %dma_start3A_702 = arith.constant 0 : i32
    %dma_start3A_703 = tpu.memref_slice %arg8[%dma_start3A_702] : memref<16777216xf32, #tpu.memory_space<hbm>> -> memref<16777216xf32, #tpu.memory_space<hbm>>
    tpu.enqueue_indirect_dma source(%dma_start3A_703 : memref<16777216xf32, #tpu.memory_space<hbm>>) target(%dma_start3A_701 : memref<2048xf32, #tpu.memory_space<vmem>>) offsets(%arg12 : memref<2048xi32, #tpu.memory_space<vmem>>) semaphore(%arg23 : memref<!tpu.dma_semaphore, #tpu.memory_space<semaphore_mem>>)
    %dma_wait3A_704 = arith.constant 0 : i32
    %dma_wait3A_705 = tpu.memref_slice %arg15[%dma_wait3A_704] : memref<6144xf32, #tpu.memory_space<vmem>> -> memref<2048xf32, #tpu.memory_space<vmem>>
    %dma_wait3A_706 = arith.constant 0 : i32
    %dma_wait3A_707 = tpu.memref_slice %arg3[%dma_wait3A_706] : memref<16777216xf32, #tpu.memory_space<hbm>> -> memref<16777216xf32, #tpu.memory_space<hbm>>
    tpu.wait_indirect_dma semaphore(%arg22 : memref<!tpu.dma_semaphore, #tpu.memory_space<semaphore_mem>>) src(%dma_wait3A_707 : memref<16777216xf32, #tpu.memory_space<hbm>>) dst(%dma_wait3A_705 : memref<2048xf32, #tpu.memory_space<vmem>>)
    %dma_wait3A_708 = arith.constant 2048 : i32
    %dma_wait3A_709 = tpu.memref_slice %arg15[%dma_wait3A_708] : memref<6144xf32, #tpu.memory_space<vmem>> -> memref<2048xf32, #tpu.memory_space<vmem>>
    %dma_wait3A_710 = arith.constant 0 : i32
    %dma_wait3A_711 = tpu.memref_slice %arg4[%dma_wait3A_710] : memref<16777216xf32, #tpu.memory_space<hbm>> -> memref<16777216xf32, #tpu.memory_space<hbm>>
    tpu.wait_indirect_dma semaphore(%arg22 : memref<!tpu.dma_semaphore, #tpu.memory_space<semaphore_mem>>) src(%dma_wait3A_711 : memref<16777216xf32, #tpu.memory_space<hbm>>) dst(%dma_wait3A_709 : memref<2048xf32, #tpu.memory_space<vmem>>)
    %dma_wait3A_712 = arith.constant 4096 : i32
    %dma_wait3A_713 = tpu.memref_slice %arg15[%dma_wait3A_712] : memref<6144xf32, #tpu.memory_space<vmem>> -> memref<2048xf32, #tpu.memory_space<vmem>>
    %dma_wait3A_714 = arith.constant 0 : i32
    %dma_wait3A_715 = tpu.memref_slice %arg5[%dma_wait3A_714] : memref<16777216xf32, #tpu.memory_space<hbm>> -> memref<16777216xf32, #tpu.memory_space<hbm>>
    tpu.wait_indirect_dma semaphore(%arg22 : memref<!tpu.dma_semaphore, #tpu.memory_space<semaphore_mem>>) src(%dma_wait3A_715 : memref<16777216xf32, #tpu.memory_space<hbm>>) dst(%dma_wait3A_713 : memref<2048xf32, #tpu.memory_space<vmem>>)
    %dma_wait3A_716 = arith.constant 0 : i32
    %dma_wait3A_717 = tpu.memref_slice %arg17[%dma_wait3A_716] : memref<6144xf32, #tpu.memory_space<vmem>> -> memref<2048xf32, #tpu.memory_space<vmem>>
    %dma_wait3A_718 = arith.constant 0 : i32
    %dma_wait3A_719 = tpu.memref_slice %arg6[%dma_wait3A_718] : memref<16777216xf32, #tpu.memory_space<hbm>> -> memref<16777216xf32, #tpu.memory_space<hbm>>
    tpu.wait_indirect_dma semaphore(%arg24 : memref<!tpu.dma_semaphore, #tpu.memory_space<semaphore_mem>>) src(%dma_wait3A_719 : memref<16777216xf32, #tpu.memory_space<hbm>>) dst(%dma_wait3A_717 : memref<2048xf32, #tpu.memory_space<vmem>>)
    %dma_wait3A_720 = arith.constant 2048 : i32
    %dma_wait3A_721 = tpu.memref_slice %arg17[%dma_wait3A_720] : memref<6144xf32, #tpu.memory_space<vmem>> -> memref<2048xf32, #tpu.memory_space<vmem>>
    %dma_wait3A_722 = arith.constant 0 : i32
    %dma_wait3A_723 = tpu.memref_slice %arg7[%dma_wait3A_722] : memref<16777216xf32, #tpu.memory_space<hbm>> -> memref<16777216xf32, #tpu.memory_space<hbm>>
    tpu.wait_indirect_dma semaphore(%arg24 : memref<!tpu.dma_semaphore, #tpu.memory_space<semaphore_mem>>) src(%dma_wait3A_723 : memref<16777216xf32, #tpu.memory_space<hbm>>) dst(%dma_wait3A_721 : memref<2048xf32, #tpu.memory_space<vmem>>)
    %dma_wait3A_724 = arith.constant 4096 : i32
    %dma_wait3A_725 = tpu.memref_slice %arg17[%dma_wait3A_724] : memref<6144xf32, #tpu.memory_space<vmem>> -> memref<2048xf32, #tpu.memory_space<vmem>>
    %dma_wait3A_726 = arith.constant 0 : i32
    %dma_wait3A_727 = tpu.memref_slice %arg8[%dma_wait3A_726] : memref<16777216xf32, #tpu.memory_space<hbm>> -> memref<16777216xf32, #tpu.memory_space<hbm>>
    tpu.wait_indirect_dma semaphore(%arg24 : memref<!tpu.dma_semaphore, #tpu.memory_space<semaphore_mem>>) src(%dma_wait3A_727 : memref<16777216xf32, #tpu.memory_space<hbm>>) dst(%dma_wait3A_725 : memref<2048xf32, #tpu.memory_space<vmem>>)
    %scan3A_728 = arith.constant 0 : i32
    %scan3A_729 = arith.constant 0 : i32
    %scan3A_730 = arith.constant 384 : i32
    %scan3A_731 = arith.addi %scan3A_729, %scan3A_730 : i32
    %scan3A_732 = arith.constant 1 : i32
    %scan3A_733 = scf.for %scan3A_1120 = %scan3A_729 to %scan3A_731 step %scan3A_732 iter_args(%scan3A_1121 = %scan3A_728) -> (i32)  : i32 {
      %mul3A_1122 = arith.constant 16 : i32
      %mul3A_1123 = arith.muli %scan3A_1120, %mul3A_1122 : i32
      %mul3A_1124 = arith.constant 16 : i32
      %mul3A_1125 = arith.muli %scan3A_1120, %mul3A_1124 : i32
      %add3A_1126 = vector.broadcast %mul3A_1125 : i32 to vector<16xi32>
      %add3A_1127 = arith.addi %add3A_1126, %iota3A : vector<16xi32>
      %mul3A_1128 = arith.constant 21846 : i32
      %mul3A_1129 = vector.broadcast %mul3A_1128 : i32 to vector<16xi32>
      %mul3A_1130 = arith.muli %add3A_1127, %mul3A_1129 : vector<16xi32>
      %shift_right_logical3A = arith.constant 16 : i32
      %shift_right_logical3A_1131 = vector.broadcast %shift_right_logical3A : i32 to vector<16xi32>
      %shift_right_logical3A_1132 = arith.shrui %mul3A_1130, %shift_right_logical3A_1131 : vector<16xi32>
      %mul3A_1133 = arith.constant 3 : i32
      %mul3A_1134 = vector.broadcast %mul3A_1133 : i32 to vector<16xi32>
      %mul3A_1135 = arith.muli %shift_right_logical3A_1132, %mul3A_1134 : vector<16xi32>
      %sub3A = arith.subi %add3A_1127, %mul3A_1135 : vector<16xi32>
      %mul3A_1136 = arith.constant 2048 : i32
      %mul3A_1137 = vector.broadcast %mul3A_1136 : i32 to vector<16xi32>
      %mul3A_1138 = arith.muli %sub3A, %mul3A_1137 : vector<16xi32>
      %add3A_1139 = arith.addi %mul3A_1138, %shift_right_logical3A_1132 : vector<16xi32>
      %gather3A = tpu.vector_load_idx %arg15[%add3A_1139] : memref<6144xf32, #tpu.memory_space<vmem>>[vector<16xi32>], vector<16xf32>,
      %gather3A_1140 = tpu.vector_load_idx %arg17[%add3A_1139] : memref<6144xf32, #tpu.memory_space<vmem>>[vector<16xi32>], vector<16xf32>,
      %get3A = arith.index_cast %mul3A_1123 : i32 to index
      %get3A_1141 = tpu.vector_load %arg11[%get3A] {strides = array<i32>} : memref<6144xf32, #tpu.memory_space<vmem>>, vector<16xf32>,
      %mul3A_1142 = arith.mulf %get3A_1141, %gather3A : vector<16xf32>
      %add3A_1143 = arith.addf %mul3A_1142, %gather3A_1140 : vector<16xf32>
      %abs3A = math.absf %add3A_1143 : vector<16xf32>
      %mul3A_1144 = arith.constant -2.000000e+00 : f32
      %mul3A_1145 = vector.broadcast %mul3A_1144 : f32 to vector<16xf32>
      %mul3A_1146 = arith.mulf %mul3A_1145, %abs3A : vector<16xf32>
      %exp3A = math.exp %mul3A_1146 : vector<16xf32>
      %sign3A = tpu.bitcast %add3A_1143 : vector<16xf32> -> vector<16xi32>
      %sign3A_1147 = arith.constant -2147483648 : i32
      %sign3A_1148 = vector.broadcast %sign3A_1147 : i32 to vector<16xi32>
      %sign3A_1149 = arith.andi %sign3A, %sign3A_1148 : vector<16xi32>
      %sign3A_1150 = arith.constant 1065353216 : i32
      %sign3A_1151 = vector.broadcast %sign3A_1150 : i32 to vector<16xi32>
      %sign3A_1152 = arith.ori %sign3A_1151, %sign3A_1149 : vector<16xi32>
      %sign3A_1153 = tpu.bitcast %sign3A_1152 : vector<16xi32> -> vector<16xf32>
      %sign3A_1154 = math.absf %add3A_1143 : vector<16xf32>
      %sign3A_1155 = arith.constant 0.000000e+00 : f32
      %sign3A_1156 = vector.broadcast %sign3A_1155 : f32 to vector<16xf32>
      %sign3A_1157 = arith.cmpf ogt, %sign3A_1154, %sign3A_1156 : vector<16xf32>
      %sign3A_1158 = arith.select %sign3A_1157, %sign3A_1153, %add3A_1143 : vector<16xi1>, vector<16xf32>
      %sub3A_1159 = arith.constant 1.000000e+00 : f32
      %sub3A_1160 = vector.broadcast %sub3A_1159 : f32 to vector<16xf32>
      %sub3A_1161 = arith.subf %sub3A_1160, %exp3A : vector<16xf32>
      %add3A_1162 = arith.constant 1.000000e+00 : f32
      %add3A_1163 = vector.broadcast %add3A_1162 : f32 to vector<16xf32>
      %add3A_1164 = arith.addf %add3A_1163, %exp3A : vector<16xf32>
      %div3A = arith.divf %sub3A_1161, %add3A_1164 : vector<16xf32>
      %mul3A_1165 = arith.mulf %sign3A_1158, %div3A : vector<16xf32>
      %swap3A = arith.index_cast %mul3A_1123 : i32 to index
      %swap3A_1166 = tpu.vector_load %arg18[%swap3A] {strides = array<i32>} : memref<6144xf32, #tpu.memory_space<vmem>>, vector<16xf32>,
      tpu.vector_store %arg18[%swap3A], %mul3A_1165 {strides = array<i32>} : memref<6144xf32, #tpu.memory_space<vmem>>, vector<16xf32>,
      %scan3A_1167 = arith.constant 0 : i32
      scf.yield %scan3A_1167 : i32
    }
    %scan3A_734 = arith.constant 384 : i32
    %add3A_735 = arith.constant 55296 : i32
    %add3A_736 = arith.addi %mul3A_2, %add3A_735 : i32
    "tpu.region"() ({
      %run_scoped3A = tpu.sem_alloc : memref<!tpu.dma_semaphore, #tpu.memory_space<semaphore_mem>>
      %dma_start3A_1120 = tpu.memref_slice %arg9[%add3A_736] : memref<3145728xf32, #tpu.memory_space<hbm>> -> memref<6144xf32, #tpu.memory_space<hbm>>
      %dma_start3A_1121 = tpu.memref_slice %arg9[%add3A_736] : memref<3145728xf32, #tpu.memory_space<hbm>> -> memref<6144xf32, #tpu.memory_space<hbm>>
      tpu.enqueue_dma source(%arg18 : memref<6144xf32, #tpu.memory_space<vmem>>) target(%dma_start3A_1121 : memref<6144xf32, #tpu.memory_space<hbm>>) target_semaphore(%run_scoped3A : memref<!tpu.dma_semaphore, #tpu.memory_space<semaphore_mem>>)
      %dma_wait3A_1122 = tpu.memref_slice %arg9[%add3A_736] : memref<3145728xf32, #tpu.memory_space<hbm>> -> memref<6144xf32, #tpu.memory_space<hbm>>
      %dma_wait3A_1123 = tpu.memref_slice %arg9[%add3A_736] : memref<3145728xf32, #tpu.memory_space<hbm>> -> memref<6144xf32, #tpu.memory_space<hbm>>
      tpu.wait_dma2 semaphore(%run_scoped3A : memref<!tpu.dma_semaphore, #tpu.memory_space<semaphore_mem>>) src(%arg18 : memref<6144xf32, #tpu.memory_space<vmem>>) dst(%dma_wait3A_1123 : memref<6144xf32, #tpu.memory_space<hbm>>)
      tpu.yield
    }) : () -> ()
    %add3A_737 = arith.constant 67584 : i32
    %add3A_738 = arith.addi %mul3A_2, %add3A_737 : i32
    %dma_start3A_739 = tpu.memref_slice %arg2[%add3A_738] : memref<3145728xf32, #tpu.memory_space<hbm>> -> memref<6144xf32, #tpu.memory_space<hbm>>
    %dma_start3A_740 = tpu.memref_slice %arg2[%add3A_738] : memref<3145728xf32, #tpu.memory_space<hbm>> -> memref<6144xf32, #tpu.memory_space<hbm>>
    tpu.enqueue_dma source(%dma_start3A_740 : memref<6144xf32, #tpu.memory_space<hbm>>) target(%arg11 : memref<6144xf32, #tpu.memory_space<vmem>>) target_semaphore(%arg20 : memref<!tpu.dma_semaphore, #tpu.memory_space<semaphore_mem>>)
    %dma_wait3A_741 = tpu.memref_slice %arg2[%add3A_738] : memref<3145728xf32, #tpu.memory_space<hbm>> -> memref<6144xf32, #tpu.memory_space<hbm>>
    %dma_wait3A_742 = tpu.memref_slice %arg2[%add3A_738] : memref<3145728xf32, #tpu.memory_space<hbm>> -> memref<6144xf32, #tpu.memory_space<hbm>>
    tpu.wait_dma2 semaphore(%arg20 : memref<!tpu.dma_semaphore, #tpu.memory_space<semaphore_mem>>) src(%dma_wait3A_742 : memref<6144xf32, #tpu.memory_space<hbm>>) dst(%arg11 : memref<6144xf32, #tpu.memory_space<vmem>>)
    %scan3A_743 = arith.constant 0 : i32
    %scan3A_744 = arith.constant 0 : i32
    %scan3A_745 = arith.constant 128 : i32
    %scan3A_746 = arith.addi %scan3A_744, %scan3A_745 : i32
    %scan3A_747 = arith.constant 1 : i32
    %scan3A_748 = scf.for %scan3A_1120 = %scan3A_744 to %scan3A_746 step %scan3A_747 iter_args(%scan3A_1121 = %scan3A_743) -> (i32)  : i32 {
      %mul3A_1122 = arith.constant 48 : i32
      %mul3A_1123 = arith.muli %scan3A_1120, %mul3A_1122 : i32
      %mul3A_1124 = arith.constant 3 : i32
      %mul3A_1125 = vector.broadcast %mul3A_1124 : i32 to vector<16xi32>
      %mul3A_1126 = arith.muli %iota3A, %mul3A_1125 : vector<16xi32>
      %add3A_1127 = vector.broadcast %mul3A_1123 : i32 to vector<16xi32>
      %add3A_1128 = arith.addi %add3A_1127, %mul3A_1126 : vector<16xi32>
      %gather3A = tpu.vector_load_idx %arg11[%add3A_1128] : memref<6144xf32, #tpu.memory_space<vmem>>[vector<16xi32>], vector<16xf32>,
      %add3A_1129 = arith.constant 1 : i32
      %add3A_1130 = vector.broadcast %add3A_1129 : i32 to vector<16xi32>
      %add3A_1131 = arith.addi %add3A_1128, %add3A_1130 : vector<16xi32>
      %gather3A_1132 = tpu.vector_load_idx %arg11[%add3A_1131] : memref<6144xf32, #tpu.memory_space<vmem>>[vector<16xi32>], vector<16xf32>,
      %add3A_1133 = arith.constant 2 : i32
      %add3A_1134 = vector.broadcast %add3A_1133 : i32 to vector<16xi32>
      %add3A_1135 = arith.addi %add3A_1128, %add3A_1134 : vector<16xi32>
      %gather3A_1136 = tpu.vector_load_idx %arg11[%add3A_1135] : memref<6144xf32, #tpu.memory_space<vmem>>[vector<16xi32>], vector<16xf32>,
      %mul3A_1137 = arith.constant 6.553600e+04 : f32
      %mul3A_1138 = vector.broadcast %mul3A_1137 : f32 to vector<16xf32>
      %mul3A_1139 = arith.mulf %gather3A, %mul3A_1138 : vector<16xf32>
      %mul3A_1140 = arith.constant 2.560000e+02 : f32
      %mul3A_1141 = vector.broadcast %mul3A_1140 : f32 to vector<16xf32>
      %mul3A_1142 = arith.mulf %gather3A_1132, %mul3A_1141 : vector<16xf32>
      %add3A_1143 = arith.addf %mul3A_1139, %mul3A_1142 : vector<16xf32>
      %add3A_1144 = arith.addf %add3A_1143, %gather3A_1136 : vector<16xf32>
      %convert_element_type3A = arith.fptosi %add3A_1144 : vector<16xf32> to vector<16xi32>
      %mul3A_1145 = arith.constant 16 : i32
      %mul3A_1146 = arith.muli %scan3A_1120, %mul3A_1145 : i32
      %add3A_1147 = vector.broadcast %mul3A_1146 : i32 to vector<16xi32>
      %add3A_1148 = arith.addi %add3A_1147, %iota3A : vector<16xi32>
      tpu.vector_store_idx %arg13[%add3A_1148], %convert_element_type3A : memref<2048xi32, #tpu.memory_space<vmem>>[vector<16xi32>], vector<16xi32>,
      %scan3A_1149 = arith.constant 0 : i32
      scf.yield %scan3A_1149 : i32
    }
    %scan3A_749 = arith.constant 128 : i32
    %dma_start3A_750 = arith.constant 0 : i32
    %dma_start3A_751 = tpu.memref_slice %arg15[%dma_start3A_750] : memref<6144xf32, #tpu.memory_space<vmem>> -> memref<2048xf32, #tpu.memory_space<vmem>>
    %dma_start3A_752 = arith.constant 0 : i32
    %dma_start3A_753 = tpu.memref_slice %arg3[%dma_start3A_752] : memref<16777216xf32, #tpu.memory_space<hbm>> -> memref<16777216xf32, #tpu.memory_space<hbm>>
    tpu.enqueue_indirect_dma source(%dma_start3A_753 : memref<16777216xf32, #tpu.memory_space<hbm>>) target(%dma_start3A_751 : memref<2048xf32, #tpu.memory_space<vmem>>) offsets(%arg13 : memref<2048xi32, #tpu.memory_space<vmem>>) semaphore(%arg22 : memref<!tpu.dma_semaphore, #tpu.memory_space<semaphore_mem>>)
    %dma_start3A_754 = arith.constant 2048 : i32
    %dma_start3A_755 = tpu.memref_slice %arg15[%dma_start3A_754] : memref<6144xf32, #tpu.memory_space<vmem>> -> memref<2048xf32, #tpu.memory_space<vmem>>
    %dma_start3A_756 = arith.constant 0 : i32
    %dma_start3A_757 = tpu.memref_slice %arg4[%dma_start3A_756] : memref<16777216xf32, #tpu.memory_space<hbm>> -> memref<16777216xf32, #tpu.memory_space<hbm>>
    tpu.enqueue_indirect_dma source(%dma_start3A_757 : memref<16777216xf32, #tpu.memory_space<hbm>>) target(%dma_start3A_755 : memref<2048xf32, #tpu.memory_space<vmem>>) offsets(%arg13 : memref<2048xi32, #tpu.memory_space<vmem>>) semaphore(%arg22 : memref<!tpu.dma_semaphore, #tpu.memory_space<semaphore_mem>>)
    %dma_start3A_758 = arith.constant 4096 : i32
    %dma_start3A_759 = tpu.memref_slice %arg15[%dma_start3A_758] : memref<6144xf32, #tpu.memory_space<vmem>> -> memref<2048xf32, #tpu.memory_space<vmem>>
    %dma_start3A_760 = arith.constant 0 : i32
    %dma_start3A_761 = tpu.memref_slice %arg5[%dma_start3A_760] : memref<16777216xf32, #tpu.memory_space<hbm>> -> memref<16777216xf32, #tpu.memory_space<hbm>>
    tpu.enqueue_indirect_dma source(%dma_start3A_761 : memref<16777216xf32, #tpu.memory_space<hbm>>) target(%dma_start3A_759 : memref<2048xf32, #tpu.memory_space<vmem>>) offsets(%arg13 : memref<2048xi32, #tpu.memory_space<vmem>>) semaphore(%arg22 : memref<!tpu.dma_semaphore, #tpu.memory_space<semaphore_mem>>)
    %dma_start3A_762 = arith.constant 0 : i32
    %dma_start3A_763 = tpu.memref_slice %arg17[%dma_start3A_762] : memref<6144xf32, #tpu.memory_space<vmem>> -> memref<2048xf32, #tpu.memory_space<vmem>>
    %dma_start3A_764 = arith.constant 0 : i32
    %dma_start3A_765 = tpu.memref_slice %arg6[%dma_start3A_764] : memref<16777216xf32, #tpu.memory_space<hbm>> -> memref<16777216xf32, #tpu.memory_space<hbm>>
    tpu.enqueue_indirect_dma source(%dma_start3A_765 : memref<16777216xf32, #tpu.memory_space<hbm>>) target(%dma_start3A_763 : memref<2048xf32, #tpu.memory_space<vmem>>) offsets(%arg13 : memref<2048xi32, #tpu.memory_space<vmem>>) semaphore(%arg24 : memref<!tpu.dma_semaphore, #tpu.memory_space<semaphore_mem>>)
    %dma_start3A_766 = arith.constant 2048 : i32
    %dma_start3A_767 = tpu.memref_slice %arg17[%dma_start3A_766] : memref<6144xf32, #tpu.memory_space<vmem>> -> memref<2048xf32, #tpu.memory_space<vmem>>
    %dma_start3A_768 = arith.constant 0 : i32
    %dma_start3A_769 = tpu.memref_slice %arg7[%dma_start3A_768] : memref<16777216xf32, #tpu.memory_space<hbm>> -> memref<16777216xf32, #tpu.memory_space<hbm>>
    tpu.enqueue_indirect_dma source(%dma_start3A_769 : memref<16777216xf32, #tpu.memory_space<hbm>>) target(%dma_start3A_767 : memref<2048xf32, #tpu.memory_space<vmem>>) offsets(%arg13 : memref<2048xi32, #tpu.memory_space<vmem>>) semaphore(%arg24 : memref<!tpu.dma_semaphore, #tpu.memory_space<semaphore_mem>>)
    %dma_start3A_770 = arith.constant 4096 : i32
    %dma_start3A_771 = tpu.memref_slice %arg17[%dma_start3A_770] : memref<6144xf32, #tpu.memory_space<vmem>> -> memref<2048xf32, #tpu.memory_space<vmem>>
    %dma_start3A_772 = arith.constant 0 : i32
    %dma_start3A_773 = tpu.memref_slice %arg8[%dma_start3A_772] : memref<16777216xf32, #tpu.memory_space<hbm>> -> memref<16777216xf32, #tpu.memory_space<hbm>>
    tpu.enqueue_indirect_dma source(%dma_start3A_773 : memref<16777216xf32, #tpu.memory_space<hbm>>) target(%dma_start3A_771 : memref<2048xf32, #tpu.memory_space<vmem>>) offsets(%arg13 : memref<2048xi32, #tpu.memory_space<vmem>>) semaphore(%arg24 : memref<!tpu.dma_semaphore, #tpu.memory_space<semaphore_mem>>)
    %dma_wait3A_774 = arith.constant 0 : i32
    %dma_wait3A_775 = tpu.memref_slice %arg14[%dma_wait3A_774] : memref<6144xf32, #tpu.memory_space<vmem>> -> memref<2048xf32, #tpu.memory_space<vmem>>
    %dma_wait3A_776 = arith.constant 0 : i32
    %dma_wait3A_777 = tpu.memref_slice %arg3[%dma_wait3A_776] : memref<16777216xf32, #tpu.memory_space<hbm>> -> memref<16777216xf32, #tpu.memory_space<hbm>>
    tpu.wait_indirect_dma semaphore(%arg21 : memref<!tpu.dma_semaphore, #tpu.memory_space<semaphore_mem>>) src(%dma_wait3A_777 : memref<16777216xf32, #tpu.memory_space<hbm>>) dst(%dma_wait3A_775 : memref<2048xf32, #tpu.memory_space<vmem>>)
    %dma_wait3A_778 = arith.constant 2048 : i32
    %dma_wait3A_779 = tpu.memref_slice %arg14[%dma_wait3A_778] : memref<6144xf32, #tpu.memory_space<vmem>> -> memref<2048xf32, #tpu.memory_space<vmem>>
    %dma_wait3A_780 = arith.constant 0 : i32
    %dma_wait3A_781 = tpu.memref_slice %arg4[%dma_wait3A_780] : memref<16777216xf32, #tpu.memory_space<hbm>> -> memref<16777216xf32, #tpu.memory_space<hbm>>
    tpu.wait_indirect_dma semaphore(%arg21 : memref<!tpu.dma_semaphore, #tpu.memory_space<semaphore_mem>>) src(%dma_wait3A_781 : memref<16777216xf32, #tpu.memory_space<hbm>>) dst(%dma_wait3A_779 : memref<2048xf32, #tpu.memory_space<vmem>>)
    %dma_wait3A_782 = arith.constant 4096 : i32
    %dma_wait3A_783 = tpu.memref_slice %arg14[%dma_wait3A_782] : memref<6144xf32, #tpu.memory_space<vmem>> -> memref<2048xf32, #tpu.memory_space<vmem>>
    %dma_wait3A_784 = arith.constant 0 : i32
    %dma_wait3A_785 = tpu.memref_slice %arg5[%dma_wait3A_784] : memref<16777216xf32, #tpu.memory_space<hbm>> -> memref<16777216xf32, #tpu.memory_space<hbm>>
    tpu.wait_indirect_dma semaphore(%arg21 : memref<!tpu.dma_semaphore, #tpu.memory_space<semaphore_mem>>) src(%dma_wait3A_785 : memref<16777216xf32, #tpu.memory_space<hbm>>) dst(%dma_wait3A_783 : memref<2048xf32, #tpu.memory_space<vmem>>)
    %dma_wait3A_786 = arith.constant 0 : i32
    %dma_wait3A_787 = tpu.memref_slice %arg16[%dma_wait3A_786] : memref<6144xf32, #tpu.memory_space<vmem>> -> memref<2048xf32, #tpu.memory_space<vmem>>
    %dma_wait3A_788 = arith.constant 0 : i32
    %dma_wait3A_789 = tpu.memref_slice %arg6[%dma_wait3A_788] : memref<16777216xf32, #tpu.memory_space<hbm>> -> memref<16777216xf32, #tpu.memory_space<hbm>>
    tpu.wait_indirect_dma semaphore(%arg23 : memref<!tpu.dma_semaphore, #tpu.memory_space<semaphore_mem>>) src(%dma_wait3A_789 : memref<16777216xf32, #tpu.memory_space<hbm>>) dst(%dma_wait3A_787 : memref<2048xf32, #tpu.memory_space<vmem>>)
    %dma_wait3A_790 = arith.constant 2048 : i32
    %dma_wait3A_791 = tpu.memref_slice %arg16[%dma_wait3A_790] : memref<6144xf32, #tpu.memory_space<vmem>> -> memref<2048xf32, #tpu.memory_space<vmem>>
    %dma_wait3A_792 = arith.constant 0 : i32
    %dma_wait3A_793 = tpu.memref_slice %arg7[%dma_wait3A_792] : memref<16777216xf32, #tpu.memory_space<hbm>> -> memref<16777216xf32, #tpu.memory_space<hbm>>
    tpu.wait_indirect_dma semaphore(%arg23 : memref<!tpu.dma_semaphore, #tpu.memory_space<semaphore_mem>>) src(%dma_wait3A_793 : memref<16777216xf32, #tpu.memory_space<hbm>>) dst(%dma_wait3A_791 : memref<2048xf32, #tpu.memory_space<vmem>>)
    %dma_wait3A_794 = arith.constant 4096 : i32
    %dma_wait3A_795 = tpu.memref_slice %arg16[%dma_wait3A_794] : memref<6144xf32, #tpu.memory_space<vmem>> -> memref<2048xf32, #tpu.memory_space<vmem>>
    %dma_wait3A_796 = arith.constant 0 : i32
    %dma_wait3A_797 = tpu.memref_slice %arg8[%dma_wait3A_796] : memref<16777216xf32, #tpu.memory_space<hbm>> -> memref<16777216xf32, #tpu.memory_space<hbm>>
    tpu.wait_indirect_dma semaphore(%arg23 : memref<!tpu.dma_semaphore, #tpu.memory_space<semaphore_mem>>) src(%dma_wait3A_797 : memref<16777216xf32, #tpu.memory_space<hbm>>) dst(%dma_wait3A_795 : memref<2048xf32, #tpu.memory_space<vmem>>)
    %scan3A_798 = arith.constant 0 : i32
    %scan3A_799 = arith.constant 0 : i32
    %scan3A_800 = arith.constant 384 : i32
    %scan3A_801 = arith.addi %scan3A_799, %scan3A_800 : i32
    %scan3A_802 = arith.constant 1 : i32
    %scan3A_803 = scf.for %scan3A_1120 = %scan3A_799 to %scan3A_801 step %scan3A_802 iter_args(%scan3A_1121 = %scan3A_798) -> (i32)  : i32 {
      %mul3A_1122 = arith.constant 16 : i32
      %mul3A_1123 = arith.muli %scan3A_1120, %mul3A_1122 : i32
      %mul3A_1124 = arith.constant 16 : i32
      %mul3A_1125 = arith.muli %scan3A_1120, %mul3A_1124 : i32
      %add3A_1126 = vector.broadcast %mul3A_1125 : i32 to vector<16xi32>
      %add3A_1127 = arith.addi %add3A_1126, %iota3A : vector<16xi32>
      %mul3A_1128 = arith.constant 21846 : i32
      %mul3A_1129 = vector.broadcast %mul3A_1128 : i32 to vector<16xi32>
      %mul3A_1130 = arith.muli %add3A_1127, %mul3A_1129 : vector<16xi32>
      %shift_right_logical3A = arith.constant 16 : i32
      %shift_right_logical3A_1131 = vector.broadcast %shift_right_logical3A : i32 to vector<16xi32>
      %shift_right_logical3A_1132 = arith.shrui %mul3A_1130, %shift_right_logical3A_1131 : vector<16xi32>
      %mul3A_1133 = arith.constant 3 : i32
      %mul3A_1134 = vector.broadcast %mul3A_1133 : i32 to vector<16xi32>
      %mul3A_1135 = arith.muli %shift_right_logical3A_1132, %mul3A_1134 : vector<16xi32>
      %sub3A = arith.subi %add3A_1127, %mul3A_1135 : vector<16xi32>
      %mul3A_1136 = arith.constant 2048 : i32
      %mul3A_1137 = vector.broadcast %mul3A_1136 : i32 to vector<16xi32>
      %mul3A_1138 = arith.muli %sub3A, %mul3A_1137 : vector<16xi32>
      %add3A_1139 = arith.addi %mul3A_1138, %shift_right_logical3A_1132 : vector<16xi32>
      %gather3A = tpu.vector_load_idx %arg14[%add3A_1139] : memref<6144xf32, #tpu.memory_space<vmem>>[vector<16xi32>], vector<16xf32>,
      %gather3A_1140 = tpu.vector_load_idx %arg16[%add3A_1139] : memref<6144xf32, #tpu.memory_space<vmem>>[vector<16xi32>], vector<16xf32>,
      %get3A = arith.index_cast %mul3A_1123 : i32 to index
      %get3A_1141 = tpu.vector_load %arg10[%get3A] {strides = array<i32>} : memref<6144xf32, #tpu.memory_space<vmem>>, vector<16xf32>,
      %mul3A_1142 = arith.mulf %get3A_1141, %gather3A : vector<16xf32>
      %add3A_1143 = arith.addf %mul3A_1142, %gather3A_1140 : vector<16xf32>
      %abs3A = math.absf %add3A_1143 : vector<16xf32>
      %mul3A_1144 = arith.constant -2.000000e+00 : f32
      %mul3A_1145 = vector.broadcast %mul3A_1144 : f32 to vector<16xf32>
      %mul3A_1146 = arith.mulf %mul3A_1145, %abs3A : vector<16xf32>
      %exp3A = math.exp %mul3A_1146 : vector<16xf32>
      %sign3A = tpu.bitcast %add3A_1143 : vector<16xf32> -> vector<16xi32>
      %sign3A_1147 = arith.constant -2147483648 : i32
      %sign3A_1148 = vector.broadcast %sign3A_1147 : i32 to vector<16xi32>
      %sign3A_1149 = arith.andi %sign3A, %sign3A_1148 : vector<16xi32>
      %sign3A_1150 = arith.constant 1065353216 : i32
      %sign3A_1151 = vector.broadcast %sign3A_1150 : i32 to vector<16xi32>
      %sign3A_1152 = arith.ori %sign3A_1151, %sign3A_1149 : vector<16xi32>
      %sign3A_1153 = tpu.bitcast %sign3A_1152 : vector<16xi32> -> vector<16xf32>
      %sign3A_1154 = math.absf %add3A_1143 : vector<16xf32>
      %sign3A_1155 = arith.constant 0.000000e+00 : f32
      %sign3A_1156 = vector.broadcast %sign3A_1155 : f32 to vector<16xf32>
      %sign3A_1157 = arith.cmpf ogt, %sign3A_1154, %sign3A_1156 : vector<16xf32>
      %sign3A_1158 = arith.select %sign3A_1157, %sign3A_1153, %add3A_1143 : vector<16xi1>, vector<16xf32>
      %sub3A_1159 = arith.constant 1.000000e+00 : f32
      %sub3A_1160 = vector.broadcast %sub3A_1159 : f32 to vector<16xf32>
      %sub3A_1161 = arith.subf %sub3A_1160, %exp3A : vector<16xf32>
      %add3A_1162 = arith.constant 1.000000e+00 : f32
      %add3A_1163 = vector.broadcast %add3A_1162 : f32 to vector<16xf32>
      %add3A_1164 = arith.addf %add3A_1163, %exp3A : vector<16xf32>
      %div3A = arith.divf %sub3A_1161, %add3A_1164 : vector<16xf32>
      %mul3A_1165 = arith.mulf %sign3A_1158, %div3A : vector<16xf32>
      %swap3A = arith.index_cast %mul3A_1123 : i32 to index
      %swap3A_1166 = tpu.vector_load %arg18[%swap3A] {strides = array<i32>} : memref<6144xf32, #tpu.memory_space<vmem>>, vector<16xf32>,
      tpu.vector_store %arg18[%swap3A], %mul3A_1165 {strides = array<i32>} : memref<6144xf32, #tpu.memory_space<vmem>>, vector<16xf32>,
      %scan3A_1167 = arith.constant 0 : i32
      scf.yield %scan3A_1167 : i32
    }
    %scan3A_804 = arith.constant 384 : i32
    %add3A_805 = arith.constant 61440 : i32
    %add3A_806 = arith.addi %mul3A_2, %add3A_805 : i32
    "tpu.region"() ({
      %run_scoped3A = tpu.sem_alloc : memref<!tpu.dma_semaphore, #tpu.memory_space<semaphore_mem>>
      %dma_start3A_1120 = tpu.memref_slice %arg9[%add3A_806] : memref<3145728xf32, #tpu.memory_space<hbm>> -> memref<6144xf32, #tpu.memory_space<hbm>>
      %dma_start3A_1121 = tpu.memref_slice %arg9[%add3A_806] : memref<3145728xf32, #tpu.memory_space<hbm>> -> memref<6144xf32, #tpu.memory_space<hbm>>
      tpu.enqueue_dma source(%arg18 : memref<6144xf32, #tpu.memory_space<vmem>>) target(%dma_start3A_1121 : memref<6144xf32, #tpu.memory_space<hbm>>) target_semaphore(%run_scoped3A : memref<!tpu.dma_semaphore, #tpu.memory_space<semaphore_mem>>)
      %dma_wait3A_1122 = tpu.memref_slice %arg9[%add3A_806] : memref<3145728xf32, #tpu.memory_space<hbm>> -> memref<6144xf32, #tpu.memory_space<hbm>>
      %dma_wait3A_1123 = tpu.memref_slice %arg9[%add3A_806] : memref<3145728xf32, #tpu.memory_space<hbm>> -> memref<6144xf32, #tpu.memory_space<hbm>>
      tpu.wait_dma2 semaphore(%run_scoped3A : memref<!tpu.dma_semaphore, #tpu.memory_space<semaphore_mem>>) src(%arg18 : memref<6144xf32, #tpu.memory_space<vmem>>) dst(%dma_wait3A_1123 : memref<6144xf32, #tpu.memory_space<hbm>>)
      tpu.yield
    }) : () -> ()
    %add3A_807 = arith.constant 73728 : i32
    %add3A_808 = arith.addi %mul3A_2, %add3A_807 : i32
    %dma_start3A_809 = tpu.memref_slice %arg2[%add3A_808] : memref<3145728xf32, #tpu.memory_space<hbm>> -> memref<6144xf32, #tpu.memory_space<hbm>>
    %dma_start3A_810 = tpu.memref_slice %arg2[%add3A_808] : memref<3145728xf32, #tpu.memory_space<hbm>> -> memref<6144xf32, #tpu.memory_space<hbm>>
    tpu.enqueue_dma source(%dma_start3A_810 : memref<6144xf32, #tpu.memory_space<hbm>>) target(%arg10 : memref<6144xf32, #tpu.memory_space<vmem>>) target_semaphore(%arg19 : memref<!tpu.dma_semaphore, #tpu.memory_space<semaphore_mem>>)
    %dma_wait3A_811 = tpu.memref_slice %arg2[%add3A_808] : memref<3145728xf32, #tpu.memory_space<hbm>> -> memref<6144xf32, #tpu.memory_space<hbm>>
    %dma_wait3A_812 = tpu.memref_slice %arg2[%add3A_808] : memref<3145728xf32, #tpu.memory_space<hbm>> -> memref<6144xf32, #tpu.memory_space<hbm>>
    tpu.wait_dma2 semaphore(%arg19 : memref<!tpu.dma_semaphore, #tpu.memory_space<semaphore_mem>>) src(%dma_wait3A_812 : memref<6144xf32, #tpu.memory_space<hbm>>) dst(%arg10 : memref<6144xf32, #tpu.memory_space<vmem>>)
    %scan3A_813 = arith.constant 0 : i32
    %scan3A_814 = arith.constant 0 : i32
    %scan3A_815 = arith.constant 128 : i32
    %scan3A_816 = arith.addi %scan3A_814, %scan3A_815 : i32
    %scan3A_817 = arith.constant 1 : i32
    %scan3A_818 = scf.for %scan3A_1120 = %scan3A_814 to %scan3A_816 step %scan3A_817 iter_args(%scan3A_1121 = %scan3A_813) -> (i32)  : i32 {
      %mul3A_1122 = arith.constant 48 : i32
      %mul3A_1123 = arith.muli %scan3A_1120, %mul3A_1122 : i32
      %mul3A_1124 = arith.constant 3 : i32
      %mul3A_1125 = vector.broadcast %mul3A_1124 : i32 to vector<16xi32>
      %mul3A_1126 = arith.muli %iota3A, %mul3A_1125 : vector<16xi32>
      %add3A_1127 = vector.broadcast %mul3A_1123 : i32 to vector<16xi32>
      %add3A_1128 = arith.addi %add3A_1127, %mul3A_1126 : vector<16xi32>
      %gather3A = tpu.vector_load_idx %arg10[%add3A_1128] : memref<6144xf32, #tpu.memory_space<vmem>>[vector<16xi32>], vector<16xf32>,
      %add3A_1129 = arith.constant 1 : i32
      %add3A_1130 = vector.broadcast %add3A_1129 : i32 to vector<16xi32>
      %add3A_1131 = arith.addi %add3A_1128, %add3A_1130 : vector<16xi32>
      %gather3A_1132 = tpu.vector_load_idx %arg10[%add3A_1131] : memref<6144xf32, #tpu.memory_space<vmem>>[vector<16xi32>], vector<16xf32>,
      %add3A_1133 = arith.constant 2 : i32
      %add3A_1134 = vector.broadcast %add3A_1133 : i32 to vector<16xi32>
      %add3A_1135 = arith.addi %add3A_1128, %add3A_1134 : vector<16xi32>
      %gather3A_1136 = tpu.vector_load_idx %arg10[%add3A_1135] : memref<6144xf32, #tpu.memory_space<vmem>>[vector<16xi32>], vector<16xf32>,
      %mul3A_1137 = arith.constant 6.553600e+04 : f32
      %mul3A_1138 = vector.broadcast %mul3A_1137 : f32 to vector<16xf32>
      %mul3A_1139 = arith.mulf %gather3A, %mul3A_1138 : vector<16xf32>
      %mul3A_1140 = arith.constant 2.560000e+02 : f32
      %mul3A_1141 = vector.broadcast %mul3A_1140 : f32 to vector<16xf32>
      %mul3A_1142 = arith.mulf %gather3A_1132, %mul3A_1141 : vector<16xf32>
      %add3A_1143 = arith.addf %mul3A_1139, %mul3A_1142 : vector<16xf32>
      %add3A_1144 = arith.addf %add3A_1143, %gather3A_1136 : vector<16xf32>
      %convert_element_type3A = arith.fptosi %add3A_1144 : vector<16xf32> to vector<16xi32>
      %mul3A_1145 = arith.constant 16 : i32
      %mul3A_1146 = arith.muli %scan3A_1120, %mul3A_1145 : i32
      %add3A_1147 = vector.broadcast %mul3A_1146 : i32 to vector<16xi32>
      %add3A_1148 = arith.addi %add3A_1147, %iota3A : vector<16xi32>
      tpu.vector_store_idx %arg12[%add3A_1148], %convert_element_type3A : memref<2048xi32, #tpu.memory_space<vmem>>[vector<16xi32>], vector<16xi32>,
      %scan3A_1149 = arith.constant 0 : i32
      scf.yield %scan3A_1149 : i32
    }
    %scan3A_819 = arith.constant 128 : i32
    %dma_start3A_820 = arith.constant 0 : i32
    %dma_start3A_821 = tpu.memref_slice %arg14[%dma_start3A_820] : memref<6144xf32, #tpu.memory_space<vmem>> -> memref<2048xf32, #tpu.memory_space<vmem>>
    %dma_start3A_822 = arith.constant 0 : i32
    %dma_start3A_823 = tpu.memref_slice %arg3[%dma_start3A_822] : memref<16777216xf32, #tpu.memory_space<hbm>> -> memref<16777216xf32, #tpu.memory_space<hbm>>
    tpu.enqueue_indirect_dma source(%dma_start3A_823 : memref<16777216xf32, #tpu.memory_space<hbm>>) target(%dma_start3A_821 : memref<2048xf32, #tpu.memory_space<vmem>>) offsets(%arg12 : memref<2048xi32, #tpu.memory_space<vmem>>) semaphore(%arg21 : memref<!tpu.dma_semaphore, #tpu.memory_space<semaphore_mem>>)
    %dma_start3A_824 = arith.constant 2048 : i32
    %dma_start3A_825 = tpu.memref_slice %arg14[%dma_start3A_824] : memref<6144xf32, #tpu.memory_space<vmem>> -> memref<2048xf32, #tpu.memory_space<vmem>>
    %dma_start3A_826 = arith.constant 0 : i32
    %dma_start3A_827 = tpu.memref_slice %arg4[%dma_start3A_826] : memref<16777216xf32, #tpu.memory_space<hbm>> -> memref<16777216xf32, #tpu.memory_space<hbm>>
    tpu.enqueue_indirect_dma source(%dma_start3A_827 : memref<16777216xf32, #tpu.memory_space<hbm>>) target(%dma_start3A_825 : memref<2048xf32, #tpu.memory_space<vmem>>) offsets(%arg12 : memref<2048xi32, #tpu.memory_space<vmem>>) semaphore(%arg21 : memref<!tpu.dma_semaphore, #tpu.memory_space<semaphore_mem>>)
    %dma_start3A_828 = arith.constant 4096 : i32
    %dma_start3A_829 = tpu.memref_slice %arg14[%dma_start3A_828] : memref<6144xf32, #tpu.memory_space<vmem>> -> memref<2048xf32, #tpu.memory_space<vmem>>
    %dma_start3A_830 = arith.constant 0 : i32
    %dma_start3A_831 = tpu.memref_slice %arg5[%dma_start3A_830] : memref<16777216xf32, #tpu.memory_space<hbm>> -> memref<16777216xf32, #tpu.memory_space<hbm>>
    tpu.enqueue_indirect_dma source(%dma_start3A_831 : memref<16777216xf32, #tpu.memory_space<hbm>>) target(%dma_start3A_829 : memref<2048xf32, #tpu.memory_space<vmem>>) offsets(%arg12 : memref<2048xi32, #tpu.memory_space<vmem>>) semaphore(%arg21 : memref<!tpu.dma_semaphore, #tpu.memory_space<semaphore_mem>>)
    %dma_start3A_832 = arith.constant 0 : i32
    %dma_start3A_833 = tpu.memref_slice %arg16[%dma_start3A_832] : memref<6144xf32, #tpu.memory_space<vmem>> -> memref<2048xf32, #tpu.memory_space<vmem>>
    %dma_start3A_834 = arith.constant 0 : i32
    %dma_start3A_835 = tpu.memref_slice %arg6[%dma_start3A_834] : memref<16777216xf32, #tpu.memory_space<hbm>> -> memref<16777216xf32, #tpu.memory_space<hbm>>
    tpu.enqueue_indirect_dma source(%dma_start3A_835 : memref<16777216xf32, #tpu.memory_space<hbm>>) target(%dma_start3A_833 : memref<2048xf32, #tpu.memory_space<vmem>>) offsets(%arg12 : memref<2048xi32, #tpu.memory_space<vmem>>) semaphore(%arg23 : memref<!tpu.dma_semaphore, #tpu.memory_space<semaphore_mem>>)
    %dma_start3A_836 = arith.constant 2048 : i32
    %dma_start3A_837 = tpu.memref_slice %arg16[%dma_start3A_836] : memref<6144xf32, #tpu.memory_space<vmem>> -> memref<2048xf32, #tpu.memory_space<vmem>>
    %dma_start3A_838 = arith.constant 0 : i32
    %dma_start3A_839 = tpu.memref_slice %arg7[%dma_start3A_838] : memref<16777216xf32, #tpu.memory_space<hbm>> -> memref<16777216xf32, #tpu.memory_space<hbm>>
    tpu.enqueue_indirect_dma source(%dma_start3A_839 : memref<16777216xf32, #tpu.memory_space<hbm>>) target(%dma_start3A_837 : memref<2048xf32, #tpu.memory_space<vmem>>) offsets(%arg12 : memref<2048xi32, #tpu.memory_space<vmem>>) semaphore(%arg23 : memref<!tpu.dma_semaphore, #tpu.memory_space<semaphore_mem>>)
    %dma_start3A_840 = arith.constant 4096 : i32
    %dma_start3A_841 = tpu.memref_slice %arg16[%dma_start3A_840] : memref<6144xf32, #tpu.memory_space<vmem>> -> memref<2048xf32, #tpu.memory_space<vmem>>
    %dma_start3A_842 = arith.constant 0 : i32
    %dma_start3A_843 = tpu.memref_slice %arg8[%dma_start3A_842] : memref<16777216xf32, #tpu.memory_space<hbm>> -> memref<16777216xf32, #tpu.memory_space<hbm>>
    tpu.enqueue_indirect_dma source(%dma_start3A_843 : memref<16777216xf32, #tpu.memory_space<hbm>>) target(%dma_start3A_841 : memref<2048xf32, #tpu.memory_space<vmem>>) offsets(%arg12 : memref<2048xi32, #tpu.memory_space<vmem>>) semaphore(%arg23 : memref<!tpu.dma_semaphore, #tpu.memory_space<semaphore_mem>>)
    %dma_wait3A_844 = arith.constant 0 : i32
    %dma_wait3A_845 = tpu.memref_slice %arg15[%dma_wait3A_844] : memref<6144xf32, #tpu.memory_space<vmem>> -> memref<2048xf32, #tpu.memory_space<vmem>>
    %dma_wait3A_846 = arith.constant 0 : i32
    %dma_wait3A_847 = tpu.memref_slice %arg3[%dma_wait3A_846] : memref<16777216xf32, #tpu.memory_space<hbm>> -> memref<16777216xf32, #tpu.memory_space<hbm>>
    tpu.wait_indirect_dma semaphore(%arg22 : memref<!tpu.dma_semaphore, #tpu.memory_space<semaphore_mem>>) src(%dma_wait3A_847 : memref<16777216xf32, #tpu.memory_space<hbm>>) dst(%dma_wait3A_845 : memref<2048xf32, #tpu.memory_space<vmem>>)
    %dma_wait3A_848 = arith.constant 2048 : i32
    %dma_wait3A_849 = tpu.memref_slice %arg15[%dma_wait3A_848] : memref<6144xf32, #tpu.memory_space<vmem>> -> memref<2048xf32, #tpu.memory_space<vmem>>
    %dma_wait3A_850 = arith.constant 0 : i32
    %dma_wait3A_851 = tpu.memref_slice %arg4[%dma_wait3A_850] : memref<16777216xf32, #tpu.memory_space<hbm>> -> memref<16777216xf32, #tpu.memory_space<hbm>>
    tpu.wait_indirect_dma semaphore(%arg22 : memref<!tpu.dma_semaphore, #tpu.memory_space<semaphore_mem>>) src(%dma_wait3A_851 : memref<16777216xf32, #tpu.memory_space<hbm>>) dst(%dma_wait3A_849 : memref<2048xf32, #tpu.memory_space<vmem>>)
    %dma_wait3A_852 = arith.constant 4096 : i32
    %dma_wait3A_853 = tpu.memref_slice %arg15[%dma_wait3A_852] : memref<6144xf32, #tpu.memory_space<vmem>> -> memref<2048xf32, #tpu.memory_space<vmem>>
    %dma_wait3A_854 = arith.constant 0 : i32
    %dma_wait3A_855 = tpu.memref_slice %arg5[%dma_wait3A_854] : memref<16777216xf32, #tpu.memory_space<hbm>> -> memref<16777216xf32, #tpu.memory_space<hbm>>
    tpu.wait_indirect_dma semaphore(%arg22 : memref<!tpu.dma_semaphore, #tpu.memory_space<semaphore_mem>>) src(%dma_wait3A_855 : memref<16777216xf32, #tpu.memory_space<hbm>>) dst(%dma_wait3A_853 : memref<2048xf32, #tpu.memory_space<vmem>>)
    %dma_wait3A_856 = arith.constant 0 : i32
    %dma_wait3A_857 = tpu.memref_slice %arg17[%dma_wait3A_856] : memref<6144xf32, #tpu.memory_space<vmem>> -> memref<2048xf32, #tpu.memory_space<vmem>>
    %dma_wait3A_858 = arith.constant 0 : i32
    %dma_wait3A_859 = tpu.memref_slice %arg6[%dma_wait3A_858] : memref<16777216xf32, #tpu.memory_space<hbm>> -> memref<16777216xf32, #tpu.memory_space<hbm>>
    tpu.wait_indirect_dma semaphore(%arg24 : memref<!tpu.dma_semaphore, #tpu.memory_space<semaphore_mem>>) src(%dma_wait3A_859 : memref<16777216xf32, #tpu.memory_space<hbm>>) dst(%dma_wait3A_857 : memref<2048xf32, #tpu.memory_space<vmem>>)
    %dma_wait3A_860 = arith.constant 2048 : i32
    %dma_wait3A_861 = tpu.memref_slice %arg17[%dma_wait3A_860] : memref<6144xf32, #tpu.memory_space<vmem>> -> memref<2048xf32, #tpu.memory_space<vmem>>
    %dma_wait3A_862 = arith.constant 0 : i32
    %dma_wait3A_863 = tpu.memref_slice %arg7[%dma_wait3A_862] : memref<16777216xf32, #tpu.memory_space<hbm>> -> memref<16777216xf32, #tpu.memory_space<hbm>>
    tpu.wait_indirect_dma semaphore(%arg24 : memref<!tpu.dma_semaphore, #tpu.memory_space<semaphore_mem>>) src(%dma_wait3A_863 : memref<16777216xf32, #tpu.memory_space<hbm>>) dst(%dma_wait3A_861 : memref<2048xf32, #tpu.memory_space<vmem>>)
    %dma_wait3A_864 = arith.constant 4096 : i32
    %dma_wait3A_865 = tpu.memref_slice %arg17[%dma_wait3A_864] : memref<6144xf32, #tpu.memory_space<vmem>> -> memref<2048xf32, #tpu.memory_space<vmem>>
    %dma_wait3A_866 = arith.constant 0 : i32
    %dma_wait3A_867 = tpu.memref_slice %arg8[%dma_wait3A_866] : memref<16777216xf32, #tpu.memory_space<hbm>> -> memref<16777216xf32, #tpu.memory_space<hbm>>
    tpu.wait_indirect_dma semaphore(%arg24 : memref<!tpu.dma_semaphore, #tpu.memory_space<semaphore_mem>>) src(%dma_wait3A_867 : memref<16777216xf32, #tpu.memory_space<hbm>>) dst(%dma_wait3A_865 : memref<2048xf32, #tpu.memory_space<vmem>>)
    %scan3A_868 = arith.constant 0 : i32
    %scan3A_869 = arith.constant 0 : i32
    %scan3A_870 = arith.constant 384 : i32
    %scan3A_871 = arith.addi %scan3A_869, %scan3A_870 : i32
    %scan3A_872 = arith.constant 1 : i32
    %scan3A_873 = scf.for %scan3A_1120 = %scan3A_869 to %scan3A_871 step %scan3A_872 iter_args(%scan3A_1121 = %scan3A_868) -> (i32)  : i32 {
      %mul3A_1122 = arith.constant 16 : i32
      %mul3A_1123 = arith.muli %scan3A_1120, %mul3A_1122 : i32
      %mul3A_1124 = arith.constant 16 : i32
      %mul3A_1125 = arith.muli %scan3A_1120, %mul3A_1124 : i32
      %add3A_1126 = vector.broadcast %mul3A_1125 : i32 to vector<16xi32>
      %add3A_1127 = arith.addi %add3A_1126, %iota3A : vector<16xi32>
      %mul3A_1128 = arith.constant 21846 : i32
      %mul3A_1129 = vector.broadcast %mul3A_1128 : i32 to vector<16xi32>
      %mul3A_1130 = arith.muli %add3A_1127, %mul3A_1129 : vector<16xi32>
      %shift_right_logical3A = arith.constant 16 : i32
      %shift_right_logical3A_1131 = vector.broadcast %shift_right_logical3A : i32 to vector<16xi32>
      %shift_right_logical3A_1132 = arith.shrui %mul3A_1130, %shift_right_logical3A_1131 : vector<16xi32>
      %mul3A_1133 = arith.constant 3 : i32
      %mul3A_1134 = vector.broadcast %mul3A_1133 : i32 to vector<16xi32>
      %mul3A_1135 = arith.muli %shift_right_logical3A_1132, %mul3A_1134 : vector<16xi32>
      %sub3A = arith.subi %add3A_1127, %mul3A_1135 : vector<16xi32>
      %mul3A_1136 = arith.constant 2048 : i32
      %mul3A_1137 = vector.broadcast %mul3A_1136 : i32 to vector<16xi32>
      %mul3A_1138 = arith.muli %sub3A, %mul3A_1137 : vector<16xi32>
      %add3A_1139 = arith.addi %mul3A_1138, %shift_right_logical3A_1132 : vector<16xi32>
      %gather3A = tpu.vector_load_idx %arg15[%add3A_1139] : memref<6144xf32, #tpu.memory_space<vmem>>[vector<16xi32>], vector<16xf32>,
      %gather3A_1140 = tpu.vector_load_idx %arg17[%add3A_1139] : memref<6144xf32, #tpu.memory_space<vmem>>[vector<16xi32>], vector<16xf32>,
      %get3A = arith.index_cast %mul3A_1123 : i32 to index
      %get3A_1141 = tpu.vector_load %arg11[%get3A] {strides = array<i32>} : memref<6144xf32, #tpu.memory_space<vmem>>, vector<16xf32>,
      %mul3A_1142 = arith.mulf %get3A_1141, %gather3A : vector<16xf32>
      %add3A_1143 = arith.addf %mul3A_1142, %gather3A_1140 : vector<16xf32>
      %abs3A = math.absf %add3A_1143 : vector<16xf32>
      %mul3A_1144 = arith.constant -2.000000e+00 : f32
      %mul3A_1145 = vector.broadcast %mul3A_1144 : f32 to vector<16xf32>
      %mul3A_1146 = arith.mulf %mul3A_1145, %abs3A : vector<16xf32>
      %exp3A = math.exp %mul3A_1146 : vector<16xf32>
      %sign3A = tpu.bitcast %add3A_1143 : vector<16xf32> -> vector<16xi32>
      %sign3A_1147 = arith.constant -2147483648 : i32
      %sign3A_1148 = vector.broadcast %sign3A_1147 : i32 to vector<16xi32>
      %sign3A_1149 = arith.andi %sign3A, %sign3A_1148 : vector<16xi32>
      %sign3A_1150 = arith.constant 1065353216 : i32
      %sign3A_1151 = vector.broadcast %sign3A_1150 : i32 to vector<16xi32>
      %sign3A_1152 = arith.ori %sign3A_1151, %sign3A_1149 : vector<16xi32>
      %sign3A_1153 = tpu.bitcast %sign3A_1152 : vector<16xi32> -> vector<16xf32>
      %sign3A_1154 = math.absf %add3A_1143 : vector<16xf32>
      %sign3A_1155 = arith.constant 0.000000e+00 : f32
      %sign3A_1156 = vector.broadcast %sign3A_1155 : f32 to vector<16xf32>
      %sign3A_1157 = arith.cmpf ogt, %sign3A_1154, %sign3A_1156 : vector<16xf32>
      %sign3A_1158 = arith.select %sign3A_1157, %sign3A_1153, %add3A_1143 : vector<16xi1>, vector<16xf32>
      %sub3A_1159 = arith.constant 1.000000e+00 : f32
      %sub3A_1160 = vector.broadcast %sub3A_1159 : f32 to vector<16xf32>
      %sub3A_1161 = arith.subf %sub3A_1160, %exp3A : vector<16xf32>
      %add3A_1162 = arith.constant 1.000000e+00 : f32
      %add3A_1163 = vector.broadcast %add3A_1162 : f32 to vector<16xf32>
      %add3A_1164 = arith.addf %add3A_1163, %exp3A : vector<16xf32>
      %div3A = arith.divf %sub3A_1161, %add3A_1164 : vector<16xf32>
      %mul3A_1165 = arith.mulf %sign3A_1158, %div3A : vector<16xf32>
      %swap3A = arith.index_cast %mul3A_1123 : i32 to index
      %swap3A_1166 = tpu.vector_load %arg18[%swap3A] {strides = array<i32>} : memref<6144xf32, #tpu.memory_space<vmem>>, vector<16xf32>,
      tpu.vector_store %arg18[%swap3A], %mul3A_1165 {strides = array<i32>} : memref<6144xf32, #tpu.memory_space<vmem>>, vector<16xf32>,
      %scan3A_1167 = arith.constant 0 : i32
      scf.yield %scan3A_1167 : i32
    }
    %scan3A_874 = arith.constant 384 : i32
    %add3A_875 = arith.constant 67584 : i32
    %add3A_876 = arith.addi %mul3A_2, %add3A_875 : i32
    "tpu.region"() ({
      %run_scoped3A = tpu.sem_alloc : memref<!tpu.dma_semaphore, #tpu.memory_space<semaphore_mem>>
      %dma_start3A_1120 = tpu.memref_slice %arg9[%add3A_876] : memref<3145728xf32, #tpu.memory_space<hbm>> -> memref<6144xf32, #tpu.memory_space<hbm>>
      %dma_start3A_1121 = tpu.memref_slice %arg9[%add3A_876] : memref<3145728xf32, #tpu.memory_space<hbm>> -> memref<6144xf32, #tpu.memory_space<hbm>>
      tpu.enqueue_dma source(%arg18 : memref<6144xf32, #tpu.memory_space<vmem>>) target(%dma_start3A_1121 : memref<6144xf32, #tpu.memory_space<hbm>>) target_semaphore(%run_scoped3A : memref<!tpu.dma_semaphore, #tpu.memory_space<semaphore_mem>>)
      %dma_wait3A_1122 = tpu.memref_slice %arg9[%add3A_876] : memref<3145728xf32, #tpu.memory_space<hbm>> -> memref<6144xf32, #tpu.memory_space<hbm>>
      %dma_wait3A_1123 = tpu.memref_slice %arg9[%add3A_876] : memref<3145728xf32, #tpu.memory_space<hbm>> -> memref<6144xf32, #tpu.memory_space<hbm>>
      tpu.wait_dma2 semaphore(%run_scoped3A : memref<!tpu.dma_semaphore, #tpu.memory_space<semaphore_mem>>) src(%arg18 : memref<6144xf32, #tpu.memory_space<vmem>>) dst(%dma_wait3A_1123 : memref<6144xf32, #tpu.memory_space<hbm>>)
      tpu.yield
    }) : () -> ()
    %add3A_877 = arith.constant 79872 : i32
    %add3A_878 = arith.addi %mul3A_2, %add3A_877 : i32
    %dma_start3A_879 = tpu.memref_slice %arg2[%add3A_878] : memref<3145728xf32, #tpu.memory_space<hbm>> -> memref<6144xf32, #tpu.memory_space<hbm>>
    %dma_start3A_880 = tpu.memref_slice %arg2[%add3A_878] : memref<3145728xf32, #tpu.memory_space<hbm>> -> memref<6144xf32, #tpu.memory_space<hbm>>
    tpu.enqueue_dma source(%dma_start3A_880 : memref<6144xf32, #tpu.memory_space<hbm>>) target(%arg11 : memref<6144xf32, #tpu.memory_space<vmem>>) target_semaphore(%arg20 : memref<!tpu.dma_semaphore, #tpu.memory_space<semaphore_mem>>)
    %dma_wait3A_881 = tpu.memref_slice %arg2[%add3A_878] : memref<3145728xf32, #tpu.memory_space<hbm>> -> memref<6144xf32, #tpu.memory_space<hbm>>
    %dma_wait3A_882 = tpu.memref_slice %arg2[%add3A_878] : memref<3145728xf32, #tpu.memory_space<hbm>> -> memref<6144xf32, #tpu.memory_space<hbm>>
    tpu.wait_dma2 semaphore(%arg20 : memref<!tpu.dma_semaphore, #tpu.memory_space<semaphore_mem>>) src(%dma_wait3A_882 : memref<6144xf32, #tpu.memory_space<hbm>>) dst(%arg11 : memref<6144xf32, #tpu.memory_space<vmem>>)
    %scan3A_883 = arith.constant 0 : i32
    %scan3A_884 = arith.constant 0 : i32
    %scan3A_885 = arith.constant 128 : i32
    %scan3A_886 = arith.addi %scan3A_884, %scan3A_885 : i32
    %scan3A_887 = arith.constant 1 : i32
    %scan3A_888 = scf.for %scan3A_1120 = %scan3A_884 to %scan3A_886 step %scan3A_887 iter_args(%scan3A_1121 = %scan3A_883) -> (i32)  : i32 {
      %mul3A_1122 = arith.constant 48 : i32
      %mul3A_1123 = arith.muli %scan3A_1120, %mul3A_1122 : i32
      %mul3A_1124 = arith.constant 3 : i32
      %mul3A_1125 = vector.broadcast %mul3A_1124 : i32 to vector<16xi32>
      %mul3A_1126 = arith.muli %iota3A, %mul3A_1125 : vector<16xi32>
      %add3A_1127 = vector.broadcast %mul3A_1123 : i32 to vector<16xi32>
      %add3A_1128 = arith.addi %add3A_1127, %mul3A_1126 : vector<16xi32>
      %gather3A = tpu.vector_load_idx %arg11[%add3A_1128] : memref<6144xf32, #tpu.memory_space<vmem>>[vector<16xi32>], vector<16xf32>,
      %add3A_1129 = arith.constant 1 : i32
      %add3A_1130 = vector.broadcast %add3A_1129 : i32 to vector<16xi32>
      %add3A_1131 = arith.addi %add3A_1128, %add3A_1130 : vector<16xi32>
      %gather3A_1132 = tpu.vector_load_idx %arg11[%add3A_1131] : memref<6144xf32, #tpu.memory_space<vmem>>[vector<16xi32>], vector<16xf32>,
      %add3A_1133 = arith.constant 2 : i32
      %add3A_1134 = vector.broadcast %add3A_1133 : i32 to vector<16xi32>
      %add3A_1135 = arith.addi %add3A_1128, %add3A_1134 : vector<16xi32>
      %gather3A_1136 = tpu.vector_load_idx %arg11[%add3A_1135] : memref<6144xf32, #tpu.memory_space<vmem>>[vector<16xi32>], vector<16xf32>,
      %mul3A_1137 = arith.constant 6.553600e+04 : f32
      %mul3A_1138 = vector.broadcast %mul3A_1137 : f32 to vector<16xf32>
      %mul3A_1139 = arith.mulf %gather3A, %mul3A_1138 : vector<16xf32>
      %mul3A_1140 = arith.constant 2.560000e+02 : f32
      %mul3A_1141 = vector.broadcast %mul3A_1140 : f32 to vector<16xf32>
      %mul3A_1142 = arith.mulf %gather3A_1132, %mul3A_1141 : vector<16xf32>
      %add3A_1143 = arith.addf %mul3A_1139, %mul3A_1142 : vector<16xf32>
      %add3A_1144 = arith.addf %add3A_1143, %gather3A_1136 : vector<16xf32>
      %convert_element_type3A = arith.fptosi %add3A_1144 : vector<16xf32> to vector<16xi32>
      %mul3A_1145 = arith.constant 16 : i32
      %mul3A_1146 = arith.muli %scan3A_1120, %mul3A_1145 : i32
      %add3A_1147 = vector.broadcast %mul3A_1146 : i32 to vector<16xi32>
      %add3A_1148 = arith.addi %add3A_1147, %iota3A : vector<16xi32>
      tpu.vector_store_idx %arg13[%add3A_1148], %convert_element_type3A : memref<2048xi32, #tpu.memory_space<vmem>>[vector<16xi32>], vector<16xi32>,
      %scan3A_1149 = arith.constant 0 : i32
      scf.yield %scan3A_1149 : i32
    }
    %scan3A_889 = arith.constant 128 : i32
    %dma_start3A_890 = arith.constant 0 : i32
    %dma_start3A_891 = tpu.memref_slice %arg15[%dma_start3A_890] : memref<6144xf32, #tpu.memory_space<vmem>> -> memref<2048xf32, #tpu.memory_space<vmem>>
    %dma_start3A_892 = arith.constant 0 : i32
    %dma_start3A_893 = tpu.memref_slice %arg3[%dma_start3A_892] : memref<16777216xf32, #tpu.memory_space<hbm>> -> memref<16777216xf32, #tpu.memory_space<hbm>>
    tpu.enqueue_indirect_dma source(%dma_start3A_893 : memref<16777216xf32, #tpu.memory_space<hbm>>) target(%dma_start3A_891 : memref<2048xf32, #tpu.memory_space<vmem>>) offsets(%arg13 : memref<2048xi32, #tpu.memory_space<vmem>>) semaphore(%arg22 : memref<!tpu.dma_semaphore, #tpu.memory_space<semaphore_mem>>)
    %dma_start3A_894 = arith.constant 2048 : i32
    %dma_start3A_895 = tpu.memref_slice %arg15[%dma_start3A_894] : memref<6144xf32, #tpu.memory_space<vmem>> -> memref<2048xf32, #tpu.memory_space<vmem>>
    %dma_start3A_896 = arith.constant 0 : i32
    %dma_start3A_897 = tpu.memref_slice %arg4[%dma_start3A_896] : memref<16777216xf32, #tpu.memory_space<hbm>> -> memref<16777216xf32, #tpu.memory_space<hbm>>
    tpu.enqueue_indirect_dma source(%dma_start3A_897 : memref<16777216xf32, #tpu.memory_space<hbm>>) target(%dma_start3A_895 : memref<2048xf32, #tpu.memory_space<vmem>>) offsets(%arg13 : memref<2048xi32, #tpu.memory_space<vmem>>) semaphore(%arg22 : memref<!tpu.dma_semaphore, #tpu.memory_space<semaphore_mem>>)
    %dma_start3A_898 = arith.constant 4096 : i32
    %dma_start3A_899 = tpu.memref_slice %arg15[%dma_start3A_898] : memref<6144xf32, #tpu.memory_space<vmem>> -> memref<2048xf32, #tpu.memory_space<vmem>>
    %dma_start3A_900 = arith.constant 0 : i32
    %dma_start3A_901 = tpu.memref_slice %arg5[%dma_start3A_900] : memref<16777216xf32, #tpu.memory_space<hbm>> -> memref<16777216xf32, #tpu.memory_space<hbm>>
    tpu.enqueue_indirect_dma source(%dma_start3A_901 : memref<16777216xf32, #tpu.memory_space<hbm>>) target(%dma_start3A_899 : memref<2048xf32, #tpu.memory_space<vmem>>) offsets(%arg13 : memref<2048xi32, #tpu.memory_space<vmem>>) semaphore(%arg22 : memref<!tpu.dma_semaphore, #tpu.memory_space<semaphore_mem>>)
    %dma_start3A_902 = arith.constant 0 : i32
    %dma_start3A_903 = tpu.memref_slice %arg17[%dma_start3A_902] : memref<6144xf32, #tpu.memory_space<vmem>> -> memref<2048xf32, #tpu.memory_space<vmem>>
    %dma_start3A_904 = arith.constant 0 : i32
    %dma_start3A_905 = tpu.memref_slice %arg6[%dma_start3A_904] : memref<16777216xf32, #tpu.memory_space<hbm>> -> memref<16777216xf32, #tpu.memory_space<hbm>>
    tpu.enqueue_indirect_dma source(%dma_start3A_905 : memref<16777216xf32, #tpu.memory_space<hbm>>) target(%dma_start3A_903 : memref<2048xf32, #tpu.memory_space<vmem>>) offsets(%arg13 : memref<2048xi32, #tpu.memory_space<vmem>>) semaphore(%arg24 : memref<!tpu.dma_semaphore, #tpu.memory_space<semaphore_mem>>)
    %dma_start3A_906 = arith.constant 2048 : i32
    %dma_start3A_907 = tpu.memref_slice %arg17[%dma_start3A_906] : memref<6144xf32, #tpu.memory_space<vmem>> -> memref<2048xf32, #tpu.memory_space<vmem>>
    %dma_start3A_908 = arith.constant 0 : i32
    %dma_start3A_909 = tpu.memref_slice %arg7[%dma_start3A_908] : memref<16777216xf32, #tpu.memory_space<hbm>> -> memref<16777216xf32, #tpu.memory_space<hbm>>
    tpu.enqueue_indirect_dma source(%dma_start3A_909 : memref<16777216xf32, #tpu.memory_space<hbm>>) target(%dma_start3A_907 : memref<2048xf32, #tpu.memory_space<vmem>>) offsets(%arg13 : memref<2048xi32, #tpu.memory_space<vmem>>) semaphore(%arg24 : memref<!tpu.dma_semaphore, #tpu.memory_space<semaphore_mem>>)
    %dma_start3A_910 = arith.constant 4096 : i32
    %dma_start3A_911 = tpu.memref_slice %arg17[%dma_start3A_910] : memref<6144xf32, #tpu.memory_space<vmem>> -> memref<2048xf32, #tpu.memory_space<vmem>>
    %dma_start3A_912 = arith.constant 0 : i32
    %dma_start3A_913 = tpu.memref_slice %arg8[%dma_start3A_912] : memref<16777216xf32, #tpu.memory_space<hbm>> -> memref<16777216xf32, #tpu.memory_space<hbm>>
    tpu.enqueue_indirect_dma source(%dma_start3A_913 : memref<16777216xf32, #tpu.memory_space<hbm>>) target(%dma_start3A_911 : memref<2048xf32, #tpu.memory_space<vmem>>) offsets(%arg13 : memref<2048xi32, #tpu.memory_space<vmem>>) semaphore(%arg24 : memref<!tpu.dma_semaphore, #tpu.memory_space<semaphore_mem>>)
    %dma_wait3A_914 = arith.constant 0 : i32
    %dma_wait3A_915 = tpu.memref_slice %arg14[%dma_wait3A_914] : memref<6144xf32, #tpu.memory_space<vmem>> -> memref<2048xf32, #tpu.memory_space<vmem>>
    %dma_wait3A_916 = arith.constant 0 : i32
    %dma_wait3A_917 = tpu.memref_slice %arg3[%dma_wait3A_916] : memref<16777216xf32, #tpu.memory_space<hbm>> -> memref<16777216xf32, #tpu.memory_space<hbm>>
    tpu.wait_indirect_dma semaphore(%arg21 : memref<!tpu.dma_semaphore, #tpu.memory_space<semaphore_mem>>) src(%dma_wait3A_917 : memref<16777216xf32, #tpu.memory_space<hbm>>) dst(%dma_wait3A_915 : memref<2048xf32, #tpu.memory_space<vmem>>)
    %dma_wait3A_918 = arith.constant 2048 : i32
    %dma_wait3A_919 = tpu.memref_slice %arg14[%dma_wait3A_918] : memref<6144xf32, #tpu.memory_space<vmem>> -> memref<2048xf32, #tpu.memory_space<vmem>>
    %dma_wait3A_920 = arith.constant 0 : i32
    %dma_wait3A_921 = tpu.memref_slice %arg4[%dma_wait3A_920] : memref<16777216xf32, #tpu.memory_space<hbm>> -> memref<16777216xf32, #tpu.memory_space<hbm>>
    tpu.wait_indirect_dma semaphore(%arg21 : memref<!tpu.dma_semaphore, #tpu.memory_space<semaphore_mem>>) src(%dma_wait3A_921 : memref<16777216xf32, #tpu.memory_space<hbm>>) dst(%dma_wait3A_919 : memref<2048xf32, #tpu.memory_space<vmem>>)
    %dma_wait3A_922 = arith.constant 4096 : i32
    %dma_wait3A_923 = tpu.memref_slice %arg14[%dma_wait3A_922] : memref<6144xf32, #tpu.memory_space<vmem>> -> memref<2048xf32, #tpu.memory_space<vmem>>
    %dma_wait3A_924 = arith.constant 0 : i32
    %dma_wait3A_925 = tpu.memref_slice %arg5[%dma_wait3A_924] : memref<16777216xf32, #tpu.memory_space<hbm>> -> memref<16777216xf32, #tpu.memory_space<hbm>>
    tpu.wait_indirect_dma semaphore(%arg21 : memref<!tpu.dma_semaphore, #tpu.memory_space<semaphore_mem>>) src(%dma_wait3A_925 : memref<16777216xf32, #tpu.memory_space<hbm>>) dst(%dma_wait3A_923 : memref<2048xf32, #tpu.memory_space<vmem>>)
    %dma_wait3A_926 = arith.constant 0 : i32
    %dma_wait3A_927 = tpu.memref_slice %arg16[%dma_wait3A_926] : memref<6144xf32, #tpu.memory_space<vmem>> -> memref<2048xf32, #tpu.memory_space<vmem>>
    %dma_wait3A_928 = arith.constant 0 : i32
    %dma_wait3A_929 = tpu.memref_slice %arg6[%dma_wait3A_928] : memref<16777216xf32, #tpu.memory_space<hbm>> -> memref<16777216xf32, #tpu.memory_space<hbm>>
    tpu.wait_indirect_dma semaphore(%arg23 : memref<!tpu.dma_semaphore, #tpu.memory_space<semaphore_mem>>) src(%dma_wait3A_929 : memref<16777216xf32, #tpu.memory_space<hbm>>) dst(%dma_wait3A_927 : memref<2048xf32, #tpu.memory_space<vmem>>)
    %dma_wait3A_930 = arith.constant 2048 : i32
    %dma_wait3A_931 = tpu.memref_slice %arg16[%dma_wait3A_930] : memref<6144xf32, #tpu.memory_space<vmem>> -> memref<2048xf32, #tpu.memory_space<vmem>>
    %dma_wait3A_932 = arith.constant 0 : i32
    %dma_wait3A_933 = tpu.memref_slice %arg7[%dma_wait3A_932] : memref<16777216xf32, #tpu.memory_space<hbm>> -> memref<16777216xf32, #tpu.memory_space<hbm>>
    tpu.wait_indirect_dma semaphore(%arg23 : memref<!tpu.dma_semaphore, #tpu.memory_space<semaphore_mem>>) src(%dma_wait3A_933 : memref<16777216xf32, #tpu.memory_space<hbm>>) dst(%dma_wait3A_931 : memref<2048xf32, #tpu.memory_space<vmem>>)
    %dma_wait3A_934 = arith.constant 4096 : i32
    %dma_wait3A_935 = tpu.memref_slice %arg16[%dma_wait3A_934] : memref<6144xf32, #tpu.memory_space<vmem>> -> memref<2048xf32, #tpu.memory_space<vmem>>
    %dma_wait3A_936 = arith.constant 0 : i32
    %dma_wait3A_937 = tpu.memref_slice %arg8[%dma_wait3A_936] : memref<16777216xf32, #tpu.memory_space<hbm>> -> memref<16777216xf32, #tpu.memory_space<hbm>>
    tpu.wait_indirect_dma semaphore(%arg23 : memref<!tpu.dma_semaphore, #tpu.memory_space<semaphore_mem>>) src(%dma_wait3A_937 : memref<16777216xf32, #tpu.memory_space<hbm>>) dst(%dma_wait3A_935 : memref<2048xf32, #tpu.memory_space<vmem>>)
    %scan3A_938 = arith.constant 0 : i32
    %scan3A_939 = arith.constant 0 : i32
    %scan3A_940 = arith.constant 384 : i32
    %scan3A_941 = arith.addi %scan3A_939, %scan3A_940 : i32
    %scan3A_942 = arith.constant 1 : i32
    %scan3A_943 = scf.for %scan3A_1120 = %scan3A_939 to %scan3A_941 step %scan3A_942 iter_args(%scan3A_1121 = %scan3A_938) -> (i32)  : i32 {
      %mul3A_1122 = arith.constant 16 : i32
      %mul3A_1123 = arith.muli %scan3A_1120, %mul3A_1122 : i32
      %mul3A_1124 = arith.constant 16 : i32
      %mul3A_1125 = arith.muli %scan3A_1120, %mul3A_1124 : i32
      %add3A_1126 = vector.broadcast %mul3A_1125 : i32 to vector<16xi32>
      %add3A_1127 = arith.addi %add3A_1126, %iota3A : vector<16xi32>
      %mul3A_1128 = arith.constant 21846 : i32
      %mul3A_1129 = vector.broadcast %mul3A_1128 : i32 to vector<16xi32>
      %mul3A_1130 = arith.muli %add3A_1127, %mul3A_1129 : vector<16xi32>
      %shift_right_logical3A = arith.constant 16 : i32
      %shift_right_logical3A_1131 = vector.broadcast %shift_right_logical3A : i32 to vector<16xi32>
      %shift_right_logical3A_1132 = arith.shrui %mul3A_1130, %shift_right_logical3A_1131 : vector<16xi32>
      %mul3A_1133 = arith.constant 3 : i32
      %mul3A_1134 = vector.broadcast %mul3A_1133 : i32 to vector<16xi32>
      %mul3A_1135 = arith.muli %shift_right_logical3A_1132, %mul3A_1134 : vector<16xi32>
      %sub3A = arith.subi %add3A_1127, %mul3A_1135 : vector<16xi32>
      %mul3A_1136 = arith.constant 2048 : i32
      %mul3A_1137 = vector.broadcast %mul3A_1136 : i32 to vector<16xi32>
      %mul3A_1138 = arith.muli %sub3A, %mul3A_1137 : vector<16xi32>
      %add3A_1139 = arith.addi %mul3A_1138, %shift_right_logical3A_1132 : vector<16xi32>
      %gather3A = tpu.vector_load_idx %arg14[%add3A_1139] : memref<6144xf32, #tpu.memory_space<vmem>>[vector<16xi32>], vector<16xf32>,
      %gather3A_1140 = tpu.vector_load_idx %arg16[%add3A_1139] : memref<6144xf32, #tpu.memory_space<vmem>>[vector<16xi32>], vector<16xf32>,
      %get3A = arith.index_cast %mul3A_1123 : i32 to index
      %get3A_1141 = tpu.vector_load %arg10[%get3A] {strides = array<i32>} : memref<6144xf32, #tpu.memory_space<vmem>>, vector<16xf32>,
      %mul3A_1142 = arith.mulf %get3A_1141, %gather3A : vector<16xf32>
      %add3A_1143 = arith.addf %mul3A_1142, %gather3A_1140 : vector<16xf32>
      %abs3A = math.absf %add3A_1143 : vector<16xf32>
      %mul3A_1144 = arith.constant -2.000000e+00 : f32
      %mul3A_1145 = vector.broadcast %mul3A_1144 : f32 to vector<16xf32>
      %mul3A_1146 = arith.mulf %mul3A_1145, %abs3A : vector<16xf32>
      %exp3A = math.exp %mul3A_1146 : vector<16xf32>
      %sign3A = tpu.bitcast %add3A_1143 : vector<16xf32> -> vector<16xi32>
      %sign3A_1147 = arith.constant -2147483648 : i32
      %sign3A_1148 = vector.broadcast %sign3A_1147 : i32 to vector<16xi32>
      %sign3A_1149 = arith.andi %sign3A, %sign3A_1148 : vector<16xi32>
      %sign3A_1150 = arith.constant 1065353216 : i32
      %sign3A_1151 = vector.broadcast %sign3A_1150 : i32 to vector<16xi32>
      %sign3A_1152 = arith.ori %sign3A_1151, %sign3A_1149 : vector<16xi32>
      %sign3A_1153 = tpu.bitcast %sign3A_1152 : vector<16xi32> -> vector<16xf32>
      %sign3A_1154 = math.absf %add3A_1143 : vector<16xf32>
      %sign3A_1155 = arith.constant 0.000000e+00 : f32
      %sign3A_1156 = vector.broadcast %sign3A_1155 : f32 to vector<16xf32>
      %sign3A_1157 = arith.cmpf ogt, %sign3A_1154, %sign3A_1156 : vector<16xf32>
      %sign3A_1158 = arith.select %sign3A_1157, %sign3A_1153, %add3A_1143 : vector<16xi1>, vector<16xf32>
      %sub3A_1159 = arith.constant 1.000000e+00 : f32
      %sub3A_1160 = vector.broadcast %sub3A_1159 : f32 to vector<16xf32>
      %sub3A_1161 = arith.subf %sub3A_1160, %exp3A : vector<16xf32>
      %add3A_1162 = arith.constant 1.000000e+00 : f32
      %add3A_1163 = vector.broadcast %add3A_1162 : f32 to vector<16xf32>
      %add3A_1164 = arith.addf %add3A_1163, %exp3A : vector<16xf32>
      %div3A = arith.divf %sub3A_1161, %add3A_1164 : vector<16xf32>
      %mul3A_1165 = arith.mulf %sign3A_1158, %div3A : vector<16xf32>
      %swap3A = arith.index_cast %mul3A_1123 : i32 to index
      %swap3A_1166 = tpu.vector_load %arg18[%swap3A] {strides = array<i32>} : memref<6144xf32, #tpu.memory_space<vmem>>, vector<16xf32>,
      tpu.vector_store %arg18[%swap3A], %mul3A_1165 {strides = array<i32>} : memref<6144xf32, #tpu.memory_space<vmem>>, vector<16xf32>,
      %scan3A_1167 = arith.constant 0 : i32
      scf.yield %scan3A_1167 : i32
    }
    %scan3A_944 = arith.constant 384 : i32
    %add3A_945 = arith.constant 73728 : i32
    %add3A_946 = arith.addi %mul3A_2, %add3A_945 : i32
    "tpu.region"() ({
      %run_scoped3A = tpu.sem_alloc : memref<!tpu.dma_semaphore, #tpu.memory_space<semaphore_mem>>
      %dma_start3A_1120 = tpu.memref_slice %arg9[%add3A_946] : memref<3145728xf32, #tpu.memory_space<hbm>> -> memref<6144xf32, #tpu.memory_space<hbm>>
      %dma_start3A_1121 = tpu.memref_slice %arg9[%add3A_946] : memref<3145728xf32, #tpu.memory_space<hbm>> -> memref<6144xf32, #tpu.memory_space<hbm>>
      tpu.enqueue_dma source(%arg18 : memref<6144xf32, #tpu.memory_space<vmem>>) target(%dma_start3A_1121 : memref<6144xf32, #tpu.memory_space<hbm>>) target_semaphore(%run_scoped3A : memref<!tpu.dma_semaphore, #tpu.memory_space<semaphore_mem>>)
      %dma_wait3A_1122 = tpu.memref_slice %arg9[%add3A_946] : memref<3145728xf32, #tpu.memory_space<hbm>> -> memref<6144xf32, #tpu.memory_space<hbm>>
      %dma_wait3A_1123 = tpu.memref_slice %arg9[%add3A_946] : memref<3145728xf32, #tpu.memory_space<hbm>> -> memref<6144xf32, #tpu.memory_space<hbm>>
      tpu.wait_dma2 semaphore(%run_scoped3A : memref<!tpu.dma_semaphore, #tpu.memory_space<semaphore_mem>>) src(%arg18 : memref<6144xf32, #tpu.memory_space<vmem>>) dst(%dma_wait3A_1123 : memref<6144xf32, #tpu.memory_space<hbm>>)
      tpu.yield
    }) : () -> ()
    %add3A_947 = arith.constant 86016 : i32
    %add3A_948 = arith.addi %mul3A_2, %add3A_947 : i32
    %dma_start3A_949 = tpu.memref_slice %arg2[%add3A_948] : memref<3145728xf32, #tpu.memory_space<hbm>> -> memref<6144xf32, #tpu.memory_space<hbm>>
    %dma_start3A_950 = tpu.memref_slice %arg2[%add3A_948] : memref<3145728xf32, #tpu.memory_space<hbm>> -> memref<6144xf32, #tpu.memory_space<hbm>>
    tpu.enqueue_dma source(%dma_start3A_950 : memref<6144xf32, #tpu.memory_space<hbm>>) target(%arg10 : memref<6144xf32, #tpu.memory_space<vmem>>) target_semaphore(%arg19 : memref<!tpu.dma_semaphore, #tpu.memory_space<semaphore_mem>>)
    %dma_wait3A_951 = tpu.memref_slice %arg2[%add3A_948] : memref<3145728xf32, #tpu.memory_space<hbm>> -> memref<6144xf32, #tpu.memory_space<hbm>>
    %dma_wait3A_952 = tpu.memref_slice %arg2[%add3A_948] : memref<3145728xf32, #tpu.memory_space<hbm>> -> memref<6144xf32, #tpu.memory_space<hbm>>
    tpu.wait_dma2 semaphore(%arg19 : memref<!tpu.dma_semaphore, #tpu.memory_space<semaphore_mem>>) src(%dma_wait3A_952 : memref<6144xf32, #tpu.memory_space<hbm>>) dst(%arg10 : memref<6144xf32, #tpu.memory_space<vmem>>)
    %scan3A_953 = arith.constant 0 : i32
    %scan3A_954 = arith.constant 0 : i32
    %scan3A_955 = arith.constant 128 : i32
    %scan3A_956 = arith.addi %scan3A_954, %scan3A_955 : i32
    %scan3A_957 = arith.constant 1 : i32
    %scan3A_958 = scf.for %scan3A_1120 = %scan3A_954 to %scan3A_956 step %scan3A_957 iter_args(%scan3A_1121 = %scan3A_953) -> (i32)  : i32 {
      %mul3A_1122 = arith.constant 48 : i32
      %mul3A_1123 = arith.muli %scan3A_1120, %mul3A_1122 : i32
      %mul3A_1124 = arith.constant 3 : i32
      %mul3A_1125 = vector.broadcast %mul3A_1124 : i32 to vector<16xi32>
      %mul3A_1126 = arith.muli %iota3A, %mul3A_1125 : vector<16xi32>
      %add3A_1127 = vector.broadcast %mul3A_1123 : i32 to vector<16xi32>
      %add3A_1128 = arith.addi %add3A_1127, %mul3A_1126 : vector<16xi32>
      %gather3A = tpu.vector_load_idx %arg10[%add3A_1128] : memref<6144xf32, #tpu.memory_space<vmem>>[vector<16xi32>], vector<16xf32>,
      %add3A_1129 = arith.constant 1 : i32
      %add3A_1130 = vector.broadcast %add3A_1129 : i32 to vector<16xi32>
      %add3A_1131 = arith.addi %add3A_1128, %add3A_1130 : vector<16xi32>
      %gather3A_1132 = tpu.vector_load_idx %arg10[%add3A_1131] : memref<6144xf32, #tpu.memory_space<vmem>>[vector<16xi32>], vector<16xf32>,
      %add3A_1133 = arith.constant 2 : i32
      %add3A_1134 = vector.broadcast %add3A_1133 : i32 to vector<16xi32>
      %add3A_1135 = arith.addi %add3A_1128, %add3A_1134 : vector<16xi32>
      %gather3A_1136 = tpu.vector_load_idx %arg10[%add3A_1135] : memref<6144xf32, #tpu.memory_space<vmem>>[vector<16xi32>], vector<16xf32>,
      %mul3A_1137 = arith.constant 6.553600e+04 : f32
      %mul3A_1138 = vector.broadcast %mul3A_1137 : f32 to vector<16xf32>
      %mul3A_1139 = arith.mulf %gather3A, %mul3A_1138 : vector<16xf32>
      %mul3A_1140 = arith.constant 2.560000e+02 : f32
      %mul3A_1141 = vector.broadcast %mul3A_1140 : f32 to vector<16xf32>
      %mul3A_1142 = arith.mulf %gather3A_1132, %mul3A_1141 : vector<16xf32>
      %add3A_1143 = arith.addf %mul3A_1139, %mul3A_1142 : vector<16xf32>
      %add3A_1144 = arith.addf %add3A_1143, %gather3A_1136 : vector<16xf32>
      %convert_element_type3A = arith.fptosi %add3A_1144 : vector<16xf32> to vector<16xi32>
      %mul3A_1145 = arith.constant 16 : i32
      %mul3A_1146 = arith.muli %scan3A_1120, %mul3A_1145 : i32
      %add3A_1147 = vector.broadcast %mul3A_1146 : i32 to vector<16xi32>
      %add3A_1148 = arith.addi %add3A_1147, %iota3A : vector<16xi32>
      tpu.vector_store_idx %arg12[%add3A_1148], %convert_element_type3A : memref<2048xi32, #tpu.memory_space<vmem>>[vector<16xi32>], vector<16xi32>,
      %scan3A_1149 = arith.constant 0 : i32
      scf.yield %scan3A_1149 : i32
    }
    %scan3A_959 = arith.constant 128 : i32
    %dma_start3A_960 = arith.constant 0 : i32
    %dma_start3A_961 = tpu.memref_slice %arg14[%dma_start3A_960] : memref<6144xf32, #tpu.memory_space<vmem>> -> memref<2048xf32, #tpu.memory_space<vmem>>
    %dma_start3A_962 = arith.constant 0 : i32
    %dma_start3A_963 = tpu.memref_slice %arg3[%dma_start3A_962] : memref<16777216xf32, #tpu.memory_space<hbm>> -> memref<16777216xf32, #tpu.memory_space<hbm>>
    tpu.enqueue_indirect_dma source(%dma_start3A_963 : memref<16777216xf32, #tpu.memory_space<hbm>>) target(%dma_start3A_961 : memref<2048xf32, #tpu.memory_space<vmem>>) offsets(%arg12 : memref<2048xi32, #tpu.memory_space<vmem>>) semaphore(%arg21 : memref<!tpu.dma_semaphore, #tpu.memory_space<semaphore_mem>>)
    %dma_start3A_964 = arith.constant 2048 : i32
    %dma_start3A_965 = tpu.memref_slice %arg14[%dma_start3A_964] : memref<6144xf32, #tpu.memory_space<vmem>> -> memref<2048xf32, #tpu.memory_space<vmem>>
    %dma_start3A_966 = arith.constant 0 : i32
    %dma_start3A_967 = tpu.memref_slice %arg4[%dma_start3A_966] : memref<16777216xf32, #tpu.memory_space<hbm>> -> memref<16777216xf32, #tpu.memory_space<hbm>>
    tpu.enqueue_indirect_dma source(%dma_start3A_967 : memref<16777216xf32, #tpu.memory_space<hbm>>) target(%dma_start3A_965 : memref<2048xf32, #tpu.memory_space<vmem>>) offsets(%arg12 : memref<2048xi32, #tpu.memory_space<vmem>>) semaphore(%arg21 : memref<!tpu.dma_semaphore, #tpu.memory_space<semaphore_mem>>)
    %dma_start3A_968 = arith.constant 4096 : i32
    %dma_start3A_969 = tpu.memref_slice %arg14[%dma_start3A_968] : memref<6144xf32, #tpu.memory_space<vmem>> -> memref<2048xf32, #tpu.memory_space<vmem>>
    %dma_start3A_970 = arith.constant 0 : i32
    %dma_start3A_971 = tpu.memref_slice %arg5[%dma_start3A_970] : memref<16777216xf32, #tpu.memory_space<hbm>> -> memref<16777216xf32, #tpu.memory_space<hbm>>
    tpu.enqueue_indirect_dma source(%dma_start3A_971 : memref<16777216xf32, #tpu.memory_space<hbm>>) target(%dma_start3A_969 : memref<2048xf32, #tpu.memory_space<vmem>>) offsets(%arg12 : memref<2048xi32, #tpu.memory_space<vmem>>) semaphore(%arg21 : memref<!tpu.dma_semaphore, #tpu.memory_space<semaphore_mem>>)
    %dma_start3A_972 = arith.constant 0 : i32
    %dma_start3A_973 = tpu.memref_slice %arg16[%dma_start3A_972] : memref<6144xf32, #tpu.memory_space<vmem>> -> memref<2048xf32, #tpu.memory_space<vmem>>
    %dma_start3A_974 = arith.constant 0 : i32
    %dma_start3A_975 = tpu.memref_slice %arg6[%dma_start3A_974] : memref<16777216xf32, #tpu.memory_space<hbm>> -> memref<16777216xf32, #tpu.memory_space<hbm>>
    tpu.enqueue_indirect_dma source(%dma_start3A_975 : memref<16777216xf32, #tpu.memory_space<hbm>>) target(%dma_start3A_973 : memref<2048xf32, #tpu.memory_space<vmem>>) offsets(%arg12 : memref<2048xi32, #tpu.memory_space<vmem>>) semaphore(%arg23 : memref<!tpu.dma_semaphore, #tpu.memory_space<semaphore_mem>>)
    %dma_start3A_976 = arith.constant 2048 : i32
    %dma_start3A_977 = tpu.memref_slice %arg16[%dma_start3A_976] : memref<6144xf32, #tpu.memory_space<vmem>> -> memref<2048xf32, #tpu.memory_space<vmem>>
    %dma_start3A_978 = arith.constant 0 : i32
    %dma_start3A_979 = tpu.memref_slice %arg7[%dma_start3A_978] : memref<16777216xf32, #tpu.memory_space<hbm>> -> memref<16777216xf32, #tpu.memory_space<hbm>>
    tpu.enqueue_indirect_dma source(%dma_start3A_979 : memref<16777216xf32, #tpu.memory_space<hbm>>) target(%dma_start3A_977 : memref<2048xf32, #tpu.memory_space<vmem>>) offsets(%arg12 : memref<2048xi32, #tpu.memory_space<vmem>>) semaphore(%arg23 : memref<!tpu.dma_semaphore, #tpu.memory_space<semaphore_mem>>)
    %dma_start3A_980 = arith.constant 4096 : i32
    %dma_start3A_981 = tpu.memref_slice %arg16[%dma_start3A_980] : memref<6144xf32, #tpu.memory_space<vmem>> -> memref<2048xf32, #tpu.memory_space<vmem>>
    %dma_start3A_982 = arith.constant 0 : i32
    %dma_start3A_983 = tpu.memref_slice %arg8[%dma_start3A_982] : memref<16777216xf32, #tpu.memory_space<hbm>> -> memref<16777216xf32, #tpu.memory_space<hbm>>
    tpu.enqueue_indirect_dma source(%dma_start3A_983 : memref<16777216xf32, #tpu.memory_space<hbm>>) target(%dma_start3A_981 : memref<2048xf32, #tpu.memory_space<vmem>>) offsets(%arg12 : memref<2048xi32, #tpu.memory_space<vmem>>) semaphore(%arg23 : memref<!tpu.dma_semaphore, #tpu.memory_space<semaphore_mem>>)
    %dma_wait3A_984 = arith.constant 0 : i32
    %dma_wait3A_985 = tpu.memref_slice %arg15[%dma_wait3A_984] : memref<6144xf32, #tpu.memory_space<vmem>> -> memref<2048xf32, #tpu.memory_space<vmem>>
    %dma_wait3A_986 = arith.constant 0 : i32
    %dma_wait3A_987 = tpu.memref_slice %arg3[%dma_wait3A_986] : memref<16777216xf32, #tpu.memory_space<hbm>> -> memref<16777216xf32, #tpu.memory_space<hbm>>
    tpu.wait_indirect_dma semaphore(%arg22 : memref<!tpu.dma_semaphore, #tpu.memory_space<semaphore_mem>>) src(%dma_wait3A_987 : memref<16777216xf32, #tpu.memory_space<hbm>>) dst(%dma_wait3A_985 : memref<2048xf32, #tpu.memory_space<vmem>>)
    %dma_wait3A_988 = arith.constant 2048 : i32
    %dma_wait3A_989 = tpu.memref_slice %arg15[%dma_wait3A_988] : memref<6144xf32, #tpu.memory_space<vmem>> -> memref<2048xf32, #tpu.memory_space<vmem>>
    %dma_wait3A_990 = arith.constant 0 : i32
    %dma_wait3A_991 = tpu.memref_slice %arg4[%dma_wait3A_990] : memref<16777216xf32, #tpu.memory_space<hbm>> -> memref<16777216xf32, #tpu.memory_space<hbm>>
    tpu.wait_indirect_dma semaphore(%arg22 : memref<!tpu.dma_semaphore, #tpu.memory_space<semaphore_mem>>) src(%dma_wait3A_991 : memref<16777216xf32, #tpu.memory_space<hbm>>) dst(%dma_wait3A_989 : memref<2048xf32, #tpu.memory_space<vmem>>)
    %dma_wait3A_992 = arith.constant 4096 : i32
    %dma_wait3A_993 = tpu.memref_slice %arg15[%dma_wait3A_992] : memref<6144xf32, #tpu.memory_space<vmem>> -> memref<2048xf32, #tpu.memory_space<vmem>>
    %dma_wait3A_994 = arith.constant 0 : i32
    %dma_wait3A_995 = tpu.memref_slice %arg5[%dma_wait3A_994] : memref<16777216xf32, #tpu.memory_space<hbm>> -> memref<16777216xf32, #tpu.memory_space<hbm>>
    tpu.wait_indirect_dma semaphore(%arg22 : memref<!tpu.dma_semaphore, #tpu.memory_space<semaphore_mem>>) src(%dma_wait3A_995 : memref<16777216xf32, #tpu.memory_space<hbm>>) dst(%dma_wait3A_993 : memref<2048xf32, #tpu.memory_space<vmem>>)
    %dma_wait3A_996 = arith.constant 0 : i32
    %dma_wait3A_997 = tpu.memref_slice %arg17[%dma_wait3A_996] : memref<6144xf32, #tpu.memory_space<vmem>> -> memref<2048xf32, #tpu.memory_space<vmem>>
    %dma_wait3A_998 = arith.constant 0 : i32
    %dma_wait3A_999 = tpu.memref_slice %arg6[%dma_wait3A_998] : memref<16777216xf32, #tpu.memory_space<hbm>> -> memref<16777216xf32, #tpu.memory_space<hbm>>
    tpu.wait_indirect_dma semaphore(%arg24 : memref<!tpu.dma_semaphore, #tpu.memory_space<semaphore_mem>>) src(%dma_wait3A_999 : memref<16777216xf32, #tpu.memory_space<hbm>>) dst(%dma_wait3A_997 : memref<2048xf32, #tpu.memory_space<vmem>>)
    %dma_wait3A_1000 = arith.constant 2048 : i32
    %dma_wait3A_1001 = tpu.memref_slice %arg17[%dma_wait3A_1000] : memref<6144xf32, #tpu.memory_space<vmem>> -> memref<2048xf32, #tpu.memory_space<vmem>>
    %dma_wait3A_1002 = arith.constant 0 : i32
    %dma_wait3A_1003 = tpu.memref_slice %arg7[%dma_wait3A_1002] : memref<16777216xf32, #tpu.memory_space<hbm>> -> memref<16777216xf32, #tpu.memory_space<hbm>>
    tpu.wait_indirect_dma semaphore(%arg24 : memref<!tpu.dma_semaphore, #tpu.memory_space<semaphore_mem>>) src(%dma_wait3A_1003 : memref<16777216xf32, #tpu.memory_space<hbm>>) dst(%dma_wait3A_1001 : memref<2048xf32, #tpu.memory_space<vmem>>)
    %dma_wait3A_1004 = arith.constant 4096 : i32
    %dma_wait3A_1005 = tpu.memref_slice %arg17[%dma_wait3A_1004] : memref<6144xf32, #tpu.memory_space<vmem>> -> memref<2048xf32, #tpu.memory_space<vmem>>
    %dma_wait3A_1006 = arith.constant 0 : i32
    %dma_wait3A_1007 = tpu.memref_slice %arg8[%dma_wait3A_1006] : memref<16777216xf32, #tpu.memory_space<hbm>> -> memref<16777216xf32, #tpu.memory_space<hbm>>
    tpu.wait_indirect_dma semaphore(%arg24 : memref<!tpu.dma_semaphore, #tpu.memory_space<semaphore_mem>>) src(%dma_wait3A_1007 : memref<16777216xf32, #tpu.memory_space<hbm>>) dst(%dma_wait3A_1005 : memref<2048xf32, #tpu.memory_space<vmem>>)
    %scan3A_1008 = arith.constant 0 : i32
    %scan3A_1009 = arith.constant 0 : i32
    %scan3A_1010 = arith.constant 384 : i32
    %scan3A_1011 = arith.addi %scan3A_1009, %scan3A_1010 : i32
    %scan3A_1012 = arith.constant 1 : i32
    %scan3A_1013 = scf.for %scan3A_1120 = %scan3A_1009 to %scan3A_1011 step %scan3A_1012 iter_args(%scan3A_1121 = %scan3A_1008) -> (i32)  : i32 {
      %mul3A_1122 = arith.constant 16 : i32
      %mul3A_1123 = arith.muli %scan3A_1120, %mul3A_1122 : i32
      %mul3A_1124 = arith.constant 16 : i32
      %mul3A_1125 = arith.muli %scan3A_1120, %mul3A_1124 : i32
      %add3A_1126 = vector.broadcast %mul3A_1125 : i32 to vector<16xi32>
      %add3A_1127 = arith.addi %add3A_1126, %iota3A : vector<16xi32>
      %mul3A_1128 = arith.constant 21846 : i32
      %mul3A_1129 = vector.broadcast %mul3A_1128 : i32 to vector<16xi32>
      %mul3A_1130 = arith.muli %add3A_1127, %mul3A_1129 : vector<16xi32>
      %shift_right_logical3A = arith.constant 16 : i32
      %shift_right_logical3A_1131 = vector.broadcast %shift_right_logical3A : i32 to vector<16xi32>
      %shift_right_logical3A_1132 = arith.shrui %mul3A_1130, %shift_right_logical3A_1131 : vector<16xi32>
      %mul3A_1133 = arith.constant 3 : i32
      %mul3A_1134 = vector.broadcast %mul3A_1133 : i32 to vector<16xi32>
      %mul3A_1135 = arith.muli %shift_right_logical3A_1132, %mul3A_1134 : vector<16xi32>
      %sub3A = arith.subi %add3A_1127, %mul3A_1135 : vector<16xi32>
      %mul3A_1136 = arith.constant 2048 : i32
      %mul3A_1137 = vector.broadcast %mul3A_1136 : i32 to vector<16xi32>
      %mul3A_1138 = arith.muli %sub3A, %mul3A_1137 : vector<16xi32>
      %add3A_1139 = arith.addi %mul3A_1138, %shift_right_logical3A_1132 : vector<16xi32>
      %gather3A = tpu.vector_load_idx %arg15[%add3A_1139] : memref<6144xf32, #tpu.memory_space<vmem>>[vector<16xi32>], vector<16xf32>,
      %gather3A_1140 = tpu.vector_load_idx %arg17[%add3A_1139] : memref<6144xf32, #tpu.memory_space<vmem>>[vector<16xi32>], vector<16xf32>,
      %get3A = arith.index_cast %mul3A_1123 : i32 to index
      %get3A_1141 = tpu.vector_load %arg11[%get3A] {strides = array<i32>} : memref<6144xf32, #tpu.memory_space<vmem>>, vector<16xf32>,
      %mul3A_1142 = arith.mulf %get3A_1141, %gather3A : vector<16xf32>
      %add3A_1143 = arith.addf %mul3A_1142, %gather3A_1140 : vector<16xf32>
      %abs3A = math.absf %add3A_1143 : vector<16xf32>
      %mul3A_1144 = arith.constant -2.000000e+00 : f32
      %mul3A_1145 = vector.broadcast %mul3A_1144 : f32 to vector<16xf32>
      %mul3A_1146 = arith.mulf %mul3A_1145, %abs3A : vector<16xf32>
      %exp3A = math.exp %mul3A_1146 : vector<16xf32>
      %sign3A = tpu.bitcast %add3A_1143 : vector<16xf32> -> vector<16xi32>
      %sign3A_1147 = arith.constant -2147483648 : i32
      %sign3A_1148 = vector.broadcast %sign3A_1147 : i32 to vector<16xi32>
      %sign3A_1149 = arith.andi %sign3A, %sign3A_1148 : vector<16xi32>
      %sign3A_1150 = arith.constant 1065353216 : i32
      %sign3A_1151 = vector.broadcast %sign3A_1150 : i32 to vector<16xi32>
      %sign3A_1152 = arith.ori %sign3A_1151, %sign3A_1149 : vector<16xi32>
      %sign3A_1153 = tpu.bitcast %sign3A_1152 : vector<16xi32> -> vector<16xf32>
      %sign3A_1154 = math.absf %add3A_1143 : vector<16xf32>
      %sign3A_1155 = arith.constant 0.000000e+00 : f32
      %sign3A_1156 = vector.broadcast %sign3A_1155 : f32 to vector<16xf32>
      %sign3A_1157 = arith.cmpf ogt, %sign3A_1154, %sign3A_1156 : vector<16xf32>
      %sign3A_1158 = arith.select %sign3A_1157, %sign3A_1153, %add3A_1143 : vector<16xi1>, vector<16xf32>
      %sub3A_1159 = arith.constant 1.000000e+00 : f32
      %sub3A_1160 = vector.broadcast %sub3A_1159 : f32 to vector<16xf32>
      %sub3A_1161 = arith.subf %sub3A_1160, %exp3A : vector<16xf32>
      %add3A_1162 = arith.constant 1.000000e+00 : f32
      %add3A_1163 = vector.broadcast %add3A_1162 : f32 to vector<16xf32>
      %add3A_1164 = arith.addf %add3A_1163, %exp3A : vector<16xf32>
      %div3A = arith.divf %sub3A_1161, %add3A_1164 : vector<16xf32>
      %mul3A_1165 = arith.mulf %sign3A_1158, %div3A : vector<16xf32>
      %swap3A = arith.index_cast %mul3A_1123 : i32 to index
      %swap3A_1166 = tpu.vector_load %arg18[%swap3A] {strides = array<i32>} : memref<6144xf32, #tpu.memory_space<vmem>>, vector<16xf32>,
      tpu.vector_store %arg18[%swap3A], %mul3A_1165 {strides = array<i32>} : memref<6144xf32, #tpu.memory_space<vmem>>, vector<16xf32>,
      %scan3A_1167 = arith.constant 0 : i32
      scf.yield %scan3A_1167 : i32
    }
    %scan3A_1014 = arith.constant 384 : i32
    %add3A_1015 = arith.constant 79872 : i32
    %add3A_1016 = arith.addi %mul3A_2, %add3A_1015 : i32
    "tpu.region"() ({
      %run_scoped3A = tpu.sem_alloc : memref<!tpu.dma_semaphore, #tpu.memory_space<semaphore_mem>>
      %dma_start3A_1120 = tpu.memref_slice %arg9[%add3A_1016] : memref<3145728xf32, #tpu.memory_space<hbm>> -> memref<6144xf32, #tpu.memory_space<hbm>>
      %dma_start3A_1121 = tpu.memref_slice %arg9[%add3A_1016] : memref<3145728xf32, #tpu.memory_space<hbm>> -> memref<6144xf32, #tpu.memory_space<hbm>>
      tpu.enqueue_dma source(%arg18 : memref<6144xf32, #tpu.memory_space<vmem>>) target(%dma_start3A_1121 : memref<6144xf32, #tpu.memory_space<hbm>>) target_semaphore(%run_scoped3A : memref<!tpu.dma_semaphore, #tpu.memory_space<semaphore_mem>>)
      %dma_wait3A_1122 = tpu.memref_slice %arg9[%add3A_1016] : memref<3145728xf32, #tpu.memory_space<hbm>> -> memref<6144xf32, #tpu.memory_space<hbm>>
      %dma_wait3A_1123 = tpu.memref_slice %arg9[%add3A_1016] : memref<3145728xf32, #tpu.memory_space<hbm>> -> memref<6144xf32, #tpu.memory_space<hbm>>
      tpu.wait_dma2 semaphore(%run_scoped3A : memref<!tpu.dma_semaphore, #tpu.memory_space<semaphore_mem>>) src(%arg18 : memref<6144xf32, #tpu.memory_space<vmem>>) dst(%dma_wait3A_1123 : memref<6144xf32, #tpu.memory_space<hbm>>)
      tpu.yield
    }) : () -> ()
    %add3A_1017 = arith.constant 92160 : i32
    %add3A_1018 = arith.addi %mul3A_2, %add3A_1017 : i32
    %dma_start3A_1019 = tpu.memref_slice %arg2[%add3A_1018] : memref<3145728xf32, #tpu.memory_space<hbm>> -> memref<6144xf32, #tpu.memory_space<hbm>>
    %dma_start3A_1020 = tpu.memref_slice %arg2[%add3A_1018] : memref<3145728xf32, #tpu.memory_space<hbm>> -> memref<6144xf32, #tpu.memory_space<hbm>>
    tpu.enqueue_dma source(%dma_start3A_1020 : memref<6144xf32, #tpu.memory_space<hbm>>) target(%arg11 : memref<6144xf32, #tpu.memory_space<vmem>>) target_semaphore(%arg20 : memref<!tpu.dma_semaphore, #tpu.memory_space<semaphore_mem>>)
    %dma_wait3A_1021 = tpu.memref_slice %arg2[%add3A_1018] : memref<3145728xf32, #tpu.memory_space<hbm>> -> memref<6144xf32, #tpu.memory_space<hbm>>
    %dma_wait3A_1022 = tpu.memref_slice %arg2[%add3A_1018] : memref<3145728xf32, #tpu.memory_space<hbm>> -> memref<6144xf32, #tpu.memory_space<hbm>>
    tpu.wait_dma2 semaphore(%arg20 : memref<!tpu.dma_semaphore, #tpu.memory_space<semaphore_mem>>) src(%dma_wait3A_1022 : memref<6144xf32, #tpu.memory_space<hbm>>) dst(%arg11 : memref<6144xf32, #tpu.memory_space<vmem>>)
    %scan3A_1023 = arith.constant 0 : i32
    %scan3A_1024 = arith.constant 0 : i32
    %scan3A_1025 = arith.constant 128 : i32
    %scan3A_1026 = arith.addi %scan3A_1024, %scan3A_1025 : i32
    %scan3A_1027 = arith.constant 1 : i32
    %scan3A_1028 = scf.for %scan3A_1120 = %scan3A_1024 to %scan3A_1026 step %scan3A_1027 iter_args(%scan3A_1121 = %scan3A_1023) -> (i32)  : i32 {
      %mul3A_1122 = arith.constant 48 : i32
      %mul3A_1123 = arith.muli %scan3A_1120, %mul3A_1122 : i32
      %mul3A_1124 = arith.constant 3 : i32
      %mul3A_1125 = vector.broadcast %mul3A_1124 : i32 to vector<16xi32>
      %mul3A_1126 = arith.muli %iota3A, %mul3A_1125 : vector<16xi32>
      %add3A_1127 = vector.broadcast %mul3A_1123 : i32 to vector<16xi32>
      %add3A_1128 = arith.addi %add3A_1127, %mul3A_1126 : vector<16xi32>
      %gather3A = tpu.vector_load_idx %arg11[%add3A_1128] : memref<6144xf32, #tpu.memory_space<vmem>>[vector<16xi32>], vector<16xf32>,
      %add3A_1129 = arith.constant 1 : i32
      %add3A_1130 = vector.broadcast %add3A_1129 : i32 to vector<16xi32>
      %add3A_1131 = arith.addi %add3A_1128, %add3A_1130 : vector<16xi32>
      %gather3A_1132 = tpu.vector_load_idx %arg11[%add3A_1131] : memref<6144xf32, #tpu.memory_space<vmem>>[vector<16xi32>], vector<16xf32>,
      %add3A_1133 = arith.constant 2 : i32
      %add3A_1134 = vector.broadcast %add3A_1133 : i32 to vector<16xi32>
      %add3A_1135 = arith.addi %add3A_1128, %add3A_1134 : vector<16xi32>
      %gather3A_1136 = tpu.vector_load_idx %arg11[%add3A_1135] : memref<6144xf32, #tpu.memory_space<vmem>>[vector<16xi32>], vector<16xf32>,
      %mul3A_1137 = arith.constant 6.553600e+04 : f32
      %mul3A_1138 = vector.broadcast %mul3A_1137 : f32 to vector<16xf32>
      %mul3A_1139 = arith.mulf %gather3A, %mul3A_1138 : vector<16xf32>
      %mul3A_1140 = arith.constant 2.560000e+02 : f32
      %mul3A_1141 = vector.broadcast %mul3A_1140 : f32 to vector<16xf32>
      %mul3A_1142 = arith.mulf %gather3A_1132, %mul3A_1141 : vector<16xf32>
      %add3A_1143 = arith.addf %mul3A_1139, %mul3A_1142 : vector<16xf32>
      %add3A_1144 = arith.addf %add3A_1143, %gather3A_1136 : vector<16xf32>
      %convert_element_type3A = arith.fptosi %add3A_1144 : vector<16xf32> to vector<16xi32>
      %mul3A_1145 = arith.constant 16 : i32
      %mul3A_1146 = arith.muli %scan3A_1120, %mul3A_1145 : i32
      %add3A_1147 = vector.broadcast %mul3A_1146 : i32 to vector<16xi32>
      %add3A_1148 = arith.addi %add3A_1147, %iota3A : vector<16xi32>
      tpu.vector_store_idx %arg13[%add3A_1148], %convert_element_type3A : memref<2048xi32, #tpu.memory_space<vmem>>[vector<16xi32>], vector<16xi32>,
      %scan3A_1149 = arith.constant 0 : i32
      scf.yield %scan3A_1149 : i32
    }
    %scan3A_1029 = arith.constant 128 : i32
    %dma_start3A_1030 = arith.constant 0 : i32
    %dma_start3A_1031 = tpu.memref_slice %arg15[%dma_start3A_1030] : memref<6144xf32, #tpu.memory_space<vmem>> -> memref<2048xf32, #tpu.memory_space<vmem>>
    %dma_start3A_1032 = arith.constant 0 : i32
    %dma_start3A_1033 = tpu.memref_slice %arg3[%dma_start3A_1032] : memref<16777216xf32, #tpu.memory_space<hbm>> -> memref<16777216xf32, #tpu.memory_space<hbm>>
    tpu.enqueue_indirect_dma source(%dma_start3A_1033 : memref<16777216xf32, #tpu.memory_space<hbm>>) target(%dma_start3A_1031 : memref<2048xf32, #tpu.memory_space<vmem>>) offsets(%arg13 : memref<2048xi32, #tpu.memory_space<vmem>>) semaphore(%arg22 : memref<!tpu.dma_semaphore, #tpu.memory_space<semaphore_mem>>)
    %dma_start3A_1034 = arith.constant 2048 : i32
    %dma_start3A_1035 = tpu.memref_slice %arg15[%dma_start3A_1034] : memref<6144xf32, #tpu.memory_space<vmem>> -> memref<2048xf32, #tpu.memory_space<vmem>>
    %dma_start3A_1036 = arith.constant 0 : i32
    %dma_start3A_1037 = tpu.memref_slice %arg4[%dma_start3A_1036] : memref<16777216xf32, #tpu.memory_space<hbm>> -> memref<16777216xf32, #tpu.memory_space<hbm>>
    tpu.enqueue_indirect_dma source(%dma_start3A_1037 : memref<16777216xf32, #tpu.memory_space<hbm>>) target(%dma_start3A_1035 : memref<2048xf32, #tpu.memory_space<vmem>>) offsets(%arg13 : memref<2048xi32, #tpu.memory_space<vmem>>) semaphore(%arg22 : memref<!tpu.dma_semaphore, #tpu.memory_space<semaphore_mem>>)
    %dma_start3A_1038 = arith.constant 4096 : i32
    %dma_start3A_1039 = tpu.memref_slice %arg15[%dma_start3A_1038] : memref<6144xf32, #tpu.memory_space<vmem>> -> memref<2048xf32, #tpu.memory_space<vmem>>
    %dma_start3A_1040 = arith.constant 0 : i32
    %dma_start3A_1041 = tpu.memref_slice %arg5[%dma_start3A_1040] : memref<16777216xf32, #tpu.memory_space<hbm>> -> memref<16777216xf32, #tpu.memory_space<hbm>>
    tpu.enqueue_indirect_dma source(%dma_start3A_1041 : memref<16777216xf32, #tpu.memory_space<hbm>>) target(%dma_start3A_1039 : memref<2048xf32, #tpu.memory_space<vmem>>) offsets(%arg13 : memref<2048xi32, #tpu.memory_space<vmem>>) semaphore(%arg22 : memref<!tpu.dma_semaphore, #tpu.memory_space<semaphore_mem>>)
    %dma_start3A_1042 = arith.constant 0 : i32
    %dma_start3A_1043 = tpu.memref_slice %arg17[%dma_start3A_1042] : memref<6144xf32, #tpu.memory_space<vmem>> -> memref<2048xf32, #tpu.memory_space<vmem>>
    %dma_start3A_1044 = arith.constant 0 : i32
    %dma_start3A_1045 = tpu.memref_slice %arg6[%dma_start3A_1044] : memref<16777216xf32, #tpu.memory_space<hbm>> -> memref<16777216xf32, #tpu.memory_space<hbm>>
    tpu.enqueue_indirect_dma source(%dma_start3A_1045 : memref<16777216xf32, #tpu.memory_space<hbm>>) target(%dma_start3A_1043 : memref<2048xf32, #tpu.memory_space<vmem>>) offsets(%arg13 : memref<2048xi32, #tpu.memory_space<vmem>>) semaphore(%arg24 : memref<!tpu.dma_semaphore, #tpu.memory_space<semaphore_mem>>)
    %dma_start3A_1046 = arith.constant 2048 : i32
    %dma_start3A_1047 = tpu.memref_slice %arg17[%dma_start3A_1046] : memref<6144xf32, #tpu.memory_space<vmem>> -> memref<2048xf32, #tpu.memory_space<vmem>>
    %dma_start3A_1048 = arith.constant 0 : i32
    %dma_start3A_1049 = tpu.memref_slice %arg7[%dma_start3A_1048] : memref<16777216xf32, #tpu.memory_space<hbm>> -> memref<16777216xf32, #tpu.memory_space<hbm>>
    tpu.enqueue_indirect_dma source(%dma_start3A_1049 : memref<16777216xf32, #tpu.memory_space<hbm>>) target(%dma_start3A_1047 : memref<2048xf32, #tpu.memory_space<vmem>>) offsets(%arg13 : memref<2048xi32, #tpu.memory_space<vmem>>) semaphore(%arg24 : memref<!tpu.dma_semaphore, #tpu.memory_space<semaphore_mem>>)
    %dma_start3A_1050 = arith.constant 4096 : i32
    %dma_start3A_1051 = tpu.memref_slice %arg17[%dma_start3A_1050] : memref<6144xf32, #tpu.memory_space<vmem>> -> memref<2048xf32, #tpu.memory_space<vmem>>
    %dma_start3A_1052 = arith.constant 0 : i32
    %dma_start3A_1053 = tpu.memref_slice %arg8[%dma_start3A_1052] : memref<16777216xf32, #tpu.memory_space<hbm>> -> memref<16777216xf32, #tpu.memory_space<hbm>>
    tpu.enqueue_indirect_dma source(%dma_start3A_1053 : memref<16777216xf32, #tpu.memory_space<hbm>>) target(%dma_start3A_1051 : memref<2048xf32, #tpu.memory_space<vmem>>) offsets(%arg13 : memref<2048xi32, #tpu.memory_space<vmem>>) semaphore(%arg24 : memref<!tpu.dma_semaphore, #tpu.memory_space<semaphore_mem>>)
    %dma_wait3A_1054 = arith.constant 0 : i32
    %dma_wait3A_1055 = tpu.memref_slice %arg14[%dma_wait3A_1054] : memref<6144xf32, #tpu.memory_space<vmem>> -> memref<2048xf32, #tpu.memory_space<vmem>>
    %dma_wait3A_1056 = arith.constant 0 : i32
    %dma_wait3A_1057 = tpu.memref_slice %arg3[%dma_wait3A_1056] : memref<16777216xf32, #tpu.memory_space<hbm>> -> memref<16777216xf32, #tpu.memory_space<hbm>>
    tpu.wait_indirect_dma semaphore(%arg21 : memref<!tpu.dma_semaphore, #tpu.memory_space<semaphore_mem>>) src(%dma_wait3A_1057 : memref<16777216xf32, #tpu.memory_space<hbm>>) dst(%dma_wait3A_1055 : memref<2048xf32, #tpu.memory_space<vmem>>)
    %dma_wait3A_1058 = arith.constant 2048 : i32
    %dma_wait3A_1059 = tpu.memref_slice %arg14[%dma_wait3A_1058] : memref<6144xf32, #tpu.memory_space<vmem>> -> memref<2048xf32, #tpu.memory_space<vmem>>
    %dma_wait3A_1060 = arith.constant 0 : i32
    %dma_wait3A_1061 = tpu.memref_slice %arg4[%dma_wait3A_1060] : memref<16777216xf32, #tpu.memory_space<hbm>> -> memref<16777216xf32, #tpu.memory_space<hbm>>
    tpu.wait_indirect_dma semaphore(%arg21 : memref<!tpu.dma_semaphore, #tpu.memory_space<semaphore_mem>>) src(%dma_wait3A_1061 : memref<16777216xf32, #tpu.memory_space<hbm>>) dst(%dma_wait3A_1059 : memref<2048xf32, #tpu.memory_space<vmem>>)
    %dma_wait3A_1062 = arith.constant 4096 : i32
    %dma_wait3A_1063 = tpu.memref_slice %arg14[%dma_wait3A_1062] : memref<6144xf32, #tpu.memory_space<vmem>> -> memref<2048xf32, #tpu.memory_space<vmem>>
    %dma_wait3A_1064 = arith.constant 0 : i32
    %dma_wait3A_1065 = tpu.memref_slice %arg5[%dma_wait3A_1064] : memref<16777216xf32, #tpu.memory_space<hbm>> -> memref<16777216xf32, #tpu.memory_space<hbm>>
    tpu.wait_indirect_dma semaphore(%arg21 : memref<!tpu.dma_semaphore, #tpu.memory_space<semaphore_mem>>) src(%dma_wait3A_1065 : memref<16777216xf32, #tpu.memory_space<hbm>>) dst(%dma_wait3A_1063 : memref<2048xf32, #tpu.memory_space<vmem>>)
    %dma_wait3A_1066 = arith.constant 0 : i32
    %dma_wait3A_1067 = tpu.memref_slice %arg16[%dma_wait3A_1066] : memref<6144xf32, #tpu.memory_space<vmem>> -> memref<2048xf32, #tpu.memory_space<vmem>>
    %dma_wait3A_1068 = arith.constant 0 : i32
    %dma_wait3A_1069 = tpu.memref_slice %arg6[%dma_wait3A_1068] : memref<16777216xf32, #tpu.memory_space<hbm>> -> memref<16777216xf32, #tpu.memory_space<hbm>>
    tpu.wait_indirect_dma semaphore(%arg23 : memref<!tpu.dma_semaphore, #tpu.memory_space<semaphore_mem>>) src(%dma_wait3A_1069 : memref<16777216xf32, #tpu.memory_space<hbm>>) dst(%dma_wait3A_1067 : memref<2048xf32, #tpu.memory_space<vmem>>)
    %dma_wait3A_1070 = arith.constant 2048 : i32
    %dma_wait3A_1071 = tpu.memref_slice %arg16[%dma_wait3A_1070] : memref<6144xf32, #tpu.memory_space<vmem>> -> memref<2048xf32, #tpu.memory_space<vmem>>
    %dma_wait3A_1072 = arith.constant 0 : i32
    %dma_wait3A_1073 = tpu.memref_slice %arg7[%dma_wait3A_1072] : memref<16777216xf32, #tpu.memory_space<hbm>> -> memref<16777216xf32, #tpu.memory_space<hbm>>
    tpu.wait_indirect_dma semaphore(%arg23 : memref<!tpu.dma_semaphore, #tpu.memory_space<semaphore_mem>>) src(%dma_wait3A_1073 : memref<16777216xf32, #tpu.memory_space<hbm>>) dst(%dma_wait3A_1071 : memref<2048xf32, #tpu.memory_space<vmem>>)
    %dma_wait3A_1074 = arith.constant 4096 : i32
    %dma_wait3A_1075 = tpu.memref_slice %arg16[%dma_wait3A_1074] : memref<6144xf32, #tpu.memory_space<vmem>> -> memref<2048xf32, #tpu.memory_space<vmem>>
    %dma_wait3A_1076 = arith.constant 0 : i32
    %dma_wait3A_1077 = tpu.memref_slice %arg8[%dma_wait3A_1076] : memref<16777216xf32, #tpu.memory_space<hbm>> -> memref<16777216xf32, #tpu.memory_space<hbm>>
    tpu.wait_indirect_dma semaphore(%arg23 : memref<!tpu.dma_semaphore, #tpu.memory_space<semaphore_mem>>) src(%dma_wait3A_1077 : memref<16777216xf32, #tpu.memory_space<hbm>>) dst(%dma_wait3A_1075 : memref<2048xf32, #tpu.memory_space<vmem>>)
    %scan3A_1078 = arith.constant 0 : i32
    %scan3A_1079 = arith.constant 0 : i32
    %scan3A_1080 = arith.constant 384 : i32
    %scan3A_1081 = arith.addi %scan3A_1079, %scan3A_1080 : i32
    %scan3A_1082 = arith.constant 1 : i32
    %scan3A_1083 = scf.for %scan3A_1120 = %scan3A_1079 to %scan3A_1081 step %scan3A_1082 iter_args(%scan3A_1121 = %scan3A_1078) -> (i32)  : i32 {
      %mul3A_1122 = arith.constant 16 : i32
      %mul3A_1123 = arith.muli %scan3A_1120, %mul3A_1122 : i32
      %mul3A_1124 = arith.constant 16 : i32
      %mul3A_1125 = arith.muli %scan3A_1120, %mul3A_1124 : i32
      %add3A_1126 = vector.broadcast %mul3A_1125 : i32 to vector<16xi32>
      %add3A_1127 = arith.addi %add3A_1126, %iota3A : vector<16xi32>
      %mul3A_1128 = arith.constant 21846 : i32
      %mul3A_1129 = vector.broadcast %mul3A_1128 : i32 to vector<16xi32>
      %mul3A_1130 = arith.muli %add3A_1127, %mul3A_1129 : vector<16xi32>
      %shift_right_logical3A = arith.constant 16 : i32
      %shift_right_logical3A_1131 = vector.broadcast %shift_right_logical3A : i32 to vector<16xi32>
      %shift_right_logical3A_1132 = arith.shrui %mul3A_1130, %shift_right_logical3A_1131 : vector<16xi32>
      %mul3A_1133 = arith.constant 3 : i32
      %mul3A_1134 = vector.broadcast %mul3A_1133 : i32 to vector<16xi32>
      %mul3A_1135 = arith.muli %shift_right_logical3A_1132, %mul3A_1134 : vector<16xi32>
      %sub3A = arith.subi %add3A_1127, %mul3A_1135 : vector<16xi32>
      %mul3A_1136 = arith.constant 2048 : i32
      %mul3A_1137 = vector.broadcast %mul3A_1136 : i32 to vector<16xi32>
      %mul3A_1138 = arith.muli %sub3A, %mul3A_1137 : vector<16xi32>
      %add3A_1139 = arith.addi %mul3A_1138, %shift_right_logical3A_1132 : vector<16xi32>
      %gather3A = tpu.vector_load_idx %arg14[%add3A_1139] : memref<6144xf32, #tpu.memory_space<vmem>>[vector<16xi32>], vector<16xf32>,
      %gather3A_1140 = tpu.vector_load_idx %arg16[%add3A_1139] : memref<6144xf32, #tpu.memory_space<vmem>>[vector<16xi32>], vector<16xf32>,
      %get3A = arith.index_cast %mul3A_1123 : i32 to index
      %get3A_1141 = tpu.vector_load %arg10[%get3A] {strides = array<i32>} : memref<6144xf32, #tpu.memory_space<vmem>>, vector<16xf32>,
      %mul3A_1142 = arith.mulf %get3A_1141, %gather3A : vector<16xf32>
      %add3A_1143 = arith.addf %mul3A_1142, %gather3A_1140 : vector<16xf32>
      %abs3A = math.absf %add3A_1143 : vector<16xf32>
      %mul3A_1144 = arith.constant -2.000000e+00 : f32
      %mul3A_1145 = vector.broadcast %mul3A_1144 : f32 to vector<16xf32>
      %mul3A_1146 = arith.mulf %mul3A_1145, %abs3A : vector<16xf32>
      %exp3A = math.exp %mul3A_1146 : vector<16xf32>
      %sign3A = tpu.bitcast %add3A_1143 : vector<16xf32> -> vector<16xi32>
      %sign3A_1147 = arith.constant -2147483648 : i32
      %sign3A_1148 = vector.broadcast %sign3A_1147 : i32 to vector<16xi32>
      %sign3A_1149 = arith.andi %sign3A, %sign3A_1148 : vector<16xi32>
      %sign3A_1150 = arith.constant 1065353216 : i32
      %sign3A_1151 = vector.broadcast %sign3A_1150 : i32 to vector<16xi32>
      %sign3A_1152 = arith.ori %sign3A_1151, %sign3A_1149 : vector<16xi32>
      %sign3A_1153 = tpu.bitcast %sign3A_1152 : vector<16xi32> -> vector<16xf32>
      %sign3A_1154 = math.absf %add3A_1143 : vector<16xf32>
      %sign3A_1155 = arith.constant 0.000000e+00 : f32
      %sign3A_1156 = vector.broadcast %sign3A_1155 : f32 to vector<16xf32>
      %sign3A_1157 = arith.cmpf ogt, %sign3A_1154, %sign3A_1156 : vector<16xf32>
      %sign3A_1158 = arith.select %sign3A_1157, %sign3A_1153, %add3A_1143 : vector<16xi1>, vector<16xf32>
      %sub3A_1159 = arith.constant 1.000000e+00 : f32
      %sub3A_1160 = vector.broadcast %sub3A_1159 : f32 to vector<16xf32>
      %sub3A_1161 = arith.subf %sub3A_1160, %exp3A : vector<16xf32>
      %add3A_1162 = arith.constant 1.000000e+00 : f32
      %add3A_1163 = vector.broadcast %add3A_1162 : f32 to vector<16xf32>
      %add3A_1164 = arith.addf %add3A_1163, %exp3A : vector<16xf32>
      %div3A = arith.divf %sub3A_1161, %add3A_1164 : vector<16xf32>
      %mul3A_1165 = arith.mulf %sign3A_1158, %div3A : vector<16xf32>
      %swap3A = arith.index_cast %mul3A_1123 : i32 to index
      %swap3A_1166 = tpu.vector_load %arg18[%swap3A] {strides = array<i32>} : memref<6144xf32, #tpu.memory_space<vmem>>, vector<16xf32>,
      tpu.vector_store %arg18[%swap3A], %mul3A_1165 {strides = array<i32>} : memref<6144xf32, #tpu.memory_space<vmem>>, vector<16xf32>,
      %scan3A_1167 = arith.constant 0 : i32
      scf.yield %scan3A_1167 : i32
    }
    %scan3A_1084 = arith.constant 384 : i32
    %add3A_1085 = arith.constant 86016 : i32
    %add3A_1086 = arith.addi %mul3A_2, %add3A_1085 : i32
    "tpu.region"() ({
      %run_scoped3A = tpu.sem_alloc : memref<!tpu.dma_semaphore, #tpu.memory_space<semaphore_mem>>
      %dma_start3A_1120 = tpu.memref_slice %arg9[%add3A_1086] : memref<3145728xf32, #tpu.memory_space<hbm>> -> memref<6144xf32, #tpu.memory_space<hbm>>
      %dma_start3A_1121 = tpu.memref_slice %arg9[%add3A_1086] : memref<3145728xf32, #tpu.memory_space<hbm>> -> memref<6144xf32, #tpu.memory_space<hbm>>
      tpu.enqueue_dma source(%arg18 : memref<6144xf32, #tpu.memory_space<vmem>>) target(%dma_start3A_1121 : memref<6144xf32, #tpu.memory_space<hbm>>) target_semaphore(%run_scoped3A : memref<!tpu.dma_semaphore, #tpu.memory_space<semaphore_mem>>)
      %dma_wait3A_1122 = tpu.memref_slice %arg9[%add3A_1086] : memref<3145728xf32, #tpu.memory_space<hbm>> -> memref<6144xf32, #tpu.memory_space<hbm>>
      %dma_wait3A_1123 = tpu.memref_slice %arg9[%add3A_1086] : memref<3145728xf32, #tpu.memory_space<hbm>> -> memref<6144xf32, #tpu.memory_space<hbm>>
      tpu.wait_dma2 semaphore(%run_scoped3A : memref<!tpu.dma_semaphore, #tpu.memory_space<semaphore_mem>>) src(%arg18 : memref<6144xf32, #tpu.memory_space<vmem>>) dst(%dma_wait3A_1123 : memref<6144xf32, #tpu.memory_space<hbm>>)
      tpu.yield
    }) : () -> ()
    %dma_wait3A_1087 = arith.constant 0 : i32
    %dma_wait3A_1088 = tpu.memref_slice %arg15[%dma_wait3A_1087] : memref<6144xf32, #tpu.memory_space<vmem>> -> memref<2048xf32, #tpu.memory_space<vmem>>
    %dma_wait3A_1089 = arith.constant 0 : i32
    %dma_wait3A_1090 = tpu.memref_slice %arg3[%dma_wait3A_1089] : memref<16777216xf32, #tpu.memory_space<hbm>> -> memref<16777216xf32, #tpu.memory_space<hbm>>
    tpu.wait_indirect_dma semaphore(%arg22 : memref<!tpu.dma_semaphore, #tpu.memory_space<semaphore_mem>>) src(%dma_wait3A_1090 : memref<16777216xf32, #tpu.memory_space<hbm>>) dst(%dma_wait3A_1088 : memref<2048xf32, #tpu.memory_space<vmem>>)
    %dma_wait3A_1091 = arith.constant 2048 : i32
    %dma_wait3A_1092 = tpu.memref_slice %arg15[%dma_wait3A_1091] : memref<6144xf32, #tpu.memory_space<vmem>> -> memref<2048xf32, #tpu.memory_space<vmem>>
    %dma_wait3A_1093 = arith.constant 0 : i32
    %dma_wait3A_1094 = tpu.memref_slice %arg4[%dma_wait3A_1093] : memref<16777216xf32, #tpu.memory_space<hbm>> -> memref<16777216xf32, #tpu.memory_space<hbm>>
    tpu.wait_indirect_dma semaphore(%arg22 : memref<!tpu.dma_semaphore, #tpu.memory_space<semaphore_mem>>) src(%dma_wait3A_1094 : memref<16777216xf32, #tpu.memory_space<hbm>>) dst(%dma_wait3A_1092 : memref<2048xf32, #tpu.memory_space<vmem>>)
    %dma_wait3A_1095 = arith.constant 4096 : i32
    %dma_wait3A_1096 = tpu.memref_slice %arg15[%dma_wait3A_1095] : memref<6144xf32, #tpu.memory_space<vmem>> -> memref<2048xf32, #tpu.memory_space<vmem>>
    %dma_wait3A_1097 = arith.constant 0 : i32
    %dma_wait3A_1098 = tpu.memref_slice %arg5[%dma_wait3A_1097] : memref<16777216xf32, #tpu.memory_space<hbm>> -> memref<16777216xf32, #tpu.memory_space<hbm>>
    tpu.wait_indirect_dma semaphore(%arg22 : memref<!tpu.dma_semaphore, #tpu.memory_space<semaphore_mem>>) src(%dma_wait3A_1098 : memref<16777216xf32, #tpu.memory_space<hbm>>) dst(%dma_wait3A_1096 : memref<2048xf32, #tpu.memory_space<vmem>>)
    %dma_wait3A_1099 = arith.constant 0 : i32
    %dma_wait3A_1100 = tpu.memref_slice %arg17[%dma_wait3A_1099] : memref<6144xf32, #tpu.memory_space<vmem>> -> memref<2048xf32, #tpu.memory_space<vmem>>
    %dma_wait3A_1101 = arith.constant 0 : i32
    %dma_wait3A_1102 = tpu.memref_slice %arg6[%dma_wait3A_1101] : memref<16777216xf32, #tpu.memory_space<hbm>> -> memref<16777216xf32, #tpu.memory_space<hbm>>
    tpu.wait_indirect_dma semaphore(%arg24 : memref<!tpu.dma_semaphore, #tpu.memory_space<semaphore_mem>>) src(%dma_wait3A_1102 : memref<16777216xf32, #tpu.memory_space<hbm>>) dst(%dma_wait3A_1100 : memref<2048xf32, #tpu.memory_space<vmem>>)
    %dma_wait3A_1103 = arith.constant 2048 : i32
    %dma_wait3A_1104 = tpu.memref_slice %arg17[%dma_wait3A_1103] : memref<6144xf32, #tpu.memory_space<vmem>> -> memref<2048xf32, #tpu.memory_space<vmem>>
    %dma_wait3A_1105 = arith.constant 0 : i32
    %dma_wait3A_1106 = tpu.memref_slice %arg7[%dma_wait3A_1105] : memref<16777216xf32, #tpu.memory_space<hbm>> -> memref<16777216xf32, #tpu.memory_space<hbm>>
    tpu.wait_indirect_dma semaphore(%arg24 : memref<!tpu.dma_semaphore, #tpu.memory_space<semaphore_mem>>) src(%dma_wait3A_1106 : memref<16777216xf32, #tpu.memory_space<hbm>>) dst(%dma_wait3A_1104 : memref<2048xf32, #tpu.memory_space<vmem>>)
    %dma_wait3A_1107 = arith.constant 4096 : i32
    %dma_wait3A_1108 = tpu.memref_slice %arg17[%dma_wait3A_1107] : memref<6144xf32, #tpu.memory_space<vmem>> -> memref<2048xf32, #tpu.memory_space<vmem>>
    %dma_wait3A_1109 = arith.constant 0 : i32
    %dma_wait3A_1110 = tpu.memref_slice %arg8[%dma_wait3A_1109] : memref<16777216xf32, #tpu.memory_space<hbm>> -> memref<16777216xf32, #tpu.memory_space<hbm>>
    tpu.wait_indirect_dma semaphore(%arg24 : memref<!tpu.dma_semaphore, #tpu.memory_space<semaphore_mem>>) src(%dma_wait3A_1110 : memref<16777216xf32, #tpu.memory_space<hbm>>) dst(%dma_wait3A_1108 : memref<2048xf32, #tpu.memory_space<vmem>>)
    %scan3A_1111 = arith.constant 0 : i32
    %scan3A_1112 = arith.constant 0 : i32
    %scan3A_1113 = arith.constant 384 : i32
    %scan3A_1114 = arith.addi %scan3A_1112, %scan3A_1113 : i32
    %scan3A_1115 = arith.constant 1 : i32
    %scan3A_1116 = scf.for %scan3A_1120 = %scan3A_1112 to %scan3A_1114 step %scan3A_1115 iter_args(%scan3A_1121 = %scan3A_1111) -> (i32)  : i32 {
      %mul3A_1122 = arith.constant 16 : i32
      %mul3A_1123 = arith.muli %scan3A_1120, %mul3A_1122 : i32
      %mul3A_1124 = arith.constant 16 : i32
      %mul3A_1125 = arith.muli %scan3A_1120, %mul3A_1124 : i32
      %add3A_1126 = vector.broadcast %mul3A_1125 : i32 to vector<16xi32>
      %add3A_1127 = arith.addi %add3A_1126, %iota3A : vector<16xi32>
      %mul3A_1128 = arith.constant 21846 : i32
      %mul3A_1129 = vector.broadcast %mul3A_1128 : i32 to vector<16xi32>
      %mul3A_1130 = arith.muli %add3A_1127, %mul3A_1129 : vector<16xi32>
      %shift_right_logical3A = arith.constant 16 : i32
      %shift_right_logical3A_1131 = vector.broadcast %shift_right_logical3A : i32 to vector<16xi32>
      %shift_right_logical3A_1132 = arith.shrui %mul3A_1130, %shift_right_logical3A_1131 : vector<16xi32>
      %mul3A_1133 = arith.constant 3 : i32
      %mul3A_1134 = vector.broadcast %mul3A_1133 : i32 to vector<16xi32>
      %mul3A_1135 = arith.muli %shift_right_logical3A_1132, %mul3A_1134 : vector<16xi32>
      %sub3A = arith.subi %add3A_1127, %mul3A_1135 : vector<16xi32>
      %mul3A_1136 = arith.constant 2048 : i32
      %mul3A_1137 = vector.broadcast %mul3A_1136 : i32 to vector<16xi32>
      %mul3A_1138 = arith.muli %sub3A, %mul3A_1137 : vector<16xi32>
      %add3A_1139 = arith.addi %mul3A_1138, %shift_right_logical3A_1132 : vector<16xi32>
      %gather3A = tpu.vector_load_idx %arg15[%add3A_1139] : memref<6144xf32, #tpu.memory_space<vmem>>[vector<16xi32>], vector<16xf32>,
      %gather3A_1140 = tpu.vector_load_idx %arg17[%add3A_1139] : memref<6144xf32, #tpu.memory_space<vmem>>[vector<16xi32>], vector<16xf32>,
      %get3A = arith.index_cast %mul3A_1123 : i32 to index
      %get3A_1141 = tpu.vector_load %arg11[%get3A] {strides = array<i32>} : memref<6144xf32, #tpu.memory_space<vmem>>, vector<16xf32>,
      %mul3A_1142 = arith.mulf %get3A_1141, %gather3A : vector<16xf32>
      %add3A_1143 = arith.addf %mul3A_1142, %gather3A_1140 : vector<16xf32>
      %abs3A = math.absf %add3A_1143 : vector<16xf32>
      %mul3A_1144 = arith.constant -2.000000e+00 : f32
      %mul3A_1145 = vector.broadcast %mul3A_1144 : f32 to vector<16xf32>
      %mul3A_1146 = arith.mulf %mul3A_1145, %abs3A : vector<16xf32>
      %exp3A = math.exp %mul3A_1146 : vector<16xf32>
      %sign3A = tpu.bitcast %add3A_1143 : vector<16xf32> -> vector<16xi32>
      %sign3A_1147 = arith.constant -2147483648 : i32
      %sign3A_1148 = vector.broadcast %sign3A_1147 : i32 to vector<16xi32>
      %sign3A_1149 = arith.andi %sign3A, %sign3A_1148 : vector<16xi32>
      %sign3A_1150 = arith.constant 1065353216 : i32
      %sign3A_1151 = vector.broadcast %sign3A_1150 : i32 to vector<16xi32>
      %sign3A_1152 = arith.ori %sign3A_1151, %sign3A_1149 : vector<16xi32>
      %sign3A_1153 = tpu.bitcast %sign3A_1152 : vector<16xi32> -> vector<16xf32>
      %sign3A_1154 = math.absf %add3A_1143 : vector<16xf32>
      %sign3A_1155 = arith.constant 0.000000e+00 : f32
      %sign3A_1156 = vector.broadcast %sign3A_1155 : f32 to vector<16xf32>
      %sign3A_1157 = arith.cmpf ogt, %sign3A_1154, %sign3A_1156 : vector<16xf32>
      %sign3A_1158 = arith.select %sign3A_1157, %sign3A_1153, %add3A_1143 : vector<16xi1>, vector<16xf32>
      %sub3A_1159 = arith.constant 1.000000e+00 : f32
      %sub3A_1160 = vector.broadcast %sub3A_1159 : f32 to vector<16xf32>
      %sub3A_1161 = arith.subf %sub3A_1160, %exp3A : vector<16xf32>
      %add3A_1162 = arith.constant 1.000000e+00 : f32
      %add3A_1163 = vector.broadcast %add3A_1162 : f32 to vector<16xf32>
      %add3A_1164 = arith.addf %add3A_1163, %exp3A : vector<16xf32>
      %div3A = arith.divf %sub3A_1161, %add3A_1164 : vector<16xf32>
      %mul3A_1165 = arith.mulf %sign3A_1158, %div3A : vector<16xf32>
      %swap3A = arith.index_cast %mul3A_1123 : i32 to index
      %swap3A_1166 = tpu.vector_load %arg18[%swap3A] {strides = array<i32>} : memref<6144xf32, #tpu.memory_space<vmem>>, vector<16xf32>,
      tpu.vector_store %arg18[%swap3A], %mul3A_1165 {strides = array<i32>} : memref<6144xf32, #tpu.memory_space<vmem>>, vector<16xf32>,
      %scan3A_1167 = arith.constant 0 : i32
      scf.yield %scan3A_1167 : i32
    }
    %scan3A_1117 = arith.constant 384 : i32
    %add3A_1118 = arith.constant 92160 : i32
    %add3A_1119 = arith.addi %mul3A_2, %add3A_1118 : i32
    "tpu.region"() ({
      %run_scoped3A = tpu.sem_alloc : memref<!tpu.dma_semaphore, #tpu.memory_space<semaphore_mem>>
      %dma_start3A_1120 = tpu.memref_slice %arg9[%add3A_1119] : memref<3145728xf32, #tpu.memory_space<hbm>> -> memref<6144xf32, #tpu.memory_space<hbm>>
      %dma_start3A_1121 = tpu.memref_slice %arg9[%add3A_1119] : memref<3145728xf32, #tpu.memory_space<hbm>> -> memref<6144xf32, #tpu.memory_space<hbm>>
      tpu.enqueue_dma source(%arg18 : memref<6144xf32, #tpu.memory_space<vmem>>) target(%dma_start3A_1121 : memref<6144xf32, #tpu.memory_space<hbm>>) target_semaphore(%run_scoped3A : memref<!tpu.dma_semaphore, #tpu.memory_space<semaphore_mem>>)
      %dma_wait3A_1122 = tpu.memref_slice %arg9[%add3A_1119] : memref<3145728xf32, #tpu.memory_space<hbm>> -> memref<6144xf32, #tpu.memory_space<hbm>>
      %dma_wait3A_1123 = tpu.memref_slice %arg9[%add3A_1119] : memref<3145728xf32, #tpu.memory_space<hbm>> -> memref<6144xf32, #tpu.memory_space<hbm>>
      tpu.wait_dma2 semaphore(%run_scoped3A : memref<!tpu.dma_semaphore, #tpu.memory_space<semaphore_mem>>) src(%arg18 : memref<6144xf32, #tpu.memory_space<vmem>>) dst(%dma_wait3A_1123 : memref<6144xf32, #tpu.memory_space<hbm>>)
      tpu.yield
    }) : () -> ()
    return
  }
}

</mosaic_0001>

<sc_bundles>
// kernel: _sc_call.3.cloned.1.call-start
scs
__scs_entry_jumppad:
0x0: {  	(pc) =	sbr.rel $0x88, $3  }
0x1: {  	(tag) =	ssettag $0x0;
	lr =	simm.s32 $0x1  }
0x2: {  	[smem:$0x3F9A] =	sst lr;
	_ =	strace $0xD0000000  }
0x3: {  	_ = 	snop  }
0x4: {  	_ = 	snop  }
0x5: {  	_ = 	snop  }
0x6: {  	_ = 	snop  }
0x7: {  	_ = 	snop  }
__scs_overlays_trampoline_lowered:
0x8: {  	[smem:$0x3FA9] =	sst s0  }
0x9: {  	[smem:$0x3FAA] =	sst s1  }
0xa: {  	[smem:$0x3FAB] =	sst s2  }
0xb: {  	[smem:$0x3FAC] =	sst s3  }
0xc: {  	[smem:$0x3FAD] =	sst s4  }
0xd: {  	[smem:$0x3FAE] =	sst s5  }
0xe: {  	[smem:$0x3FAF] =	sst s6  }
0xf: {  	[smem:$0x3FB0] =	sst s7  }
0x10: {  	[smem:$0x3FB1] =	sst s8  }
0x11: {  	[smem:$0x3FB2] =	sst s9;
	s0 =	simm.s32 @!p0 $0x0  }
0x12: {  	s1 =	sld [smem:$0x3F98];
	s0 =	simm.s32 @p0 $0x1  }
0x13: {  	[smem:$0x3FB3] =	sst s0;
	s0 =	simm.s32 @!p1 $0x0  }
0x14: {  	s2 =	sld [smem:$0x3F97];
	s0 =	simm.s32 @p1 $0x1  }
0x15: {  	[smem:$0x3FB4] =	sst s0;
	s0 =	simm.s32 @!p2 $0x0  }
0x16: {  	s3 =	sld [smem:$0x3FDB];
	s0 =	simm.s32 @p2 $0x1  }
0x17: {  	s4 =	simm.s32 $0x1BF5;
	[smem:$0x3FB6] =	sst s0  }
0x18: {  	s0 =	sld [smem:$0x3F99];
	_ =	swait.ge [sflag:s4], $0x0  }
0x19: {  	s7 =	sld [smem:$0x3F9A]  }
0x1a: {  	s8 =	sadd.s32 $0xFFFFE003, lr  }
0x1b: {  	s9 =	sadd.s32 $0xFFFFFEF7, lr;
	s5 =	simm.s32 $0xFFFFFFFF;
	p2 =	slt.u32 s8, $0xFFFFF086  }
0x1c: {  	p1 =	slt.u32 s9, $0xF7A;
	s5 =	simm.s32 @!p2 $0x0  }
0x1d: {  	s5 =	simm.s32 @p1 $0x1;
	p0 =	seq.s32 s7, s2  }
0x1e: {  	s7 =	smul.u32 @!p0 $0xF7A, s2;
	p2 =	seq.s32 @!p0 s5, $0x0  }
0x1f: {  	s9 =	smul.u32 $0xF7A, s1;
	s8 =	simm.s32 @!p0 $0x1BF5;
	p2 =	por !p2, p0  }
0x20: {  	[sflag:s8] =	ssyncset.s32 @!p0 $0xFFFFF086;
	s6 =	sadd.s32 @!p0 s3, s7;
	s7 =	simm.s32 @!p0 $0x108  }
0x21: {  	s3 =	sadd.s32 s3, s9;
	s6 =	sadd.s32 @!p0 $0x88, s6;
	s7 =	simm.s32 @p2 $0x1082  }
0x22: {  	[simem:s7], [sflag:s8] =	dma.local @!p0 [hbm:s6], $0xF7A  }
0x23: {  	s9 =	sor.u32 $0xD0000000, s2;
	s6 =	simm.s32 $0x108;
	_ =	swait.ge @!p0 [sflag:s8], $0x0  }
0x24: {  	s3 =	sadd.s32 $0x88, s3;
	s6 =	simm.s32 @!p1 $0x1082;
	[sflag:s4] =	ssyncset.s32 $0xFFFFF086  }
0x25: {  	[simem:s6], [sflag:s4] =	dma.local [hbm:s3], $0xF7A  }
0x26: {  	[smem:$0x3F9A] =	sst s1;
	(tag) =	ssettag s2;
	_ =	strace s9  }
0x27: {  	s1 =	sld [smem:$0x3FAA]  }
0x28: {  	s2 =	sld [smem:$0x3FAB]  }
0x29: {  	s4 =	sld [smem:$0x3FAD]  }
0x2a: {  	p0 =	seq.s32 s5, $0x0;
	s5 =	sld [smem:$0x3FAE]  }
0x2b: {  	s6 =	sld [smem:$0x3FAF]  }
0x2c: {  	s7 =	sld [smem:$0x3FB0]  }
0x2d: {  	s3 =	simm.s32 $0x108;
	s8 =	sld [smem:$0x3FB1]  }
0x2e: {  	s3 =	simm.s32 @!p0 $0x1082;
	s9 =	sld [smem:$0x3FB2]  }
0x2f: {  	lr =	sadd.s32 s0, s3;
	s0 =	sld [smem:$0x3FA9]  }
0x30: {  	s3 =	sld [smem:$0x3FAC]  }
0x31: {  	[smem:$0x3FB5] =	sst s10  }
0x32: {  	s10 =	sld [smem:$0x3FB3];
	_ =	sdelay $0x3  }
0x33: {  	p0 =	seq.s32 s10, $0x1;
	s10 =	sld [smem:$0x3FB5];
	_ =	sdelay $0x3  }
0x34: {  	[smem:$0x3FB5] =	sst s10  }
0x35: {  	s10 =	sld [smem:$0x3FB4];
	_ =	sdelay $0x3  }
0x36: {  	p1 =	seq.s32 s10, $0x1;
	s10 =	sld [smem:$0x3FB5];
	_ =	sdelay $0x3  }
0x37: {  	[smem:$0x3FB5] =	sst s10  }
0x38: {  	s10 =	sld [smem:$0x3FB6]  }
0x39: {  	_ = 	snop;
	(pc) =	sbr.ind lr, $3  }
0x3a: {  	_ = 	snop  }
0x3b: {  	_ = 	snop  }
0x3c: {  	p2 =	seq.s32 s10, $0x1;
	s10 =	sld [smem:$0x3FB5]  }
0x3d: {  	_ =	shalt  }
0x3e: {  	_ =	shalt  }
0x3f: {  	_ =	shalt  }
0x40: {  	_ =	shalt  }
0x41: {  	_ =	shalt  }
0x42: {  	_ =	shalt  }
0x43: {  	_ =	shalt  }
0x44: {  	_ =	shalt  }
0x45: {  	_ =	shalt  }
0x46: {  	_ =	shalt  }
0x47: {  	_ =	shalt  }
0x48: {  	_ =	shalt  }
0x49: {  	_ =	shalt  }
0x4a: {  	_ =	shalt  }
0x4b: {  	_ =	shalt  }
0x4c: {  	_ =	shalt  }
0x4d: {  	_ =	shalt  }
0x4e: {  	_ =	shalt  }
0x4f: {  	_ =	shalt  }
0x50: {  	_ =	shalt  }
0x51: {  	_ =	shalt  }
0x52: {  	_ =	shalt  }
0x53: {  	_ =	shalt  }
0x54: {  	_ =	shalt  }
0x55: {  	_ =	shalt  }
0x56: {  	_ =	shalt  }
0x57: {  	_ =	shalt  }
0x58: {  	_ =	shalt  }
0x59: {  	_ =	shalt  }
0x5a: {  	_ =	shalt  }
0x5b: {  	_ =	shalt  }
0x5c: {  	_ =	shalt  }
0x5d: {  	_ =	shalt  }
0x5e: {  	_ =	shalt  }
0x5f: {  	_ =	shalt  }
0x60: {  	_ =	shalt  }
0x61: {  	_ =	shalt  }
0x62: {  	_ =	shalt  }
0x63: {  	_ =	shalt  }
0x64: {  	_ =	shalt  }
0x65: {  	_ =	shalt  }
0x66: {  	_ =	shalt  }
0x67: {  	_ =	shalt  }
0x68: {  	_ =	shalt  }
0x69: {  	_ =	shalt  }
0x6a: {  	_ =	shalt  }
0x6b: {  	_ =	shalt  }
0x6c: {  	_ =	shalt  }
0x6d: {  	_ =	shalt  }
0x6e: {  	_ =	shalt  }
0x6f: {  	_ =	shalt  }
0x70: {  	_ =	shalt  }
0x71: {  	_ =	shalt  }
0x72: {  	_ =	shalt  }
0x73: {  	_ =	shalt  }
0x74: {  	_ =	shalt  }
0x75: {  	_ =	shalt  }
0x76: {  	_ =	shalt  }
0x77: {  	_ =	shalt  }
0x78: {  	_ =	shalt  }
0x79: {  	_ =	shalt  }
0x7a: {  	_ =	shalt  }
0x7b: {  	_ =	shalt  }
0x7c: {  	_ =	shalt  }
0x7d: {  	_ =	shalt  }
0x7e: {  	_ =	shalt  }
0x7f: {  	_ =	shalt  }
0x80: {  	_ =	shalt  }
0x81: {  	_ =	shalt  }
0x82: {  	_ =	shalt  }
0x83: {  	_ =	shalt  }
0x84: {  	_ =	shalt  }
0x85: {  	_ =	shalt  }
0x86: {  	_ =	shalt  }
0x87: {  	_ =	shalt  }
.Lfunc_end0:
.L_simem_size_0:
called_computation_lowered:
.L_overlay_start_0:
0x88: {  	s2 =	sld [smem:$0x3FD9]  }
0x89: {  	s3 =	sld [smem:$0x3FFE];
	_ =	sdelay $0x1  }
0x8a: {  	s1 =	srdreg.scid  }
0x8b: {  	s0 =	sand.u32 $0x1, s1  }
0x8c: {  	s18 =	sshll.u32 s0, $0xA;
	s2 =	sadd.s32 s3, s2  }
0x8d: {  	s2 =	sadd.s32 s2, s18  }
0x8e: {  	[smem:$0x3FC1] =	sst s2  }
0x8f: {  	_ = 	snop  }
0x90: {  	s2 =	sld [smem:$0x3FC9]  }
0x91: {  	s19 =	sld [smem:$0x3FC8]  }
0x92: {  	s4 =	sld [smem:$0x3FC7]  }
0x93: {  	s5 =	sld [smem:$0x3FC6]  }
0x94: {  	s6 =	sld [smem:$0x3FC5]  }
0x95: {  	s7 =	sld [smem:$0x3FC4]  }
0x96: {  	s8 =	sld [smem:$0x3FC3]  }
0x97: {  	s9 =	sld [smem:$0x3FD0];
	(tm) =	ssettm $0x1  }
0x98: {  	s10 =	sld [smem:$0x3FFB];
	_ =	sdelay $0x3  }
0x99: {  	_ =	strace s10  }
0x9a: {  	s10 =	sld [smem:$0x3FFC];
	_ =	sdelay $0x3  }
0x9b: {  	_ =	strace s10  }
0x9c: {  	s10 =	sld [smem:$0x3FFD];
	_ =	sdelay $0x3  }
0x9d: {  	_ =	strace s10  }
0x9e: {  	_ =	strace $0x8FFFFFFF  }
0x9f: {  	s20 =	sld [smem:$0x3FDB];
	_ =	sdelay $0x1  }
0xa0: {  	s11 =	simm.s32 $_scs_section_size  }
0xa1: {  	s12 =	simm.s32 $_size__tile_overlayer_lowered;
	s13 =	simm.s32 $_tile_overlayer_lowered  }
0xa2: {  	s23 =	simm.s32 $0x1BFF;
	s22 =	sshll.u32 s13, $0x1;
	s10 =	sadd.s32 s11, s20  }
0xa3: {  	s14 =	simm.s32 $0x0;
	s21 =	sshll.u32 s12, $0x1;
	s12 =	sadd.s32 s22, s10  }
0xa4: {  	[timem:s14], [sflag:s23] =	dma.local [hbm:s12], s21  }
0xa5: {  	_ =	swait.ge [sflag:s23], s21  }
0xa6: {  	s11 =	ssub.s32 $0x0, s21;
	[sflag:s23] =	ssyncset.done $0x0  }
0xa7: {  	[sflag:s23] =	ssyncadd.s32 s11;
	_ =	sdelay $0x1  }
0xa8: {  	s24 =	simm.s32 $0x1B8B  }
0xa9: {  	_ =	swait.ge [sflag:s24], $0x1  }
0xaa: {  	[sflag:s24] =	ssyncset.done $0x0  }
0xab: {  	s25 =	simm.s32 $0x1B8E;
	[sflag:s24] =	ssyncadd.s32 $0xFFFFFFFF  }
0xac: {  	s26 =	simm.s32 $execute0_lowered;
	[smem:$0x3FD2] =	sst s25  }
0xad: {  	s11 =	sshll.u32 s26, $0x1;
	_ =	strace $0x80000046;
	[dreg:$0x1] =	wrdreg $0xFFFFFFFF  }
0xae: {  	s28 =	simm.s32 $_size_execute0_lowered;
	s10 =	sadd.s32 s10, s11;
	[dreg:$0x0] =	wrdreg $0x0  }
0xaf: {  	s11 =	sshll.u32 s28, $0x1;
	[dreg:$0x2] =	wrdreg s10  }
0xb0: {  	[dreg:$0x3] =	wrdreg s11  }
0xb1: {  	[dreg:$0x4] =	wrdreg $0xC0  }
0xb2: {  	_ =	task [dreg:s14], $0x5FFFF  }
0xb3: {  	[dreg:$0x1] =	wrdreg $0xFFFFFFFF  }
0xb4: {  	[dreg:$0x0] =	wrdreg $0x60  }
0xb5: {  	[dreg:$0x2] =	wrdreg s2  }
0xb6: {  	[dreg:$0x3] =	wrdreg s19  }
0xb7: {  	[dreg:$0x4] =	wrdreg s4  }
0xb8: {  	[dreg:$0x5] =	wrdreg s5  }
0xb9: {  	[dreg:$0x6] =	wrdreg s6  }
0xba: {  	[dreg:$0x7] =	wrdreg s7  }
0xbb: {  	[dreg:$0x8] =	wrdreg s8  }
0xbc: {  	[dreg:$0x9] =	wrdreg s9  }
0xbd: {  	[dreg:$0xa] =	wrdreg $0x9  }
0xbe: {  	_ =	task.clear_ibuf [dreg:s14], $0xBFFFF;
	_ =	strace $0x90000046  }
0xbf: {  	s29 =	simm.s32 $0x9;
	_ =	strace $0x80000048  }
0xc0: {  	_ =	swait.ge [sflag:s29], $0x1  }
0xc1: {  	[sflag:s29] =	ssyncadd.s32 $0xFFFFFFFF  }
0xc2: {  	_ =	strace $0x90000048  }
0xc3: {  	_ =	sfence  }
0xc4: {  	s30 =	sld [smem:$0x0];
	_ =	sdelay $0x2  }
0xc5: {  	s31 =	sshll.u32 s1, $0xD;
	s1 =	sshrl.u32 s1, $0x2  }
0xc6: {  	s3 =	sand.u32 $0x4000, s31;
	s1 =	sadd.s32 s1, s30  }
0xc7: {  	s0 =	sor.u32 s3, s0;
	s1 =	sshll.u32 s1, $0x11  }
0xc8: {  	s0 =	sor.u32 s1, s0  }
0xc9: {  	s0 =	sadd.s32 $0x8F2B, s0  }
0xca: {  	[sflag:s0] =	ssyncadd.remote.s32 $0x1  }
0xcb: {  	_ =	sfence.sel $0xFFFF  }
0xcc: {  	[dreg:$0x0] =	wrdreg $0xFFFFFFFF;
	(pc) =	sbr.abs _section_cstart, $3  }
0xcd: {  	[dreg:$0x1] =	wrdreg $0xFFFFFFFF  }
0xce: {  	_ =	task.clear_ibuf [dreg:s14], $0x2FFFF;
	_ =	strace $0x9FFFFFFF  }
0xcf: {  	(tm) =	ssettm $0x7FFFFFFF  }
tec
execute0_lowered:
.L_overlay_start_1:
0x0: {  	(tag) =	ssettag $0x1  }
0x1: {  	s0 =	srdreg.scid;
	s1 =	stileid.u32  }
0x2: {  	s0 =	sand.u32 $0x1, s0;
	s1 =	sshll.u32 s1, $0x1  }
0x3: {  	s2 =	rddreg [dreg:$0x0];
	s1 =	sor.u32 s0, s1  }
0x4: {  	s5 =	rddreg [dreg:$0x7];
	s3 =	smul.u32 $0x18000, s1  }
0x5: {  	s28 =	rddreg [dreg:$0x2]  }
0x6: {  	s31 =	rddreg [dreg:$0x3];
	s3 =	sshrl.u32 s3, $0x3  }
0x7: {  	s0 =	ssub.s32 $0x2, s0;
	s1 =	simm.s32 $0x0;
	s6 =	sor.u32 $0x300, s3  }
0x8: {  	[smem:$0x7FF] =	sst s1;
	s14 =	sor.u32 $0x600, s3;
	s13 =	sadd.s32 s2, s6  }
0x9: {  	s4 =	sshrl.u32 s0, $0x1;
	s15 =	sadd.s32 s2, s14;
	[dreg:$0x9] =	wrdreg s13  }
0xa: {  	s17 =	sor.u32 $0x900, s3;
	s16 =	sadd.s32 s5, s6;
	[dreg:$0xa] =	wrdreg s15  }
0xb: {  	s8 =	ssub.s32 s0, s4;
	s18 =	sadd.s32 s2, s17;
	[dreg:$0xb] =	wrdreg s16  }
0xc: {  	s19 =	sor.u32 $0xC00, s3;
	s0 =	sadd.s32 s5, s14;
	[dreg:$0xc] =	wrdreg s18  }
0xd: {  	s20 =	sadd.s32 s2, s19;
	[dreg:$0xd] =	wrdreg s0  }
0xe: {  	s21 =	sor.u32 $0xF00, s3;
	s4 =	sadd.s32 s5, s17;
	[dreg:$0xe] =	wrdreg s20  }
0xf: {  	s23 =	sadd.s32 $0x1200, s3;
	s22 =	sadd.s32 s2, s21;
	[dreg:$0xf] =	wrdreg s4  }
0x10: {  	s25 =	sadd.s32 $0x1500, s3;
	s24 =	sadd.s32 s2, s23;
	[dreg:$0x10] =	wrdreg s22  }
0x11: {  	s7 =	sadd.s32 $0x1800, s3;
	s26 =	sadd.s32 s2, s25;
	[dreg:$0x12] =	wrdreg s24  }
0x12: {  	s10 =	sadd.s32 $0x1B00, s3;
	s9 =	sadd.s32 s2, s7;
	[dreg:$0x14] =	wrdreg s26  }
0x13: {  	s11 =	sadd.s32 s2, s10;
	[dreg:$0x16] =	wrdreg s9  }
0x14: {  	[dreg:$0x18] =	wrdreg s11  }
0x15: {  	s0 =	sadd.s32 s5, s19;
	s24 =	rddreg [dreg:$0x1]  }
0x16: {  	s12 =	sadd.s32 $0x1E00, s3;
	s4 =	sadd.s32 s5, s21;
	[dreg:$0x11] =	wrdreg s0  }
0x17: {  	s14 =	sadd.s32 $0x2100, s3;
	s13 =	sadd.s32 s2, s12;
	[dreg:$0x13] =	wrdreg s4  }
0x18: {  	s29 =	simm.s32 $0x8800;
	s15 =	sadd.s32 s2, s14;
	[dreg:$0x1a] =	wrdreg s13  }
0x19: {  	s30 =	simm.s32 $0x9000;
	s20 =	sadd.s32 s2, s3;
	[dreg:$0x1d] =	wrdreg s15  }
0x1a: {  	s6 =	simm.s32 $0xA000;
	s21 =	sadd.s32 s5, s3;
	[smem:$0x7F7] =	sst s20  }
0x1b: {  	s16 =	sadd.s32 $0x2400, s3;
	s0 =	sadd.s32 s5, s23;
	[smem:$0x7F8] =	sst s21  }
0x1c: {  	s18 =	sadd.s32 $0x2700, s3;
	s4 =	sadd.s32 s5, s25;
	[dreg:$0x15] =	wrdreg s0  }
0x1d: {  	s22 =	sadd.s32 $0x2A00, s3;
	s17 =	sadd.s32 s2, s16;
	[dreg:$0x17] =	wrdreg s4  }
0x1e: {  	s3 =	sadd.s32 $0x2D00, s3;
	s19 =	sadd.s32 s2, s18;
	[dreg:$0x1f] =	wrdreg s17  }
0x1f: {  	s26 =	smax.u32 s8, $0x1;
	s23 =	sadd.s32 s5, s22;
	[smem:$0x7F5] =	sst s19  }
0x20: {  	s11 =	simm.s32 $0x1;
	s25 =	sadd.s32 s5, s3;
	[smem:$0x7FB] =	sst s23  }
0x21: {  	s8 =	simm.s32 $0x7;
	s0 =	sadd.s32 s5, s7;
	[smem:$0x7FC] =	sst s25  }
0x22: {  	s9 =	simm.s32 $0x4;
	s4 =	sadd.s32 s5, s10;
	[dreg:$0x19] =	wrdreg s0  }
0x23: {  	s13 =	simm.s32 $0x800;
	s7 =	sadd.s32 s2, s22;
	[dreg:$0x1b] =	wrdreg s4  }
0x24: {  	s20 =	simm.s32 $0x1800;
	s2 =	sadd.s32 s2, s3;
	[smem:$0x7F9] =	sst s7  }
0x25: {  	s21 =	simm.s32 $0x2;
	s15 =	simm.s32 $0x0;
	[smem:$0x7FA] =	sst s2  }
0x26: {  	s17 =	simm.s32 $0x7000;
	s0 =	sadd.s32 s5, s12;
	s7 =	rddreg [dreg:$0x6]  }
0x27: {  	s22 =	simm.s32 $0x3800;
	s4 =	sadd.s32 s5, s14;
	[dreg:$0x1c] =	wrdreg s0  }
0x28: {  	s23 =	simm.s32 $0x5800;
	s25 =	simm.s32 $0x6000;
	[dreg:$0x1e] =	wrdreg s4  }
0x29: {  	s3 =	simm.s32 $0x3;
	s0 =	sadd.s32 s5, s16;
	s4 =	rddreg [dreg:$0x5]  }
0x2a: {  	v0 =	vlaneseq.u32;
	s10 =	simm.s32 $0x6;
	[smem:$0x7F4] =	sst s0;
	s0 =	sadd.s32 s5, s18  }
0x2b: {  	v1 =	vmul.u32 $0x3, v0;
	s12 =	simm.s32 $0x3000;
	s14 =	simm.s32 $0x4000;
	[smem:$0x7F6] =	sst s0  }
0x2c: {  	v4 =	vimm.f32 $1.000000000e+00;
	s2 =	simm.s32 $0x9800;
	s5 =	simm.s32 $0x5;
	s0 =	rddreg [dreg:$0x4]  }
0x2d: {  	v4 =	vand.u32 $0x7FFFFFFF, v4;
	v2 =	vadd.s32 $0x1, v1;
	v3 =	vadd.s32 $0x2, v1;
	_ =	strace $0x80000047;
	[smem:$0x7FD] =	sst s26;
	s26 =	simm.s32 $0x6800  }
.LBB2_1:
0x2e: {  	s16 =	sld [smem:$0x7F7];
	_ =	sdelay $0x1  }
0x2f: {  	v5 =	vadd.s32 s1, v1  }
0x30: {  	v6 =	vadd.s32 s1, v2;
	[tilespmem:s1], [sflag:$0x1] =	stream.linear.gather [hbm4b:s16+s1], $0x1800, $0x38;
	[tilespmem:$0xB800] =	vst v63  }
0x31: {  	_ =	swait.ge [sflag:s11], $0x1800  }
0x32: {  	[sflag:s11] =	ssyncset.done $0x0  }
0x33: {  	[sflag:s11] =	ssyncadd.s32 $0xFFFFE800  }
0x34: {  	v7 =	vadd.s32 s1, v3;
	v5 =	vld.idx.msk [tilespmem:v5+s1+$0x0], $0xffff  }
0x35: {  	v6 =	vld.idx.msk [tilespmem:v6+s1+$0x0], $0xffff;
	_ =	sdelay $0x3  }
0x36: {  	v7 =	vld.idx.msk [tilespmem:v7+s1+$0x0], $0xffff  }
0x37: {  	v5 =	vmul.f32 $6.553600000e+04, v5;
	v6 =	vmul.f32 $2.560000000e+02, v6;
	_ =	sdelay $0x1  }
0x38: {  	v5 =	vadd.f32 v6, v5;
	_ =	sdelay $0x1  }
0x39: {  	s18 =	simm.s32 $0x30;
	v6 =	vor.u32 s1, v0;
	v8 =	vadd.f32 v5, v7  }
0x3a: {  	v7 =	vadd.s32 s18, v1  }
0x3b: {  	s19 =	simm.s32 $0x60;
	s16 =	simm.s32 $0x0;
	v5 =	vadd.s32 s18, v2;
	v8 =	vtrunc.f32 v8  }
.LBB2_2:
0x3c: {  	p0 =	sne.s32 s19, $0x17D0;
	v8 =	vcvt.f32.s32 v8;
	_ =	sdelay $0x1  }
0x3d: {  	[tilespmem:v6+s12+$0x0] =	vst.idx.msk $0xffff, v8  }
0x3e: {  	v6 =	vld.idx.msk [tilespmem:v7+s1+$0x0], $0xffff;
	v7 =	vadd.s32 s18, v3;
	s18 =	smov.u32 s19  }
0x3f: {  	v5 =	vld.idx.msk [tilespmem:v5+s1+$0x0], $0xffff;
	_ =	sdelay $0x3  }
0x40: {  	v7 =	vld.idx.msk [tilespmem:v7+s1+$0x0], $0xffff;
	_ =	sdelay $0x1  }
0x41: {  	v6 =	vmul.f32 $6.553600000e+04, v6;
	v5 =	vmul.f32 $2.560000000e+02, v5;
	_ =	sdelay $0x1  }
.Ltmp0:
0x42: {  	v5 =	vadd.f32 v5, v6;
	(pc) =	sbr.rel @p0 .LBB2_2-.Ltmp0, $4  }
0x43: {  	s16 =	sadd.s32 $0x10, s16  }
0x44: {  	v6 =	vor.u32 s16, v0;
	v8 =	vadd.f32 v5, v7  }
0x45: {  	v7 =	vadd.s32 s19, v1  }
0x46: {  	v5 =	vadd.s32 s18, v2;
	s19 =	sadd.s32 $0x30, s19;
	v8 =	vtrunc.f32 v8  }
0x47: {  	_ =	sdelay $0x1  }
0x48: {  	v8 =	vcvt.f32.s32 v8;
	_ =	sdelay $0x1  }
0x49: {  	[tilespmem:v6+s12+$0x0] =	vst.idx.msk $0xffff, v8  }
0x4a: {  	v6 =	vld.idx.msk [tilespmem:v7+s1+$0x0], $0xffff;
	v7 =	vadd.s32 s18, v3  }
0x4b: {  	v5 =	vld.idx.msk [tilespmem:v5+s1+$0x0], $0xffff;
	_ =	sdelay $0x3  }
0x4c: {  	v7 =	vld.idx.msk [tilespmem:v7+s1+$0x0], $0xffff  }
0x4d: {  	v6 =	vmul.f32 $6.553600000e+04, v6;
	v5 =	vmul.f32 $2.560000000e+02, v5;
	_ =	sdelay $0x1  }
0x4e: {  	v5 =	vadd.f32 v5, v6  }
0x4f: {  	s16 =	sadd.s32 $0x10, s16  }
0x50: {  	v6 =	vor.u32 s16, v0;
	v5 =	vadd.f32 v5, v7;
	_ =	sdelay $0x1  }
0x51: {  	v5 =	vtrunc.f32 v5  }
0x52: {  	v5 =	vcvt.f32.s32 v5;
	_ =	sdelay $0x1  }
0x53: {  	[tilespmem:v6+s12+$0x0] =	vst.idx.msk $0xffff, v5  }
0x54: {  	[tilespmem:s14], [sflag:$0x3] =	stream.indirect.gather [hbm4b:s24+s13], $0x1, s12, s13, $0xb8;
	[tilespmem:$0xB800] =	vst v63  }
0x55: {  	s19 =	simm.s32 $0x4800  }
0x56: {  	[tilespmem:s19], [sflag:$0x3] =	stream.indirect.gather [hbm4b:s28+s13], $0x1, s12, s13, $0xb8;
	[tilespmem:$0xB800] =	vst v63  }
0x57: {  	s18 =	simm.s32 $0x5000  }
0x58: {  	[tilespmem:s18], [sflag:$0x3] =	stream.indirect.gather [hbm4b:s31+s13], $0x1, s12, s13, $0xb8;
	[tilespmem:$0xB800] =	vst v63  }
0x59: {  	_ = 	snop  }
0x5a: {  	[tilespmem:s17], [sflag:$0x5] =	stream.indirect.gather [hbm4b:s0+s13], $0x1, s12, s13, $0xb8;
	[tilespmem:$0xB800] =	vst v63  }
0x5b: {  	s19 =	simm.s32 $0x7800  }
0x5c: {  	[tilespmem:s19], [sflag:$0x5] =	stream.indirect.gather [hbm4b:s4+s13], $0x1, s12, s13, $0xb8;
	[tilespmem:$0xB800] =	vst v63  }
0x5d: {  	s16 =	simm.s32 $0x0;
	s18 =	simm.s32 $0x8000  }
0x5e: {  	[tilespmem:s18], [sflag:$0x5] =	stream.indirect.gather [hbm4b:s7+s13], $0x1, s12, s13, $0xb8;
	[tilespmem:$0xB800] =	vst v63  }
0x5f: {  	v5 =	vadd.s32 s16, v1;
	s19 =	rddreg [dreg:$0x9]  }
0x60: {  	v6 =	vadd.s32 s16, v2;
	[tilespmem:s20], [sflag:$0x2] =	stream.linear.gather [hbm4b:s19+s16], $0x1800, $0x38;
	[tilespmem:$0xB800] =	vst v63  }
0x61: {  	_ =	swait.ge [sflag:s21], $0x1800  }
0x62: {  	[sflag:s21] =	ssyncset.done $0x0  }
0x63: {  	[sflag:s21] =	ssyncadd.s32 $0xFFFFE800  }
0x64: {  	v7 =	vadd.s32 s16, v3;
	v5 =	vld.idx.msk [tilespmem:v5+s20+$0x0], $0xffff  }
0x65: {  	v6 =	vld.idx.msk [tilespmem:v6+s20+$0x0], $0xffff;
	_ =	sdelay $0x3  }
0x66: {  	v7 =	vld.idx.msk [tilespmem:v7+s20+$0x0], $0xffff  }
0x67: {  	v5 =	vmul.f32 $6.553600000e+04, v5;
	v6 =	vmul.f32 $2.560000000e+02, v6;
	_ =	sdelay $0x1  }
0x68: {  	v5 =	vadd.f32 v6, v5;
	_ =	sdelay $0x1  }
0x69: {  	s18 =	simm.s32 $0x30;
	v6 =	vor.u32 s16, v0;
	v8 =	vadd.f32 v5, v7  }
0x6a: {  	v7 =	vadd.s32 s18, v1  }
0x6b: {  	s19 =	simm.s32 $0x60;
	v5 =	vadd.s32 s18, v2;
	v8 =	vtrunc.f32 v8  }
.LBB2_4:
0x6c: {  	p0 =	sne.s32 s19, $0x17D0;
	v8 =	vcvt.f32.s32 v8;
	_ =	sdelay $0x1  }
0x6d: {  	[tilespmem:v6+s22+$0x0] =	vst.idx.msk $0xffff, v8  }
0x6e: {  	v6 =	vld.idx.msk [tilespmem:v7+s20+$0x0], $0xffff;
	v7 =	vadd.s32 s18, v3;
	s18 =	smov.u32 s19  }
0x6f: {  	v5 =	vld.idx.msk [tilespmem:v5+s20+$0x0], $0xffff;
	_ =	sdelay $0x3  }
0x70: {  	v7 =	vld.idx.msk [tilespmem:v7+s20+$0x0], $0xffff;
	_ =	sdelay $0x1  }
0x71: {  	v6 =	vmul.f32 $6.553600000e+04, v6;
	v5 =	vmul.f32 $2.560000000e+02, v5;
	_ =	sdelay $0x1  }
.Ltmp1:
0x72: {  	v5 =	vadd.f32 v5, v6;
	(pc) =	sbr.rel @p0 .LBB2_4-.Ltmp1, $4  }
0x73: {  	s16 =	sadd.s32 $0x10, s16  }
0x74: {  	v6 =	vor.u32 s16, v0;
	v8 =	vadd.f32 v5, v7  }
0x75: {  	v7 =	vadd.s32 s19, v1  }
0x76: {  	v5 =	vadd.s32 s18, v2;
	s19 =	sadd.s32 $0x30, s19;
	v8 =	vtrunc.f32 v8  }
0x77: {  	_ =	sdelay $0x1  }
0x78: {  	v8 =	vcvt.f32.s32 v8;
	_ =	sdelay $0x1  }
0x79: {  	[tilespmem:v6+s22+$0x0] =	vst.idx.msk $0xffff, v8  }
0x7a: {  	v6 =	vld.idx.msk [tilespmem:v7+s20+$0x0], $0xffff;
	v7 =	vadd.s32 s18, v3  }
0x7b: {  	v5 =	vld.idx.msk [tilespmem:v5+s20+$0x0], $0xffff;
	_ =	sdelay $0x3  }
0x7c: {  	v7 =	vld.idx.msk [tilespmem:v7+s20+$0x0], $0xffff  }
0x7d: {  	v6 =	vmul.f32 $6.553600000e+04, v6;
	v5 =	vmul.f32 $2.560000000e+02, v5;
	_ =	sdelay $0x1  }
0x7e: {  	v5 =	vadd.f32 v5, v6  }
0x7f: {  	s16 =	sadd.s32 $0x10, s16  }
0x80: {  	v6 =	vor.u32 s16, v0;
	v5 =	vadd.f32 v5, v7;
	_ =	sdelay $0x1  }
0x81: {  	v5 =	vtrunc.f32 v5  }
0x82: {  	v5 =	vcvt.f32.s32 v5;
	_ =	sdelay $0x1  }
0x83: {  	[tilespmem:v6+s22+$0x0] =	vst.idx.msk $0xffff, v5  }
0x84: {  	[tilespmem:s23], [sflag:$0x4] =	stream.indirect.gather [hbm4b:s24+s13], $0x1, s22, s13, $0xb8;
	[tilespmem:$0xB800] =	vst v63  }
0x85: {  	_ = 	snop  }
0x86: {  	[tilespmem:s25], [sflag:$0x4] =	stream.indirect.gather [hbm4b:s28+s13], $0x1, s22, s13, $0xb8;
	[tilespmem:$0xB800] =	vst v63  }
0x87: {  	_ = 	snop  }
0x88: {  	[tilespmem:s26], [sflag:$0x4] =	stream.indirect.gather [hbm4b:s31+s13], $0x1, s22, s13, $0xb8;
	[tilespmem:$0xB800] =	vst v63  }
0x89: {  	_ = 	snop  }
0x8a: {  	[tilespmem:s29], [sflag:$0x6] =	stream.indirect.gather [hbm4b:s0+s13], $0x1, s22, s13, $0xb8;
	[tilespmem:$0xB800] =	vst v63  }
0x8b: {  	_ = 	snop  }
0x8c: {  	[tilespmem:s30], [sflag:$0x6] =	stream.indirect.gather [hbm4b:s4+s13], $0x1, s22, s13, $0xb8;
	[tilespmem:$0xB800] =	vst v63  }
0x8d: {  	_ = 	snop  }
0x8e: {  	[tilespmem:s2], [sflag:$0x6] =	stream.indirect.gather [hbm4b:s7+s13], $0x1, s22, s13, $0xb8;
	[tilespmem:$0xB800] =	vst v63  }
0x8f: {  	_ =	swait.ge [sflag:s3], $0x800  }
0x90: {  	[sflag:s3] =	ssyncset.done $0x0  }
0x91: {  	[sflag:s3] =	ssyncadd.s32 $0xFFFFF800  }
0x92: {  	_ =	swait.ge [sflag:s3], $0x800  }
0x93: {  	s19 =	simm.s32 $0x0;
	[sflag:s3] =	ssyncset.done $0x0  }
0x94: {  	v5 =	vor.u32 s19, v0;
	[sflag:s3] =	ssyncadd.s32 $0xFFFFF800  }
0x95: {  	v6 =	vmul.u32 $0x5556, v5;
	_ =	swait.ge [sflag:s3], $0x800  }
0x96: {  	[sflag:s3] =	ssyncset.done $0x0  }
0x97: {  	v6 =	vshrl.u32 v6, $0x10;
	[sflag:s3] =	ssyncadd.s32 $0xFFFFF800  }
0x98: {  	v7 =	vmul.u32 $0x1FFFFD, v6;
	_ =	swait.ge [sflag:s5], $0x800  }
0x99: {  	[sflag:s5] =	ssyncset.done $0x0  }
0x9a: {  	v5 =	vadd.s32 v5, v7;
	[sflag:s5] =	ssyncadd.s32 $0xFFFFF800  }
0x9b: {  	v5 =	vshll.u32 v5, $0xB;
	_ =	swait.ge [sflag:s5], $0x800  }
0x9c: {  	v5 =	vadd.s32 v6, v5;
	[sflag:s5] =	ssyncset.done $0x0  }
0x9d: {  	[sflag:s5] =	ssyncadd.s32 $0xFFFFF800  }
0x9e: {  	_ =	swait.ge [sflag:s5], $0x800  }
0x9f: {  	[sflag:s5] =	ssyncset.done $0x0  }
0xa0: {  	[sflag:s5] =	ssyncadd.s32 $0xFFFFF800  }
0xa1: {  	v6 =	vld.idx.msk [tilespmem:v5+s14+$0x0], $0xffff  }
0xa2: {  	v7 =	vld [tilespmem:s19+$0x0];
	_ =	sdelay $0x1  }
0xa3: {  	v5 =	vld.idx.msk [tilespmem:v5+s17+$0x0], $0xffff;
	_ =	sdelay $0x2  }
0xa4: {  	v6 =	vmul.f32 v7, v6;
	_ =	sdelay $0x1  }
0xa5: {  	v5 =	vadd.f32 v6, v5;
	_ =	sdelay $0x1  }
0xa6: {  	v6 =	vand.u32 $0x7FFFFFFF, v5  }
0xa7: {  	v6 =	vmul.f32 $-2.000000000e+00, v6;
	_ =	sdelay $0x1  }
0xa8: {  	v6 =	vmul.f32 $1.442695020e+00, v6;
	_ =	sdelay $0x1  }
0xa9: {  	(erf) = vpow2.f32 v6;
	_ =	sdelay $0x8  }
0xaa: {  	v6 =	vpop (erf)  }
0xab: {  	v7 =	vadd.f32 $1.000000000e+00, v6;
	_ =	sdelay $0x1  }
0xac: {  	s16 =	simm.s32 $0x10;
	(erf) = vrcp.f32 v7  }
0xad: {  	v8 =	vor.u32 s16, v0  }
0xae: {  	v7 =	vmul.u32 $0x5556, v8;
	_ =	sdelay $0x1  }
0xaf: {  	v7 =	vshrl.u32 v7, $0x10  }
0xb0: {  	v9 =	vmul.u32 $0x1FFFFD, v7;
	_ =	sdelay $0x1  }
0xb1: {  	v8 =	vadd.s32 v8, v9  }
0xb2: {  	vm0 =	vlt.f32 v5, $0.0e+00;
	v6 =	vsub.f32 $1.000000000e+00, v6;
	v8 =	vshll.u32 v8, $0xB  }
0xb3: {  	vm1 =	vgt.f32 v5, $0.0e+00;
	v7 =	vadd.s32 v7, v8;
	v8 =	vand.u32 $0x80000000, v5;
	v9 =	vpop (erf)  }
0xb4: {  	vm0 =	vmor vm1, vm0;
	v8 =	vor.u32 v8, v4;
	v6 =	vmul.f32 v9, v6  }
0xb5: {  	v5 =	vsel vm0, v8, v5  }
0xb6: {  	v5 =	vmul.f32 v6, v5  }
0xb7: {  	s18 =	simm.s32 $0xA000  }
0xb8: {  	[tilespmem:s18+$0x0] =	vst v5  }
0xb9: {  	v5 =	vld.idx.msk [tilespmem:v7+s14+$0x0], $0xffff  }
0xba: {  	v6 =	vld [tilespmem:s16+$0x0];
	_ =	sdelay $0x1  }
0xbb: {  	v7 =	vld.idx.msk [tilespmem:v7+s17+$0x0], $0xffff;
	_ =	sdelay $0x2  }
0xbc: {  	v5 =	vmul.f32 v6, v5;
	_ =	sdelay $0x1  }
0xbd: {  	v5 =	vadd.f32 v5, v7;
	_ =	sdelay $0x1  }
0xbe: {  	v6 =	vand.u32 $0x7FFFFFFF, v5  }
0xbf: {  	v6 =	vmul.f32 $-2.000000000e+00, v6;
	_ =	sdelay $0x1  }
0xc0: {  	v6 =	vmul.f32 $1.442695020e+00, v6;
	_ =	sdelay $0x1  }
0xc1: {  	(erf) = vpow2.f32 v6;
	_ =	sdelay $0x8  }
0xc2: {  	v6 =	vpop (erf)  }
0xc3: {  	v8 =	vadd.f32 $1.000000000e+00, v6  }
0xc4: {  	s19 =	simm.s32 $0x20  }
0xc5: {  	v7 =	vor.u32 s19, v0;
	(erf) = vrcp.f32 v8  }
0xc6: {  	v8 =	vmul.u32 $0x5556, v7  }
0xc7: {  	s19 =	simm.s32 $0x30  }
.LBB2_6:
0xc8: {  	p0 =	sne.s32 s19, $0x17F0;
	v8 =	vshrl.u32 v8, $0x10  }
0xc9: {  	v9 =	vmul.u32 $0x1FFFFD, v8;
	_ =	sdelay $0x1  }
0xca: {  	v7 =	vadd.s32 v7, v9  }
0xcb: {  	v7 =	vshll.u32 v7, $0xB  }
0xcc: {  	v6 =	vsub.f32 $1.000000000e+00, v6;
	v7 =	vadd.s32 v8, v7  }
0xcd: {  	vm0 =	vlt.f32 v5, $0.0e+00;
	vm1 =	vgt.f32 v5, $0.0e+00;
	v8 =	vand.u32 $0x80000000, v5;
	v9 =	vpop (erf)  }
0xce: {  	vm0 =	vmor vm1, vm0;
	v8 =	vor.u32 v8, v4;
	v6 =	vmul.f32 v9, v6  }
0xcf: {  	v5 =	vsel vm0, v8, v5  }
0xd0: {  	v5 =	vmul.f32 v6, v5  }
0xd1: {  	s18 =	sadd.s32 $0x10, s18  }
0xd2: {  	[tilespmem:s18+$0x0] =	vst v5  }
0xd3: {  	s16 =	sadd.s32 $0x10, s16;
	v5 =	vld.idx.msk [tilespmem:v7+s14+$0x0], $0xffff  }
0xd4: {  	v6 =	vld [tilespmem:s16+$0x0]  }
0xd5: {  	v7 =	vld.idx.msk [tilespmem:v7+s17+$0x0], $0xffff;
	_ =	sdelay $0x3  }
0xd6: {  	v5 =	vmul.f32 v6, v5;
	_ =	sdelay $0x1  }
0xd7: {  	v5 =	vadd.f32 v5, v7;
	_ =	sdelay $0x1  }
0xd8: {  	v6 =	vand.u32 $0x7FFFFFFF, v5  }
0xd9: {  	v6 =	vmul.f32 $-2.000000000e+00, v6;
	_ =	sdelay $0x1  }
0xda: {  	v6 =	vmul.f32 $1.442695020e+00, v6;
	_ =	sdelay $0x1  }
0xdb: {  	(erf) = vpow2.f32 v6;
	_ =	sdelay $0x8  }
0xdc: {  	v6 =	vpop (erf)  }
.Ltmp2:
0xdd: {  	v8 =	vadd.f32 $1.000000000e+00, v6;
	(pc) =	sbr.rel @p0 .LBB2_6-.Ltmp2, $4  }
0xde: {  	_ = 	snop  }
0xdf: {  	v7 =	vor.u32 s19, v0;
	(erf) = vrcp.f32 v8  }
0xe0: {  	v8 =	vmul.u32 $0x5556, v7  }
0xe1: {  	s19 =	sadd.s32 $0x10, s19  }
0xe2: {  	_ = 	snop  }
0xe3: {  	v8 =	vshrl.u32 v8, $0x10  }
0xe4: {  	v9 =	vmul.u32 $0x1FFFFD, v8;
	_ =	sdelay $0x1  }
0xe5: {  	v7 =	vadd.s32 v7, v9  }
0xe6: {  	v6 =	vsub.f32 $1.000000000e+00, v6;
	vm0 =	vlt.f32 v5, $0.0e+00;
	v7 =	vshll.u32 v7, $0xB  }
0xe7: {  	vm1 =	vgt.f32 v5, $0.0e+00;
	v7 =	vadd.s32 v8, v7;
	v8 =	vand.u32 $0x80000000, v5;
	v9 =	vpop (erf)  }
0xe8: {  	vm0 =	vmor vm1, vm0;
	v8 =	vor.u32 v8, v4;
	v6 =	vmul.f32 v9, v6  }
0xe9: {  	v5 =	vsel vm0, v8, v5  }
0xea: {  	v5 =	vmul.f32 v6, v5  }
0xeb: {  	s18 =	sadd.s32 $0x10, s18  }
0xec: {  	[tilespmem:s18+$0x0] =	vst v5  }
0xed: {  	s16 =	sadd.s32 $0x10, s16;
	v5 =	vld.idx.msk [tilespmem:v7+s14+$0x0], $0xffff  }
0xee: {  	v6 =	vld [tilespmem:s16+$0x0];
	_ =	sdelay $0x1  }
0xef: {  	v7 =	vld.idx.msk [tilespmem:v7+s17+$0x0], $0xffff;
	_ =	sdelay $0x2  }
0xf0: {  	v5 =	vmul.f32 v6, v5;
	_ =	sdelay $0x1  }
0xf1: {  	v5 =	vadd.f32 v5, v7;
	_ =	sdelay $0x1  }
0xf2: {  	v6 =	vand.u32 $0x7FFFFFFF, v5  }
0xf3: {  	v6 =	vmul.f32 $-2.000000000e+00, v6;
	_ =	sdelay $0x1  }
0xf4: {  	v6 =	vmul.f32 $1.442695020e+00, v6;
	_ =	sdelay $0x1  }
0xf5: {  	(erf) = vpow2.f32 v6;
	_ =	sdelay $0x8  }
0xf6: {  	v6 =	vpop (erf)  }
0xf7: {  	v7 =	vadd.f32 $1.000000000e+00, v6;
	_ =	sdelay $0x1  }
0xf8: {  	(erf) = vrcp.f32 v7;
	_ =	sdelay $0x7  }
0xf9: {  	v6 =	vsub.f32 $1.000000000e+00, v6  }
0xfa: {  	vm14 =	vlt.f32 v5, $0.0e+00;
	vm15 =	vgt.f32 v5, $0.0e+00;
	v7 =	vand.u32 $0x80000000, v5;
	v8 =	vpop (erf)  }
0xfb: {  	vm0 =	vmor vm15, vm14;
	v7 =	vor.u32 v7, v4;
	v6 =	vmul.f32 v8, v6  }
0xfc: {  	v5 =	vsel vm0, v7, v5  }
0xfd: {  	s19 =	sld [smem:$0x7F8];
	v5 =	vmul.f32 v6, v5  }
0xfe: {  	s18 =	sadd.s32 $0x10, s18  }
0xff: {  	s16 =	simm.s32 $0x0;
	[tilespmem:s18+$0x0] =	vst v5  }
0x100: {  	[hbm4b:s19+s16] =	stream.linear.scatter [tilespmem:s6], [sflag:$0x7], $0x1800, $0x38;
	[tilespmem:$0xB800] =	vst v63  }
0x101: {  	_ =	swait.ge [sflag:s8], $0x1800  }
0x102: {  	[sflag:s8] =	ssyncset.done $0x0  }
0x103: {  	v5 =	vadd.s32 s16, v1;
	s19 =	rddreg [dreg:$0xa];
	[sflag:s8] =	ssyncadd.s32 $0xFFFFE800  }
0x104: {  	v6 =	vadd.s32 s16, v2;
	[tilespmem:s16], [sflag:$0x1] =	stream.linear.gather [hbm4b:s19+s16], $0x1800, $0x38;
	[tilespmem:$0xB800] =	vst v63  }
0x105: {  	_ =	swait.ge [sflag:s11], $0x1800  }
0x106: {  	[sflag:s11] =	ssyncset.done $0x0  }
0x107: {  	[sflag:s11] =	ssyncadd.s32 $0xFFFFE800  }
0x108: {  	v7 =	vadd.s32 s16, v3;
	v5 =	vld.idx.msk [tilespmem:v5+s1+$0x0], $0xffff  }
0x109: {  	v6 =	vld.idx.msk [tilespmem:v6+s1+$0x0], $0xffff;
	_ =	sdelay $0x3  }
0x10a: {  	v7 =	vld.idx.msk [tilespmem:v7+s1+$0x0], $0xffff  }
0x10b: {  	v5 =	vmul.f32 $6.553600000e+04, v5;
	v6 =	vmul.f32 $2.560000000e+02, v6;
	_ =	sdelay $0x1  }
0x10c: {  	v5 =	vadd.f32 v6, v5;
	_ =	sdelay $0x1  }
0x10d: {  	s18 =	simm.s32 $0x30;
	v6 =	vor.u32 s16, v0;
	v8 =	vadd.f32 v5, v7  }
0x10e: {  	v7 =	vadd.s32 s18, v1  }
0x10f: {  	s19 =	simm.s32 $0x60;
	v5 =	vadd.s32 s18, v2;
	v8 =	vtrunc.f32 v8  }
.LBB2_8:
0x110: {  	p0 =	sne.s32 s19, $0x17D0;
	v8 =	vcvt.f32.s32 v8;
	_ =	sdelay $0x1  }
0x111: {  	[tilespmem:v6+s12+$0x0] =	vst.idx.msk $0xffff, v8  }
0x112: {  	v6 =	vld.idx.msk [tilespmem:v7+s1+$0x0], $0xffff;
	v7 =	vadd.s32 s18, v3;
	s18 =	smov.u32 s19  }
0x113: {  	v5 =	vld.idx.msk [tilespmem:v5+s1+$0x0], $0xffff;
	_ =	sdelay $0x3  }
0x114: {  	v7 =	vld.idx.msk [tilespmem:v7+s1+$0x0], $0xffff;
	_ =	sdelay $0x1  }
0x115: {  	v6 =	vmul.f32 $6.553600000e+04, v6;
	v5 =	vmul.f32 $2.560000000e+02, v5;
	_ =	sdelay $0x1  }
.Ltmp3:
0x116: {  	v5 =	vadd.f32 v5, v6;
	(pc) =	sbr.rel @p0 .LBB2_8-.Ltmp3, $4  }
0x117: {  	s16 =	sadd.s32 $0x10, s16  }
0x118: {  	v6 =	vor.u32 s16, v0;
	v8 =	vadd.f32 v5, v7  }
0x119: {  	v7 =	vadd.s32 s19, v1  }
0x11a: {  	v5 =	vadd.s32 s18, v2;
	s19 =	sadd.s32 $0x30, s19;
	v8 =	vtrunc.f32 v8  }
0x11b: {  	_ =	sdelay $0x1  }
0x11c: {  	v8 =	vcvt.f32.s32 v8;
	_ =	sdelay $0x1  }
0x11d: {  	[tilespmem:v6+s12+$0x0] =	vst.idx.msk $0xffff, v8  }
0x11e: {  	v6 =	vld.idx.msk [tilespmem:v7+s1+$0x0], $0xffff;
	v7 =	vadd.s32 s18, v3  }
0x11f: {  	v5 =	vld.idx.msk [tilespmem:v5+s1+$0x0], $0xffff;
	_ =	sdelay $0x3  }
0x120: {  	v7 =	vld.idx.msk [tilespmem:v7+s1+$0x0], $0xffff  }
0x121: {  	v6 =	vmul.f32 $6.553600000e+04, v6;
	v5 =	vmul.f32 $2.560000000e+02, v5;
	_ =	sdelay $0x1  }
0x122: {  	v5 =	vadd.f32 v5, v6  }
0x123: {  	s16 =	sadd.s32 $0x10, s16  }
0x124: {  	v6 =	vor.u32 s16, v0;
	v5 =	vadd.f32 v5, v7;
	_ =	sdelay $0x1  }
0x125: {  	v5 =	vtrunc.f32 v5  }
0x126: {  	v5 =	vcvt.f32.s32 v5;
	_ =	sdelay $0x1  }
0x127: {  	[tilespmem:v6+s12+$0x0] =	vst.idx.msk $0xffff, v5  }
0x128: {  	[tilespmem:s14], [sflag:$0x3] =	stream.indirect.gather [hbm4b:s24+s13], $0x1, s12, s13, $0xb8;
	[tilespmem:$0xB800] =	vst v63  }
0x129: {  	s19 =	simm.s32 $0x4800  }
0x12a: {  	[tilespmem:s19], [sflag:$0x3] =	stream.indirect.gather [hbm4b:s28+s13], $0x1, s12, s13, $0xb8;
	[tilespmem:$0xB800] =	vst v63  }
0x12b: {  	s18 =	simm.s32 $0x5000  }
0x12c: {  	[tilespmem:s18], [sflag:$0x3] =	stream.indirect.gather [hbm4b:s31+s13], $0x1, s12, s13, $0xb8;
	[tilespmem:$0xB800] =	vst v63  }
0x12d: {  	_ = 	snop  }
0x12e: {  	[tilespmem:s17], [sflag:$0x5] =	stream.indirect.gather [hbm4b:s0+s13], $0x1, s12, s13, $0xb8;
	[tilespmem:$0xB800] =	vst v63  }
0x12f: {  	s19 =	simm.s32 $0x7800  }
0x130: {  	[tilespmem:s19], [sflag:$0x5] =	stream.indirect.gather [hbm4b:s4+s13], $0x1, s12, s13, $0xb8;
	[tilespmem:$0xB800] =	vst v63  }
0x131: {  	s18 =	simm.s32 $0x8000  }
0x132: {  	[tilespmem:s18], [sflag:$0x5] =	stream.indirect.gather [hbm4b:s7+s13], $0x1, s12, s13, $0xb8;
	[tilespmem:$0xB800] =	vst v63  }
0x133: {  	_ =	swait.ge [sflag:s9], $0x800  }
0x134: {  	[sflag:s9] =	ssyncset.done $0x0  }
0x135: {  	[sflag:s9] =	ssyncadd.s32 $0xFFFFF800  }
0x136: {  	_ =	swait.ge [sflag:s9], $0x800  }
0x137: {  	s19 =	simm.s32 $0x0;
	[sflag:s9] =	ssyncset.done $0x0  }
0x138: {  	v5 =	vor.u32 s19, v0;
	[sflag:s9] =	ssyncadd.s32 $0xFFFFF800  }
0x139: {  	v6 =	vmul.u32 $0x5556, v5;
	_ =	swait.ge [sflag:s9], $0x800  }
0x13a: {  	[sflag:s9] =	ssyncset.done $0x0  }
0x13b: {  	v6 =	vshrl.u32 v6, $0x10;
	[sflag:s9] =	ssyncadd.s32 $0xFFFFF800  }
0x13c: {  	v7 =	vmul.u32 $0x1FFFFD, v6;
	_ =	swait.ge [sflag:s10], $0x800  }
0x13d: {  	[sflag:s10] =	ssyncset.done $0x0  }
0x13e: {  	v5 =	vadd.s32 v5, v7;
	[sflag:s10] =	ssyncadd.s32 $0xFFFFF800  }
0x13f: {  	v5 =	vshll.u32 v5, $0xB;
	_ =	swait.ge [sflag:s10], $0x800  }
0x140: {  	v5 =	vadd.s32 v6, v5;
	[sflag:s10] =	ssyncset.done $0x0  }
0x141: {  	[sflag:s10] =	ssyncadd.s32 $0xFFFFF800  }
0x142: {  	_ =	swait.ge [sflag:s10], $0x800  }
0x143: {  	[sflag:s10] =	ssyncset.done $0x0  }
0x144: {  	[sflag:s10] =	ssyncadd.s32 $0xFFFFF800  }
0x145: {  	s18 =	simm.s32 $0x1800;
	v6 =	vld.idx.msk [tilespmem:v5+s23+$0x0], $0xffff  }
0x146: {  	v7 =	vld [tilespmem:s18+$0x0];
	_ =	sdelay $0x1  }
0x147: {  	v5 =	vld.idx.msk [tilespmem:v5+s29+$0x0], $0xffff;
	_ =	sdelay $0x2  }
0x148: {  	v6 =	vmul.f32 v7, v6;
	_ =	sdelay $0x1  }
0x149: {  	v5 =	vadd.f32 v6, v5;
	_ =	sdelay $0x1  }
0x14a: {  	v6 =	vand.u32 $0x7FFFFFFF, v5  }
0x14b: {  	v6 =	vmul.f32 $-2.000000000e+00, v6;
	_ =	sdelay $0x1  }
0x14c: {  	v6 =	vmul.f32 $1.442695020e+00, v6;
	_ =	sdelay $0x1  }
0x14d: {  	(erf) = vpow2.f32 v6;
	_ =	sdelay $0x8  }
0x14e: {  	v6 =	vpop (erf)  }
0x14f: {  	v7 =	vadd.f32 $1.000000000e+00, v6;
	_ =	sdelay $0x1  }
0x150: {  	s19 =	simm.s32 $0x10;
	(erf) = vrcp.f32 v7  }
0x151: {  	v8 =	vor.u32 s19, v0  }
0x152: {  	v7 =	vmul.u32 $0x5556, v8;
	_ =	sdelay $0x1  }
0x153: {  	v7 =	vshrl.u32 v7, $0x10  }
0x154: {  	v9 =	vmul.u32 $0x1FFFFD, v7;
	_ =	sdelay $0x1  }
0x155: {  	v8 =	vadd.s32 v8, v9  }
0x156: {  	vm0 =	vlt.f32 v5, $0.0e+00;
	v6 =	vsub.f32 $1.000000000e+00, v6;
	v8 =	vshll.u32 v8, $0xB  }
0x157: {  	vm1 =	vgt.f32 v5, $0.0e+00;
	v7 =	vadd.s32 v7, v8;
	v8 =	vand.u32 $0x80000000, v5;
	v9 =	vpop (erf)  }
0x158: {  	vm0 =	vmor vm1, vm0;
	v8 =	vor.u32 v8, v4;
	v6 =	vmul.f32 v9, v6  }
0x159: {  	v5 =	vsel vm0, v8, v5  }
0x15a: {  	v5 =	vmul.f32 v6, v5  }
0x15b: {  	s16 =	simm.s32 $0xA000  }
0x15c: {  	[tilespmem:s16+$0x0] =	vst v5  }
0x15d: {  	s18 =	simm.s32 $0x1810;
	v5 =	vld.idx.msk [tilespmem:v7+s23+$0x0], $0xffff  }
0x15e: {  	v6 =	vld [tilespmem:s18+$0x0];
	_ =	sdelay $0x1  }
0x15f: {  	v7 =	vld.idx.msk [tilespmem:v7+s29+$0x0], $0xffff;
	_ =	sdelay $0x2  }
0x160: {  	v5 =	vmul.f32 v6, v5;
	_ =	sdelay $0x1  }
0x161: {  	v5 =	vadd.f32 v5, v7;
	_ =	sdelay $0x1  }
0x162: {  	v6 =	vand.u32 $0x7FFFFFFF, v5  }
0x163: {  	v6 =	vmul.f32 $-2.000000000e+00, v6;
	_ =	sdelay $0x1  }
0x164: {  	v6 =	vmul.f32 $1.442695020e+00, v6;
	_ =	sdelay $0x1  }
0x165: {  	(erf) = vpow2.f32 v6;
	_ =	sdelay $0x8  }
0x166: {  	v6 =	vpop (erf)  }
0x167: {  	v8 =	vadd.f32 $1.000000000e+00, v6  }
0x168: {  	s19 =	simm.s32 $0x20  }
0x169: {  	v7 =	vor.u32 s19, v0;
	(erf) = vrcp.f32 v8  }
0x16a: {  	v8 =	vmul.u32 $0x5556, v7  }
0x16b: {  	s19 =	simm.s32 $0x30  }
.LBB2_10:
0x16c: {  	p0 =	sne.s32 s19, $0x17F0;
	v8 =	vshrl.u32 v8, $0x10  }
0x16d: {  	v9 =	vmul.u32 $0x1FFFFD, v8;
	_ =	sdelay $0x1  }
0x16e: {  	v7 =	vadd.s32 v7, v9  }
0x16f: {  	v7 =	vshll.u32 v7, $0xB  }
0x170: {  	v6 =	vsub.f32 $1.000000000e+00, v6;
	v7 =	vadd.s32 v8, v7  }
0x171: {  	vm0 =	vlt.f32 v5, $0.0e+00;
	vm1 =	vgt.f32 v5, $0.0e+00;
	v8 =	vand.u32 $0x80000000, v5;
	v9 =	vpop (erf)  }
0x172: {  	vm0 =	vmor vm1, vm0;
	v8 =	vor.u32 v8, v4;
	v6 =	vmul.f32 v9, v6  }
0x173: {  	v5 =	vsel vm0, v8, v5  }
0x174: {  	v5 =	vmul.f32 v6, v5  }
0x175: {  	s16 =	sadd.s32 $0x10, s16  }
0x176: {  	[tilespmem:s16+$0x0] =	vst v5  }
0x177: {  	s18 =	sadd.s32 $0x10, s18;
	v5 =	vld.idx.msk [tilespmem:v7+s23+$0x0], $0xffff  }
0x178: {  	v6 =	vld [tilespmem:s18+$0x0]  }
0x179: {  	v7 =	vld.idx.msk [tilespmem:v7+s29+$0x0], $0xffff;
	_ =	sdelay $0x3  }
0x17a: {  	v5 =	vmul.f32 v6, v5;
	_ =	sdelay $0x1  }
0x17b: {  	v5 =	vadd.f32 v5, v7;
	_ =	sdelay $0x1  }
0x17c: {  	v6 =	vand.u32 $0x7FFFFFFF, v5  }
0x17d: {  	v6 =	vmul.f32 $-2.000000000e+00, v6;
	_ =	sdelay $0x1  }
0x17e: {  	v6 =	vmul.f32 $1.442695020e+00, v6;
	_ =	sdelay $0x1  }
0x17f: {  	(erf) = vpow2.f32 v6;
	_ =	sdelay $0x8  }
0x180: {  	v6 =	vpop (erf)  }
.Ltmp4:
0x181: {  	v8 =	vadd.f32 $1.000000000e+00, v6;
	(pc) =	sbr.rel @p0 .LBB2_10-.Ltmp4, $4  }
0x182: {  	_ = 	snop  }
0x183: {  	v7 =	vor.u32 s19, v0;
	(erf) = vrcp.f32 v8  }
0x184: {  	v8 =	vmul.u32 $0x5556, v7  }
0x185: {  	s19 =	sadd.s32 $0x10, s19  }
0x186: {  	_ = 	snop  }
0x187: {  	v8 =	vshrl.u32 v8, $0x10  }
0x188: {  	v9 =	vmul.u32 $0x1FFFFD, v8;
	_ =	sdelay $0x1  }
0x189: {  	v7 =	vadd.s32 v7, v9  }
0x18a: {  	v6 =	vsub.f32 $1.000000000e+00, v6;
	vm0 =	vlt.f32 v5, $0.0e+00;
	v7 =	vshll.u32 v7, $0xB  }
0x18b: {  	vm1 =	vgt.f32 v5, $0.0e+00;
	v7 =	vadd.s32 v8, v7;
	v8 =	vand.u32 $0x80000000, v5;
	v9 =	vpop (erf)  }
0x18c: {  	vm0 =	vmor vm1, vm0;
	v8 =	vor.u32 v8, v4;
	v6 =	vmul.f32 v9, v6  }
0x18d: {  	v5 =	vsel vm0, v8, v5  }
0x18e: {  	v5 =	vmul.f32 v6, v5  }
0x18f: {  	s16 =	sadd.s32 $0x10, s16  }
0x190: {  	[tilespmem:s16+$0x0] =	vst v5  }
0x191: {  	s18 =	sadd.s32 $0x10, s18;
	v5 =	vld.idx.msk [tilespmem:v7+s23+$0x0], $0xffff  }
0x192: {  	v6 =	vld [tilespmem:s18+$0x0];
	_ =	sdelay $0x1  }
0x193: {  	v7 =	vld.idx.msk [tilespmem:v7+s29+$0x0], $0xffff;
	_ =	sdelay $0x2  }
0x194: {  	v5 =	vmul.f32 v6, v5;
	_ =	sdelay $0x1  }
0x195: {  	v5 =	vadd.f32 v5, v7;
	_ =	sdelay $0x1  }
0x196: {  	v6 =	vand.u32 $0x7FFFFFFF, v5  }
0x197: {  	v6 =	vmul.f32 $-2.000000000e+00, v6;
	_ =	sdelay $0x1  }
0x198: {  	v6 =	vmul.f32 $1.442695020e+00, v6;
	_ =	sdelay $0x1  }
0x199: {  	(erf) = vpow2.f32 v6;
	_ =	sdelay $0x8  }
0x19a: {  	v6 =	vpop (erf)  }
0x19b: {  	v7 =	vadd.f32 $1.000000000e+00, v6;
	_ =	sdelay $0x1  }
0x19c: {  	(erf) = vrcp.f32 v7;
	_ =	sdelay $0x7  }
0x19d: {  	v6 =	vsub.f32 $1.000000000e+00, v6  }
0x19e: {  	vm14 =	vlt.f32 v5, $0.0e+00;
	vm15 =	vgt.f32 v5, $0.0e+00;
	v7 =	vand.u32 $0x80000000, v5;
	v8 =	vpop (erf)  }
0x19f: {  	vm0 =	vmor vm15, vm14;
	v7 =	vor.u32 v7, v4;
	v6 =	vmul.f32 v8, v6  }
0x1a0: {  	v5 =	vsel vm0, v7, v5  }
0x1a1: {  	v5 =	vmul.f32 v6, v5  }
0x1a2: {  	s16 =	sadd.s32 $0x10, s16  }
0x1a3: {  	s19 =	rddreg [dreg:$0xb];
	[tilespmem:s16+$0x0] =	vst v5;
	s16 =	simm.s32 $0x0  }
0x1a4: {  	[hbm4b:s19+s16] =	stream.linear.scatter [tilespmem:s6], [sflag:$0x7], $0x1800, $0x38;
	[tilespmem:$0xB800] =	vst v63  }
0x1a5: {  	_ =	swait.ge [sflag:s8], $0x1800  }
0x1a6: {  	[sflag:s8] =	ssyncset.done $0x0  }
0x1a7: {  	v5 =	vadd.s32 s16, v1;
	s19 =	rddreg [dreg:$0xc];
	[sflag:s8] =	ssyncadd.s32 $0xFFFFE800  }
0x1a8: {  	v6 =	vadd.s32 s16, v2;
	[tilespmem:s20], [sflag:$0x2] =	stream.linear.gather [hbm4b:s19+s16], $0x1800, $0x38;
	[tilespmem:$0xB800] =	vst v63  }
0x1a9: {  	_ =	swait.ge [sflag:s21], $0x1800  }
0x1aa: {  	[sflag:s21] =	ssyncset.done $0x0  }
0x1ab: {  	[sflag:s21] =	ssyncadd.s32 $0xFFFFE800  }
0x1ac: {  	v7 =	vadd.s32 s16, v3;
	v5 =	vld.idx.msk [tilespmem:v5+s20+$0x0], $0xffff  }
0x1ad: {  	v6 =	vld.idx.msk [tilespmem:v6+s20+$0x0], $0xffff;
	_ =	sdelay $0x3  }
0x1ae: {  	v7 =	vld.idx.msk [tilespmem:v7+s20+$0x0], $0xffff  }
0x1af: {  	v5 =	vmul.f32 $6.553600000e+04, v5;
	v6 =	vmul.f32 $2.560000000e+02, v6;
	_ =	sdelay $0x1  }
0x1b0: {  	v5 =	vadd.f32 v6, v5;
	_ =	sdelay $0x1  }
0x1b1: {  	s18 =	simm.s32 $0x30;
	v6 =	vor.u32 s16, v0;
	v8 =	vadd.f32 v5, v7  }
0x1b2: {  	v7 =	vadd.s32 s18, v1  }
0x1b3: {  	s19 =	simm.s32 $0x60;
	v5 =	vadd.s32 s18, v2;
	v8 =	vtrunc.f32 v8  }
.LBB2_12:
0x1b4: {  	p0 =	sne.s32 s19, $0x17D0;
	v8 =	vcvt.f32.s32 v8;
	_ =	sdelay $0x1  }
0x1b5: {  	[tilespmem:v6+s22+$0x0] =	vst.idx.msk $0xffff, v8  }
0x1b6: {  	v6 =	vld.idx.msk [tilespmem:v7+s20+$0x0], $0xffff;
	v7 =	vadd.s32 s18, v3;
	s18 =	smov.u32 s19  }
0x1b7: {  	v5 =	vld.idx.msk [tilespmem:v5+s20+$0x0], $0xffff;
	_ =	sdelay $0x3  }
0x1b8: {  	v7 =	vld.idx.msk [tilespmem:v7+s20+$0x0], $0xffff;
	_ =	sdelay $0x1  }
0x1b9: {  	v6 =	vmul.f32 $6.553600000e+04, v6;
	v5 =	vmul.f32 $2.560000000e+02, v5;
	_ =	sdelay $0x1  }
.Ltmp5:
0x1ba: {  	v5 =	vadd.f32 v5, v6;
	(pc) =	sbr.rel @p0 .LBB2_12-.Ltmp5, $4  }
0x1bb: {  	s16 =	sadd.s32 $0x10, s16  }
0x1bc: {  	v6 =	vor.u32 s16, v0;
	v8 =	vadd.f32 v5, v7  }
0x1bd: {  	v7 =	vadd.s32 s19, v1  }
0x1be: {  	v5 =	vadd.s32 s18, v2;
	s19 =	sadd.s32 $0x30, s19;
	v8 =	vtrunc.f32 v8  }
0x1bf: {  	_ =	sdelay $0x1  }
0x1c0: {  	v8 =	vcvt.f32.s32 v8;
	_ =	sdelay $0x1  }
0x1c1: {  	[tilespmem:v6+s22+$0x0] =	vst.idx.msk $0xffff, v8  }
0x1c2: {  	v6 =	vld.idx.msk [tilespmem:v7+s20+$0x0], $0xffff;
	v7 =	vadd.s32 s18, v3  }
0x1c3: {  	v5 =	vld.idx.msk [tilespmem:v5+s20+$0x0], $0xffff;
	_ =	sdelay $0x3  }
0x1c4: {  	v7 =	vld.idx.msk [tilespmem:v7+s20+$0x0], $0xffff  }
0x1c5: {  	v6 =	vmul.f32 $6.553600000e+04, v6;
	v5 =	vmul.f32 $2.560000000e+02, v5;
	_ =	sdelay $0x1  }
0x1c6: {  	v5 =	vadd.f32 v5, v6  }
0x1c7: {  	s16 =	sadd.s32 $0x10, s16  }
0x1c8: {  	v6 =	vor.u32 s16, v0;
	v5 =	vadd.f32 v5, v7;
	_ =	sdelay $0x1  }
0x1c9: {  	v5 =	vtrunc.f32 v5  }
0x1ca: {  	v5 =	vcvt.f32.s32 v5;
	_ =	sdelay $0x1  }
0x1cb: {  	[tilespmem:v6+s22+$0x0] =	vst.idx.msk $0xffff, v5  }
0x1cc: {  	[tilespmem:s23], [sflag:$0x4] =	stream.indirect.gather [hbm4b:s24+s13], $0x1, s22, s13, $0xb8;
	[tilespmem:$0xB800] =	vst v63  }
0x1cd: {  	_ = 	snop  }
0x1ce: {  	[tilespmem:s25], [sflag:$0x4] =	stream.indirect.gather [hbm4b:s28+s13], $0x1, s22, s13, $0xb8;
	[tilespmem:$0xB800] =	vst v63  }
0x1cf: {  	_ = 	snop  }
0x1d0: {  	[tilespmem:s26], [sflag:$0x4] =	stream.indirect.gather [hbm4b:s31+s13], $0x1, s22, s13, $0xb8;
	[tilespmem:$0xB800] =	vst v63  }
0x1d1: {  	_ = 	snop  }
0x1d2: {  	[tilespmem:s29], [sflag:$0x6] =	stream.indirect.gather [hbm4b:s0+s13], $0x1, s22, s13, $0xb8;
	[tilespmem:$0xB800] =	vst v63  }
0x1d3: {  	_ = 	snop  }
0x1d4: {  	[tilespmem:s30], [sflag:$0x6] =	stream.indirect.gather [hbm4b:s4+s13], $0x1, s22, s13, $0xb8;
	[tilespmem:$0xB800] =	vst v63  }
0x1d5: {  	_ = 	snop  }
0x1d6: {  	[tilespmem:s2], [sflag:$0x6] =	stream.indirect.gather [hbm4b:s7+s13], $0x1, s22, s13, $0xb8;
	[tilespmem:$0xB800] =	vst v63  }
0x1d7: {  	_ =	swait.ge [sflag:s3], $0x800  }
0x1d8: {  	[sflag:s3] =	ssyncset.done $0x0  }
0x1d9: {  	[sflag:s3] =	ssyncadd.s32 $0xFFFFF800  }
0x1da: {  	_ =	swait.ge [sflag:s3], $0x800  }
0x1db: {  	s19 =	simm.s32 $0x0;
	[sflag:s3] =	ssyncset.done $0x0  }
0x1dc: {  	v5 =	vor.u32 s19, v0;
	[sflag:s3] =	ssyncadd.s32 $0xFFFFF800  }
0x1dd: {  	v6 =	vmul.u32 $0x5556, v5;
	_ =	swait.ge [sflag:s3], $0x800  }
0x1de: {  	[sflag:s3] =	ssyncset.done $0x0  }
0x1df: {  	v6 =	vshrl.u32 v6, $0x10;
	[sflag:s3] =	ssyncadd.s32 $0xFFFFF800  }
0x1e0: {  	v7 =	vmul.u32 $0x1FFFFD, v6;
	_ =	swait.ge [sflag:s5], $0x800  }
0x1e1: {  	[sflag:s5] =	ssyncset.done $0x0  }
0x1e2: {  	v5 =	vadd.s32 v5, v7;
	[sflag:s5] =	ssyncadd.s32 $0xFFFFF800  }
0x1e3: {  	v5 =	vshll.u32 v5, $0xB;
	_ =	swait.ge [sflag:s5], $0x800  }
0x1e4: {  	v5 =	vadd.s32 v6, v5;
	[sflag:s5] =	ssyncset.done $0x0  }
0x1e5: {  	[sflag:s5] =	ssyncadd.s32 $0xFFFFF800  }
0x1e6: {  	_ =	swait.ge [sflag:s5], $0x800  }
0x1e7: {  	[sflag:s5] =	ssyncset.done $0x0  }
0x1e8: {  	[sflag:s5] =	ssyncadd.s32 $0xFFFFF800  }
0x1e9: {  	v6 =	vld.idx.msk [tilespmem:v5+s14+$0x0], $0xffff  }
0x1ea: {  	v7 =	vld [tilespmem:s19+$0x0];
	_ =	sdelay $0x1  }
0x1eb: {  	v5 =	vld.idx.msk [tilespmem:v5+s17+$0x0], $0xffff;
	_ =	sdelay $0x2  }
0x1ec: {  	v6 =	vmul.f32 v7, v6;
	_ =	sdelay $0x1  }
0x1ed: {  	v5 =	vadd.f32 v6, v5;
	_ =	sdelay $0x1  }
0x1ee: {  	v6 =	vand.u32 $0x7FFFFFFF, v5  }
0x1ef: {  	v6 =	vmul.f32 $-2.000000000e+00, v6;
	_ =	sdelay $0x1  }
0x1f0: {  	v6 =	vmul.f32 $1.442695020e+00, v6;
	_ =	sdelay $0x1  }
0x1f1: {  	(erf) = vpow2.f32 v6;
	_ =	sdelay $0x8  }
0x1f2: {  	v6 =	vpop (erf)  }
0x1f3: {  	v7 =	vadd.f32 $1.000000000e+00, v6;
	_ =	sdelay $0x1  }
0x1f4: {  	s16 =	simm.s32 $0x10;
	(erf) = vrcp.f32 v7  }
0x1f5: {  	v8 =	vor.u32 s16, v0  }
0x1f6: {  	v7 =	vmul.u32 $0x5556, v8;
	_ =	sdelay $0x1  }
0x1f7: {  	v7 =	vshrl.u32 v7, $0x10  }
0x1f8: {  	v9 =	vmul.u32 $0x1FFFFD, v7;
	_ =	sdelay $0x1  }
0x1f9: {  	v8 =	vadd.s32 v8, v9  }
0x1fa: {  	vm0 =	vlt.f32 v5, $0.0e+00;
	v6 =	vsub.f32 $1.000000000e+00, v6;
	v8 =	vshll.u32 v8, $0xB  }
0x1fb: {  	vm1 =	vgt.f32 v5, $0.0e+00;
	v7 =	vadd.s32 v7, v8;
	v8 =	vand.u32 $0x80000000, v5;
	v9 =	vpop (erf)  }
0x1fc: {  	vm0 =	vmor vm1, vm0;
	v8 =	vor.u32 v8, v4;
	v6 =	vmul.f32 v9, v6  }
0x1fd: {  	v5 =	vsel vm0, v8, v5  }
0x1fe: {  	v5 =	vmul.f32 v6, v5  }
0x1ff: {  	s18 =	simm.s32 $0xA000  }
0x200: {  	[tilespmem:s18+$0x0] =	vst v5  }
0x201: {  	v5 =	vld.idx.msk [tilespmem:v7+s14+$0x0], $0xffff  }
0x202: {  	v6 =	vld [tilespmem:s16+$0x0];
	_ =	sdelay $0x1  }
0x203: {  	v7 =	vld.idx.msk [tilespmem:v7+s17+$0x0], $0xffff;
	_ =	sdelay $0x2  }
0x204: {  	v5 =	vmul.f32 v6, v5;
	_ =	sdelay $0x1  }
0x205: {  	v5 =	vadd.f32 v5, v7;
	_ =	sdelay $0x1  }
0x206: {  	v6 =	vand.u32 $0x7FFFFFFF, v5  }
0x207: {  	v6 =	vmul.f32 $-2.000000000e+00, v6;
	_ =	sdelay $0x1  }
0x208: {  	v6 =	vmul.f32 $1.442695020e+00, v6;
	_ =	sdelay $0x1  }
0x209: {  	(erf) = vpow2.f32 v6;
	_ =	sdelay $0x8  }
0x20a: {  	v6 =	vpop (erf)  }
0x20b: {  	v8 =	vadd.f32 $1.000000000e+00, v6  }
0x20c: {  	s19 =	simm.s32 $0x20  }
0x20d: {  	v7 =	vor.u32 s19, v0;
	(erf) = vrcp.f32 v8  }
0x20e: {  	v8 =	vmul.u32 $0x5556, v7  }
0x20f: {  	s19 =	simm.s32 $0x30  }
.LBB2_14:
0x210: {  	p0 =	sne.s32 s19, $0x17F0;
	v8 =	vshrl.u32 v8, $0x10  }
0x211: {  	v9 =	vmul.u32 $0x1FFFFD, v8;
	_ =	sdelay $0x1  }
0x212: {  	v7 =	vadd.s32 v7, v9  }
0x213: {  	v7 =	vshll.u32 v7, $0xB  }
0x214: {  	v6 =	vsub.f32 $1.000000000e+00, v6;
	v7 =	vadd.s32 v8, v7  }
0x215: {  	vm0 =	vlt.f32 v5, $0.0e+00;
	vm1 =	vgt.f32 v5, $0.0e+00;
	v8 =	vand.u32 $0x80000000, v5;
	v9 =	vpop (erf)  }
0x216: {  	vm0 =	vmor vm1, vm0;
	v8 =	vor.u32 v8, v4;
	v6 =	vmul.f32 v9, v6  }
0x217: {  	v5 =	vsel vm0, v8, v5  }
0x218: {  	v5 =	vmul.f32 v6, v5  }
0x219: {  	s18 =	sadd.s32 $0x10, s18  }
0x21a: {  	[tilespmem:s18+$0x0] =	vst v5  }
0x21b: {  	s16 =	sadd.s32 $0x10, s16;
	v5 =	vld.idx.msk [tilespmem:v7+s14+$0x0], $0xffff  }
0x21c: {  	v6 =	vld [tilespmem:s16+$0x0]  }
0x21d: {  	v7 =	vld.idx.msk [tilespmem:v7+s17+$0x0], $0xffff;
	_ =	sdelay $0x3  }
0x21e: {  	v5 =	vmul.f32 v6, v5;
	_ =	sdelay $0x1  }
0x21f: {  	v5 =	vadd.f32 v5, v7;
	_ =	sdelay $0x1  }
0x220: {  	v6 =	vand.u32 $0x7FFFFFFF, v5  }
0x221: {  	v6 =	vmul.f32 $-2.000000000e+00, v6;
	_ =	sdelay $0x1  }
0x222: {  	v6 =	vmul.f32 $1.442695020e+00, v6;
	_ =	sdelay $0x1  }
0x223: {  	(erf) = vpow2.f32 v6;
	_ =	sdelay $0x8  }
0x224: {  	v6 =	vpop (erf)  }
.Ltmp6:
0x225: {  	v8 =	vadd.f32 $1.000000000e+00, v6;
	(pc) =	sbr.rel @p0 .LBB2_14-.Ltmp6, $4  }
0x226: {  	_ = 	snop  }
0x227: {  	v7 =	vor.u32 s19, v0;
	(erf) = vrcp.f32 v8  }
0x228: {  	v8 =	vmul.u32 $0x5556, v7  }
0x229: {  	s19 =	sadd.s32 $0x10, s19  }
0x22a: {  	_ = 	snop  }
0x22b: {  	v8 =	vshrl.u32 v8, $0x10  }
0x22c: {  	v9 =	vmul.u32 $0x1FFFFD, v8;
	_ =	sdelay $0x1  }
0x22d: {  	v7 =	vadd.s32 v7, v9  }
0x22e: {  	v6 =	vsub.f32 $1.000000000e+00, v6;
	vm0 =	vlt.f32 v5, $0.0e+00;
	v7 =	vshll.u32 v7, $0xB  }
0x22f: {  	vm1 =	vgt.f32 v5, $0.0e+00;
	v7 =	vadd.s32 v8, v7;
	v8 =	vand.u32 $0x80000000, v5;
	v9 =	vpop (erf)  }
0x230: {  	vm0 =	vmor vm1, vm0;
	v8 =	vor.u32 v8, v4;
	v6 =	vmul.f32 v9, v6  }
0x231: {  	v5 =	vsel vm0, v8, v5  }
0x232: {  	v5 =	vmul.f32 v6, v5  }
0x233: {  	s18 =	sadd.s32 $0x10, s18  }
0x234: {  	[tilespmem:s18+$0x0] =	vst v5  }
0x235: {  	s16 =	sadd.s32 $0x10, s16;
	v5 =	vld.idx.msk [tilespmem:v7+s14+$0x0], $0xffff  }
0x236: {  	v6 =	vld [tilespmem:s16+$0x0];
	_ =	sdelay $0x1  }
0x237: {  	v7 =	vld.idx.msk [tilespmem:v7+s17+$0x0], $0xffff;
	_ =	sdelay $0x2  }
0x238: {  	v5 =	vmul.f32 v6, v5;
	_ =	sdelay $0x1  }
0x239: {  	v5 =	vadd.f32 v5, v7;
	_ =	sdelay $0x1  }
0x23a: {  	v6 =	vand.u32 $0x7FFFFFFF, v5  }
0x23b: {  	v6 =	vmul.f32 $-2.000000000e+00, v6;
	_ =	sdelay $0x1  }
0x23c: {  	v6 =	vmul.f32 $1.442695020e+00, v6;
	_ =	sdelay $0x1  }
0x23d: {  	(erf) = vpow2.f32 v6;
	_ =	sdelay $0x8  }
0x23e: {  	v6 =	vpop (erf)  }
0x23f: {  	v7 =	vadd.f32 $1.000000000e+00, v6;
	_ =	sdelay $0x1  }
0x240: {  	(erf) = vrcp.f32 v7;
	_ =	sdelay $0x7  }
0x241: {  	v6 =	vsub.f32 $1.000000000e+00, v6  }
0x242: {  	vm14 =	vlt.f32 v5, $0.0e+00;
	vm15 =	vgt.f32 v5, $0.0e+00;
	v7 =	vand.u32 $0x80000000, v5;
	v8 =	vpop (erf)  }
0x243: {  	vm0 =	vmor vm15, vm14;
	v7 =	vor.u32 v7, v4;
	v6 =	vmul.f32 v8, v6  }
0x244: {  	v5 =	vsel vm0, v7, v5  }
0x245: {  	v5 =	vmul.f32 v6, v5  }
0x246: {  	s18 =	sadd.s32 $0x10, s18  }
0x247: {  	s19 =	rddreg [dreg:$0xd];
	s16 =	simm.s32 $0x0;
	[tilespmem:s18+$0x0] =	vst v5  }
0x248: {  	[hbm4b:s19+s16] =	stream.linear.scatter [tilespmem:s6], [sflag:$0x7], $0x1800, $0x38;
	[tilespmem:$0xB800] =	vst v63  }
0x249: {  	_ =	swait.ge [sflag:s8], $0x1800  }
0x24a: {  	[sflag:s8] =	ssyncset.done $0x0  }
0x24b: {  	v5 =	vadd.s32 s16, v1;
	s19 =	rddreg [dreg:$0xe];
	[sflag:s8] =	ssyncadd.s32 $0xFFFFE800  }
0x24c: {  	v6 =	vadd.s32 s16, v2;
	[tilespmem:s16], [sflag:$0x1] =	stream.linear.gather [hbm4b:s19+s16], $0x1800, $0x38;
	[tilespmem:$0xB800] =	vst v63  }
0x24d: {  	_ =	swait.ge [sflag:s11], $0x1800  }
0x24e: {  	[sflag:s11] =	ssyncset.done $0x0  }
0x24f: {  	[sflag:s11] =	ssyncadd.s32 $0xFFFFE800  }
0x250: {  	v7 =	vadd.s32 s16, v3;
	v5 =	vld.idx.msk [tilespmem:v5+s1+$0x0], $0xffff  }
0x251: {  	v6 =	vld.idx.msk [tilespmem:v6+s1+$0x0], $0xffff;
	_ =	sdelay $0x3  }
0x252: {  	v7 =	vld.idx.msk [tilespmem:v7+s1+$0x0], $0xffff  }
0x253: {  	v5 =	vmul.f32 $6.553600000e+04, v5;
	v6 =	vmul.f32 $2.560000000e+02, v6;
	_ =	sdelay $0x1  }
0x254: {  	v5 =	vadd.f32 v6, v5;
	_ =	sdelay $0x1  }
0x255: {  	s18 =	simm.s32 $0x30;
	v6 =	vor.u32 s16, v0;
	v8 =	vadd.f32 v5, v7  }
0x256: {  	v7 =	vadd.s32 s18, v1  }
0x257: {  	s19 =	simm.s32 $0x60;
	v5 =	vadd.s32 s18, v2;
	v8 =	vtrunc.f32 v8  }
.LBB2_16:
0x258: {  	p0 =	sne.s32 s19, $0x17D0;
	v8 =	vcvt.f32.s32 v8;
	_ =	sdelay $0x1  }
0x259: {  	[tilespmem:v6+s12+$0x0] =	vst.idx.msk $0xffff, v8  }
0x25a: {  	v6 =	vld.idx.msk [tilespmem:v7+s1+$0x0], $0xffff;
	v7 =	vadd.s32 s18, v3;
	s18 =	smov.u32 s19  }
0x25b: {  	v5 =	vld.idx.msk [tilespmem:v5+s1+$0x0], $0xffff;
	_ =	sdelay $0x3  }
0x25c: {  	v7 =	vld.idx.msk [tilespmem:v7+s1+$0x0], $0xffff;
	_ =	sdelay $0x1  }
0x25d: {  	v6 =	vmul.f32 $6.553600000e+04, v6;
	v5 =	vmul.f32 $2.560000000e+02, v5;
	_ =	sdelay $0x1  }
.Ltmp7:
0x25e: {  	v5 =	vadd.f32 v5, v6;
	(pc) =	sbr.rel @p0 .LBB2_16-.Ltmp7, $4  }
0x25f: {  	s16 =	sadd.s32 $0x10, s16  }
0x260: {  	v6 =	vor.u32 s16, v0;
	v8 =	vadd.f32 v5, v7  }
0x261: {  	v7 =	vadd.s32 s19, v1  }
0x262: {  	v5 =	vadd.s32 s18, v2;
	s19 =	sadd.s32 $0x30, s19;
	v8 =	vtrunc.f32 v8  }
0x263: {  	_ =	sdelay $0x1  }
0x264: {  	v8 =	vcvt.f32.s32 v8;
	_ =	sdelay $0x1  }
0x265: {  	[tilespmem:v6+s12+$0x0] =	vst.idx.msk $0xffff, v8  }
0x266: {  	v6 =	vld.idx.msk [tilespmem:v7+s1+$0x0], $0xffff;
	v7 =	vadd.s32 s18, v3  }
0x267: {  	v5 =	vld.idx.msk [tilespmem:v5+s1+$0x0], $0xffff;
	_ =	sdelay $0x3  }
0x268: {  	v7 =	vld.idx.msk [tilespmem:v7+s1+$0x0], $0xffff  }
0x269: {  	v6 =	vmul.f32 $6.553600000e+04, v6;
	v5 =	vmul.f32 $2.560000000e+02, v5;
	_ =	sdelay $0x1  }
0x26a: {  	v5 =	vadd.f32 v5, v6  }
0x26b: {  	s16 =	sadd.s32 $0x10, s16  }
0x26c: {  	v6 =	vor.u32 s16, v0;
	v5 =	vadd.f32 v5, v7;
	_ =	sdelay $0x1  }
0x26d: {  	v5 =	vtrunc.f32 v5  }
0x26e: {  	v5 =	vcvt.f32.s32 v5;
	_ =	sdelay $0x1  }
0x26f: {  	[tilespmem:v6+s12+$0x0] =	vst.idx.msk $0xffff, v5  }
0x270: {  	[tilespmem:s14], [sflag:$0x3] =	stream.indirect.gather [hbm4b:s24+s13], $0x1, s12, s13, $0xb8;
	[tilespmem:$0xB800] =	vst v63  }
0x271: {  	s19 =	simm.s32 $0x4800  }
0x272: {  	[tilespmem:s19], [sflag:$0x3] =	stream.indirect.gather [hbm4b:s28+s13], $0x1, s12, s13, $0xb8;
	[tilespmem:$0xB800] =	vst v63  }
0x273: {  	s18 =	simm.s32 $0x5000  }
0x274: {  	[tilespmem:s18], [sflag:$0x3] =	stream.indirect.gather [hbm4b:s31+s13], $0x1, s12, s13, $0xb8;
	[tilespmem:$0xB800] =	vst v63  }
0x275: {  	_ = 	snop  }
0x276: {  	[tilespmem:s17], [sflag:$0x5] =	stream.indirect.gather [hbm4b:s0+s13], $0x1, s12, s13, $0xb8;
	[tilespmem:$0xB800] =	vst v63  }
0x277: {  	s19 =	simm.s32 $0x7800  }
0x278: {  	[tilespmem:s19], [sflag:$0x5] =	stream.indirect.gather [hbm4b:s4+s13], $0x1, s12, s13, $0xb8;
	[tilespmem:$0xB800] =	vst v63  }
0x279: {  	s18 =	simm.s32 $0x8000  }
0x27a: {  	[tilespmem:s18], [sflag:$0x5] =	stream.indirect.gather [hbm4b:s7+s13], $0x1, s12, s13, $0xb8;
	[tilespmem:$0xB800] =	vst v63  }
0x27b: {  	_ =	swait.ge [sflag:s9], $0x800  }
0x27c: {  	[sflag:s9] =	ssyncset.done $0x0  }
0x27d: {  	[sflag:s9] =	ssyncadd.s32 $0xFFFFF800  }
0x27e: {  	_ =	swait.ge [sflag:s9], $0x800  }
0x27f: {  	s19 =	simm.s32 $0x0;
	[sflag:s9] =	ssyncset.done $0x0  }
0x280: {  	v5 =	vor.u32 s19, v0;
	[sflag:s9] =	ssyncadd.s32 $0xFFFFF800  }
0x281: {  	v6 =	vmul.u32 $0x5556, v5;
	_ =	swait.ge [sflag:s9], $0x800  }
0x282: {  	[sflag:s9] =	ssyncset.done $0x0  }
0x283: {  	v6 =	vshrl.u32 v6, $0x10;
	[sflag:s9] =	ssyncadd.s32 $0xFFFFF800  }
0x284: {  	v7 =	vmul.u32 $0x1FFFFD, v6;
	_ =	swait.ge [sflag:s10], $0x800  }
0x285: {  	[sflag:s10] =	ssyncset.done $0x0  }
0x286: {  	v5 =	vadd.s32 v5, v7;
	[sflag:s10] =	ssyncadd.s32 $0xFFFFF800  }
0x287: {  	v5 =	vshll.u32 v5, $0xB;
	_ =	swait.ge [sflag:s10], $0x800  }
0x288: {  	v5 =	vadd.s32 v6, v5;
	[sflag:s10] =	ssyncset.done $0x0  }
0x289: {  	[sflag:s10] =	ssyncadd.s32 $0xFFFFF800  }
0x28a: {  	_ =	swait.ge [sflag:s10], $0x800  }
0x28b: {  	[sflag:s10] =	ssyncset.done $0x0  }
0x28c: {  	[sflag:s10] =	ssyncadd.s32 $0xFFFFF800  }
0x28d: {  	s18 =	simm.s32 $0x1800;
	v6 =	vld.idx.msk [tilespmem:v5+s23+$0x0], $0xffff  }
0x28e: {  	v7 =	vld [tilespmem:s18+$0x0];
	_ =	sdelay $0x1  }
0x28f: {  	v5 =	vld.idx.msk [tilespmem:v5+s29+$0x0], $0xffff;
	_ =	sdelay $0x2  }
0x290: {  	v6 =	vmul.f32 v7, v6;
	_ =	sdelay $0x1  }
0x291: {  	v5 =	vadd.f32 v6, v5;
	_ =	sdelay $0x1  }
0x292: {  	v6 =	vand.u32 $0x7FFFFFFF, v5  }
0x293: {  	v6 =	vmul.f32 $-2.000000000e+00, v6;
	_ =	sdelay $0x1  }
0x294: {  	v6 =	vmul.f32 $1.442695020e+00, v6;
	_ =	sdelay $0x1  }
0x295: {  	(erf) = vpow2.f32 v6;
	_ =	sdelay $0x8  }
0x296: {  	v6 =	vpop (erf)  }
0x297: {  	v7 =	vadd.f32 $1.000000000e+00, v6;
	_ =	sdelay $0x1  }
0x298: {  	s19 =	simm.s32 $0x10;
	(erf) = vrcp.f32 v7  }
0x299: {  	v8 =	vor.u32 s19, v0  }
0x29a: {  	v7 =	vmul.u32 $0x5556, v8;
	_ =	sdelay $0x1  }
0x29b: {  	v7 =	vshrl.u32 v7, $0x10  }
0x29c: {  	v9 =	vmul.u32 $0x1FFFFD, v7;
	_ =	sdelay $0x1  }
0x29d: {  	v8 =	vadd.s32 v8, v9  }
0x29e: {  	vm0 =	vlt.f32 v5, $0.0e+00;
	v6 =	vsub.f32 $1.000000000e+00, v6;
	v8 =	vshll.u32 v8, $0xB  }
0x29f: {  	vm1 =	vgt.f32 v5, $0.0e+00;
	v7 =	vadd.s32 v7, v8;
	v8 =	vand.u32 $0x80000000, v5;
	v9 =	vpop (erf)  }
0x2a0: {  	vm0 =	vmor vm1, vm0;
	v8 =	vor.u32 v8, v4;
	v6 =	vmul.f32 v9, v6  }
0x2a1: {  	v5 =	vsel vm0, v8, v5  }
0x2a2: {  	v5 =	vmul.f32 v6, v5  }
0x2a3: {  	s16 =	simm.s32 $0xA000  }
0x2a4: {  	[tilespmem:s16+$0x0] =	vst v5  }
0x2a5: {  	s18 =	simm.s32 $0x1810;
	v5 =	vld.idx.msk [tilespmem:v7+s23+$0x0], $0xffff  }
0x2a6: {  	v6 =	vld [tilespmem:s18+$0x0];
	_ =	sdelay $0x1  }
0x2a7: {  	v7 =	vld.idx.msk [tilespmem:v7+s29+$0x0], $0xffff;
	_ =	sdelay $0x2  }
0x2a8: {  	v5 =	vmul.f32 v6, v5;
	_ =	sdelay $0x1  }
0x2a9: {  	v5 =	vadd.f32 v5, v7;
	_ =	sdelay $0x1  }
0x2aa: {  	v6 =	vand.u32 $0x7FFFFFFF, v5  }
0x2ab: {  	v6 =	vmul.f32 $-2.000000000e+00, v6;
	_ =	sdelay $0x1  }
0x2ac: {  	v6 =	vmul.f32 $1.442695020e+00, v6;
	_ =	sdelay $0x1  }
0x2ad: {  	(erf) = vpow2.f32 v6;
	_ =	sdelay $0x8  }
0x2ae: {  	v6 =	vpop (erf)  }
0x2af: {  	v8 =	vadd.f32 $1.000000000e+00, v6  }
0x2b0: {  	s19 =	simm.s32 $0x20  }
0x2b1: {  	v7 =	vor.u32 s19, v0;
	(erf) = vrcp.f32 v8  }
0x2b2: {  	v8 =	vmul.u32 $0x5556, v7  }
0x2b3: {  	s19 =	simm.s32 $0x30  }
.LBB2_18:
0x2b4: {  	p0 =	sne.s32 s19, $0x17F0;
	v8 =	vshrl.u32 v8, $0x10  }
0x2b5: {  	v9 =	vmul.u32 $0x1FFFFD, v8;
	_ =	sdelay $0x1  }
0x2b6: {  	v7 =	vadd.s32 v7, v9  }
0x2b7: {  	v7 =	vshll.u32 v7, $0xB  }
0x2b8: {  	v6 =	vsub.f32 $1.000000000e+00, v6;
	v7 =	vadd.s32 v8, v7  }
0x2b9: {  	vm0 =	vlt.f32 v5, $0.0e+00;
	vm1 =	vgt.f32 v5, $0.0e+00;
	v8 =	vand.u32 $0x80000000, v5;
	v9 =	vpop (erf)  }
0x2ba: {  	vm0 =	vmor vm1, vm0;
	v8 =	vor.u32 v8, v4;
	v6 =	vmul.f32 v9, v6  }
0x2bb: {  	v5 =	vsel vm0, v8, v5  }
0x2bc: {  	v5 =	vmul.f32 v6, v5  }
0x2bd: {  	s16 =	sadd.s32 $0x10, s16  }
0x2be: {  	[tilespmem:s16+$0x0] =	vst v5  }
0x2bf: {  	s18 =	sadd.s32 $0x10, s18;
	v5 =	vld.idx.msk [tilespmem:v7+s23+$0x0], $0xffff  }
0x2c0: {  	v6 =	vld [tilespmem:s18+$0x0]  }
0x2c1: {  	v7 =	vld.idx.msk [tilespmem:v7+s29+$0x0], $0xffff;
	_ =	sdelay $0x3  }
0x2c2: {  	v5 =	vmul.f32 v6, v5;
	_ =	sdelay $0x1  }
0x2c3: {  	v5 =	vadd.f32 v5, v7;
	_ =	sdelay $0x1  }
0x2c4: {  	v6 =	vand.u32 $0x7FFFFFFF, v5  }
0x2c5: {  	v6 =	vmul.f32 $-2.000000000e+00, v6;
	_ =	sdelay $0x1  }
0x2c6: {  	v6 =	vmul.f32 $1.442695020e+00, v6;
	_ =	sdelay $0x1  }
0x2c7: {  	(erf) = vpow2.f32 v6;
	_ =	sdelay $0x8  }
0x2c8: {  	v6 =	vpop (erf)  }
.Ltmp8:
0x2c9: {  	v8 =	vadd.f32 $1.000000000e+00, v6;
	(pc) =	sbr.rel @p0 .LBB2_18-.Ltmp8, $4  }
0x2ca: {  	_ = 	snop  }
0x2cb: {  	v7 =	vor.u32 s19, v0;
	(erf) = vrcp.f32 v8  }
0x2cc: {  	v8 =	vmul.u32 $0x5556, v7  }
0x2cd: {  	s19 =	sadd.s32 $0x10, s19  }
0x2ce: {  	_ = 	snop  }
0x2cf: {  	v8 =	vshrl.u32 v8, $0x10  }
0x2d0: {  	v9 =	vmul.u32 $0x1FFFFD, v8;
	_ =	sdelay $0x1  }
0x2d1: {  	v7 =	vadd.s32 v7, v9  }
0x2d2: {  	v6 =	vsub.f32 $1.000000000e+00, v6;
	vm0 =	vlt.f32 v5, $0.0e+00;
	v7 =	vshll.u32 v7, $0xB  }
0x2d3: {  	vm1 =	vgt.f32 v5, $0.0e+00;
	v7 =	vadd.s32 v8, v7;
	v8 =	vand.u32 $0x80000000, v5;
	v9 =	vpop (erf)  }
0x2d4: {  	vm0 =	vmor vm1, vm0;
	v8 =	vor.u32 v8, v4;
	v6 =	vmul.f32 v9, v6  }
0x2d5: {  	v5 =	vsel vm0, v8, v5  }
0x2d6: {  	v5 =	vmul.f32 v6, v5  }
0x2d7: {  	s16 =	sadd.s32 $0x10, s16  }
0x2d8: {  	[tilespmem:s16+$0x0] =	vst v5  }
0x2d9: {  	s18 =	sadd.s32 $0x10, s18;
	v5 =	vld.idx.msk [tilespmem:v7+s23+$0x0], $0xffff  }
0x2da: {  	v6 =	vld [tilespmem:s18+$0x0];
	_ =	sdelay $0x1  }
0x2db: {  	v7 =	vld.idx.msk [tilespmem:v7+s29+$0x0], $0xffff;
	_ =	sdelay $0x2  }
0x2dc: {  	v5 =	vmul.f32 v6, v5;
	_ =	sdelay $0x1  }
0x2dd: {  	v5 =	vadd.f32 v5, v7;
	_ =	sdelay $0x1  }
0x2de: {  	v6 =	vand.u32 $0x7FFFFFFF, v5  }
0x2df: {  	v6 =	vmul.f32 $-2.000000000e+00, v6;
	_ =	sdelay $0x1  }
0x2e0: {  	v6 =	vmul.f32 $1.442695020e+00, v6;
	_ =	sdelay $0x1  }
0x2e1: {  	(erf) = vpow2.f32 v6;
	_ =	sdelay $0x8  }
0x2e2: {  	v6 =	vpop (erf)  }
0x2e3: {  	v7 =	vadd.f32 $1.000000000e+00, v6;
	_ =	sdelay $0x1  }
0x2e4: {  	(erf) = vrcp.f32 v7;
	_ =	sdelay $0x7  }
0x2e5: {  	v6 =	vsub.f32 $1.000000000e+00, v6  }
0x2e6: {  	vm14 =	vlt.f32 v5, $0.0e+00;
	vm15 =	vgt.f32 v5, $0.0e+00;
	v7 =	vand.u32 $0x80000000, v5;
	v8 =	vpop (erf)  }
0x2e7: {  	vm0 =	vmor vm15, vm14;
	v7 =	vor.u32 v7, v4;
	v6 =	vmul.f32 v8, v6  }
0x2e8: {  	v5 =	vsel vm0, v7, v5  }
0x2e9: {  	v5 =	vmul.f32 v6, v5  }
0x2ea: {  	s16 =	sadd.s32 $0x10, s16  }
0x2eb: {  	s19 =	rddreg [dreg:$0xf];
	[tilespmem:s16+$0x0] =	vst v5;
	s16 =	simm.s32 $0x0  }
0x2ec: {  	[hbm4b:s19+s16] =	stream.linear.scatter [tilespmem:s6], [sflag:$0x7], $0x1800, $0x38;
	[tilespmem:$0xB800] =	vst v63  }
0x2ed: {  	_ =	swait.ge [sflag:s8], $0x1800  }
0x2ee: {  	[sflag:s8] =	ssyncset.done $0x0  }
0x2ef: {  	v5 =	vadd.s32 s16, v1;
	s19 =	rddreg [dreg:$0x10];
	[sflag:s8] =	ssyncadd.s32 $0xFFFFE800  }
0x2f0: {  	v6 =	vadd.s32 s16, v2;
	[tilespmem:s20], [sflag:$0x2] =	stream.linear.gather [hbm4b:s19+s16], $0x1800, $0x38;
	[tilespmem:$0xB800] =	vst v63  }
0x2f1: {  	_ =	swait.ge [sflag:s21], $0x1800  }
0x2f2: {  	[sflag:s21] =	ssyncset.done $0x0  }
0x2f3: {  	[sflag:s21] =	ssyncadd.s32 $0xFFFFE800  }
0x2f4: {  	v7 =	vadd.s32 s16, v3;
	v5 =	vld.idx.msk [tilespmem:v5+s20+$0x0], $0xffff  }
0x2f5: {  	v6 =	vld.idx.msk [tilespmem:v6+s20+$0x0], $0xffff;
	_ =	sdelay $0x3  }
0x2f6: {  	v7 =	vld.idx.msk [tilespmem:v7+s20+$0x0], $0xffff  }
0x2f7: {  	v5 =	vmul.f32 $6.553600000e+04, v5;
	v6 =	vmul.f32 $2.560000000e+02, v6;
	_ =	sdelay $0x1  }
0x2f8: {  	v5 =	vadd.f32 v6, v5;
	_ =	sdelay $0x1  }
0x2f9: {  	s18 =	simm.s32 $0x30;
	v6 =	vor.u32 s16, v0;
	v8 =	vadd.f32 v5, v7  }
0x2fa: {  	v7 =	vadd.s32 s18, v1  }
0x2fb: {  	s19 =	simm.s32 $0x60;
	v5 =	vadd.s32 s18, v2;
	v8 =	vtrunc.f32 v8  }
.LBB2_20:
0x2fc: {  	p0 =	sne.s32 s19, $0x17D0;
	v8 =	vcvt.f32.s32 v8;
	_ =	sdelay $0x1  }
0x2fd: {  	[tilespmem:v6+s22+$0x0] =	vst.idx.msk $0xffff, v8  }
0x2fe: {  	v6 =	vld.idx.msk [tilespmem:v7+s20+$0x0], $0xffff;
	v7 =	vadd.s32 s18, v3;
	s18 =	smov.u32 s19  }
0x2ff: {  	v5 =	vld.idx.msk [tilespmem:v5+s20+$0x0], $0xffff;
	_ =	sdelay $0x3  }
0x300: {  	v7 =	vld.idx.msk [tilespmem:v7+s20+$0x0], $0xffff;
	_ =	sdelay $0x1  }
0x301: {  	v6 =	vmul.f32 $6.553600000e+04, v6;
	v5 =	vmul.f32 $2.560000000e+02, v5;
	_ =	sdelay $0x1  }
.Ltmp9:
0x302: {  	v5 =	vadd.f32 v5, v6;
	(pc) =	sbr.rel @p0 .LBB2_20-.Ltmp9, $4  }
0x303: {  	s16 =	sadd.s32 $0x10, s16  }
0x304: {  	v6 =	vor.u32 s16, v0;
	v8 =	vadd.f32 v5, v7  }
0x305: {  	v7 =	vadd.s32 s19, v1  }
0x306: {  	v5 =	vadd.s32 s18, v2;
	s19 =	sadd.s32 $0x30, s19;
	v8 =	vtrunc.f32 v8  }
0x307: {  	_ =	sdelay $0x1  }
0x308: {  	v8 =	vcvt.f32.s32 v8;
	_ =	sdelay $0x1  }
0x309: {  	[tilespmem:v6+s22+$0x0] =	vst.idx.msk $0xffff, v8  }
0x30a: {  	v6 =	vld.idx.msk [tilespmem:v7+s20+$0x0], $0xffff;
	v7 =	vadd.s32 s18, v3  }
0x30b: {  	v5 =	vld.idx.msk [tilespmem:v5+s20+$0x0], $0xffff;
	_ =	sdelay $0x3  }
0x30c: {  	v7 =	vld.idx.msk [tilespmem:v7+s20+$0x0], $0xffff  }
0x30d: {  	v6 =	vmul.f32 $6.553600000e+04, v6;
	v5 =	vmul.f32 $2.560000000e+02, v5;
	_ =	sdelay $0x1  }
0x30e: {  	v5 =	vadd.f32 v5, v6  }
0x30f: {  	s16 =	sadd.s32 $0x10, s16  }
0x310: {  	v6 =	vor.u32 s16, v0;
	v5 =	vadd.f32 v5, v7;
	_ =	sdelay $0x1  }
0x311: {  	v5 =	vtrunc.f32 v5  }
0x312: {  	v5 =	vcvt.f32.s32 v5;
	_ =	sdelay $0x1  }
0x313: {  	[tilespmem:v6+s22+$0x0] =	vst.idx.msk $0xffff, v5  }
0x314: {  	[tilespmem:s23], [sflag:$0x4] =	stream.indirect.gather [hbm4b:s24+s13], $0x1, s22, s13, $0xb8;
	[tilespmem:$0xB800] =	vst v63  }
0x315: {  	_ = 	snop  }
0x316: {  	[tilespmem:s25], [sflag:$0x4] =	stream.indirect.gather [hbm4b:s28+s13], $0x1, s22, s13, $0xb8;
	[tilespmem:$0xB800] =	vst v63  }
0x317: {  	_ = 	snop  }
0x318: {  	[tilespmem:s26], [sflag:$0x4] =	stream.indirect.gather [hbm4b:s31+s13], $0x1, s22, s13, $0xb8;
	[tilespmem:$0xB800] =	vst v63  }
0x319: {  	_ = 	snop  }
0x31a: {  	[tilespmem:s29], [sflag:$0x6] =	stream.indirect.gather [hbm4b:s0+s13], $0x1, s22, s13, $0xb8;
	[tilespmem:$0xB800] =	vst v63  }
0x31b: {  	_ = 	snop  }
0x31c: {  	[tilespmem:s30], [sflag:$0x6] =	stream.indirect.gather [hbm4b:s4+s13], $0x1, s22, s13, $0xb8;
	[tilespmem:$0xB800] =	vst v63  }
0x31d: {  	_ = 	snop  }
0x31e: {  	[tilespmem:s2], [sflag:$0x6] =	stream.indirect.gather [hbm4b:s7+s13], $0x1, s22, s13, $0xb8;
	[tilespmem:$0xB800] =	vst v63  }
0x31f: {  	_ =	swait.ge [sflag:s3], $0x800  }
0x320: {  	[sflag:s3] =	ssyncset.done $0x0  }
0x321: {  	[sflag:s3] =	ssyncadd.s32 $0xFFFFF800  }
0x322: {  	_ =	swait.ge [sflag:s3], $0x800  }
0x323: {  	s19 =	simm.s32 $0x0;
	[sflag:s3] =	ssyncset.done $0x0  }
0x324: {  	v5 =	vor.u32 s19, v0;
	[sflag:s3] =	ssyncadd.s32 $0xFFFFF800  }
0x325: {  	v6 =	vmul.u32 $0x5556, v5;
	_ =	swait.ge [sflag:s3], $0x800  }
0x326: {  	[sflag:s3] =	ssyncset.done $0x0  }
0x327: {  	v6 =	vshrl.u32 v6, $0x10;
	[sflag:s3] =	ssyncadd.s32 $0xFFFFF800  }
0x328: {  	v7 =	vmul.u32 $0x1FFFFD, v6;
	_ =	swait.ge [sflag:s5], $0x800  }
0x329: {  	[sflag:s5] =	ssyncset.done $0x0  }
0x32a: {  	v5 =	vadd.s32 v5, v7;
	[sflag:s5] =	ssyncadd.s32 $0xFFFFF800  }
0x32b: {  	v5 =	vshll.u32 v5, $0xB;
	_ =	swait.ge [sflag:s5], $0x800  }
0x32c: {  	v5 =	vadd.s32 v6, v5;
	[sflag:s5] =	ssyncset.done $0x0  }
0x32d: {  	[sflag:s5] =	ssyncadd.s32 $0xFFFFF800  }
0x32e: {  	_ =	swait.ge [sflag:s5], $0x800  }
0x32f: {  	[sflag:s5] =	ssyncset.done $0x0  }
0x330: {  	[sflag:s5] =	ssyncadd.s32 $0xFFFFF800  }
0x331: {  	v6 =	vld.idx.msk [tilespmem:v5+s14+$0x0], $0xffff  }
0x332: {  	v7 =	vld [tilespmem:s19+$0x0];
	_ =	sdelay $0x1  }
0x333: {  	v5 =	vld.idx.msk [tilespmem:v5+s17+$0x0], $0xffff;
	_ =	sdelay $0x2  }
0x334: {  	v6 =	vmul.f32 v7, v6;
	_ =	sdelay $0x1  }
0x335: {  	v5 =	vadd.f32 v6, v5;
	_ =	sdelay $0x1  }
0x336: {  	v6 =	vand.u32 $0x7FFFFFFF, v5  }
0x337: {  	v6 =	vmul.f32 $-2.000000000e+00, v6;
	_ =	sdelay $0x1  }
0x338: {  	v6 =	vmul.f32 $1.442695020e+00, v6;
	_ =	sdelay $0x1  }
0x339: {  	(erf) = vpow2.f32 v6;
	_ =	sdelay $0x8  }
0x33a: {  	v6 =	vpop (erf)  }
0x33b: {  	v7 =	vadd.f32 $1.000000000e+00, v6;
	_ =	sdelay $0x1  }
0x33c: {  	s16 =	simm.s32 $0x10;
	(erf) = vrcp.f32 v7  }
0x33d: {  	v8 =	vor.u32 s16, v0  }
0x33e: {  	v7 =	vmul.u32 $0x5556, v8;
	_ =	sdelay $0x1  }
0x33f: {  	v7 =	vshrl.u32 v7, $0x10  }
0x340: {  	v9 =	vmul.u32 $0x1FFFFD, v7;
	_ =	sdelay $0x1  }
0x341: {  	v8 =	vadd.s32 v8, v9  }
0x342: {  	vm0 =	vlt.f32 v5, $0.0e+00;
	v6 =	vsub.f32 $1.000000000e+00, v6;
	v8 =	vshll.u32 v8, $0xB  }
0x343: {  	vm1 =	vgt.f32 v5, $0.0e+00;
	v7 =	vadd.s32 v7, v8;
	v8 =	vand.u32 $0x80000000, v5;
	v9 =	vpop (erf)  }
0x344: {  	vm0 =	vmor vm1, vm0;
	v8 =	vor.u32 v8, v4;
	v6 =	vmul.f32 v9, v6  }
0x345: {  	v5 =	vsel vm0, v8, v5  }
0x346: {  	v5 =	vmul.f32 v6, v5  }
0x347: {  	s18 =	simm.s32 $0xA000  }
0x348: {  	[tilespmem:s18+$0x0] =	vst v5  }
0x349: {  	v5 =	vld.idx.msk [tilespmem:v7+s14+$0x0], $0xffff  }
0x34a: {  	v6 =	vld [tilespmem:s16+$0x0];
	_ =	sdelay $0x1  }
0x34b: {  	v7 =	vld.idx.msk [tilespmem:v7+s17+$0x0], $0xffff;
	_ =	sdelay $0x2  }
0x34c: {  	v5 =	vmul.f32 v6, v5;
	_ =	sdelay $0x1  }
0x34d: {  	v5 =	vadd.f32 v5, v7;
	_ =	sdelay $0x1  }
0x34e: {  	v6 =	vand.u32 $0x7FFFFFFF, v5  }
0x34f: {  	v6 =	vmul.f32 $-2.000000000e+00, v6;
	_ =	sdelay $0x1  }
0x350: {  	v6 =	vmul.f32 $1.442695020e+00, v6;
	_ =	sdelay $0x1  }
0x351: {  	(erf) = vpow2.f32 v6;
	_ =	sdelay $0x8  }
0x352: {  	v6 =	vpop (erf)  }
0x353: {  	v8 =	vadd.f32 $1.000000000e+00, v6  }
0x354: {  	s19 =	simm.s32 $0x20  }
0x355: {  	v7 =	vor.u32 s19, v0;
	(erf) = vrcp.f32 v8  }
0x356: {  	v8 =	vmul.u32 $0x5556, v7  }
0x357: {  	s19 =	simm.s32 $0x30  }
.LBB2_22:
0x358: {  	p0 =	sne.s32 s19, $0x17F0;
	v8 =	vshrl.u32 v8, $0x10  }
0x359: {  	v9 =	vmul.u32 $0x1FFFFD, v8;
	_ =	sdelay $0x1  }
0x35a: {  	v7 =	vadd.s32 v7, v9  }
0x35b: {  	v7 =	vshll.u32 v7, $0xB  }
0x35c: {  	v6 =	vsub.f32 $1.000000000e+00, v6;
	v7 =	vadd.s32 v8, v7  }
0x35d: {  	vm0 =	vlt.f32 v5, $0.0e+00;
	vm1 =	vgt.f32 v5, $0.0e+00;
	v8 =	vand.u32 $0x80000000, v5;
	v9 =	vpop (erf)  }
0x35e: {  	vm0 =	vmor vm1, vm0;
	v8 =	vor.u32 v8, v4;
	v6 =	vmul.f32 v9, v6  }
0x35f: {  	v5 =	vsel vm0, v8, v5  }
0x360: {  	v5 =	vmul.f32 v6, v5  }
0x361: {  	s18 =	sadd.s32 $0x10, s18  }
0x362: {  	[tilespmem:s18+$0x0] =	vst v5  }
0x363: {  	s16 =	sadd.s32 $0x10, s16;
	v5 =	vld.idx.msk [tilespmem:v7+s14+$0x0], $0xffff  }
0x364: {  	v6 =	vld [tilespmem:s16+$0x0]  }
0x365: {  	v7 =	vld.idx.msk [tilespmem:v7+s17+$0x0], $0xffff;
	_ =	sdelay $0x3  }
0x366: {  	v5 =	vmul.f32 v6, v5;
	_ =	sdelay $0x1  }
0x367: {  	v5 =	vadd.f32 v5, v7;
	_ =	sdelay $0x1  }
0x368: {  	v6 =	vand.u32 $0x7FFFFFFF, v5  }
0x369: {  	v6 =	vmul.f32 $-2.000000000e+00, v6;
	_ =	sdelay $0x1  }
0x36a: {  	v6 =	vmul.f32 $1.442695020e+00, v6;
	_ =	sdelay $0x1  }
0x36b: {  	(erf) = vpow2.f32 v6;
	_ =	sdelay $0x8  }
0x36c: {  	v6 =	vpop (erf)  }
.Ltmp10:
0x36d: {  	v8 =	vadd.f32 $1.000000000e+00, v6;
	(pc) =	sbr.rel @p0 .LBB2_22-.Ltmp10, $4  }
0x36e: {  	_ = 	snop  }
0x36f: {  	v7 =	vor.u32 s19, v0;
	(erf) = vrcp.f32 v8  }
0x370: {  	v8 =	vmul.u32 $0x5556, v7  }
0x371: {  	s19 =	sadd.s32 $0x10, s19  }
0x372: {  	_ = 	snop  }
0x373: {  	v8 =	vshrl.u32 v8, $0x10  }
0x374: {  	v9 =	vmul.u32 $0x1FFFFD, v8;
	_ =	sdelay $0x1  }
0x375: {  	v7 =	vadd.s32 v7, v9  }
0x376: {  	v6 =	vsub.f32 $1.000000000e+00, v6;
	vm0 =	vlt.f32 v5, $0.0e+00;
	v7 =	vshll.u32 v7, $0xB  }
0x377: {  	vm1 =	vgt.f32 v5, $0.0e+00;
	v7 =	vadd.s32 v8, v7;
	v8 =	vand.u32 $0x80000000, v5;
	v9 =	vpop (erf)  }
0x378: {  	vm0 =	vmor vm1, vm0;
	v8 =	vor.u32 v8, v4;
	v6 =	vmul.f32 v9, v6  }
0x379: {  	v5 =	vsel vm0, v8, v5  }
0x37a: {  	v5 =	vmul.f32 v6, v5  }
0x37b: {  	s18 =	sadd.s32 $0x10, s18  }
0x37c: {  	[tilespmem:s18+$0x0] =	vst v5  }
0x37d: {  	s16 =	sadd.s32 $0x10, s16;
	v5 =	vld.idx.msk [tilespmem:v7+s14+$0x0], $0xffff  }
0x37e: {  	v6 =	vld [tilespmem:s16+$0x0];
	_ =	sdelay $0x1  }
0x37f: {  	v7 =	vld.idx.msk [tilespmem:v7+s17+$0x0], $0xffff;
	_ =	sdelay $0x2  }
0x380: {  	v5 =	vmul.f32 v6, v5;
	_ =	sdelay $0x1  }
0x381: {  	v5 =	vadd.f32 v5, v7;
	_ =	sdelay $0x1  }
0x382: {  	v6 =	vand.u32 $0x7FFFFFFF, v5  }
0x383: {  	v6 =	vmul.f32 $-2.000000000e+00, v6;
	_ =	sdelay $0x1  }
0x384: {  	v6 =	vmul.f32 $1.442695020e+00, v6;
	_ =	sdelay $0x1  }
0x385: {  	(erf) = vpow2.f32 v6;
	_ =	sdelay $0x8  }
0x386: {  	v6 =	vpop (erf)  }
0x387: {  	v7 =	vadd.f32 $1.000000000e+00, v6;
	_ =	sdelay $0x1  }
0x388: {  	(erf) = vrcp.f32 v7;
	_ =	sdelay $0x7  }
0x389: {  	v6 =	vsub.f32 $1.000000000e+00, v6  }
0x38a: {  	vm14 =	vlt.f32 v5, $0.0e+00;
	vm15 =	vgt.f32 v5, $0.0e+00;
	v7 =	vand.u32 $0x80000000, v5;
	v8 =	vpop (erf)  }
0x38b: {  	vm0 =	vmor vm15, vm14;
	v7 =	vor.u32 v7, v4;
	v6 =	vmul.f32 v8, v6  }
0x38c: {  	v5 =	vsel vm0, v7, v5  }
0x38d: {  	v5 =	vmul.f32 v6, v5  }
0x38e: {  	s18 =	sadd.s32 $0x10, s18  }
0x38f: {  	s19 =	rddreg [dreg:$0x11];
	s16 =	simm.s32 $0x0;
	[tilespmem:s18+$0x0] =	vst v5  }
0x390: {  	[hbm4b:s19+s16] =	stream.linear.scatter [tilespmem:s6], [sflag:$0x7], $0x1800, $0x38;
	[tilespmem:$0xB800] =	vst v63  }
0x391: {  	_ =	swait.ge [sflag:s8], $0x1800  }
0x392: {  	[sflag:s8] =	ssyncset.done $0x0  }
0x393: {  	v5 =	vadd.s32 s16, v1;
	s19 =	rddreg [dreg:$0x12];
	[sflag:s8] =	ssyncadd.s32 $0xFFFFE800  }
0x394: {  	v6 =	vadd.s32 s16, v2;
	[tilespmem:s16], [sflag:$0x1] =	stream.linear.gather [hbm4b:s19+s16], $0x1800, $0x38;
	[tilespmem:$0xB800] =	vst v63  }
0x395: {  	_ =	swait.ge [sflag:s11], $0x1800  }
0x396: {  	[sflag:s11] =	ssyncset.done $0x0  }
0x397: {  	[sflag:s11] =	ssyncadd.s32 $0xFFFFE800  }
0x398: {  	v7 =	vadd.s32 s16, v3;
	v5 =	vld.idx.msk [tilespmem:v5+s1+$0x0], $0xffff  }
0x399: {  	v6 =	vld.idx.msk [tilespmem:v6+s1+$0x0], $0xffff;
	_ =	sdelay $0x3  }
0x39a: {  	v7 =	vld.idx.msk [tilespmem:v7+s1+$0x0], $0xffff  }
0x39b: {  	v5 =	vmul.f32 $6.553600000e+04, v5;
	v6 =	vmul.f32 $2.560000000e+02, v6;
	_ =	sdelay $0x1  }
0x39c: {  	v5 =	vadd.f32 v6, v5;
	_ =	sdelay $0x1  }
0x39d: {  	s18 =	simm.s32 $0x30;
	v6 =	vor.u32 s16, v0;
	v8 =	vadd.f32 v5, v7  }
0x39e: {  	v7 =	vadd.s32 s18, v1  }
0x39f: {  	s19 =	simm.s32 $0x60;
	v5 =	vadd.s32 s18, v2;
	v8 =	vtrunc.f32 v8  }
.LBB2_24:
0x3a0: {  	p0 =	sne.s32 s19, $0x17D0;
	v8 =	vcvt.f32.s32 v8;
	_ =	sdelay $0x1  }
0x3a1: {  	[tilespmem:v6+s12+$0x0] =	vst.idx.msk $0xffff, v8  }
0x3a2: {  	v6 =	vld.idx.msk [tilespmem:v7+s1+$0x0], $0xffff;
	v7 =	vadd.s32 s18, v3;
	s18 =	smov.u32 s19  }
0x3a3: {  	v5 =	vld.idx.msk [tilespmem:v5+s1+$0x0], $0xffff;
	_ =	sdelay $0x3  }
0x3a4: {  	v7 =	vld.idx.msk [tilespmem:v7+s1+$0x0], $0xffff;
	_ =	sdelay $0x1  }
0x3a5: {  	v6 =	vmul.f32 $6.553600000e+04, v6;
	v5 =	vmul.f32 $2.560000000e+02, v5;
	_ =	sdelay $0x1  }
.Ltmp11:
0x3a6: {  	v5 =	vadd.f32 v5, v6;
	(pc) =	sbr.rel @p0 .LBB2_24-.Ltmp11, $4  }
0x3a7: {  	s16 =	sadd.s32 $0x10, s16  }
0x3a8: {  	v6 =	vor.u32 s16, v0;
	v8 =	vadd.f32 v5, v7  }
0x3a9: {  	v7 =	vadd.s32 s19, v1  }
0x3aa: {  	v5 =	vadd.s32 s18, v2;
	s19 =	sadd.s32 $0x30, s19;
	v8 =	vtrunc.f32 v8  }
0x3ab: {  	_ =	sdelay $0x1  }
0x3ac: {  	v8 =	vcvt.f32.s32 v8;
	_ =	sdelay $0x1  }
0x3ad: {  	[tilespmem:v6+s12+$0x0] =	vst.idx.msk $0xffff, v8  }
0x3ae: {  	v6 =	vld.idx.msk [tilespmem:v7+s1+$0x0], $0xffff;
	v7 =	vadd.s32 s18, v3  }
0x3af: {  	v5 =	vld.idx.msk [tilespmem:v5+s1+$0x0], $0xffff;
	_ =	sdelay $0x3  }
0x3b0: {  	v7 =	vld.idx.msk [tilespmem:v7+s1+$0x0], $0xffff  }
0x3b1: {  	v6 =	vmul.f32 $6.553600000e+04, v6;
	v5 =	vmul.f32 $2.560000000e+02, v5;
	_ =	sdelay $0x1  }
0x3b2: {  	v5 =	vadd.f32 v5, v6  }
0x3b3: {  	s16 =	sadd.s32 $0x10, s16  }
0x3b4: {  	v6 =	vor.u32 s16, v0;
	v5 =	vadd.f32 v5, v7;
	_ =	sdelay $0x1  }
0x3b5: {  	v5 =	vtrunc.f32 v5  }
0x3b6: {  	v5 =	vcvt.f32.s32 v5;
	_ =	sdelay $0x1  }
0x3b7: {  	[tilespmem:v6+s12+$0x0] =	vst.idx.msk $0xffff, v5  }
0x3b8: {  	[tilespmem:s14], [sflag:$0x3] =	stream.indirect.gather [hbm4b:s24+s13], $0x1, s12, s13, $0xb8;
	[tilespmem:$0xB800] =	vst v63  }
0x3b9: {  	s19 =	simm.s32 $0x4800  }
0x3ba: {  	[tilespmem:s19], [sflag:$0x3] =	stream.indirect.gather [hbm4b:s28+s13], $0x1, s12, s13, $0xb8;
	[tilespmem:$0xB800] =	vst v63  }
0x3bb: {  	s18 =	simm.s32 $0x5000  }
0x3bc: {  	[tilespmem:s18], [sflag:$0x3] =	stream.indirect.gather [hbm4b:s31+s13], $0x1, s12, s13, $0xb8;
	[tilespmem:$0xB800] =	vst v63  }
0x3bd: {  	_ = 	snop  }
0x3be: {  	[tilespmem:s17], [sflag:$0x5] =	stream.indirect.gather [hbm4b:s0+s13], $0x1, s12, s13, $0xb8;
	[tilespmem:$0xB800] =	vst v63  }
0x3bf: {  	s19 =	simm.s32 $0x7800  }
0x3c0: {  	[tilespmem:s19], [sflag:$0x5] =	stream.indirect.gather [hbm4b:s4+s13], $0x1, s12, s13, $0xb8;
	[tilespmem:$0xB800] =	vst v63  }
0x3c1: {  	s18 =	simm.s32 $0x8000  }
0x3c2: {  	[tilespmem:s18], [sflag:$0x5] =	stream.indirect.gather [hbm4b:s7+s13], $0x1, s12, s13, $0xb8;
	[tilespmem:$0xB800] =	vst v63  }
0x3c3: {  	_ =	swait.ge [sflag:s9], $0x800  }
0x3c4: {  	[sflag:s9] =	ssyncset.done $0x0  }
0x3c5: {  	[sflag:s9] =	ssyncadd.s32 $0xFFFFF800  }
0x3c6: {  	_ =	swait.ge [sflag:s9], $0x800  }
0x3c7: {  	s19 =	simm.s32 $0x0;
	[sflag:s9] =	ssyncset.done $0x0  }
0x3c8: {  	v5 =	vor.u32 s19, v0;
	[sflag:s9] =	ssyncadd.s32 $0xFFFFF800  }
0x3c9: {  	v6 =	vmul.u32 $0x5556, v5;
	_ =	swait.ge [sflag:s9], $0x800  }
0x3ca: {  	[sflag:s9] =	ssyncset.done $0x0  }
0x3cb: {  	v6 =	vshrl.u32 v6, $0x10;
	[sflag:s9] =	ssyncadd.s32 $0xFFFFF800  }
0x3cc: {  	v7 =	vmul.u32 $0x1FFFFD, v6;
	_ =	swait.ge [sflag:s10], $0x800  }
0x3cd: {  	[sflag:s10] =	ssyncset.done $0x0  }
0x3ce: {  	v5 =	vadd.s32 v5, v7;
	[sflag:s10] =	ssyncadd.s32 $0xFFFFF800  }
0x3cf: {  	v5 =	vshll.u32 v5, $0xB;
	_ =	swait.ge [sflag:s10], $0x800  }
0x3d0: {  	v5 =	vadd.s32 v6, v5;
	[sflag:s10] =	ssyncset.done $0x0  }
0x3d1: {  	[sflag:s10] =	ssyncadd.s32 $0xFFFFF800  }
0x3d2: {  	_ =	swait.ge [sflag:s10], $0x800  }
0x3d3: {  	[sflag:s10] =	ssyncset.done $0x0  }
0x3d4: {  	[sflag:s10] =	ssyncadd.s32 $0xFFFFF800  }
0x3d5: {  	s18 =	simm.s32 $0x1800;
	v6 =	vld.idx.msk [tilespmem:v5+s23+$0x0], $0xffff  }
0x3d6: {  	v7 =	vld [tilespmem:s18+$0x0];
	_ =	sdelay $0x1  }
0x3d7: {  	v5 =	vld.idx.msk [tilespmem:v5+s29+$0x0], $0xffff;
	_ =	sdelay $0x2  }
0x3d8: {  	v6 =	vmul.f32 v7, v6;
	_ =	sdelay $0x1  }
0x3d9: {  	v5 =	vadd.f32 v6, v5;
	_ =	sdelay $0x1  }
0x3da: {  	v6 =	vand.u32 $0x7FFFFFFF, v5  }
0x3db: {  	v6 =	vmul.f32 $-2.000000000e+00, v6;
	_ =	sdelay $0x1  }
0x3dc: {  	v6 =	vmul.f32 $1.442695020e+00, v6;
	_ =	sdelay $0x1  }
0x3dd: {  	(erf) = vpow2.f32 v6;
	_ =	sdelay $0x8  }
0x3de: {  	v6 =	vpop (erf)  }
0x3df: {  	v7 =	vadd.f32 $1.000000000e+00, v6;
	_ =	sdelay $0x1  }
0x3e0: {  	s19 =	simm.s32 $0x10;
	(erf) = vrcp.f32 v7  }
0x3e1: {  	v8 =	vor.u32 s19, v0  }
0x3e2: {  	v7 =	vmul.u32 $0x5556, v8;
	_ =	sdelay $0x1  }
0x3e3: {  	v7 =	vshrl.u32 v7, $0x10  }
0x3e4: {  	v9 =	vmul.u32 $0x1FFFFD, v7;
	_ =	sdelay $0x1  }
0x3e5: {  	v8 =	vadd.s32 v8, v9  }
0x3e6: {  	vm0 =	vlt.f32 v5, $0.0e+00;
	v6 =	vsub.f32 $1.000000000e+00, v6;
	v8 =	vshll.u32 v8, $0xB  }
0x3e7: {  	vm1 =	vgt.f32 v5, $0.0e+00;
	v7 =	vadd.s32 v7, v8;
	v8 =	vand.u32 $0x80000000, v5;
	v9 =	vpop (erf)  }
0x3e8: {  	vm0 =	vmor vm1, vm0;
	v8 =	vor.u32 v8, v4;
	v6 =	vmul.f32 v9, v6  }
0x3e9: {  	v5 =	vsel vm0, v8, v5  }
0x3ea: {  	v5 =	vmul.f32 v6, v5  }
0x3eb: {  	s16 =	simm.s32 $0xA000  }
0x3ec: {  	[tilespmem:s16+$0x0] =	vst v5  }
0x3ed: {  	s18 =	simm.s32 $0x1810;
	v5 =	vld.idx.msk [tilespmem:v7+s23+$0x0], $0xffff  }
0x3ee: {  	v6 =	vld [tilespmem:s18+$0x0];
	_ =	sdelay $0x1  }
0x3ef: {  	v7 =	vld.idx.msk [tilespmem:v7+s29+$0x0], $0xffff;
	_ =	sdelay $0x2  }
0x3f0: {  	v5 =	vmul.f32 v6, v5;
	_ =	sdelay $0x1  }
0x3f1: {  	v5 =	vadd.f32 v5, v7;
	_ =	sdelay $0x1  }
0x3f2: {  	v6 =	vand.u32 $0x7FFFFFFF, v5  }
0x3f3: {  	v6 =	vmul.f32 $-2.000000000e+00, v6;
	_ =	sdelay $0x1  }
0x3f4: {  	v6 =	vmul.f32 $1.442695020e+00, v6;
	_ =	sdelay $0x1  }
0x3f5: {  	(erf) = vpow2.f32 v6;
	_ =	sdelay $0x8  }
0x3f6: {  	v6 =	vpop (erf)  }
0x3f7: {  	v8 =	vadd.f32 $1.000000000e+00, v6  }
0x3f8: {  	s19 =	simm.s32 $0x20  }
0x3f9: {  	v7 =	vor.u32 s19, v0;
	(erf) = vrcp.f32 v8  }
0x3fa: {  	v8 =	vmul.u32 $0x5556, v7  }
0x3fb: {  	s19 =	simm.s32 $0x30  }
.LBB2_26:
0x3fc: {  	p0 =	sne.s32 s19, $0x17F0;
	v8 =	vshrl.u32 v8, $0x10  }
0x3fd: {  	v9 =	vmul.u32 $0x1FFFFD, v8;
	_ =	sdelay $0x1  }
0x3fe: {  	v7 =	vadd.s32 v7, v9  }
0x3ff: {  	v7 =	vshll.u32 v7, $0xB  }
0x400: {  	v6 =	vsub.f32 $1.000000000e+00, v6;
	v7 =	vadd.s32 v8, v7  }
0x401: {  	vm0 =	vlt.f32 v5, $0.0e+00;
	vm1 =	vgt.f32 v5, $0.0e+00;
	v8 =	vand.u32 $0x80000000, v5;
	v9 =	vpop (erf)  }
0x402: {  	vm0 =	vmor vm1, vm0;
	v8 =	vor.u32 v8, v4;
	v6 =	vmul.f32 v9, v6  }
0x403: {  	v5 =	vsel vm0, v8, v5  }
0x404: {  	v5 =	vmul.f32 v6, v5  }
0x405: {  	s16 =	sadd.s32 $0x10, s16  }
0x406: {  	[tilespmem:s16+$0x0] =	vst v5  }
0x407: {  	s18 =	sadd.s32 $0x10, s18;
	v5 =	vld.idx.msk [tilespmem:v7+s23+$0x0], $0xffff  }
0x408: {  	v6 =	vld [tilespmem:s18+$0x0]  }
0x409: {  	v7 =	vld.idx.msk [tilespmem:v7+s29+$0x0], $0xffff;
	_ =	sdelay $0x3  }
0x40a: {  	v5 =	vmul.f32 v6, v5;
	_ =	sdelay $0x1  }
0x40b: {  	v5 =	vadd.f32 v5, v7;
	_ =	sdelay $0x1  }
0x40c: {  	v6 =	vand.u32 $0x7FFFFFFF, v5  }
0x40d: {  	v6 =	vmul.f32 $-2.000000000e+00, v6;
	_ =	sdelay $0x1  }
0x40e: {  	v6 =	vmul.f32 $1.442695020e+00, v6;
	_ =	sdelay $0x1  }
0x40f: {  	(erf) = vpow2.f32 v6;
	_ =	sdelay $0x8  }
0x410: {  	v6 =	vpop (erf)  }
.Ltmp12:
0x411: {  	v8 =	vadd.f32 $1.000000000e+00, v6;
	(pc) =	sbr.rel @p0 .LBB2_26-.Ltmp12, $4  }
0x412: {  	_ = 	snop  }
0x413: {  	v7 =	vor.u32 s19, v0;
	(erf) = vrcp.f32 v8  }
0x414: {  	v8 =	vmul.u32 $0x5556, v7  }
0x415: {  	s19 =	sadd.s32 $0x10, s19  }
0x416: {  	_ = 	snop  }
0x417: {  	v8 =	vshrl.u32 v8, $0x10  }
0x418: {  	v9 =	vmul.u32 $0x1FFFFD, v8;
	_ =	sdelay $0x1  }
0x419: {  	v7 =	vadd.s32 v7, v9  }
0x41a: {  	v6 =	vsub.f32 $1.000000000e+00, v6;
	vm0 =	vlt.f32 v5, $0.0e+00;
	v7 =	vshll.u32 v7, $0xB  }
0x41b: {  	vm1 =	vgt.f32 v5, $0.0e+00;
	v7 =	vadd.s32 v8, v7;
	v8 =	vand.u32 $0x80000000, v5;
	v9 =	vpop (erf)  }
0x41c: {  	vm0 =	vmor vm1, vm0;
	v8 =	vor.u32 v8, v4;
	v6 =	vmul.f32 v9, v6  }
0x41d: {  	v5 =	vsel vm0, v8, v5  }
0x41e: {  	v5 =	vmul.f32 v6, v5  }
0x41f: {  	s16 =	sadd.s32 $0x10, s16  }
0x420: {  	[tilespmem:s16+$0x0] =	vst v5  }
0x421: {  	s18 =	sadd.s32 $0x10, s18;
	v5 =	vld.idx.msk [tilespmem:v7+s23+$0x0], $0xffff  }
0x422: {  	v6 =	vld [tilespmem:s18+$0x0];
	_ =	sdelay $0x1  }
0x423: {  	v7 =	vld.idx.msk [tilespmem:v7+s29+$0x0], $0xffff;
	_ =	sdelay $0x2  }
0x424: {  	v5 =	vmul.f32 v6, v5;
	_ =	sdelay $0x1  }
0x425: {  	v5 =	vadd.f32 v5, v7;
	_ =	sdelay $0x1  }
0x426: {  	v6 =	vand.u32 $0x7FFFFFFF, v5  }
0x427: {  	v6 =	vmul.f32 $-2.000000000e+00, v6;
	_ =	sdelay $0x1  }
0x428: {  	v6 =	vmul.f32 $1.442695020e+00, v6;
	_ =	sdelay $0x1  }
0x429: {  	(erf) = vpow2.f32 v6;
	_ =	sdelay $0x8  }
0x42a: {  	v6 =	vpop (erf)  }
0x42b: {  	v7 =	vadd.f32 $1.000000000e+00, v6;
	_ =	sdelay $0x1  }
0x42c: {  	(erf) = vrcp.f32 v7;
	_ =	sdelay $0x7  }
0x42d: {  	v6 =	vsub.f32 $1.000000000e+00, v6  }
0x42e: {  	vm14 =	vlt.f32 v5, $0.0e+00;
	vm15 =	vgt.f32 v5, $0.0e+00;
	v7 =	vand.u32 $0x80000000, v5;
	v8 =	vpop (erf)  }
0x42f: {  	vm0 =	vmor vm15, vm14;
	v7 =	vor.u32 v7, v4;
	v6 =	vmul.f32 v8, v6  }
0x430: {  	v5 =	vsel vm0, v7, v5  }
0x431: {  	v5 =	vmul.f32 v6, v5  }
0x432: {  	s16 =	sadd.s32 $0x10, s16  }
0x433: {  	s19 =	rddreg [dreg:$0x13];
	[tilespmem:s16+$0x0] =	vst v5;
	s16 =	simm.s32 $0x0  }
0x434: {  	[hbm4b:s19+s16] =	stream.linear.scatter [tilespmem:s6], [sflag:$0x7], $0x1800, $0x38;
	[tilespmem:$0xB800] =	vst v63  }
0x435: {  	_ =	swait.ge [sflag:s8], $0x1800  }
0x436: {  	[sflag:s8] =	ssyncset.done $0x0  }
0x437: {  	v5 =	vadd.s32 s16, v1;
	s19 =	rddreg [dreg:$0x14];
	[sflag:s8] =	ssyncadd.s32 $0xFFFFE800  }
0x438: {  	v6 =	vadd.s32 s16, v2;
	[tilespmem:s20], [sflag:$0x2] =	stream.linear.gather [hbm4b:s19+s16], $0x1800, $0x38;
	[tilespmem:$0xB800] =	vst v63  }
0x439: {  	_ =	swait.ge [sflag:s21], $0x1800  }
0x43a: {  	[sflag:s21] =	ssyncset.done $0x0  }
0x43b: {  	[sflag:s21] =	ssyncadd.s32 $0xFFFFE800  }
0x43c: {  	v7 =	vadd.s32 s16, v3;
	v5 =	vld.idx.msk [tilespmem:v5+s20+$0x0], $0xffff  }
0x43d: {  	v6 =	vld.idx.msk [tilespmem:v6+s20+$0x0], $0xffff;
	_ =	sdelay $0x3  }
0x43e: {  	v7 =	vld.idx.msk [tilespmem:v7+s20+$0x0], $0xffff  }
0x43f: {  	v5 =	vmul.f32 $6.553600000e+04, v5;
	v6 =	vmul.f32 $2.560000000e+02, v6;
	_ =	sdelay $0x1  }
0x440: {  	v5 =	vadd.f32 v6, v5;
	_ =	sdelay $0x1  }
0x441: {  	s18 =	simm.s32 $0x30;
	v6 =	vor.u32 s16, v0;
	v8 =	vadd.f32 v5, v7  }
0x442: {  	v7 =	vadd.s32 s18, v1  }
0x443: {  	s19 =	simm.s32 $0x60;
	v5 =	vadd.s32 s18, v2;
	v8 =	vtrunc.f32 v8  }
.LBB2_28:
0x444: {  	p0 =	sne.s32 s19, $0x17D0;
	v8 =	vcvt.f32.s32 v8;
	_ =	sdelay $0x1  }
0x445: {  	[tilespmem:v6+s22+$0x0] =	vst.idx.msk $0xffff, v8  }
0x446: {  	v6 =	vld.idx.msk [tilespmem:v7+s20+$0x0], $0xffff;
	v7 =	vadd.s32 s18, v3;
	s18 =	smov.u32 s19  }
0x447: {  	v5 =	vld.idx.msk [tilespmem:v5+s20+$0x0], $0xffff;
	_ =	sdelay $0x3  }
0x448: {  	v7 =	vld.idx.msk [tilespmem:v7+s20+$0x0], $0xffff;
	_ =	sdelay $0x1  }
0x449: {  	v6 =	vmul.f32 $6.553600000e+04, v6;
	v5 =	vmul.f32 $2.560000000e+02, v5;
	_ =	sdelay $0x1  }
.Ltmp13:
0x44a: {  	v5 =	vadd.f32 v5, v6;
	(pc) =	sbr.rel @p0 .LBB2_28-.Ltmp13, $4  }
0x44b: {  	s16 =	sadd.s32 $0x10, s16  }
0x44c: {  	v6 =	vor.u32 s16, v0;
	v8 =	vadd.f32 v5, v7  }
0x44d: {  	v7 =	vadd.s32 s19, v1  }
0x44e: {  	v5 =	vadd.s32 s18, v2;
	s19 =	sadd.s32 $0x30, s19;
	v8 =	vtrunc.f32 v8  }
0x44f: {  	_ =	sdelay $0x1  }
0x450: {  	v8 =	vcvt.f32.s32 v8;
	_ =	sdelay $0x1  }
0x451: {  	[tilespmem:v6+s22+$0x0] =	vst.idx.msk $0xffff, v8  }
0x452: {  	v6 =	vld.idx.msk [tilespmem:v7+s20+$0x0], $0xffff;
	v7 =	vadd.s32 s18, v3  }
0x453: {  	v5 =	vld.idx.msk [tilespmem:v5+s20+$0x0], $0xffff;
	_ =	sdelay $0x3  }
0x454: {  	v7 =	vld.idx.msk [tilespmem:v7+s20+$0x0], $0xffff  }
0x455: {  	v6 =	vmul.f32 $6.553600000e+04, v6;
	v5 =	vmul.f32 $2.560000000e+02, v5;
	_ =	sdelay $0x1  }
0x456: {  	v5 =	vadd.f32 v5, v6  }
0x457: {  	s16 =	sadd.s32 $0x10, s16  }
0x458: {  	v6 =	vor.u32 s16, v0;
	v5 =	vadd.f32 v5, v7;
	_ =	sdelay $0x1  }
0x459: {  	v5 =	vtrunc.f32 v5  }
0x45a: {  	v5 =	vcvt.f32.s32 v5;
	_ =	sdelay $0x1  }
0x45b: {  	[tilespmem:v6+s22+$0x0] =	vst.idx.msk $0xffff, v5  }
0x45c: {  	[tilespmem:s23], [sflag:$0x4] =	stream.indirect.gather [hbm4b:s24+s13], $0x1, s22, s13, $0xb8;
	[tilespmem:$0xB800] =	vst v63  }
0x45d: {  	_ = 	snop  }
0x45e: {  	[tilespmem:s25], [sflag:$0x4] =	stream.indirect.gather [hbm4b:s28+s13], $0x1, s22, s13, $0xb8;
	[tilespmem:$0xB800] =	vst v63  }
0x45f: {  	_ = 	snop  }
0x460: {  	[tilespmem:s26], [sflag:$0x4] =	stream.indirect.gather [hbm4b:s31+s13], $0x1, s22, s13, $0xb8;
	[tilespmem:$0xB800] =	vst v63  }
0x461: {  	_ = 	snop  }
0x462: {  	[tilespmem:s29], [sflag:$0x6] =	stream.indirect.gather [hbm4b:s0+s13], $0x1, s22, s13, $0xb8;
	[tilespmem:$0xB800] =	vst v63  }
0x463: {  	_ = 	snop  }
0x464: {  	[tilespmem:s30], [sflag:$0x6] =	stream.indirect.gather [hbm4b:s4+s13], $0x1, s22, s13, $0xb8;
	[tilespmem:$0xB800] =	vst v63  }
0x465: {  	_ = 	snop  }
0x466: {  	[tilespmem:s2], [sflag:$0x6] =	stream.indirect.gather [hbm4b:s7+s13], $0x1, s22, s13, $0xb8;
	[tilespmem:$0xB800] =	vst v63  }
0x467: {  	_ =	swait.ge [sflag:s3], $0x800  }
0x468: {  	[sflag:s3] =	ssyncset.done $0x0  }
0x469: {  	[sflag:s3] =	ssyncadd.s32 $0xFFFFF800  }
0x46a: {  	_ =	swait.ge [sflag:s3], $0x800  }
0x46b: {  	s19 =	simm.s32 $0x0;
	[sflag:s3] =	ssyncset.done $0x0  }
0x46c: {  	v5 =	vor.u32 s19, v0;
	[sflag:s3] =	ssyncadd.s32 $0xFFFFF800  }
0x46d: {  	v6 =	vmul.u32 $0x5556, v5;
	_ =	swait.ge [sflag:s3], $0x800  }
0x46e: {  	[sflag:s3] =	ssyncset.done $0x0  }
0x46f: {  	v6 =	vshrl.u32 v6, $0x10;
	[sflag:s3] =	ssyncadd.s32 $0xFFFFF800  }
0x470: {  	v7 =	vmul.u32 $0x1FFFFD, v6;
	_ =	swait.ge [sflag:s5], $0x800  }
0x471: {  	[sflag:s5] =	ssyncset.done $0x0  }
0x472: {  	v5 =	vadd.s32 v5, v7;
	[sflag:s5] =	ssyncadd.s32 $0xFFFFF800  }
0x473: {  	v5 =	vshll.u32 v5, $0xB;
	_ =	swait.ge [sflag:s5], $0x800  }
0x474: {  	v5 =	vadd.s32 v6, v5;
	[sflag:s5] =	ssyncset.done $0x0  }
0x475: {  	[sflag:s5] =	ssyncadd.s32 $0xFFFFF800  }
0x476: {  	_ =	swait.ge [sflag:s5], $0x800  }
0x477: {  	[sflag:s5] =	ssyncset.done $0x0  }
0x478: {  	[sflag:s5] =	ssyncadd.s32 $0xFFFFF800  }
0x479: {  	v6 =	vld.idx.msk [tilespmem:v5+s14+$0x0], $0xffff  }
0x47a: {  	v7 =	vld [tilespmem:s19+$0x0];
	_ =	sdelay $0x1  }
0x47b: {  	v5 =	vld.idx.msk [tilespmem:v5+s17+$0x0], $0xffff;
	_ =	sdelay $0x2  }
0x47c: {  	v6 =	vmul.f32 v7, v6;
	_ =	sdelay $0x1  }
0x47d: {  	v5 =	vadd.f32 v6, v5;
	_ =	sdelay $0x1  }
0x47e: {  	v6 =	vand.u32 $0x7FFFFFFF, v5  }
0x47f: {  	v6 =	vmul.f32 $-2.000000000e+00, v6;
	_ =	sdelay $0x1  }
0x480: {  	v6 =	vmul.f32 $1.442695020e+00, v6;
	_ =	sdelay $0x1  }
0x481: {  	(erf) = vpow2.f32 v6;
	_ =	sdelay $0x8  }
0x482: {  	v6 =	vpop (erf)  }
0x483: {  	v7 =	vadd.f32 $1.000000000e+00, v6;
	_ =	sdelay $0x1  }
0x484: {  	s16 =	simm.s32 $0x10;
	(erf) = vrcp.f32 v7  }
0x485: {  	v8 =	vor.u32 s16, v0  }
0x486: {  	v7 =	vmul.u32 $0x5556, v8;
	_ =	sdelay $0x1  }
0x487: {  	v7 =	vshrl.u32 v7, $0x10  }
0x488: {  	v9 =	vmul.u32 $0x1FFFFD, v7;
	_ =	sdelay $0x1  }
0x489: {  	v8 =	vadd.s32 v8, v9  }
0x48a: {  	vm0 =	vlt.f32 v5, $0.0e+00;
	v6 =	vsub.f32 $1.000000000e+00, v6;
	v8 =	vshll.u32 v8, $0xB  }
0x48b: {  	vm1 =	vgt.f32 v5, $0.0e+00;
	v7 =	vadd.s32 v7, v8;
	v8 =	vand.u32 $0x80000000, v5;
	v9 =	vpop (erf)  }
0x48c: {  	vm0 =	vmor vm1, vm0;
	v8 =	vor.u32 v8, v4;
	v6 =	vmul.f32 v9, v6  }
0x48d: {  	v5 =	vsel vm0, v8, v5  }
0x48e: {  	v5 =	vmul.f32 v6, v5  }
0x48f: {  	s18 =	simm.s32 $0xA000  }
0x490: {  	[tilespmem:s18+$0x0] =	vst v5  }
0x491: {  	v5 =	vld.idx.msk [tilespmem:v7+s14+$0x0], $0xffff  }
0x492: {  	v6 =	vld [tilespmem:s16+$0x0];
	_ =	sdelay $0x1  }
0x493: {  	v7 =	vld.idx.msk [tilespmem:v7+s17+$0x0], $0xffff;
	_ =	sdelay $0x2  }
0x494: {  	v5 =	vmul.f32 v6, v5;
	_ =	sdelay $0x1  }
0x495: {  	v5 =	vadd.f32 v5, v7;
	_ =	sdelay $0x1  }
0x496: {  	v6 =	vand.u32 $0x7FFFFFFF, v5  }
0x497: {  	v6 =	vmul.f32 $-2.000000000e+00, v6;
	_ =	sdelay $0x1  }
0x498: {  	v6 =	vmul.f32 $1.442695020e+00, v6;
	_ =	sdelay $0x1  }
0x499: {  	(erf) = vpow2.f32 v6;
	_ =	sdelay $0x8  }
0x49a: {  	v6 =	vpop (erf)  }
0x49b: {  	v8 =	vadd.f32 $1.000000000e+00, v6  }
0x49c: {  	s19 =	simm.s32 $0x20  }
0x49d: {  	v7 =	vor.u32 s19, v0;
	(erf) = vrcp.f32 v8  }
0x49e: {  	v8 =	vmul.u32 $0x5556, v7  }
0x49f: {  	s19 =	simm.s32 $0x30  }
.LBB2_30:
0x4a0: {  	p0 =	sne.s32 s19, $0x17F0;
	v8 =	vshrl.u32 v8, $0x10  }
0x4a1: {  	v9 =	vmul.u32 $0x1FFFFD, v8;
	_ =	sdelay $0x1  }
0x4a2: {  	v7 =	vadd.s32 v7, v9  }
0x4a3: {  	v7 =	vshll.u32 v7, $0xB  }
0x4a4: {  	v6 =	vsub.f32 $1.000000000e+00, v6;
	v7 =	vadd.s32 v8, v7  }
0x4a5: {  	vm0 =	vlt.f32 v5, $0.0e+00;
	vm1 =	vgt.f32 v5, $0.0e+00;
	v8 =	vand.u32 $0x80000000, v5;
	v9 =	vpop (erf)  }
0x4a6: {  	vm0 =	vmor vm1, vm0;
	v8 =	vor.u32 v8, v4;
	v6 =	vmul.f32 v9, v6  }
0x4a7: {  	v5 =	vsel vm0, v8, v5  }
0x4a8: {  	v5 =	vmul.f32 v6, v5  }
0x4a9: {  	s18 =	sadd.s32 $0x10, s18  }
0x4aa: {  	[tilespmem:s18+$0x0] =	vst v5  }
0x4ab: {  	s16 =	sadd.s32 $0x10, s16;
	v5 =	vld.idx.msk [tilespmem:v7+s14+$0x0], $0xffff  }
0x4ac: {  	v6 =	vld [tilespmem:s16+$0x0]  }
0x4ad: {  	v7 =	vld.idx.msk [tilespmem:v7+s17+$0x0], $0xffff;
	_ =	sdelay $0x3  }
0x4ae: {  	v5 =	vmul.f32 v6, v5;
	_ =	sdelay $0x1  }
0x4af: {  	v5 =	vadd.f32 v5, v7;
	_ =	sdelay $0x1  }
0x4b0: {  	v6 =	vand.u32 $0x7FFFFFFF, v5  }
0x4b1: {  	v6 =	vmul.f32 $-2.000000000e+00, v6;
	_ =	sdelay $0x1  }
0x4b2: {  	v6 =	vmul.f32 $1.442695020e+00, v6;
	_ =	sdelay $0x1  }
0x4b3: {  	(erf) = vpow2.f32 v6;
	_ =	sdelay $0x8  }
0x4b4: {  	v6 =	vpop (erf)  }
.Ltmp14:
0x4b5: {  	v8 =	vadd.f32 $1.000000000e+00, v6;
	(pc) =	sbr.rel @p0 .LBB2_30-.Ltmp14, $4  }
0x4b6: {  	_ = 	snop  }
0x4b7: {  	v7 =	vor.u32 s19, v0;
	(erf) = vrcp.f32 v8  }
0x4b8: {  	v8 =	vmul.u32 $0x5556, v7  }
0x4b9: {  	s19 =	sadd.s32 $0x10, s19  }
0x4ba: {  	_ = 	snop  }
0x4bb: {  	v8 =	vshrl.u32 v8, $0x10  }
0x4bc: {  	v9 =	vmul.u32 $0x1FFFFD, v8;
	_ =	sdelay $0x1  }
0x4bd: {  	v7 =	vadd.s32 v7, v9  }
0x4be: {  	v6 =	vsub.f32 $1.000000000e+00, v6;
	vm0 =	vlt.f32 v5, $0.0e+00;
	v7 =	vshll.u32 v7, $0xB  }
0x4bf: {  	vm1 =	vgt.f32 v5, $0.0e+00;
	v7 =	vadd.s32 v8, v7;
	v8 =	vand.u32 $0x80000000, v5;
	v9 =	vpop (erf)  }
0x4c0: {  	vm0 =	vmor vm1, vm0;
	v8 =	vor.u32 v8, v4;
	v6 =	vmul.f32 v9, v6  }
0x4c1: {  	v5 =	vsel vm0, v8, v5  }
0x4c2: {  	v5 =	vmul.f32 v6, v5  }
0x4c3: {  	s18 =	sadd.s32 $0x10, s18  }
0x4c4: {  	[tilespmem:s18+$0x0] =	vst v5  }
0x4c5: {  	s16 =	sadd.s32 $0x10, s16;
	v5 =	vld.idx.msk [tilespmem:v7+s14+$0x0], $0xffff  }
0x4c6: {  	v6 =	vld [tilespmem:s16+$0x0];
	_ =	sdelay $0x1  }
0x4c7: {  	v7 =	vld.idx.msk [tilespmem:v7+s17+$0x0], $0xffff;
	_ =	sdelay $0x2  }
0x4c8: {  	v5 =	vmul.f32 v6, v5;
	_ =	sdelay $0x1  }
0x4c9: {  	v5 =	vadd.f32 v5, v7;
	_ =	sdelay $0x1  }
0x4ca: {  	v6 =	vand.u32 $0x7FFFFFFF, v5  }
0x4cb: {  	v6 =	vmul.f32 $-2.000000000e+00, v6;
	_ =	sdelay $0x1  }
0x4cc: {  	v6 =	vmul.f32 $1.442695020e+00, v6;
	_ =	sdelay $0x1  }
0x4cd: {  	(erf) = vpow2.f32 v6;
	_ =	sdelay $0x8  }
0x4ce: {  	v6 =	vpop (erf)  }
0x4cf: {  	v7 =	vadd.f32 $1.000000000e+00, v6;
	_ =	sdelay $0x1  }
0x4d0: {  	(erf) = vrcp.f32 v7;
	_ =	sdelay $0x7  }
0x4d1: {  	v6 =	vsub.f32 $1.000000000e+00, v6  }
0x4d2: {  	vm14 =	vlt.f32 v5, $0.0e+00;
	vm15 =	vgt.f32 v5, $0.0e+00;
	v7 =	vand.u32 $0x80000000, v5;
	v8 =	vpop (erf)  }
0x4d3: {  	vm0 =	vmor vm15, vm14;
	v7 =	vor.u32 v7, v4;
	v6 =	vmul.f32 v8, v6  }
0x4d4: {  	v5 =	vsel vm0, v7, v5  }
0x4d5: {  	v5 =	vmul.f32 v6, v5  }
0x4d6: {  	s18 =	sadd.s32 $0x10, s18  }
0x4d7: {  	s19 =	rddreg [dreg:$0x15];
	s16 =	simm.s32 $0x0;
	[tilespmem:s18+$0x0] =	vst v5  }
0x4d8: {  	[hbm4b:s19+s16] =	stream.linear.scatter [tilespmem:s6], [sflag:$0x7], $0x1800, $0x38;
	[tilespmem:$0xB800] =	vst v63  }
0x4d9: {  	_ =	swait.ge [sflag:s8], $0x1800  }
0x4da: {  	[sflag:s8] =	ssyncset.done $0x0  }
0x4db: {  	v5 =	vadd.s32 s16, v1;
	s19 =	rddreg [dreg:$0x16];
	[sflag:s8] =	ssyncadd.s32 $0xFFFFE800  }
0x4dc: {  	v6 =	vadd.s32 s16, v2;
	[tilespmem:s16], [sflag:$0x1] =	stream.linear.gather [hbm4b:s19+s16], $0x1800, $0x38;
	[tilespmem:$0xB800] =	vst v63  }
0x4dd: {  	_ =	swait.ge [sflag:s11], $0x1800  }
0x4de: {  	[sflag:s11] =	ssyncset.done $0x0  }
0x4df: {  	[sflag:s11] =	ssyncadd.s32 $0xFFFFE800  }
0x4e0: {  	v7 =	vadd.s32 s16, v3;
	v5 =	vld.idx.msk [tilespmem:v5+s1+$0x0], $0xffff  }
0x4e1: {  	v6 =	vld.idx.msk [tilespmem:v6+s1+$0x0], $0xffff;
	_ =	sdelay $0x3  }
0x4e2: {  	v7 =	vld.idx.msk [tilespmem:v7+s1+$0x0], $0xffff  }
0x4e3: {  	v5 =	vmul.f32 $6.553600000e+04, v5;
	v6 =	vmul.f32 $2.560000000e+02, v6;
	_ =	sdelay $0x1  }
0x4e4: {  	v5 =	vadd.f32 v6, v5;
	_ =	sdelay $0x1  }
0x4e5: {  	s18 =	simm.s32 $0x30;
	v6 =	vor.u32 s16, v0;
	v8 =	vadd.f32 v5, v7  }
0x4e6: {  	v7 =	vadd.s32 s18, v1  }
0x4e7: {  	s19 =	simm.s32 $0x60;
	v5 =	vadd.s32 s18, v2;
	v8 =	vtrunc.f32 v8  }
.LBB2_32:
0x4e8: {  	p0 =	sne.s32 s19, $0x17D0;
	v8 =	vcvt.f32.s32 v8;
	_ =	sdelay $0x1  }
0x4e9: {  	[tilespmem:v6+s12+$0x0] =	vst.idx.msk $0xffff, v8  }
0x4ea: {  	v6 =	vld.idx.msk [tilespmem:v7+s1+$0x0], $0xffff;
	v7 =	vadd.s32 s18, v3;
	s18 =	smov.u32 s19  }
0x4eb: {  	v5 =	vld.idx.msk [tilespmem:v5+s1+$0x0], $0xffff;
	_ =	sdelay $0x3  }
0x4ec: {  	v7 =	vld.idx.msk [tilespmem:v7+s1+$0x0], $0xffff;
	_ =	sdelay $0x1  }
0x4ed: {  	v6 =	vmul.f32 $6.553600000e+04, v6;
	v5 =	vmul.f32 $2.560000000e+02, v5;
	_ =	sdelay $0x1  }
.Ltmp15:
0x4ee: {  	v5 =	vadd.f32 v5, v6;
	(pc) =	sbr.rel @p0 .LBB2_32-.Ltmp15, $4  }
0x4ef: {  	s16 =	sadd.s32 $0x10, s16  }
0x4f0: {  	v6 =	vor.u32 s16, v0;
	v8 =	vadd.f32 v5, v7  }
0x4f1: {  	v7 =	vadd.s32 s19, v1  }
0x4f2: {  	v5 =	vadd.s32 s18, v2;
	s19 =	sadd.s32 $0x30, s19;
	v8 =	vtrunc.f32 v8  }
0x4f3: {  	_ =	sdelay $0x1  }
0x4f4: {  	v8 =	vcvt.f32.s32 v8;
	_ =	sdelay $0x1  }
0x4f5: {  	[tilespmem:v6+s12+$0x0] =	vst.idx.msk $0xffff, v8  }
0x4f6: {  	v6 =	vld.idx.msk [tilespmem:v7+s1+$0x0], $0xffff;
	v7 =	vadd.s32 s18, v3  }
0x4f7: {  	v5 =	vld.idx.msk [tilespmem:v5+s1+$0x0], $0xffff;
	_ =	sdelay $0x3  }
0x4f8: {  	v7 =	vld.idx.msk [tilespmem:v7+s1+$0x0], $0xffff  }
0x4f9: {  	v6 =	vmul.f32 $6.553600000e+04, v6;
	v5 =	vmul.f32 $2.560000000e+02, v5;
	_ =	sdelay $0x1  }
0x4fa: {  	v5 =	vadd.f32 v5, v6  }
0x4fb: {  	s16 =	sadd.s32 $0x10, s16  }
0x4fc: {  	v6 =	vor.u32 s16, v0;
	v5 =	vadd.f32 v5, v7;
	_ =	sdelay $0x1  }
0x4fd: {  	v5 =	vtrunc.f32 v5  }
0x4fe: {  	v5 =	vcvt.f32.s32 v5;
	_ =	sdelay $0x1  }
0x4ff: {  	[tilespmem:v6+s12+$0x0] =	vst.idx.msk $0xffff, v5  }
0x500: {  	[tilespmem:s14], [sflag:$0x3] =	stream.indirect.gather [hbm4b:s24+s13], $0x1, s12, s13, $0xb8;
	[tilespmem:$0xB800] =	vst v63  }
0x501: {  	s19 =	simm.s32 $0x4800  }
0x502: {  	[tilespmem:s19], [sflag:$0x3] =	stream.indirect.gather [hbm4b:s28+s13], $0x1, s12, s13, $0xb8;
	[tilespmem:$0xB800] =	vst v63  }
0x503: {  	s18 =	simm.s32 $0x5000  }
0x504: {  	[tilespmem:s18], [sflag:$0x3] =	stream.indirect.gather [hbm4b:s31+s13], $0x1, s12, s13, $0xb8;
	[tilespmem:$0xB800] =	vst v63  }
0x505: {  	_ = 	snop  }
0x506: {  	[tilespmem:s17], [sflag:$0x5] =	stream.indirect.gather [hbm4b:s0+s13], $0x1, s12, s13, $0xb8;
	[tilespmem:$0xB800] =	vst v63  }
0x507: {  	s19 =	simm.s32 $0x7800  }
0x508: {  	[tilespmem:s19], [sflag:$0x5] =	stream.indirect.gather [hbm4b:s4+s13], $0x1, s12, s13, $0xb8;
	[tilespmem:$0xB800] =	vst v63  }
0x509: {  	s18 =	simm.s32 $0x8000  }
0x50a: {  	[tilespmem:s18], [sflag:$0x5] =	stream.indirect.gather [hbm4b:s7+s13], $0x1, s12, s13, $0xb8;
	[tilespmem:$0xB800] =	vst v63  }
0x50b: {  	_ =	swait.ge [sflag:s9], $0x800  }
0x50c: {  	[sflag:s9] =	ssyncset.done $0x0  }
0x50d: {  	[sflag:s9] =	ssyncadd.s32 $0xFFFFF800  }
0x50e: {  	_ =	swait.ge [sflag:s9], $0x800  }
0x50f: {  	s19 =	simm.s32 $0x0;
	[sflag:s9] =	ssyncset.done $0x0  }
0x510: {  	v5 =	vor.u32 s19, v0;
	[sflag:s9] =	ssyncadd.s32 $0xFFFFF800  }
0x511: {  	v6 =	vmul.u32 $0x5556, v5;
	_ =	swait.ge [sflag:s9], $0x800  }
0x512: {  	[sflag:s9] =	ssyncset.done $0x0  }
0x513: {  	v6 =	vshrl.u32 v6, $0x10;
	[sflag:s9] =	ssyncadd.s32 $0xFFFFF800  }
0x514: {  	v7 =	vmul.u32 $0x1FFFFD, v6;
	_ =	swait.ge [sflag:s10], $0x800  }
0x515: {  	[sflag:s10] =	ssyncset.done $0x0  }
0x516: {  	v5 =	vadd.s32 v5, v7;
	[sflag:s10] =	ssyncadd.s32 $0xFFFFF800  }
0x517: {  	v5 =	vshll.u32 v5, $0xB;
	_ =	swait.ge [sflag:s10], $0x800  }
0x518: {  	v5 =	vadd.s32 v6, v5;
	[sflag:s10] =	ssyncset.done $0x0  }
0x519: {  	[sflag:s10] =	ssyncadd.s32 $0xFFFFF800  }
0x51a: {  	_ =	swait.ge [sflag:s10], $0x800  }
0x51b: {  	[sflag:s10] =	ssyncset.done $0x0  }
0x51c: {  	[sflag:s10] =	ssyncadd.s32 $0xFFFFF800  }
0x51d: {  	s18 =	simm.s32 $0x1800;
	v6 =	vld.idx.msk [tilespmem:v5+s23+$0x0], $0xffff  }
0x51e: {  	v7 =	vld [tilespmem:s18+$0x0];
	_ =	sdelay $0x1  }
0x51f: {  	v5 =	vld.idx.msk [tilespmem:v5+s29+$0x0], $0xffff;
	_ =	sdelay $0x2  }
0x520: {  	v6 =	vmul.f32 v7, v6;
	_ =	sdelay $0x1  }
0x521: {  	v5 =	vadd.f32 v6, v5;
	_ =	sdelay $0x1  }
0x522: {  	v6 =	vand.u32 $0x7FFFFFFF, v5  }
0x523: {  	v6 =	vmul.f32 $-2.000000000e+00, v6;
	_ =	sdelay $0x1  }
0x524: {  	v6 =	vmul.f32 $1.442695020e+00, v6;
	_ =	sdelay $0x1  }
0x525: {  	(erf) = vpow2.f32 v6;
	_ =	sdelay $0x8  }
0x526: {  	v6 =	vpop (erf)  }
0x527: {  	v7 =	vadd.f32 $1.000000000e+00, v6;
	_ =	sdelay $0x1  }
0x528: {  	s19 =	simm.s32 $0x10;
	(erf) = vrcp.f32 v7  }
0x529: {  	v8 =	vor.u32 s19, v0  }
0x52a: {  	v7 =	vmul.u32 $0x5556, v8;
	_ =	sdelay $0x1  }
0x52b: {  	v7 =	vshrl.u32 v7, $0x10  }
0x52c: {  	v9 =	vmul.u32 $0x1FFFFD, v7;
	_ =	sdelay $0x1  }
0x52d: {  	v8 =	vadd.s32 v8, v9  }
0x52e: {  	vm0 =	vlt.f32 v5, $0.0e+00;
	v6 =	vsub.f32 $1.000000000e+00, v6;
	v8 =	vshll.u32 v8, $0xB  }
0x52f: {  	vm1 =	vgt.f32 v5, $0.0e+00;
	v7 =	vadd.s32 v7, v8;
	v8 =	vand.u32 $0x80000000, v5;
	v9 =	vpop (erf)  }
0x530: {  	vm0 =	vmor vm1, vm0;
	v8 =	vor.u32 v8, v4;
	v6 =	vmul.f32 v9, v6  }
0x531: {  	v5 =	vsel vm0, v8, v5  }
0x532: {  	v5 =	vmul.f32 v6, v5  }
0x533: {  	s16 =	simm.s32 $0xA000  }
0x534: {  	[tilespmem:s16+$0x0] =	vst v5  }
0x535: {  	s18 =	simm.s32 $0x1810;
	v5 =	vld.idx.msk [tilespmem:v7+s23+$0x0], $0xffff  }
0x536: {  	v6 =	vld [tilespmem:s18+$0x0];
	_ =	sdelay $0x1  }
0x537: {  	v7 =	vld.idx.msk [tilespmem:v7+s29+$0x0], $0xffff;
	_ =	sdelay $0x2  }
0x538: {  	v5 =	vmul.f32 v6, v5;
	_ =	sdelay $0x1  }
0x539: {  	v5 =	vadd.f32 v5, v7;
	_ =	sdelay $0x1  }
0x53a: {  	v6 =	vand.u32 $0x7FFFFFFF, v5  }
0x53b: {  	v6 =	vmul.f32 $-2.000000000e+00, v6;
	_ =	sdelay $0x1  }
0x53c: {  	v6 =	vmul.f32 $1.442695020e+00, v6;
	_ =	sdelay $0x1  }
0x53d: {  	(erf) = vpow2.f32 v6;
	_ =	sdelay $0x8  }
0x53e: {  	v6 =	vpop (erf)  }
0x53f: {  	v8 =	vadd.f32 $1.000000000e+00, v6  }
0x540: {  	s19 =	simm.s32 $0x20  }
0x541: {  	v7 =	vor.u32 s19, v0;
	(erf) = vrcp.f32 v8  }
0x542: {  	v8 =	vmul.u32 $0x5556, v7  }
0x543: {  	s19 =	simm.s32 $0x30  }
.LBB2_34:
0x544: {  	p0 =	sne.s32 s19, $0x17F0;
	v8 =	vshrl.u32 v8, $0x10  }
0x545: {  	v9 =	vmul.u32 $0x1FFFFD, v8;
	_ =	sdelay $0x1  }
0x546: {  	v7 =	vadd.s32 v7, v9  }
0x547: {  	v7 =	vshll.u32 v7, $0xB  }
0x548: {  	v6 =	vsub.f32 $1.000000000e+00, v6;
	v7 =	vadd.s32 v8, v7  }
0x549: {  	vm0 =	vlt.f32 v5, $0.0e+00;
	vm1 =	vgt.f32 v5, $0.0e+00;
	v8 =	vand.u32 $0x80000000, v5;
	v9 =	vpop (erf)  }
0x54a: {  	vm0 =	vmor vm1, vm0;
	v8 =	vor.u32 v8, v4;
	v6 =	vmul.f32 v9, v6  }
0x54b: {  	v5 =	vsel vm0, v8, v5  }
0x54c: {  	v5 =	vmul.f32 v6, v5  }
0x54d: {  	s16 =	sadd.s32 $0x10, s16  }
0x54e: {  	[tilespmem:s16+$0x0] =	vst v5  }
0x54f: {  	s18 =	sadd.s32 $0x10, s18;
	v5 =	vld.idx.msk [tilespmem:v7+s23+$0x0], $0xffff  }
0x550: {  	v6 =	vld [tilespmem:s18+$0x0]  }
0x551: {  	v7 =	vld.idx.msk [tilespmem:v7+s29+$0x0], $0xffff;
	_ =	sdelay $0x3  }
0x552: {  	v5 =	vmul.f32 v6, v5;
	_ =	sdelay $0x1  }
0x553: {  	v5 =	vadd.f32 v5, v7;
	_ =	sdelay $0x1  }
0x554: {  	v6 =	vand.u32 $0x7FFFFFFF, v5  }
0x555: {  	v6 =	vmul.f32 $-2.000000000e+00, v6;
	_ =	sdelay $0x1  }
0x556: {  	v6 =	vmul.f32 $1.442695020e+00, v6;
	_ =	sdelay $0x1  }
0x557: {  	(erf) = vpow2.f32 v6;
	_ =	sdelay $0x8  }
0x558: {  	v6 =	vpop (erf)  }
.Ltmp16:
0x559: {  	v8 =	vadd.f32 $1.000000000e+00, v6;
	(pc) =	sbr.rel @p0 .LBB2_34-.Ltmp16, $4  }
0x55a: {  	_ = 	snop  }
0x55b: {  	v7 =	vor.u32 s19, v0;
	(erf) = vrcp.f32 v8  }
0x55c: {  	v8 =	vmul.u32 $0x5556, v7  }
0x55d: {  	s19 =	sadd.s32 $0x10, s19  }
0x55e: {  	_ = 	snop  }
0x55f: {  	v8 =	vshrl.u32 v8, $0x10  }
0x560: {  	v9 =	vmul.u32 $0x1FFFFD, v8;
	_ =	sdelay $0x1  }
0x561: {  	v7 =	vadd.s32 v7, v9  }
0x562: {  	v6 =	vsub.f32 $1.000000000e+00, v6;
	vm0 =	vlt.f32 v5, $0.0e+00;
	v7 =	vshll.u32 v7, $0xB  }
0x563: {  	vm1 =	vgt.f32 v5, $0.0e+00;
	v7 =	vadd.s32 v8, v7;
	v8 =	vand.u32 $0x80000000, v5;
	v9 =	vpop (erf)  }
0x564: {  	vm0 =	vmor vm1, vm0;
	v8 =	vor.u32 v8, v4;
	v6 =	vmul.f32 v9, v6  }
0x565: {  	v5 =	vsel vm0, v8, v5  }
0x566: {  	v5 =	vmul.f32 v6, v5  }
0x567: {  	s16 =	sadd.s32 $0x10, s16  }
0x568: {  	[tilespmem:s16+$0x0] =	vst v5  }
0x569: {  	s18 =	sadd.s32 $0x10, s18;
	v5 =	vld.idx.msk [tilespmem:v7+s23+$0x0], $0xffff  }
0x56a: {  	v6 =	vld [tilespmem:s18+$0x0];
	_ =	sdelay $0x1  }
0x56b: {  	v7 =	vld.idx.msk [tilespmem:v7+s29+$0x0], $0xffff;
	_ =	sdelay $0x2  }
0x56c: {  	v5 =	vmul.f32 v6, v5;
	_ =	sdelay $0x1  }
0x56d: {  	v5 =	vadd.f32 v5, v7;
	_ =	sdelay $0x1  }
0x56e: {  	v6 =	vand.u32 $0x7FFFFFFF, v5  }
0x56f: {  	v6 =	vmul.f32 $-2.000000000e+00, v6;
	_ =	sdelay $0x1  }
0x570: {  	v6 =	vmul.f32 $1.442695020e+00, v6;
	_ =	sdelay $0x1  }
0x571: {  	(erf) = vpow2.f32 v6;
	_ =	sdelay $0x8  }
0x572: {  	v6 =	vpop (erf)  }
0x573: {  	v7 =	vadd.f32 $1.000000000e+00, v6;
	_ =	sdelay $0x1  }
0x574: {  	(erf) = vrcp.f32 v7;
	_ =	sdelay $0x7  }
0x575: {  	v6 =	vsub.f32 $1.000000000e+00, v6  }
0x576: {  	vm14 =	vlt.f32 v5, $0.0e+00;
	vm15 =	vgt.f32 v5, $0.0e+00;
	v7 =	vand.u32 $0x80000000, v5;
	v8 =	vpop (erf)  }
0x577: {  	vm0 =	vmor vm15, vm14;
	v7 =	vor.u32 v7, v4;
	v6 =	vmul.f32 v8, v6  }
0x578: {  	v5 =	vsel vm0, v7, v5  }
0x579: {  	v5 =	vmul.f32 v6, v5  }
0x57a: {  	s16 =	sadd.s32 $0x10, s16  }
0x57b: {  	s19 =	rddreg [dreg:$0x17];
	[tilespmem:s16+$0x0] =	vst v5;
	s16 =	simm.s32 $0x0  }
0x57c: {  	[hbm4b:s19+s16] =	stream.linear.scatter [tilespmem:s6], [sflag:$0x7], $0x1800, $0x38;
	[tilespmem:$0xB800] =	vst v63  }
0x57d: {  	_ =	swait.ge [sflag:s8], $0x1800  }
0x57e: {  	[sflag:s8] =	ssyncset.done $0x0  }
0x57f: {  	v5 =	vadd.s32 s16, v1;
	s19 =	rddreg [dreg:$0x18];
	[sflag:s8] =	ssyncadd.s32 $0xFFFFE800  }
0x580: {  	v6 =	vadd.s32 s16, v2;
	[tilespmem:s20], [sflag:$0x2] =	stream.linear.gather [hbm4b:s19+s16], $0x1800, $0x38;
	[tilespmem:$0xB800] =	vst v63  }
0x581: {  	_ =	swait.ge [sflag:s21], $0x1800  }
0x582: {  	[sflag:s21] =	ssyncset.done $0x0  }
0x583: {  	[sflag:s21] =	ssyncadd.s32 $0xFFFFE800  }
0x584: {  	v7 =	vadd.s32 s16, v3;
	v5 =	vld.idx.msk [tilespmem:v5+s20+$0x0], $0xffff  }
0x585: {  	v6 =	vld.idx.msk [tilespmem:v6+s20+$0x0], $0xffff;
	_ =	sdelay $0x3  }
0x586: {  	v7 =	vld.idx.msk [tilespmem:v7+s20+$0x0], $0xffff  }
0x587: {  	v5 =	vmul.f32 $6.553600000e+04, v5;
	v6 =	vmul.f32 $2.560000000e+02, v6;
	_ =	sdelay $0x1  }
0x588: {  	v5 =	vadd.f32 v6, v5;
	_ =	sdelay $0x1  }
0x589: {  	s18 =	simm.s32 $0x30;
	v6 =	vor.u32 s16, v0;
	v8 =	vadd.f32 v5, v7  }
0x58a: {  	v7 =	vadd.s32 s18, v1  }
0x58b: {  	s19 =	simm.s32 $0x60;
	v5 =	vadd.s32 s18, v2;
	v8 =	vtrunc.f32 v8  }
.LBB2_36:
0x58c: {  	p0 =	sne.s32 s19, $0x17D0;
	v8 =	vcvt.f32.s32 v8;
	_ =	sdelay $0x1  }
0x58d: {  	[tilespmem:v6+s22+$0x0] =	vst.idx.msk $0xffff, v8  }
0x58e: {  	v6 =	vld.idx.msk [tilespmem:v7+s20+$0x0], $0xffff;
	v7 =	vadd.s32 s18, v3;
	s18 =	smov.u32 s19  }
0x58f: {  	v5 =	vld.idx.msk [tilespmem:v5+s20+$0x0], $0xffff;
	_ =	sdelay $0x3  }
0x590: {  	v7 =	vld.idx.msk [tilespmem:v7+s20+$0x0], $0xffff;
	_ =	sdelay $0x1  }
0x591: {  	v6 =	vmul.f32 $6.553600000e+04, v6;
	v5 =	vmul.f32 $2.560000000e+02, v5;
	_ =	sdelay $0x1  }
.Ltmp17:
0x592: {  	v5 =	vadd.f32 v5, v6;
	(pc) =	sbr.rel @p0 .LBB2_36-.Ltmp17, $4  }
0x593: {  	s16 =	sadd.s32 $0x10, s16  }
0x594: {  	v6 =	vor.u32 s16, v0;
	v8 =	vadd.f32 v5, v7  }
0x595: {  	v7 =	vadd.s32 s19, v1  }
0x596: {  	v5 =	vadd.s32 s18, v2;
	s19 =	sadd.s32 $0x30, s19;
	v8 =	vtrunc.f32 v8  }
0x597: {  	_ =	sdelay $0x1  }
0x598: {  	v8 =	vcvt.f32.s32 v8;
	_ =	sdelay $0x1  }
0x599: {  	[tilespmem:v6+s22+$0x0] =	vst.idx.msk $0xffff, v8  }
0x59a: {  	v6 =	vld.idx.msk [tilespmem:v7+s20+$0x0], $0xffff;
	v7 =	vadd.s32 s18, v3  }
0x59b: {  	v5 =	vld.idx.msk [tilespmem:v5+s20+$0x0], $0xffff;
	_ =	sdelay $0x3  }
0x59c: {  	v7 =	vld.idx.msk [tilespmem:v7+s20+$0x0], $0xffff  }
0x59d: {  	v6 =	vmul.f32 $6.553600000e+04, v6;
	v5 =	vmul.f32 $2.560000000e+02, v5;
	_ =	sdelay $0x1  }
0x59e: {  	v5 =	vadd.f32 v5, v6  }
0x59f: {  	s16 =	sadd.s32 $0x10, s16  }
0x5a0: {  	v6 =	vor.u32 s16, v0;
	v5 =	vadd.f32 v5, v7;
	_ =	sdelay $0x1  }
0x5a1: {  	v5 =	vtrunc.f32 v5  }
0x5a2: {  	v5 =	vcvt.f32.s32 v5;
	_ =	sdelay $0x1  }
0x5a3: {  	[tilespmem:v6+s22+$0x0] =	vst.idx.msk $0xffff, v5  }
0x5a4: {  	[tilespmem:s23], [sflag:$0x4] =	stream.indirect.gather [hbm4b:s24+s13], $0x1, s22, s13, $0xb8;
	[tilespmem:$0xB800] =	vst v63  }
0x5a5: {  	_ = 	snop  }
0x5a6: {  	[tilespmem:s25], [sflag:$0x4] =	stream.indirect.gather [hbm4b:s28+s13], $0x1, s22, s13, $0xb8;
	[tilespmem:$0xB800] =	vst v63  }
0x5a7: {  	_ = 	snop  }
0x5a8: {  	[tilespmem:s26], [sflag:$0x4] =	stream.indirect.gather [hbm4b:s31+s13], $0x1, s22, s13, $0xb8;
	[tilespmem:$0xB800] =	vst v63  }
0x5a9: {  	_ = 	snop  }
0x5aa: {  	[tilespmem:s29], [sflag:$0x6] =	stream.indirect.gather [hbm4b:s0+s13], $0x1, s22, s13, $0xb8;
	[tilespmem:$0xB800] =	vst v63  }
0x5ab: {  	_ = 	snop  }
0x5ac: {  	[tilespmem:s30], [sflag:$0x6] =	stream.indirect.gather [hbm4b:s4+s13], $0x1, s22, s13, $0xb8;
	[tilespmem:$0xB800] =	vst v63  }
0x5ad: {  	_ = 	snop  }
0x5ae: {  	[tilespmem:s2], [sflag:$0x6] =	stream.indirect.gather [hbm4b:s7+s13], $0x1, s22, s13, $0xb8;
	[tilespmem:$0xB800] =	vst v63  }
0x5af: {  	_ =	swait.ge [sflag:s3], $0x800  }
0x5b0: {  	[sflag:s3] =	ssyncset.done $0x0  }
0x5b1: {  	[sflag:s3] =	ssyncadd.s32 $0xFFFFF800  }
0x5b2: {  	_ =	swait.ge [sflag:s3], $0x800  }
0x5b3: {  	s19 =	simm.s32 $0x0;
	[sflag:s3] =	ssyncset.done $0x0  }
0x5b4: {  	v5 =	vor.u32 s19, v0;
	[sflag:s3] =	ssyncadd.s32 $0xFFFFF800  }
0x5b5: {  	v6 =	vmul.u32 $0x5556, v5;
	_ =	swait.ge [sflag:s3], $0x800  }
0x5b6: {  	[sflag:s3] =	ssyncset.done $0x0  }
0x5b7: {  	v6 =	vshrl.u32 v6, $0x10;
	[sflag:s3] =	ssyncadd.s32 $0xFFFFF800  }
0x5b8: {  	v7 =	vmul.u32 $0x1FFFFD, v6;
	_ =	swait.ge [sflag:s5], $0x800  }
0x5b9: {  	[sflag:s5] =	ssyncset.done $0x0  }
0x5ba: {  	v5 =	vadd.s32 v5, v7;
	[sflag:s5] =	ssyncadd.s32 $0xFFFFF800  }
0x5bb: {  	v5 =	vshll.u32 v5, $0xB;
	_ =	swait.ge [sflag:s5], $0x800  }
0x5bc: {  	v5 =	vadd.s32 v6, v5;
	[sflag:s5] =	ssyncset.done $0x0  }
0x5bd: {  	[sflag:s5] =	ssyncadd.s32 $0xFFFFF800  }
0x5be: {  	_ =	swait.ge [sflag:s5], $0x800  }
0x5bf: {  	[sflag:s5] =	ssyncset.done $0x0  }
0x5c0: {  	[sflag:s5] =	ssyncadd.s32 $0xFFFFF800  }
0x5c1: {  	v6 =	vld.idx.msk [tilespmem:v5+s14+$0x0], $0xffff  }
0x5c2: {  	v7 =	vld [tilespmem:s19+$0x0];
	_ =	sdelay $0x1  }
0x5c3: {  	v5 =	vld.idx.msk [tilespmem:v5+s17+$0x0], $0xffff;
	_ =	sdelay $0x2  }
0x5c4: {  	v6 =	vmul.f32 v7, v6;
	_ =	sdelay $0x1  }
0x5c5: {  	v5 =	vadd.f32 v6, v5;
	_ =	sdelay $0x1  }
0x5c6: {  	v6 =	vand.u32 $0x7FFFFFFF, v5  }
0x5c7: {  	v6 =	vmul.f32 $-2.000000000e+00, v6;
	_ =	sdelay $0x1  }
0x5c8: {  	v6 =	vmul.f32 $1.442695020e+00, v6;
	_ =	sdelay $0x1  }
0x5c9: {  	(erf) = vpow2.f32 v6;
	_ =	sdelay $0x8  }
0x5ca: {  	v6 =	vpop (erf)  }
0x5cb: {  	v7 =	vadd.f32 $1.000000000e+00, v6;
	_ =	sdelay $0x1  }
0x5cc: {  	s16 =	simm.s32 $0x10;
	(erf) = vrcp.f32 v7  }
0x5cd: {  	v8 =	vor.u32 s16, v0  }
0x5ce: {  	v7 =	vmul.u32 $0x5556, v8;
	_ =	sdelay $0x1  }
0x5cf: {  	v7 =	vshrl.u32 v7, $0x10  }
0x5d0: {  	v9 =	vmul.u32 $0x1FFFFD, v7;
	_ =	sdelay $0x1  }
0x5d1: {  	v8 =	vadd.s32 v8, v9  }
0x5d2: {  	vm0 =	vlt.f32 v5, $0.0e+00;
	v6 =	vsub.f32 $1.000000000e+00, v6;
	v8 =	vshll.u32 v8, $0xB  }
0x5d3: {  	vm1 =	vgt.f32 v5, $0.0e+00;
	v7 =	vadd.s32 v7, v8;
	v8 =	vand.u32 $0x80000000, v5;
	v9 =	vpop (erf)  }
0x5d4: {  	vm0 =	vmor vm1, vm0;
	v8 =	vor.u32 v8, v4;
	v6 =	vmul.f32 v9, v6  }
0x5d5: {  	v5 =	vsel vm0, v8, v5  }
0x5d6: {  	v5 =	vmul.f32 v6, v5  }
0x5d7: {  	s18 =	simm.s32 $0xA000  }
0x5d8: {  	[tilespmem:s18+$0x0] =	vst v5  }
0x5d9: {  	v5 =	vld.idx.msk [tilespmem:v7+s14+$0x0], $0xffff  }
0x5da: {  	v6 =	vld [tilespmem:s16+$0x0];
	_ =	sdelay $0x1  }
0x5db: {  	v7 =	vld.idx.msk [tilespmem:v7+s17+$0x0], $0xffff;
	_ =	sdelay $0x2  }
0x5dc: {  	v5 =	vmul.f32 v6, v5;
	_ =	sdelay $0x1  }
0x5dd: {  	v5 =	vadd.f32 v5, v7;
	_ =	sdelay $0x1  }
0x5de: {  	v6 =	vand.u32 $0x7FFFFFFF, v5  }
0x5df: {  	v6 =	vmul.f32 $-2.000000000e+00, v6;
	_ =	sdelay $0x1  }
0x5e0: {  	v6 =	vmul.f32 $1.442695020e+00, v6;
	_ =	sdelay $0x1  }
0x5e1: {  	(erf) = vpow2.f32 v6;
	_ =	sdelay $0x8  }
0x5e2: {  	v6 =	vpop (erf)  }
0x5e3: {  	v8 =	vadd.f32 $1.000000000e+00, v6  }
0x5e4: {  	s19 =	simm.s32 $0x20  }
0x5e5: {  	v7 =	vor.u32 s19, v0;
	(erf) = vrcp.f32 v8  }
0x5e6: {  	v8 =	vmul.u32 $0x5556, v7  }
0x5e7: {  	s19 =	simm.s32 $0x30  }
.LBB2_38:
0x5e8: {  	p0 =	sne.s32 s19, $0x17F0;
	v8 =	vshrl.u32 v8, $0x10  }
0x5e9: {  	v9 =	vmul.u32 $0x1FFFFD, v8;
	_ =	sdelay $0x1  }
0x5ea: {  	v7 =	vadd.s32 v7, v9  }
0x5eb: {  	v7 =	vshll.u32 v7, $0xB  }
0x5ec: {  	v6 =	vsub.f32 $1.000000000e+00, v6;
	v7 =	vadd.s32 v8, v7  }
0x5ed: {  	vm0 =	vlt.f32 v5, $0.0e+00;
	vm1 =	vgt.f32 v5, $0.0e+00;
	v8 =	vand.u32 $0x80000000, v5;
	v9 =	vpop (erf)  }
0x5ee: {  	vm0 =	vmor vm1, vm0;
	v8 =	vor.u32 v8, v4;
	v6 =	vmul.f32 v9, v6  }
0x5ef: {  	v5 =	vsel vm0, v8, v5  }
0x5f0: {  	v5 =	vmul.f32 v6, v5  }
0x5f1: {  	s18 =	sadd.s32 $0x10, s18  }
0x5f2: {  	[tilespmem:s18+$0x0] =	vst v5  }
0x5f3: {  	s16 =	sadd.s32 $0x10, s16;
	v5 =	vld.idx.msk [tilespmem:v7+s14+$0x0], $0xffff  }
0x5f4: {  	v6 =	vld [tilespmem:s16+$0x0]  }
0x5f5: {  	v7 =	vld.idx.msk [tilespmem:v7+s17+$0x0], $0xffff;
	_ =	sdelay $0x3  }
0x5f6: {  	v5 =	vmul.f32 v6, v5;
	_ =	sdelay $0x1  }
0x5f7: {  	v5 =	vadd.f32 v5, v7;
	_ =	sdelay $0x1  }
0x5f8: {  	v6 =	vand.u32 $0x7FFFFFFF, v5  }
0x5f9: {  	v6 =	vmul.f32 $-2.000000000e+00, v6;
	_ =	sdelay $0x1  }
0x5fa: {  	v6 =	vmul.f32 $1.442695020e+00, v6;
	_ =	sdelay $0x1  }
0x5fb: {  	(erf) = vpow2.f32 v6;
	_ =	sdelay $0x8  }
0x5fc: {  	v6 =	vpop (erf)  }
.Ltmp18:
0x5fd: {  	v8 =	vadd.f32 $1.000000000e+00, v6;
	(pc) =	sbr.rel @p0 .LBB2_38-.Ltmp18, $4  }
0x5fe: {  	_ = 	snop  }
0x5ff: {  	v7 =	vor.u32 s19, v0;
	(erf) = vrcp.f32 v8  }
0x600: {  	v8 =	vmul.u32 $0x5556, v7  }
0x601: {  	s19 =	sadd.s32 $0x10, s19  }
0x602: {  	_ = 	snop  }
0x603: {  	v8 =	vshrl.u32 v8, $0x10  }
0x604: {  	v9 =	vmul.u32 $0x1FFFFD, v8;
	_ =	sdelay $0x1  }
0x605: {  	v7 =	vadd.s32 v7, v9  }
0x606: {  	v6 =	vsub.f32 $1.000000000e+00, v6;
	vm0 =	vlt.f32 v5, $0.0e+00;
	v7 =	vshll.u32 v7, $0xB  }
0x607: {  	vm1 =	vgt.f32 v5, $0.0e+00;
	v7 =	vadd.s32 v8, v7;
	v8 =	vand.u32 $0x80000000, v5;
	v9 =	vpop (erf)  }
0x608: {  	vm0 =	vmor vm1, vm0;
	v8 =	vor.u32 v8, v4;
	v6 =	vmul.f32 v9, v6  }
0x609: {  	v5 =	vsel vm0, v8, v5  }
0x60a: {  	v5 =	vmul.f32 v6, v5  }
0x60b: {  	s18 =	sadd.s32 $0x10, s18  }
0x60c: {  	[tilespmem:s18+$0x0] =	vst v5  }
0x60d: {  	s16 =	sadd.s32 $0x10, s16;
	v5 =	vld.idx.msk [tilespmem:v7+s14+$0x0], $0xffff  }
0x60e: {  	v6 =	vld [tilespmem:s16+$0x0];
	_ =	sdelay $0x1  }
0x60f: {  	v7 =	vld.idx.msk [tilespmem:v7+s17+$0x0], $0xffff;
	_ =	sdelay $0x2  }
0x610: {  	v5 =	vmul.f32 v6, v5;
	_ =	sdelay $0x1  }
0x611: {  	v5 =	vadd.f32 v5, v7;
	_ =	sdelay $0x1  }
0x612: {  	v6 =	vand.u32 $0x7FFFFFFF, v5  }
0x613: {  	v6 =	vmul.f32 $-2.000000000e+00, v6;
	_ =	sdelay $0x1  }
0x614: {  	v6 =	vmul.f32 $1.442695020e+00, v6;
	_ =	sdelay $0x1  }
0x615: {  	(erf) = vpow2.f32 v6;
	_ =	sdelay $0x8  }
0x616: {  	v6 =	vpop (erf)  }
0x617: {  	v7 =	vadd.f32 $1.000000000e+00, v6;
	_ =	sdelay $0x1  }
0x618: {  	(erf) = vrcp.f32 v7;
	_ =	sdelay $0x7  }
0x619: {  	v6 =	vsub.f32 $1.000000000e+00, v6  }
0x61a: {  	vm14 =	vlt.f32 v5, $0.0e+00;
	vm15 =	vgt.f32 v5, $0.0e+00;
	v7 =	vand.u32 $0x80000000, v5;
	v8 =	vpop (erf)  }
0x61b: {  	vm0 =	vmor vm15, vm14;
	v7 =	vor.u32 v7, v4;
	v6 =	vmul.f32 v8, v6  }
0x61c: {  	v5 =	vsel vm0, v7, v5  }
0x61d: {  	v5 =	vmul.f32 v6, v5  }
0x61e: {  	s18 =	sadd.s32 $0x10, s18  }
0x61f: {  	s19 =	rddreg [dreg:$0x19];
	s16 =	simm.s32 $0x0;
	[tilespmem:s18+$0x0] =	vst v5  }
0x620: {  	[hbm4b:s19+s16] =	stream.linear.scatter [tilespmem:s6], [sflag:$0x7], $0x1800, $0x38;
	[tilespmem:$0xB800] =	vst v63  }
0x621: {  	_ =	swait.ge [sflag:s8], $0x1800  }
0x622: {  	[sflag:s8] =	ssyncset.done $0x0  }
0x623: {  	v5 =	vadd.s32 s16, v1;
	s19 =	rddreg [dreg:$0x1a];
	[sflag:s8] =	ssyncadd.s32 $0xFFFFE800  }
0x624: {  	v6 =	vadd.s32 s16, v2;
	[tilespmem:s16], [sflag:$0x1] =	stream.linear.gather [hbm4b:s19+s16], $0x1800, $0x38;
	[tilespmem:$0xB800] =	vst v63  }
0x625: {  	_ =	swait.ge [sflag:s11], $0x1800  }
0x626: {  	[sflag:s11] =	ssyncset.done $0x0  }
0x627: {  	[sflag:s11] =	ssyncadd.s32 $0xFFFFE800  }
0x628: {  	v7 =	vadd.s32 s16, v3;
	v5 =	vld.idx.msk [tilespmem:v5+s1+$0x0], $0xffff  }
0x629: {  	v6 =	vld.idx.msk [tilespmem:v6+s1+$0x0], $0xffff;
	_ =	sdelay $0x3  }
0x62a: {  	v7 =	vld.idx.msk [tilespmem:v7+s1+$0x0], $0xffff  }
0x62b: {  	v5 =	vmul.f32 $6.553600000e+04, v5;
	v6 =	vmul.f32 $2.560000000e+02, v6;
	_ =	sdelay $0x1  }
0x62c: {  	v5 =	vadd.f32 v6, v5;
	_ =	sdelay $0x1  }
0x62d: {  	s18 =	simm.s32 $0x30;
	v6 =	vor.u32 s16, v0;
	v8 =	vadd.f32 v5, v7  }
0x62e: {  	v7 =	vadd.s32 s18, v1  }
0x62f: {  	s19 =	simm.s32 $0x60;
	v5 =	vadd.s32 s18, v2;
	v8 =	vtrunc.f32 v8  }
.LBB2_40:
0x630: {  	p0 =	sne.s32 s19, $0x17D0;
	v8 =	vcvt.f32.s32 v8;
	_ =	sdelay $0x1  }
0x631: {  	[tilespmem:v6+s12+$0x0] =	vst.idx.msk $0xffff, v8  }
0x632: {  	v6 =	vld.idx.msk [tilespmem:v7+s1+$0x0], $0xffff;
	v7 =	vadd.s32 s18, v3;
	s18 =	smov.u32 s19  }
0x633: {  	v5 =	vld.idx.msk [tilespmem:v5+s1+$0x0], $0xffff;
	_ =	sdelay $0x3  }
0x634: {  	v7 =	vld.idx.msk [tilespmem:v7+s1+$0x0], $0xffff;
	_ =	sdelay $0x1  }
0x635: {  	v6 =	vmul.f32 $6.553600000e+04, v6;
	v5 =	vmul.f32 $2.560000000e+02, v5;
	_ =	sdelay $0x1  }
.Ltmp19:
0x636: {  	v5 =	vadd.f32 v5, v6;
	(pc) =	sbr.rel @p0 .LBB2_40-.Ltmp19, $4  }
0x637: {  	s16 =	sadd.s32 $0x10, s16  }
0x638: {  	v6 =	vor.u32 s16, v0;
	v8 =	vadd.f32 v5, v7  }
0x639: {  	v7 =	vadd.s32 s19, v1  }
0x63a: {  	v5 =	vadd.s32 s18, v2;
	s19 =	sadd.s32 $0x30, s19;
	v8 =	vtrunc.f32 v8  }
0x63b: {  	_ =	sdelay $0x1  }
0x63c: {  	v8 =	vcvt.f32.s32 v8;
	_ =	sdelay $0x1  }
0x63d: {  	[tilespmem:v6+s12+$0x0] =	vst.idx.msk $0xffff, v8  }
0x63e: {  	v6 =	vld.idx.msk [tilespmem:v7+s1+$0x0], $0xffff;
	v7 =	vadd.s32 s18, v3  }
0x63f: {  	v5 =	vld.idx.msk [tilespmem:v5+s1+$0x0], $0xffff;
	_ =	sdelay $0x3  }
0x640: {  	v7 =	vld.idx.msk [tilespmem:v7+s1+$0x0], $0xffff  }
0x641: {  	v6 =	vmul.f32 $6.553600000e+04, v6;
	v5 =	vmul.f32 $2.560000000e+02, v5;
	_ =	sdelay $0x1  }
0x642: {  	v5 =	vadd.f32 v5, v6  }
0x643: {  	s16 =	sadd.s32 $0x10, s16  }
0x644: {  	v6 =	vor.u32 s16, v0;
	v5 =	vadd.f32 v5, v7;
	_ =	sdelay $0x1  }
0x645: {  	v5 =	vtrunc.f32 v5  }
0x646: {  	v5 =	vcvt.f32.s32 v5;
	_ =	sdelay $0x1  }
0x647: {  	[tilespmem:v6+s12+$0x0] =	vst.idx.msk $0xffff, v5  }
0x648: {  	[tilespmem:s14], [sflag:$0x3] =	stream.indirect.gather [hbm4b:s24+s13], $0x1, s12, s13, $0xb8;
	[tilespmem:$0xB800] =	vst v63  }
0x649: {  	s19 =	simm.s32 $0x4800  }
0x64a: {  	[tilespmem:s19], [sflag:$0x3] =	stream.indirect.gather [hbm4b:s28+s13], $0x1, s12, s13, $0xb8;
	[tilespmem:$0xB800] =	vst v63  }
0x64b: {  	s18 =	simm.s32 $0x5000  }
0x64c: {  	[tilespmem:s18], [sflag:$0x3] =	stream.indirect.gather [hbm4b:s31+s13], $0x1, s12, s13, $0xb8;
	[tilespmem:$0xB800] =	vst v63  }
0x64d: {  	_ = 	snop  }
0x64e: {  	[tilespmem:s17], [sflag:$0x5] =	stream.indirect.gather [hbm4b:s0+s13], $0x1, s12, s13, $0xb8;
	[tilespmem:$0xB800] =	vst v63  }
0x64f: {  	s19 =	simm.s32 $0x7800  }
0x650: {  	[tilespmem:s19], [sflag:$0x5] =	stream.indirect.gather [hbm4b:s4+s13], $0x1, s12, s13, $0xb8;
	[tilespmem:$0xB800] =	vst v63  }
0x651: {  	s18 =	simm.s32 $0x8000  }
0x652: {  	[tilespmem:s18], [sflag:$0x5] =	stream.indirect.gather [hbm4b:s7+s13], $0x1, s12, s13, $0xb8;
	[tilespmem:$0xB800] =	vst v63  }
0x653: {  	_ =	swait.ge [sflag:s9], $0x800  }
0x654: {  	[sflag:s9] =	ssyncset.done $0x0  }
0x655: {  	[sflag:s9] =	ssyncadd.s32 $0xFFFFF800  }
0x656: {  	_ =	swait.ge [sflag:s9], $0x800  }
0x657: {  	s19 =	simm.s32 $0x0;
	[sflag:s9] =	ssyncset.done $0x0  }
0x658: {  	v5 =	vor.u32 s19, v0;
	[sflag:s9] =	ssyncadd.s32 $0xFFFFF800  }
0x659: {  	v6 =	vmul.u32 $0x5556, v5;
	_ =	swait.ge [sflag:s9], $0x800  }
0x65a: {  	[sflag:s9] =	ssyncset.done $0x0  }
0x65b: {  	v6 =	vshrl.u32 v6, $0x10;
	[sflag:s9] =	ssyncadd.s32 $0xFFFFF800  }
0x65c: {  	v7 =	vmul.u32 $0x1FFFFD, v6;
	_ =	swait.ge [sflag:s10], $0x800  }
0x65d: {  	[sflag:s10] =	ssyncset.done $0x0  }
0x65e: {  	v5 =	vadd.s32 v5, v7;
	[sflag:s10] =	ssyncadd.s32 $0xFFFFF800  }
0x65f: {  	v5 =	vshll.u32 v5, $0xB;
	_ =	swait.ge [sflag:s10], $0x800  }
0x660: {  	v5 =	vadd.s32 v6, v5;
	[sflag:s10] =	ssyncset.done $0x0  }
0x661: {  	[sflag:s10] =	ssyncadd.s32 $0xFFFFF800  }
0x662: {  	_ =	swait.ge [sflag:s10], $0x800  }
0x663: {  	[sflag:s10] =	ssyncset.done $0x0  }
0x664: {  	[sflag:s10] =	ssyncadd.s32 $0xFFFFF800  }
0x665: {  	s18 =	simm.s32 $0x1800;
	v6 =	vld.idx.msk [tilespmem:v5+s23+$0x0], $0xffff  }
0x666: {  	v7 =	vld [tilespmem:s18+$0x0];
	_ =	sdelay $0x1  }
0x667: {  	v5 =	vld.idx.msk [tilespmem:v5+s29+$0x0], $0xffff;
	_ =	sdelay $0x2  }
0x668: {  	v6 =	vmul.f32 v7, v6;
	_ =	sdelay $0x1  }
0x669: {  	v5 =	vadd.f32 v6, v5;
	_ =	sdelay $0x1  }
0x66a: {  	v6 =	vand.u32 $0x7FFFFFFF, v5  }
0x66b: {  	v6 =	vmul.f32 $-2.000000000e+00, v6;
	_ =	sdelay $0x1  }
0x66c: {  	v6 =	vmul.f32 $1.442695020e+00, v6;
	_ =	sdelay $0x1  }
0x66d: {  	(erf) = vpow2.f32 v6;
	_ =	sdelay $0x8  }
0x66e: {  	v6 =	vpop (erf)  }
0x66f: {  	v7 =	vadd.f32 $1.000000000e+00, v6;
	_ =	sdelay $0x1  }
0x670: {  	s19 =	simm.s32 $0x10;
	(erf) = vrcp.f32 v7  }
0x671: {  	v8 =	vor.u32 s19, v0  }
0x672: {  	v7 =	vmul.u32 $0x5556, v8;
	_ =	sdelay $0x1  }
0x673: {  	v7 =	vshrl.u32 v7, $0x10  }
0x674: {  	v9 =	vmul.u32 $0x1FFFFD, v7;
	_ =	sdelay $0x1  }
0x675: {  	v8 =	vadd.s32 v8, v9  }
0x676: {  	vm0 =	vlt.f32 v5, $0.0e+00;
	v6 =	vsub.f32 $1.000000000e+00, v6;
	v8 =	vshll.u32 v8, $0xB  }
0x677: {  	vm1 =	vgt.f32 v5, $0.0e+00;
	v7 =	vadd.s32 v7, v8;
	v8 =	vand.u32 $0x80000000, v5;
	v9 =	vpop (erf)  }
0x678: {  	vm0 =	vmor vm1, vm0;
	v8 =	vor.u32 v8, v4;
	v6 =	vmul.f32 v9, v6  }
0x679: {  	v5 =	vsel vm0, v8, v5  }
0x67a: {  	v5 =	vmul.f32 v6, v5  }
0x67b: {  	s16 =	simm.s32 $0xA000  }
0x67c: {  	[tilespmem:s16+$0x0] =	vst v5  }
0x67d: {  	s18 =	simm.s32 $0x1810;
	v5 =	vld.idx.msk [tilespmem:v7+s23+$0x0], $0xffff  }
0x67e: {  	v6 =	vld [tilespmem:s18+$0x0];
	_ =	sdelay $0x1  }
0x67f: {  	v7 =	vld.idx.msk [tilespmem:v7+s29+$0x0], $0xffff;
	_ =	sdelay $0x2  }
0x680: {  	v5 =	vmul.f32 v6, v5;
	_ =	sdelay $0x1  }
0x681: {  	v5 =	vadd.f32 v5, v7;
	_ =	sdelay $0x1  }
0x682: {  	v6 =	vand.u32 $0x7FFFFFFF, v5  }
0x683: {  	v6 =	vmul.f32 $-2.000000000e+00, v6;
	_ =	sdelay $0x1  }
0x684: {  	v6 =	vmul.f32 $1.442695020e+00, v6;
	_ =	sdelay $0x1  }
0x685: {  	(erf) = vpow2.f32 v6;
	_ =	sdelay $0x8  }
0x686: {  	v6 =	vpop (erf)  }
0x687: {  	v8 =	vadd.f32 $1.000000000e+00, v6  }
0x688: {  	s19 =	simm.s32 $0x20  }
0x689: {  	v7 =	vor.u32 s19, v0;
	(erf) = vrcp.f32 v8  }
0x68a: {  	v8 =	vmul.u32 $0x5556, v7  }
0x68b: {  	s19 =	simm.s32 $0x30  }
.LBB2_42:
0x68c: {  	p0 =	sne.s32 s19, $0x17F0;
	v8 =	vshrl.u32 v8, $0x10  }
0x68d: {  	v9 =	vmul.u32 $0x1FFFFD, v8;
	_ =	sdelay $0x1  }
0x68e: {  	v7 =	vadd.s32 v7, v9  }
0x68f: {  	v7 =	vshll.u32 v7, $0xB  }
0x690: {  	v6 =	vsub.f32 $1.000000000e+00, v6;
	v7 =	vadd.s32 v8, v7  }
0x691: {  	vm0 =	vlt.f32 v5, $0.0e+00;
	vm1 =	vgt.f32 v5, $0.0e+00;
	v8 =	vand.u32 $0x80000000, v5;
	v9 =	vpop (erf)  }
0x692: {  	vm0 =	vmor vm1, vm0;
	v8 =	vor.u32 v8, v4;
	v6 =	vmul.f32 v9, v6  }
0x693: {  	v5 =	vsel vm0, v8, v5  }
0x694: {  	v5 =	vmul.f32 v6, v5  }
0x695: {  	s16 =	sadd.s32 $0x10, s16  }
0x696: {  	[tilespmem:s16+$0x0] =	vst v5  }
0x697: {  	s18 =	sadd.s32 $0x10, s18;
	v5 =	vld.idx.msk [tilespmem:v7+s23+$0x0], $0xffff  }
0x698: {  	v6 =	vld [tilespmem:s18+$0x0]  }
0x699: {  	v7 =	vld.idx.msk [tilespmem:v7+s29+$0x0], $0xffff;
	_ =	sdelay $0x3  }
0x69a: {  	v5 =	vmul.f32 v6, v5;
	_ =	sdelay $0x1  }
0x69b: {  	v5 =	vadd.f32 v5, v7;
	_ =	sdelay $0x1  }
0x69c: {  	v6 =	vand.u32 $0x7FFFFFFF, v5  }
0x69d: {  	v6 =	vmul.f32 $-2.000000000e+00, v6;
	_ =	sdelay $0x1  }
0x69e: {  	v6 =	vmul.f32 $1.442695020e+00, v6;
	_ =	sdelay $0x1  }
0x69f: {  	(erf) = vpow2.f32 v6;
	_ =	sdelay $0x8  }
0x6a0: {  	v6 =	vpop (erf)  }
.Ltmp20:
0x6a1: {  	v8 =	vadd.f32 $1.000000000e+00, v6;
	(pc) =	sbr.rel @p0 .LBB2_42-.Ltmp20, $4  }
0x6a2: {  	_ = 	snop  }
0x6a3: {  	v7 =	vor.u32 s19, v0;
	(erf) = vrcp.f32 v8  }
0x6a4: {  	v8 =	vmul.u32 $0x5556, v7  }
0x6a5: {  	s19 =	sadd.s32 $0x10, s19  }
0x6a6: {  	_ = 	snop  }
0x6a7: {  	v8 =	vshrl.u32 v8, $0x10  }
0x6a8: {  	v9 =	vmul.u32 $0x1FFFFD, v8;
	_ =	sdelay $0x1  }
0x6a9: {  	v7 =	vadd.s32 v7, v9  }
0x6aa: {  	v6 =	vsub.f32 $1.000000000e+00, v6;
	vm0 =	vlt.f32 v5, $0.0e+00;
	v7 =	vshll.u32 v7, $0xB  }
0x6ab: {  	vm1 =	vgt.f32 v5, $0.0e+00;
	v7 =	vadd.s32 v8, v7;
	v8 =	vand.u32 $0x80000000, v5;
	v9 =	vpop (erf)  }
0x6ac: {  	vm0 =	vmor vm1, vm0;
	v8 =	vor.u32 v8, v4;
	v6 =	vmul.f32 v9, v6  }
0x6ad: {  	v5 =	vsel vm0, v8, v5  }
0x6ae: {  	v5 =	vmul.f32 v6, v5  }
0x6af: {  	s16 =	sadd.s32 $0x10, s16  }
0x6b0: {  	[tilespmem:s16+$0x0] =	vst v5  }
0x6b1: {  	s18 =	sadd.s32 $0x10, s18;
	v5 =	vld.idx.msk [tilespmem:v7+s23+$0x0], $0xffff  }
0x6b2: {  	v6 =	vld [tilespmem:s18+$0x0];
	_ =	sdelay $0x1  }
0x6b3: {  	v7 =	vld.idx.msk [tilespmem:v7+s29+$0x0], $0xffff;
	_ =	sdelay $0x2  }
0x6b4: {  	v5 =	vmul.f32 v6, v5;
	_ =	sdelay $0x1  }
0x6b5: {  	v5 =	vadd.f32 v5, v7;
	_ =	sdelay $0x1  }
0x6b6: {  	v6 =	vand.u32 $0x7FFFFFFF, v5  }
0x6b7: {  	v6 =	vmul.f32 $-2.000000000e+00, v6;
	_ =	sdelay $0x1  }
0x6b8: {  	v6 =	vmul.f32 $1.442695020e+00, v6;
	_ =	sdelay $0x1  }
0x6b9: {  	(erf) = vpow2.f32 v6;
	_ =	sdelay $0x8  }
0x6ba: {  	v6 =	vpop (erf)  }
0x6bb: {  	v7 =	vadd.f32 $1.000000000e+00, v6;
	_ =	sdelay $0x1  }
0x6bc: {  	(erf) = vrcp.f32 v7;
	_ =	sdelay $0x7  }
0x6bd: {  	v6 =	vsub.f32 $1.000000000e+00, v6  }
0x6be: {  	vm14 =	vlt.f32 v5, $0.0e+00;
	vm15 =	vgt.f32 v5, $0.0e+00;
	v7 =	vand.u32 $0x80000000, v5;
	v8 =	vpop (erf)  }
0x6bf: {  	vm0 =	vmor vm15, vm14;
	v7 =	vor.u32 v7, v4;
	v6 =	vmul.f32 v8, v6  }
0x6c0: {  	v5 =	vsel vm0, v7, v5  }
0x6c1: {  	v5 =	vmul.f32 v6, v5  }
0x6c2: {  	s16 =	sadd.s32 $0x10, s16  }
0x6c3: {  	s19 =	rddreg [dreg:$0x1b];
	[tilespmem:s16+$0x0] =	vst v5;
	s16 =	simm.s32 $0x0  }
0x6c4: {  	[hbm4b:s19+s16] =	stream.linear.scatter [tilespmem:s6], [sflag:$0x7], $0x1800, $0x38;
	[tilespmem:$0xB800] =	vst v63  }
0x6c5: {  	_ =	swait.ge [sflag:s8], $0x1800  }
0x6c6: {  	[sflag:s8] =	ssyncset.done $0x0  }
0x6c7: {  	v5 =	vadd.s32 s16, v1;
	s19 =	rddreg [dreg:$0x1d];
	[sflag:s8] =	ssyncadd.s32 $0xFFFFE800  }
0x6c8: {  	v6 =	vadd.s32 s16, v2;
	[tilespmem:s20], [sflag:$0x2] =	stream.linear.gather [hbm4b:s19+s16], $0x1800, $0x38;
	[tilespmem:$0xB800] =	vst v63  }
0x6c9: {  	_ =	swait.ge [sflag:s21], $0x1800  }
0x6ca: {  	[sflag:s21] =	ssyncset.done $0x0  }
0x6cb: {  	[sflag:s21] =	ssyncadd.s32 $0xFFFFE800  }
0x6cc: {  	v7 =	vadd.s32 s16, v3;
	v5 =	vld.idx.msk [tilespmem:v5+s20+$0x0], $0xffff  }
0x6cd: {  	v6 =	vld.idx.msk [tilespmem:v6+s20+$0x0], $0xffff;
	_ =	sdelay $0x3  }
0x6ce: {  	v7 =	vld.idx.msk [tilespmem:v7+s20+$0x0], $0xffff  }
0x6cf: {  	v5 =	vmul.f32 $6.553600000e+04, v5;
	v6 =	vmul.f32 $2.560000000e+02, v6;
	_ =	sdelay $0x1  }
0x6d0: {  	v5 =	vadd.f32 v6, v5;
	_ =	sdelay $0x1  }
0x6d1: {  	s18 =	simm.s32 $0x30;
	v6 =	vor.u32 s16, v0;
	v8 =	vadd.f32 v5, v7  }
0x6d2: {  	v7 =	vadd.s32 s18, v1  }
0x6d3: {  	s19 =	simm.s32 $0x60;
	v5 =	vadd.s32 s18, v2;
	v8 =	vtrunc.f32 v8  }
.LBB2_44:
0x6d4: {  	p0 =	sne.s32 s19, $0x17D0;
	v8 =	vcvt.f32.s32 v8;
	_ =	sdelay $0x1  }
0x6d5: {  	[tilespmem:v6+s22+$0x0] =	vst.idx.msk $0xffff, v8  }
0x6d6: {  	v6 =	vld.idx.msk [tilespmem:v7+s20+$0x0], $0xffff;
	v7 =	vadd.s32 s18, v3;
	s18 =	smov.u32 s19  }
0x6d7: {  	v5 =	vld.idx.msk [tilespmem:v5+s20+$0x0], $0xffff;
	_ =	sdelay $0x3  }
0x6d8: {  	v7 =	vld.idx.msk [tilespmem:v7+s20+$0x0], $0xffff;
	_ =	sdelay $0x1  }
0x6d9: {  	v6 =	vmul.f32 $6.553600000e+04, v6;
	v5 =	vmul.f32 $2.560000000e+02, v5;
	_ =	sdelay $0x1  }
.Ltmp21:
0x6da: {  	v5 =	vadd.f32 v5, v6;
	(pc) =	sbr.rel @p0 .LBB2_44-.Ltmp21, $4  }
0x6db: {  	s16 =	sadd.s32 $0x10, s16  }
0x6dc: {  	v6 =	vor.u32 s16, v0;
	v8 =	vadd.f32 v5, v7  }
0x6dd: {  	v7 =	vadd.s32 s19, v1  }
0x6de: {  	v5 =	vadd.s32 s18, v2;
	s19 =	sadd.s32 $0x30, s19;
	v8 =	vtrunc.f32 v8  }
0x6df: {  	_ =	sdelay $0x1  }
0x6e0: {  	v8 =	vcvt.f32.s32 v8;
	_ =	sdelay $0x1  }
0x6e1: {  	[tilespmem:v6+s22+$0x0] =	vst.idx.msk $0xffff, v8  }
0x6e2: {  	v6 =	vld.idx.msk [tilespmem:v7+s20+$0x0], $0xffff;
	v7 =	vadd.s32 s18, v3  }
0x6e3: {  	v5 =	vld.idx.msk [tilespmem:v5+s20+$0x0], $0xffff;
	_ =	sdelay $0x3  }
0x6e4: {  	v7 =	vld.idx.msk [tilespmem:v7+s20+$0x0], $0xffff  }
0x6e5: {  	v6 =	vmul.f32 $6.553600000e+04, v6;
	v5 =	vmul.f32 $2.560000000e+02, v5;
	_ =	sdelay $0x1  }
0x6e6: {  	v5 =	vadd.f32 v5, v6  }
0x6e7: {  	s16 =	sadd.s32 $0x10, s16  }
0x6e8: {  	v6 =	vor.u32 s16, v0;
	v5 =	vadd.f32 v5, v7;
	_ =	sdelay $0x1  }
0x6e9: {  	v5 =	vtrunc.f32 v5  }
0x6ea: {  	v5 =	vcvt.f32.s32 v5;
	_ =	sdelay $0x1  }
0x6eb: {  	[tilespmem:v6+s22+$0x0] =	vst.idx.msk $0xffff, v5  }
0x6ec: {  	[tilespmem:s23], [sflag:$0x4] =	stream.indirect.gather [hbm4b:s24+s13], $0x1, s22, s13, $0xb8;
	[tilespmem:$0xB800] =	vst v63  }
0x6ed: {  	_ = 	snop  }
0x6ee: {  	[tilespmem:s25], [sflag:$0x4] =	stream.indirect.gather [hbm4b:s28+s13], $0x1, s22, s13, $0xb8;
	[tilespmem:$0xB800] =	vst v63  }
0x6ef: {  	_ = 	snop  }
0x6f0: {  	[tilespmem:s26], [sflag:$0x4] =	stream.indirect.gather [hbm4b:s31+s13], $0x1, s22, s13, $0xb8;
	[tilespmem:$0xB800] =	vst v63  }
0x6f1: {  	_ = 	snop  }
0x6f2: {  	[tilespmem:s29], [sflag:$0x6] =	stream.indirect.gather [hbm4b:s0+s13], $0x1, s22, s13, $0xb8;
	[tilespmem:$0xB800] =	vst v63  }
0x6f3: {  	_ = 	snop  }
0x6f4: {  	[tilespmem:s30], [sflag:$0x6] =	stream.indirect.gather [hbm4b:s4+s13], $0x1, s22, s13, $0xb8;
	[tilespmem:$0xB800] =	vst v63  }
0x6f5: {  	_ = 	snop  }
0x6f6: {  	[tilespmem:s2], [sflag:$0x6] =	stream.indirect.gather [hbm4b:s7+s13], $0x1, s22, s13, $0xb8;
	[tilespmem:$0xB800] =	vst v63  }
0x6f7: {  	_ =	swait.ge [sflag:s3], $0x800  }
0x6f8: {  	[sflag:s3] =	ssyncset.done $0x0  }
0x6f9: {  	[sflag:s3] =	ssyncadd.s32 $0xFFFFF800  }
0x6fa: {  	_ =	swait.ge [sflag:s3], $0x800  }
0x6fb: {  	s19 =	simm.s32 $0x0;
	[sflag:s3] =	ssyncset.done $0x0  }
0x6fc: {  	v5 =	vor.u32 s19, v0;
	[sflag:s3] =	ssyncadd.s32 $0xFFFFF800  }
0x6fd: {  	v6 =	vmul.u32 $0x5556, v5;
	_ =	swait.ge [sflag:s3], $0x800  }
0x6fe: {  	[sflag:s3] =	ssyncset.done $0x0  }
0x6ff: {  	v6 =	vshrl.u32 v6, $0x10;
	[sflag:s3] =	ssyncadd.s32 $0xFFFFF800  }
0x700: {  	v7 =	vmul.u32 $0x1FFFFD, v6;
	_ =	swait.ge [sflag:s5], $0x800  }
0x701: {  	[sflag:s5] =	ssyncset.done $0x0  }
0x702: {  	v5 =	vadd.s32 v5, v7;
	[sflag:s5] =	ssyncadd.s32 $0xFFFFF800  }
0x703: {  	v5 =	vshll.u32 v5, $0xB;
	_ =	swait.ge [sflag:s5], $0x800  }
0x704: {  	v5 =	vadd.s32 v6, v5;
	[sflag:s5] =	ssyncset.done $0x0  }
0x705: {  	[sflag:s5] =	ssyncadd.s32 $0xFFFFF800  }
0x706: {  	_ =	swait.ge [sflag:s5], $0x800  }
0x707: {  	[sflag:s5] =	ssyncset.done $0x0  }
0x708: {  	[sflag:s5] =	ssyncadd.s32 $0xFFFFF800  }
0x709: {  	v6 =	vld.idx.msk [tilespmem:v5+s14+$0x0], $0xffff  }
0x70a: {  	v7 =	vld [tilespmem:s19+$0x0];
	_ =	sdelay $0x1  }
0x70b: {  	v5 =	vld.idx.msk [tilespmem:v5+s17+$0x0], $0xffff;
	_ =	sdelay $0x2  }
0x70c: {  	v6 =	vmul.f32 v7, v6;
	_ =	sdelay $0x1  }
0x70d: {  	v5 =	vadd.f32 v6, v5;
	_ =	sdelay $0x1  }
0x70e: {  	v6 =	vand.u32 $0x7FFFFFFF, v5  }
0x70f: {  	v6 =	vmul.f32 $-2.000000000e+00, v6;
	_ =	sdelay $0x1  }
0x710: {  	v6 =	vmul.f32 $1.442695020e+00, v6;
	_ =	sdelay $0x1  }
0x711: {  	(erf) = vpow2.f32 v6;
	_ =	sdelay $0x8  }
0x712: {  	v6 =	vpop (erf)  }
0x713: {  	v7 =	vadd.f32 $1.000000000e+00, v6;
	_ =	sdelay $0x1  }
0x714: {  	s16 =	simm.s32 $0x10;
	(erf) = vrcp.f32 v7  }
0x715: {  	v8 =	vor.u32 s16, v0  }
0x716: {  	v7 =	vmul.u32 $0x5556, v8;
	_ =	sdelay $0x1  }
0x717: {  	v7 =	vshrl.u32 v7, $0x10  }
0x718: {  	v9 =	vmul.u32 $0x1FFFFD, v7;
	_ =	sdelay $0x1  }
0x719: {  	v8 =	vadd.s32 v8, v9  }
0x71a: {  	vm0 =	vlt.f32 v5, $0.0e+00;
	v6 =	vsub.f32 $1.000000000e+00, v6;
	v8 =	vshll.u32 v8, $0xB  }
0x71b: {  	vm1 =	vgt.f32 v5, $0.0e+00;
	v7 =	vadd.s32 v7, v8;
	v8 =	vand.u32 $0x80000000, v5;
	v9 =	vpop (erf)  }
0x71c: {  	vm0 =	vmor vm1, vm0;
	v8 =	vor.u32 v8, v4;
	v6 =	vmul.f32 v9, v6  }
0x71d: {  	v5 =	vsel vm0, v8, v5  }
0x71e: {  	v5 =	vmul.f32 v6, v5  }
0x71f: {  	s18 =	simm.s32 $0xA000  }
0x720: {  	[tilespmem:s18+$0x0] =	vst v5  }
0x721: {  	v5 =	vld.idx.msk [tilespmem:v7+s14+$0x0], $0xffff  }
0x722: {  	v6 =	vld [tilespmem:s16+$0x0];
	_ =	sdelay $0x1  }
0x723: {  	v7 =	vld.idx.msk [tilespmem:v7+s17+$0x0], $0xffff;
	_ =	sdelay $0x2  }
0x724: {  	v5 =	vmul.f32 v6, v5;
	_ =	sdelay $0x1  }
0x725: {  	v5 =	vadd.f32 v5, v7;
	_ =	sdelay $0x1  }
0x726: {  	v6 =	vand.u32 $0x7FFFFFFF, v5  }
0x727: {  	v6 =	vmul.f32 $-2.000000000e+00, v6;
	_ =	sdelay $0x1  }
0x728: {  	v6 =	vmul.f32 $1.442695020e+00, v6;
	_ =	sdelay $0x1  }
0x729: {  	(erf) = vpow2.f32 v6;
	_ =	sdelay $0x8  }
0x72a: {  	v6 =	vpop (erf)  }
0x72b: {  	v8 =	vadd.f32 $1.000000000e+00, v6  }
0x72c: {  	s19 =	simm.s32 $0x20  }
0x72d: {  	v7 =	vor.u32 s19, v0;
	(erf) = vrcp.f32 v8  }
0x72e: {  	v8 =	vmul.u32 $0x5556, v7  }
0x72f: {  	s19 =	simm.s32 $0x30  }
.LBB2_46:
0x730: {  	p0 =	sne.s32 s19, $0x17F0;
	v8 =	vshrl.u32 v8, $0x10  }
0x731: {  	v9 =	vmul.u32 $0x1FFFFD, v8;
	_ =	sdelay $0x1  }
0x732: {  	v7 =	vadd.s32 v7, v9  }
0x733: {  	v7 =	vshll.u32 v7, $0xB  }
0x734: {  	v6 =	vsub.f32 $1.000000000e+00, v6;
	v7 =	vadd.s32 v8, v7  }
0x735: {  	vm0 =	vlt.f32 v5, $0.0e+00;
	vm1 =	vgt.f32 v5, $0.0e+00;
	v8 =	vand.u32 $0x80000000, v5;
	v9 =	vpop (erf)  }
0x736: {  	vm0 =	vmor vm1, vm0;
	v8 =	vor.u32 v8, v4;
	v6 =	vmul.f32 v9, v6  }
0x737: {  	v5 =	vsel vm0, v8, v5  }
0x738: {  	v5 =	vmul.f32 v6, v5  }
0x739: {  	s18 =	sadd.s32 $0x10, s18  }
0x73a: {  	[tilespmem:s18+$0x0] =	vst v5  }
0x73b: {  	s16 =	sadd.s32 $0x10, s16;
	v5 =	vld.idx.msk [tilespmem:v7+s14+$0x0], $0xffff  }
0x73c: {  	v6 =	vld [tilespmem:s16+$0x0]  }
0x73d: {  	v7 =	vld.idx.msk [tilespmem:v7+s17+$0x0], $0xffff;
	_ =	sdelay $0x3  }
0x73e: {  	v5 =	vmul.f32 v6, v5;
	_ =	sdelay $0x1  }
0x73f: {  	v5 =	vadd.f32 v5, v7;
	_ =	sdelay $0x1  }
0x740: {  	v6 =	vand.u32 $0x7FFFFFFF, v5  }
0x741: {  	v6 =	vmul.f32 $-2.000000000e+00, v6;
	_ =	sdelay $0x1  }
0x742: {  	v6 =	vmul.f32 $1.442695020e+00, v6;
	_ =	sdelay $0x1  }
0x743: {  	(erf) = vpow2.f32 v6;
	_ =	sdelay $0x8  }
0x744: {  	v6 =	vpop (erf)  }
.Ltmp22:
0x745: {  	v8 =	vadd.f32 $1.000000000e+00, v6;
	(pc) =	sbr.rel @p0 .LBB2_46-.Ltmp22, $4  }
0x746: {  	_ = 	snop  }
0x747: {  	v7 =	vor.u32 s19, v0;
	(erf) = vrcp.f32 v8  }
0x748: {  	v8 =	vmul.u32 $0x5556, v7  }
0x749: {  	s19 =	sadd.s32 $0x10, s19  }
0x74a: {  	_ = 	snop  }
0x74b: {  	v8 =	vshrl.u32 v8, $0x10  }
0x74c: {  	v9 =	vmul.u32 $0x1FFFFD, v8;
	_ =	sdelay $0x1  }
0x74d: {  	v7 =	vadd.s32 v7, v9  }
0x74e: {  	v6 =	vsub.f32 $1.000000000e+00, v6;
	vm0 =	vlt.f32 v5, $0.0e+00;
	v7 =	vshll.u32 v7, $0xB  }
0x74f: {  	vm1 =	vgt.f32 v5, $0.0e+00;
	v7 =	vadd.s32 v8, v7;
	v8 =	vand.u32 $0x80000000, v5;
	v9 =	vpop (erf)  }
0x750: {  	vm0 =	vmor vm1, vm0;
	v8 =	vor.u32 v8, v4;
	v6 =	vmul.f32 v9, v6  }
0x751: {  	v5 =	vsel vm0, v8, v5  }
0x752: {  	v5 =	vmul.f32 v6, v5  }
0x753: {  	s18 =	sadd.s32 $0x10, s18  }
0x754: {  	[tilespmem:s18+$0x0] =	vst v5  }
0x755: {  	s16 =	sadd.s32 $0x10, s16;
	v5 =	vld.idx.msk [tilespmem:v7+s14+$0x0], $0xffff  }
0x756: {  	v6 =	vld [tilespmem:s16+$0x0];
	_ =	sdelay $0x1  }
0x757: {  	v7 =	vld.idx.msk [tilespmem:v7+s17+$0x0], $0xffff;
	_ =	sdelay $0x2  }
0x758: {  	v5 =	vmul.f32 v6, v5;
	_ =	sdelay $0x1  }
0x759: {  	v5 =	vadd.f32 v5, v7;
	_ =	sdelay $0x1  }
0x75a: {  	v6 =	vand.u32 $0x7FFFFFFF, v5  }
0x75b: {  	v6 =	vmul.f32 $-2.000000000e+00, v6;
	_ =	sdelay $0x1  }
0x75c: {  	v6 =	vmul.f32 $1.442695020e+00, v6;
	_ =	sdelay $0x1  }
0x75d: {  	(erf) = vpow2.f32 v6;
	_ =	sdelay $0x8  }
0x75e: {  	v6 =	vpop (erf)  }
0x75f: {  	v7 =	vadd.f32 $1.000000000e+00, v6;
	_ =	sdelay $0x1  }
0x760: {  	(erf) = vrcp.f32 v7;
	_ =	sdelay $0x7  }
0x761: {  	v6 =	vsub.f32 $1.000000000e+00, v6  }
0x762: {  	vm14 =	vlt.f32 v5, $0.0e+00;
	vm15 =	vgt.f32 v5, $0.0e+00;
	v7 =	vand.u32 $0x80000000, v5;
	v8 =	vpop (erf)  }
0x763: {  	vm0 =	vmor vm15, vm14;
	v7 =	vor.u32 v7, v4;
	v6 =	vmul.f32 v8, v6  }
0x764: {  	v5 =	vsel vm0, v7, v5  }
0x765: {  	v5 =	vmul.f32 v6, v5  }
0x766: {  	s18 =	sadd.s32 $0x10, s18  }
0x767: {  	s19 =	rddreg [dreg:$0x1c];
	s16 =	simm.s32 $0x0;
	[tilespmem:s18+$0x0] =	vst v5  }
0x768: {  	[hbm4b:s19+s16] =	stream.linear.scatter [tilespmem:s6], [sflag:$0x7], $0x1800, $0x38;
	[tilespmem:$0xB800] =	vst v63  }
0x769: {  	_ =	swait.ge [sflag:s8], $0x1800  }
0x76a: {  	[sflag:s8] =	ssyncset.done $0x0  }
0x76b: {  	v5 =	vadd.s32 s16, v1;
	s19 =	rddreg [dreg:$0x1f];
	[sflag:s8] =	ssyncadd.s32 $0xFFFFE800  }
0x76c: {  	v6 =	vadd.s32 s16, v2;
	[tilespmem:s16], [sflag:$0x1] =	stream.linear.gather [hbm4b:s19+s16], $0x1800, $0x38;
	[tilespmem:$0xB800] =	vst v63  }
0x76d: {  	_ =	swait.ge [sflag:s11], $0x1800  }
0x76e: {  	[sflag:s11] =	ssyncset.done $0x0  }
0x76f: {  	[sflag:s11] =	ssyncadd.s32 $0xFFFFE800  }
0x770: {  	v7 =	vadd.s32 s16, v3;
	v5 =	vld.idx.msk [tilespmem:v5+s1+$0x0], $0xffff  }
0x771: {  	v6 =	vld.idx.msk [tilespmem:v6+s1+$0x0], $0xffff;
	_ =	sdelay $0x3  }
0x772: {  	v7 =	vld.idx.msk [tilespmem:v7+s1+$0x0], $0xffff  }
0x773: {  	v5 =	vmul.f32 $6.553600000e+04, v5;
	v6 =	vmul.f32 $2.560000000e+02, v6;
	_ =	sdelay $0x1  }
0x774: {  	v5 =	vadd.f32 v6, v5;
	_ =	sdelay $0x1  }
0x775: {  	s18 =	simm.s32 $0x30;
	v6 =	vor.u32 s16, v0;
	v8 =	vadd.f32 v5, v7  }
0x776: {  	v7 =	vadd.s32 s18, v1  }
0x777: {  	s19 =	simm.s32 $0x60;
	v5 =	vadd.s32 s18, v2;
	v8 =	vtrunc.f32 v8  }
.LBB2_48:
0x778: {  	p0 =	sne.s32 s19, $0x17D0;
	v8 =	vcvt.f32.s32 v8;
	_ =	sdelay $0x1  }
0x779: {  	[tilespmem:v6+s12+$0x0] =	vst.idx.msk $0xffff, v8  }
0x77a: {  	v6 =	vld.idx.msk [tilespmem:v7+s1+$0x0], $0xffff;
	v7 =	vadd.s32 s18, v3;
	s18 =	smov.u32 s19  }
0x77b: {  	v5 =	vld.idx.msk [tilespmem:v5+s1+$0x0], $0xffff;
	_ =	sdelay $0x3  }
0x77c: {  	v7 =	vld.idx.msk [tilespmem:v7+s1+$0x0], $0xffff;
	_ =	sdelay $0x1  }
0x77d: {  	v6 =	vmul.f32 $6.553600000e+04, v6;
	v5 =	vmul.f32 $2.560000000e+02, v5;
	_ =	sdelay $0x1  }
.Ltmp23:
0x77e: {  	v5 =	vadd.f32 v5, v6;
	(pc) =	sbr.rel @p0 .LBB2_48-.Ltmp23, $4  }
0x77f: {  	s16 =	sadd.s32 $0x10, s16  }
0x780: {  	v6 =	vor.u32 s16, v0;
	v8 =	vadd.f32 v5, v7  }
0x781: {  	v7 =	vadd.s32 s19, v1  }
0x782: {  	v5 =	vadd.s32 s18, v2;
	s19 =	sadd.s32 $0x30, s19;
	v8 =	vtrunc.f32 v8  }
0x783: {  	_ =	sdelay $0x1  }
0x784: {  	v8 =	vcvt.f32.s32 v8;
	_ =	sdelay $0x1  }
0x785: {  	[tilespmem:v6+s12+$0x0] =	vst.idx.msk $0xffff, v8  }
0x786: {  	v6 =	vld.idx.msk [tilespmem:v7+s1+$0x0], $0xffff;
	v7 =	vadd.s32 s18, v3  }
0x787: {  	v5 =	vld.idx.msk [tilespmem:v5+s1+$0x0], $0xffff;
	_ =	sdelay $0x3  }
0x788: {  	v7 =	vld.idx.msk [tilespmem:v7+s1+$0x0], $0xffff  }
0x789: {  	v6 =	vmul.f32 $6.553600000e+04, v6;
	v5 =	vmul.f32 $2.560000000e+02, v5;
	_ =	sdelay $0x1  }
0x78a: {  	v5 =	vadd.f32 v5, v6  }
0x78b: {  	s16 =	sadd.s32 $0x10, s16  }
0x78c: {  	v6 =	vor.u32 s16, v0;
	v5 =	vadd.f32 v5, v7;
	_ =	sdelay $0x1  }
0x78d: {  	v5 =	vtrunc.f32 v5  }
0x78e: {  	v5 =	vcvt.f32.s32 v5;
	_ =	sdelay $0x1  }
0x78f: {  	[tilespmem:v6+s12+$0x0] =	vst.idx.msk $0xffff, v5  }
0x790: {  	[tilespmem:s14], [sflag:$0x3] =	stream.indirect.gather [hbm4b:s24+s13], $0x1, s12, s13, $0xb8;
	[tilespmem:$0xB800] =	vst v63  }
0x791: {  	s19 =	simm.s32 $0x4800  }
0x792: {  	[tilespmem:s19], [sflag:$0x3] =	stream.indirect.gather [hbm4b:s28+s13], $0x1, s12, s13, $0xb8;
	[tilespmem:$0xB800] =	vst v63  }
0x793: {  	s18 =	simm.s32 $0x5000  }
0x794: {  	[tilespmem:s18], [sflag:$0x3] =	stream.indirect.gather [hbm4b:s31+s13], $0x1, s12, s13, $0xb8;
	[tilespmem:$0xB800] =	vst v63  }
0x795: {  	_ = 	snop  }
0x796: {  	[tilespmem:s17], [sflag:$0x5] =	stream.indirect.gather [hbm4b:s0+s13], $0x1, s12, s13, $0xb8;
	[tilespmem:$0xB800] =	vst v63  }
0x797: {  	s19 =	simm.s32 $0x7800  }
0x798: {  	[tilespmem:s19], [sflag:$0x5] =	stream.indirect.gather [hbm4b:s4+s13], $0x1, s12, s13, $0xb8;
	[tilespmem:$0xB800] =	vst v63  }
0x799: {  	s18 =	simm.s32 $0x8000  }
0x79a: {  	[tilespmem:s18], [sflag:$0x5] =	stream.indirect.gather [hbm4b:s7+s13], $0x1, s12, s13, $0xb8;
	[tilespmem:$0xB800] =	vst v63  }
0x79b: {  	_ =	swait.ge [sflag:s9], $0x800  }
0x79c: {  	[sflag:s9] =	ssyncset.done $0x0  }
0x79d: {  	[sflag:s9] =	ssyncadd.s32 $0xFFFFF800  }
0x79e: {  	_ =	swait.ge [sflag:s9], $0x800  }
0x79f: {  	s19 =	simm.s32 $0x0;
	[sflag:s9] =	ssyncset.done $0x0  }
0x7a0: {  	v5 =	vor.u32 s19, v0;
	[sflag:s9] =	ssyncadd.s32 $0xFFFFF800  }
0x7a1: {  	v6 =	vmul.u32 $0x5556, v5;
	_ =	swait.ge [sflag:s9], $0x800  }
0x7a2: {  	[sflag:s9] =	ssyncset.done $0x0  }
0x7a3: {  	v6 =	vshrl.u32 v6, $0x10;
	[sflag:s9] =	ssyncadd.s32 $0xFFFFF800  }
0x7a4: {  	v7 =	vmul.u32 $0x1FFFFD, v6;
	_ =	swait.ge [sflag:s10], $0x800  }
0x7a5: {  	[sflag:s10] =	ssyncset.done $0x0  }
0x7a6: {  	v5 =	vadd.s32 v5, v7;
	[sflag:s10] =	ssyncadd.s32 $0xFFFFF800  }
0x7a7: {  	v5 =	vshll.u32 v5, $0xB;
	_ =	swait.ge [sflag:s10], $0x800  }
0x7a8: {  	v5 =	vadd.s32 v6, v5;
	[sflag:s10] =	ssyncset.done $0x0  }
0x7a9: {  	[sflag:s10] =	ssyncadd.s32 $0xFFFFF800  }
0x7aa: {  	_ =	swait.ge [sflag:s10], $0x800  }
0x7ab: {  	[sflag:s10] =	ssyncset.done $0x0  }
0x7ac: {  	[sflag:s10] =	ssyncadd.s32 $0xFFFFF800  }
0x7ad: {  	s18 =	simm.s32 $0x1800;
	v6 =	vld.idx.msk [tilespmem:v5+s23+$0x0], $0xffff  }
0x7ae: {  	v7 =	vld [tilespmem:s18+$0x0];
	_ =	sdelay $0x1  }
0x7af: {  	v5 =	vld.idx.msk [tilespmem:v5+s29+$0x0], $0xffff;
	_ =	sdelay $0x2  }
0x7b0: {  	v6 =	vmul.f32 v7, v6;
	_ =	sdelay $0x1  }
0x7b1: {  	v5 =	vadd.f32 v6, v5;
	_ =	sdelay $0x1  }
0x7b2: {  	v6 =	vand.u32 $0x7FFFFFFF, v5  }
0x7b3: {  	v6 =	vmul.f32 $-2.000000000e+00, v6;
	_ =	sdelay $0x1  }
0x7b4: {  	v6 =	vmul.f32 $1.442695020e+00, v6;
	_ =	sdelay $0x1  }
0x7b5: {  	(erf) = vpow2.f32 v6;
	_ =	sdelay $0x8  }
0x7b6: {  	v6 =	vpop (erf)  }
0x7b7: {  	v7 =	vadd.f32 $1.000000000e+00, v6;
	_ =	sdelay $0x1  }
0x7b8: {  	s19 =	simm.s32 $0x10;
	(erf) = vrcp.f32 v7  }
0x7b9: {  	v8 =	vor.u32 s19, v0  }
0x7ba: {  	v7 =	vmul.u32 $0x5556, v8;
	_ =	sdelay $0x1  }
0x7bb: {  	v7 =	vshrl.u32 v7, $0x10  }
0x7bc: {  	v9 =	vmul.u32 $0x1FFFFD, v7;
	_ =	sdelay $0x1  }
0x7bd: {  	v8 =	vadd.s32 v8, v9  }
0x7be: {  	vm0 =	vlt.f32 v5, $0.0e+00;
	v6 =	vsub.f32 $1.000000000e+00, v6;
	v8 =	vshll.u32 v8, $0xB  }
0x7bf: {  	vm1 =	vgt.f32 v5, $0.0e+00;
	v7 =	vadd.s32 v7, v8;
	v8 =	vand.u32 $0x80000000, v5;
	v9 =	vpop (erf)  }
0x7c0: {  	vm0 =	vmor vm1, vm0;
	v8 =	vor.u32 v8, v4;
	v6 =	vmul.f32 v9, v6  }
0x7c1: {  	v5 =	vsel vm0, v8, v5  }
0x7c2: {  	v5 =	vmul.f32 v6, v5  }
0x7c3: {  	s16 =	simm.s32 $0xA000  }
0x7c4: {  	[tilespmem:s16+$0x0] =	vst v5  }
0x7c5: {  	s18 =	simm.s32 $0x1810;
	v5 =	vld.idx.msk [tilespmem:v7+s23+$0x0], $0xffff  }
0x7c6: {  	v6 =	vld [tilespmem:s18+$0x0];
	_ =	sdelay $0x1  }
0x7c7: {  	v7 =	vld.idx.msk [tilespmem:v7+s29+$0x0], $0xffff;
	_ =	sdelay $0x2  }
0x7c8: {  	v5 =	vmul.f32 v6, v5;
	_ =	sdelay $0x1  }
0x7c9: {  	v5 =	vadd.f32 v5, v7;
	_ =	sdelay $0x1  }
0x7ca: {  	v6 =	vand.u32 $0x7FFFFFFF, v5  }
0x7cb: {  	v6 =	vmul.f32 $-2.000000000e+00, v6;
	_ =	sdelay $0x1  }
0x7cc: {  	v6 =	vmul.f32 $1.442695020e+00, v6;
	_ =	sdelay $0x1  }
0x7cd: {  	(erf) = vpow2.f32 v6;
	_ =	sdelay $0x8  }
0x7ce: {  	v6 =	vpop (erf)  }
0x7cf: {  	v8 =	vadd.f32 $1.000000000e+00, v6  }
0x7d0: {  	s19 =	simm.s32 $0x20  }
0x7d1: {  	v7 =	vor.u32 s19, v0;
	(erf) = vrcp.f32 v8  }
0x7d2: {  	v8 =	vmul.u32 $0x5556, v7  }
0x7d3: {  	s19 =	simm.s32 $0x30  }
.LBB2_50:
0x7d4: {  	p0 =	sne.s32 s19, $0x17F0;
	v8 =	vshrl.u32 v8, $0x10  }
0x7d5: {  	v9 =	vmul.u32 $0x1FFFFD, v8;
	_ =	sdelay $0x1  }
0x7d6: {  	v7 =	vadd.s32 v7, v9  }
0x7d7: {  	v7 =	vshll.u32 v7, $0xB  }
0x7d8: {  	v6 =	vsub.f32 $1.000000000e+00, v6;
	v7 =	vadd.s32 v8, v7  }
0x7d9: {  	vm0 =	vlt.f32 v5, $0.0e+00;
	vm1 =	vgt.f32 v5, $0.0e+00;
	v8 =	vand.u32 $0x80000000, v5;
	v9 =	vpop (erf)  }
0x7da: {  	vm0 =	vmor vm1, vm0;
	v8 =	vor.u32 v8, v4;
	v6 =	vmul.f32 v9, v6  }
0x7db: {  	v5 =	vsel vm0, v8, v5  }
0x7dc: {  	v5 =	vmul.f32 v6, v5  }
0x7dd: {  	s16 =	sadd.s32 $0x10, s16  }
0x7de: {  	[tilespmem:s16+$0x0] =	vst v5  }
0x7df: {  	s18 =	sadd.s32 $0x10, s18;
	v5 =	vld.idx.msk [tilespmem:v7+s23+$0x0], $0xffff  }
0x7e0: {  	v6 =	vld [tilespmem:s18+$0x0]  }
0x7e1: {  	v7 =	vld.idx.msk [tilespmem:v7+s29+$0x0], $0xffff;
	_ =	sdelay $0x3  }
0x7e2: {  	v5 =	vmul.f32 v6, v5;
	_ =	sdelay $0x1  }
0x7e3: {  	v5 =	vadd.f32 v5, v7;
	_ =	sdelay $0x1  }
0x7e4: {  	v6 =	vand.u32 $0x7FFFFFFF, v5  }
0x7e5: {  	v6 =	vmul.f32 $-2.000000000e+00, v6;
	_ =	sdelay $0x1  }
0x7e6: {  	v6 =	vmul.f32 $1.442695020e+00, v6;
	_ =	sdelay $0x1  }
0x7e7: {  	(erf) = vpow2.f32 v6;
	_ =	sdelay $0x8  }
0x7e8: {  	v6 =	vpop (erf)  }
.Ltmp24:
0x7e9: {  	v8 =	vadd.f32 $1.000000000e+00, v6;
	(pc) =	sbr.rel @p0 .LBB2_50-.Ltmp24, $4  }
0x7ea: {  	_ = 	snop  }
0x7eb: {  	v7 =	vor.u32 s19, v0;
	(erf) = vrcp.f32 v8  }
0x7ec: {  	v8 =	vmul.u32 $0x5556, v7  }
0x7ed: {  	s19 =	sadd.s32 $0x10, s19  }
0x7ee: {  	_ = 	snop  }
0x7ef: {  	v8 =	vshrl.u32 v8, $0x10  }
0x7f0: {  	v9 =	vmul.u32 $0x1FFFFD, v8;
	_ =	sdelay $0x1  }
0x7f1: {  	v7 =	vadd.s32 v7, v9  }
0x7f2: {  	v6 =	vsub.f32 $1.000000000e+00, v6;
	vm0 =	vlt.f32 v5, $0.0e+00;
	v7 =	vshll.u32 v7, $0xB  }
0x7f3: {  	vm1 =	vgt.f32 v5, $0.0e+00;
	v7 =	vadd.s32 v8, v7;
	v8 =	vand.u32 $0x80000000, v5;
	v9 =	vpop (erf)  }
0x7f4: {  	vm0 =	vmor vm1, vm0;
	v8 =	vor.u32 v8, v4;
	v6 =	vmul.f32 v9, v6  }
0x7f5: {  	v5 =	vsel vm0, v8, v5  }
0x7f6: {  	v5 =	vmul.f32 v6, v5  }
0x7f7: {  	s16 =	sadd.s32 $0x10, s16  }
0x7f8: {  	[tilespmem:s16+$0x0] =	vst v5  }
0x7f9: {  	s18 =	sadd.s32 $0x10, s18;
	v5 =	vld.idx.msk [tilespmem:v7+s23+$0x0], $0xffff  }
0x7fa: {  	v6 =	vld [tilespmem:s18+$0x0];
	_ =	sdelay $0x1  }
0x7fb: {  	v7 =	vld.idx.msk [tilespmem:v7+s29+$0x0], $0xffff;
	_ =	sdelay $0x2  }
0x7fc: {  	v5 =	vmul.f32 v6, v5;
	_ =	sdelay $0x1  }
0x7fd: {  	v5 =	vadd.f32 v5, v7;
	_ =	sdelay $0x1  }
0x7fe: {  	v6 =	vand.u32 $0x7FFFFFFF, v5  }
0x7ff: {  	v6 =	vmul.f32 $-2.000000000e+00, v6;
	_ =	sdelay $0x1  }
0x800: {  	v6 =	vmul.f32 $1.442695020e+00, v6;
	_ =	sdelay $0x1  }
0x801: {  	(erf) = vpow2.f32 v6;
	_ =	sdelay $0x8  }
0x802: {  	v6 =	vpop (erf)  }
0x803: {  	v7 =	vadd.f32 $1.000000000e+00, v6;
	_ =	sdelay $0x1  }
0x804: {  	(erf) = vrcp.f32 v7;
	_ =	sdelay $0x7  }
0x805: {  	v6 =	vsub.f32 $1.000000000e+00, v6  }
0x806: {  	vm14 =	vlt.f32 v5, $0.0e+00;
	vm15 =	vgt.f32 v5, $0.0e+00;
	v7 =	vand.u32 $0x80000000, v5;
	v8 =	vpop (erf)  }
0x807: {  	vm0 =	vmor vm15, vm14;
	v7 =	vor.u32 v7, v4;
	v6 =	vmul.f32 v8, v6  }
0x808: {  	v5 =	vsel vm0, v7, v5  }
0x809: {  	v5 =	vmul.f32 v6, v5  }
0x80a: {  	s16 =	sadd.s32 $0x10, s16  }
0x80b: {  	s19 =	rddreg [dreg:$0x1e];
	[tilespmem:s16+$0x0] =	vst v5;
	s16 =	simm.s32 $0x0  }
0x80c: {  	[hbm4b:s19+s16] =	stream.linear.scatter [tilespmem:s6], [sflag:$0x7], $0x1800, $0x38;
	[tilespmem:$0xB800] =	vst v63  }
0x80d: {  	_ =	swait.ge [sflag:s8], $0x1800  }
0x80e: {  	s19 =	sld [smem:$0x7F5]  }
0x80f: {  	[sflag:s8] =	ssyncset.done $0x0  }
0x810: {  	v5 =	vadd.s32 s16, v1;
	[sflag:s8] =	ssyncadd.s32 $0xFFFFE800  }
0x811: {  	v6 =	vadd.s32 s16, v2;
	[tilespmem:s20], [sflag:$0x2] =	stream.linear.gather [hbm4b:s19+s16], $0x1800, $0x38;
	[tilespmem:$0xB800] =	vst v63  }
0x812: {  	_ =	swait.ge [sflag:s21], $0x1800  }
0x813: {  	[sflag:s21] =	ssyncset.done $0x0  }
0x814: {  	[sflag:s21] =	ssyncadd.s32 $0xFFFFE800  }
0x815: {  	v7 =	vadd.s32 s16, v3;
	v5 =	vld.idx.msk [tilespmem:v5+s20+$0x0], $0xffff  }
0x816: {  	v6 =	vld.idx.msk [tilespmem:v6+s20+$0x0], $0xffff;
	_ =	sdelay $0x3  }
0x817: {  	v7 =	vld.idx.msk [tilespmem:v7+s20+$0x0], $0xffff  }
0x818: {  	v5 =	vmul.f32 $6.553600000e+04, v5;
	v6 =	vmul.f32 $2.560000000e+02, v6;
	_ =	sdelay $0x1  }
0x819: {  	v5 =	vadd.f32 v6, v5;
	_ =	sdelay $0x1  }
0x81a: {  	s18 =	simm.s32 $0x30;
	v6 =	vor.u32 s16, v0;
	v8 =	vadd.f32 v5, v7  }
0x81b: {  	v7 =	vadd.s32 s18, v1  }
0x81c: {  	s19 =	simm.s32 $0x60;
	v5 =	vadd.s32 s18, v2;
	v8 =	vtrunc.f32 v8  }
.LBB2_52:
0x81d: {  	p0 =	sne.s32 s19, $0x17D0;
	v8 =	vcvt.f32.s32 v8;
	_ =	sdelay $0x1  }
0x81e: {  	[tilespmem:v6+s22+$0x0] =	vst.idx.msk $0xffff, v8  }
0x81f: {  	v6 =	vld.idx.msk [tilespmem:v7+s20+$0x0], $0xffff;
	v7 =	vadd.s32 s18, v3;
	s18 =	smov.u32 s19  }
0x820: {  	v5 =	vld.idx.msk [tilespmem:v5+s20+$0x0], $0xffff;
	_ =	sdelay $0x3  }
0x821: {  	v7 =	vld.idx.msk [tilespmem:v7+s20+$0x0], $0xffff;
	_ =	sdelay $0x1  }
0x822: {  	v6 =	vmul.f32 $6.553600000e+04, v6;
	v5 =	vmul.f32 $2.560000000e+02, v5;
	_ =	sdelay $0x1  }
.Ltmp25:
0x823: {  	v5 =	vadd.f32 v5, v6;
	(pc) =	sbr.rel @p0 .LBB2_52-.Ltmp25, $4  }
0x824: {  	s16 =	sadd.s32 $0x10, s16  }
0x825: {  	v6 =	vor.u32 s16, v0;
	v8 =	vadd.f32 v5, v7  }
0x826: {  	v7 =	vadd.s32 s19, v1  }
0x827: {  	v5 =	vadd.s32 s18, v2;
	s19 =	sadd.s32 $0x30, s19;
	v8 =	vtrunc.f32 v8  }
0x828: {  	_ =	sdelay $0x1  }
0x829: {  	v8 =	vcvt.f32.s32 v8;
	_ =	sdelay $0x1  }
0x82a: {  	[tilespmem:v6+s22+$0x0] =	vst.idx.msk $0xffff, v8  }
0x82b: {  	v6 =	vld.idx.msk [tilespmem:v7+s20+$0x0], $0xffff;
	v7 =	vadd.s32 s18, v3  }
0x82c: {  	v5 =	vld.idx.msk [tilespmem:v5+s20+$0x0], $0xffff;
	_ =	sdelay $0x3  }
0x82d: {  	v7 =	vld.idx.msk [tilespmem:v7+s20+$0x0], $0xffff  }
0x82e: {  	v6 =	vmul.f32 $6.553600000e+04, v6;
	v5 =	vmul.f32 $2.560000000e+02, v5;
	_ =	sdelay $0x1  }
0x82f: {  	v5 =	vadd.f32 v5, v6  }
0x830: {  	s16 =	sadd.s32 $0x10, s16  }
0x831: {  	v6 =	vor.u32 s16, v0;
	v5 =	vadd.f32 v5, v7;
	_ =	sdelay $0x1  }
0x832: {  	v5 =	vtrunc.f32 v5  }
0x833: {  	v5 =	vcvt.f32.s32 v5;
	_ =	sdelay $0x1  }
0x834: {  	[tilespmem:v6+s22+$0x0] =	vst.idx.msk $0xffff, v5  }
0x835: {  	[tilespmem:s23], [sflag:$0x4] =	stream.indirect.gather [hbm4b:s24+s13], $0x1, s22, s13, $0xb8;
	[tilespmem:$0xB800] =	vst v63  }
0x836: {  	_ = 	snop  }
0x837: {  	[tilespmem:s25], [sflag:$0x4] =	stream.indirect.gather [hbm4b:s28+s13], $0x1, s22, s13, $0xb8;
	[tilespmem:$0xB800] =	vst v63  }
0x838: {  	_ = 	snop  }
0x839: {  	[tilespmem:s26], [sflag:$0x4] =	stream.indirect.gather [hbm4b:s31+s13], $0x1, s22, s13, $0xb8;
	[tilespmem:$0xB800] =	vst v63  }
0x83a: {  	_ = 	snop  }
0x83b: {  	[tilespmem:s29], [sflag:$0x6] =	stream.indirect.gather [hbm4b:s0+s13], $0x1, s22, s13, $0xb8;
	[tilespmem:$0xB800] =	vst v63  }
0x83c: {  	_ = 	snop  }
0x83d: {  	[tilespmem:s30], [sflag:$0x6] =	stream.indirect.gather [hbm4b:s4+s13], $0x1, s22, s13, $0xb8;
	[tilespmem:$0xB800] =	vst v63  }
0x83e: {  	_ = 	snop  }
0x83f: {  	[tilespmem:s2], [sflag:$0x6] =	stream.indirect.gather [hbm4b:s7+s13], $0x1, s22, s13, $0xb8;
	[tilespmem:$0xB800] =	vst v63  }
0x840: {  	_ =	swait.ge [sflag:s3], $0x800  }
0x841: {  	[sflag:s3] =	ssyncset.done $0x0  }
0x842: {  	[sflag:s3] =	ssyncadd.s32 $0xFFFFF800  }
0x843: {  	_ =	swait.ge [sflag:s3], $0x800  }
0x844: {  	s19 =	simm.s32 $0x0;
	[sflag:s3] =	ssyncset.done $0x0  }
0x845: {  	v5 =	vor.u32 s19, v0;
	[sflag:s3] =	ssyncadd.s32 $0xFFFFF800  }
0x846: {  	v6 =	vmul.u32 $0x5556, v5;
	_ =	swait.ge [sflag:s3], $0x800  }
0x847: {  	[sflag:s3] =	ssyncset.done $0x0  }
0x848: {  	v6 =	vshrl.u32 v6, $0x10;
	[sflag:s3] =	ssyncadd.s32 $0xFFFFF800  }
0x849: {  	v7 =	vmul.u32 $0x1FFFFD, v6;
	_ =	swait.ge [sflag:s5], $0x800  }
0x84a: {  	[sflag:s5] =	ssyncset.done $0x0  }
0x84b: {  	v5 =	vadd.s32 v5, v7;
	[sflag:s5] =	ssyncadd.s32 $0xFFFFF800  }
0x84c: {  	v5 =	vshll.u32 v5, $0xB;
	_ =	swait.ge [sflag:s5], $0x800  }
0x84d: {  	v5 =	vadd.s32 v6, v5;
	[sflag:s5] =	ssyncset.done $0x0  }
0x84e: {  	[sflag:s5] =	ssyncadd.s32 $0xFFFFF800  }
0x84f: {  	_ =	swait.ge [sflag:s5], $0x800  }
0x850: {  	[sflag:s5] =	ssyncset.done $0x0  }
0x851: {  	[sflag:s5] =	ssyncadd.s32 $0xFFFFF800  }
0x852: {  	v6 =	vld.idx.msk [tilespmem:v5+s14+$0x0], $0xffff  }
0x853: {  	v7 =	vld [tilespmem:s19+$0x0];
	_ =	sdelay $0x1  }
0x854: {  	v5 =	vld.idx.msk [tilespmem:v5+s17+$0x0], $0xffff;
	_ =	sdelay $0x2  }
0x855: {  	v6 =	vmul.f32 v7, v6;
	_ =	sdelay $0x1  }
0x856: {  	v5 =	vadd.f32 v6, v5;
	_ =	sdelay $0x1  }
0x857: {  	v6 =	vand.u32 $0x7FFFFFFF, v5  }
0x858: {  	v6 =	vmul.f32 $-2.000000000e+00, v6;
	_ =	sdelay $0x1  }
0x859: {  	v6 =	vmul.f32 $1.442695020e+00, v6;
	_ =	sdelay $0x1  }
0x85a: {  	(erf) = vpow2.f32 v6;
	_ =	sdelay $0x8  }
0x85b: {  	v6 =	vpop (erf)  }
0x85c: {  	v7 =	vadd.f32 $1.000000000e+00, v6;
	_ =	sdelay $0x1  }
0x85d: {  	s16 =	simm.s32 $0x10;
	(erf) = vrcp.f32 v7  }
0x85e: {  	v8 =	vor.u32 s16, v0  }
0x85f: {  	v7 =	vmul.u32 $0x5556, v8;
	_ =	sdelay $0x1  }
0x860: {  	v7 =	vshrl.u32 v7, $0x10  }
0x861: {  	v9 =	vmul.u32 $0x1FFFFD, v7;
	_ =	sdelay $0x1  }
0x862: {  	v8 =	vadd.s32 v8, v9  }
0x863: {  	vm0 =	vlt.f32 v5, $0.0e+00;
	v6 =	vsub.f32 $1.000000000e+00, v6;
	v8 =	vshll.u32 v8, $0xB  }
0x864: {  	vm1 =	vgt.f32 v5, $0.0e+00;
	v7 =	vadd.s32 v7, v8;
	v8 =	vand.u32 $0x80000000, v5;
	v9 =	vpop (erf)  }
0x865: {  	vm0 =	vmor vm1, vm0;
	v8 =	vor.u32 v8, v4;
	v6 =	vmul.f32 v9, v6  }
0x866: {  	v5 =	vsel vm0, v8, v5  }
0x867: {  	v5 =	vmul.f32 v6, v5  }
0x868: {  	s18 =	simm.s32 $0xA000  }
0x869: {  	[tilespmem:s18+$0x0] =	vst v5  }
0x86a: {  	v5 =	vld.idx.msk [tilespmem:v7+s14+$0x0], $0xffff  }
0x86b: {  	v6 =	vld [tilespmem:s16+$0x0];
	_ =	sdelay $0x1  }
0x86c: {  	v7 =	vld.idx.msk [tilespmem:v7+s17+$0x0], $0xffff;
	_ =	sdelay $0x2  }
0x86d: {  	v5 =	vmul.f32 v6, v5;
	_ =	sdelay $0x1  }
0x86e: {  	v5 =	vadd.f32 v5, v7;
	_ =	sdelay $0x1  }
0x86f: {  	v6 =	vand.u32 $0x7FFFFFFF, v5  }
0x870: {  	v6 =	vmul.f32 $-2.000000000e+00, v6;
	_ =	sdelay $0x1  }
0x871: {  	v6 =	vmul.f32 $1.442695020e+00, v6;
	_ =	sdelay $0x1  }
0x872: {  	(erf) = vpow2.f32 v6;
	_ =	sdelay $0x8  }
0x873: {  	v6 =	vpop (erf)  }
0x874: {  	v8 =	vadd.f32 $1.000000000e+00, v6  }
0x875: {  	s19 =	simm.s32 $0x20  }
0x876: {  	v7 =	vor.u32 s19, v0;
	(erf) = vrcp.f32 v8  }
0x877: {  	v8 =	vmul.u32 $0x5556, v7  }
0x878: {  	s19 =	simm.s32 $0x30  }
.LBB2_54:
0x879: {  	p0 =	sne.s32 s19, $0x17F0;
	v8 =	vshrl.u32 v8, $0x10  }
0x87a: {  	v9 =	vmul.u32 $0x1FFFFD, v8;
	_ =	sdelay $0x1  }
0x87b: {  	v7 =	vadd.s32 v7, v9  }
0x87c: {  	v7 =	vshll.u32 v7, $0xB  }
0x87d: {  	v6 =	vsub.f32 $1.000000000e+00, v6;
	v7 =	vadd.s32 v8, v7  }
0x87e: {  	vm0 =	vlt.f32 v5, $0.0e+00;
	vm1 =	vgt.f32 v5, $0.0e+00;
	v8 =	vand.u32 $0x80000000, v5;
	v9 =	vpop (erf)  }
0x87f: {  	vm0 =	vmor vm1, vm0;
	v8 =	vor.u32 v8, v4;
	v6 =	vmul.f32 v9, v6  }
0x880: {  	v5 =	vsel vm0, v8, v5  }
0x881: {  	v5 =	vmul.f32 v6, v5  }
0x882: {  	s18 =	sadd.s32 $0x10, s18  }
0x883: {  	[tilespmem:s18+$0x0] =	vst v5  }
0x884: {  	s16 =	sadd.s32 $0x10, s16;
	v5 =	vld.idx.msk [tilespmem:v7+s14+$0x0], $0xffff  }
0x885: {  	v6 =	vld [tilespmem:s16+$0x0]  }
0x886: {  	v7 =	vld.idx.msk [tilespmem:v7+s17+$0x0], $0xffff;
	_ =	sdelay $0x3  }
0x887: {  	v5 =	vmul.f32 v6, v5;
	_ =	sdelay $0x1  }
0x888: {  	v5 =	vadd.f32 v5, v7;
	_ =	sdelay $0x1  }
0x889: {  	v6 =	vand.u32 $0x7FFFFFFF, v5  }
0x88a: {  	v6 =	vmul.f32 $-2.000000000e+00, v6;
	_ =	sdelay $0x1  }
0x88b: {  	v6 =	vmul.f32 $1.442695020e+00, v6;
	_ =	sdelay $0x1  }
0x88c: {  	(erf) = vpow2.f32 v6;
	_ =	sdelay $0x8  }
0x88d: {  	v6 =	vpop (erf)  }
.Ltmp26:
0x88e: {  	v8 =	vadd.f32 $1.000000000e+00, v6;
	(pc) =	sbr.rel @p0 .LBB2_54-.Ltmp26, $4  }
0x88f: {  	_ = 	snop  }
0x890: {  	v7 =	vor.u32 s19, v0;
	(erf) = vrcp.f32 v8  }
0x891: {  	v8 =	vmul.u32 $0x5556, v7  }
0x892: {  	s19 =	sadd.s32 $0x10, s19  }
0x893: {  	_ = 	snop  }
0x894: {  	v8 =	vshrl.u32 v8, $0x10  }
0x895: {  	v9 =	vmul.u32 $0x1FFFFD, v8;
	_ =	sdelay $0x1  }
0x896: {  	v7 =	vadd.s32 v7, v9  }
0x897: {  	v6 =	vsub.f32 $1.000000000e+00, v6;
	vm0 =	vlt.f32 v5, $0.0e+00;
	v7 =	vshll.u32 v7, $0xB  }
0x898: {  	vm1 =	vgt.f32 v5, $0.0e+00;
	v7 =	vadd.s32 v8, v7;
	v8 =	vand.u32 $0x80000000, v5;
	v9 =	vpop (erf)  }
0x899: {  	vm0 =	vmor vm1, vm0;
	v8 =	vor.u32 v8, v4;
	v6 =	vmul.f32 v9, v6  }
0x89a: {  	v5 =	vsel vm0, v8, v5  }
0x89b: {  	v5 =	vmul.f32 v6, v5  }
0x89c: {  	s18 =	sadd.s32 $0x10, s18  }
0x89d: {  	[tilespmem:s18+$0x0] =	vst v5  }
0x89e: {  	s16 =	sadd.s32 $0x10, s16;
	v5 =	vld.idx.msk [tilespmem:v7+s14+$0x0], $0xffff  }
0x89f: {  	v6 =	vld [tilespmem:s16+$0x0];
	_ =	sdelay $0x1  }
0x8a0: {  	v7 =	vld.idx.msk [tilespmem:v7+s17+$0x0], $0xffff;
	_ =	sdelay $0x2  }
0x8a1: {  	v5 =	vmul.f32 v6, v5;
	_ =	sdelay $0x1  }
0x8a2: {  	v5 =	vadd.f32 v5, v7;
	_ =	sdelay $0x1  }
0x8a3: {  	v6 =	vand.u32 $0x7FFFFFFF, v5  }
0x8a4: {  	v6 =	vmul.f32 $-2.000000000e+00, v6;
	_ =	sdelay $0x1  }
0x8a5: {  	v6 =	vmul.f32 $1.442695020e+00, v6;
	_ =	sdelay $0x1  }
0x8a6: {  	(erf) = vpow2.f32 v6;
	_ =	sdelay $0x8  }
0x8a7: {  	v6 =	vpop (erf)  }
0x8a8: {  	v7 =	vadd.f32 $1.000000000e+00, v6;
	_ =	sdelay $0x1  }
0x8a9: {  	(erf) = vrcp.f32 v7;
	_ =	sdelay $0x7  }
0x8aa: {  	v6 =	vsub.f32 $1.000000000e+00, v6  }
0x8ab: {  	vm14 =	vlt.f32 v5, $0.0e+00;
	vm15 =	vgt.f32 v5, $0.0e+00;
	v7 =	vand.u32 $0x80000000, v5;
	v8 =	vpop (erf)  }
0x8ac: {  	vm0 =	vmor vm15, vm14;
	v7 =	vor.u32 v7, v4;
	v6 =	vmul.f32 v8, v6  }
0x8ad: {  	v5 =	vsel vm0, v7, v5  }
0x8ae: {  	s19 =	sld [smem:$0x7F4];
	v5 =	vmul.f32 v6, v5  }
0x8af: {  	s18 =	sadd.s32 $0x10, s18  }
0x8b0: {  	s16 =	simm.s32 $0x0;
	[tilespmem:s18+$0x0] =	vst v5  }
0x8b1: {  	[hbm4b:s19+s16] =	stream.linear.scatter [tilespmem:s6], [sflag:$0x7], $0x1800, $0x38;
	[tilespmem:$0xB800] =	vst v63  }
0x8b2: {  	_ =	swait.ge [sflag:s8], $0x1800  }
0x8b3: {  	s19 =	sld [smem:$0x7F9]  }
0x8b4: {  	[sflag:s8] =	ssyncset.done $0x0  }
0x8b5: {  	v5 =	vadd.s32 s16, v1;
	[sflag:s8] =	ssyncadd.s32 $0xFFFFE800  }
0x8b6: {  	v6 =	vadd.s32 s16, v2;
	[tilespmem:s16], [sflag:$0x1] =	stream.linear.gather [hbm4b:s19+s16], $0x1800, $0x38;
	[tilespmem:$0xB800] =	vst v63  }
0x8b7: {  	_ =	swait.ge [sflag:s11], $0x1800  }
0x8b8: {  	[sflag:s11] =	ssyncset.done $0x0  }
0x8b9: {  	[sflag:s11] =	ssyncadd.s32 $0xFFFFE800  }
0x8ba: {  	v7 =	vadd.s32 s16, v3;
	v5 =	vld.idx.msk [tilespmem:v5+s1+$0x0], $0xffff  }
0x8bb: {  	v6 =	vld.idx.msk [tilespmem:v6+s1+$0x0], $0xffff;
	_ =	sdelay $0x3  }
0x8bc: {  	v7 =	vld.idx.msk [tilespmem:v7+s1+$0x0], $0xffff  }
0x8bd: {  	v5 =	vmul.f32 $6.553600000e+04, v5;
	v6 =	vmul.f32 $2.560000000e+02, v6;
	_ =	sdelay $0x1  }
0x8be: {  	v5 =	vadd.f32 v6, v5;
	_ =	sdelay $0x1  }
0x8bf: {  	s18 =	simm.s32 $0x30;
	v6 =	vor.u32 s16, v0;
	v8 =	vadd.f32 v5, v7  }
0x8c0: {  	v7 =	vadd.s32 s18, v1  }
0x8c1: {  	s19 =	simm.s32 $0x60;
	v5 =	vadd.s32 s18, v2;
	v8 =	vtrunc.f32 v8  }
.LBB2_56:
0x8c2: {  	p0 =	sne.s32 s19, $0x17D0;
	v8 =	vcvt.f32.s32 v8;
	_ =	sdelay $0x1  }
0x8c3: {  	[tilespmem:v6+s12+$0x0] =	vst.idx.msk $0xffff, v8  }
0x8c4: {  	v6 =	vld.idx.msk [tilespmem:v7+s1+$0x0], $0xffff;
	v7 =	vadd.s32 s18, v3;
	s18 =	smov.u32 s19  }
0x8c5: {  	v5 =	vld.idx.msk [tilespmem:v5+s1+$0x0], $0xffff;
	_ =	sdelay $0x3  }
0x8c6: {  	v7 =	vld.idx.msk [tilespmem:v7+s1+$0x0], $0xffff;
	_ =	sdelay $0x1  }
0x8c7: {  	v6 =	vmul.f32 $6.553600000e+04, v6;
	v5 =	vmul.f32 $2.560000000e+02, v5;
	_ =	sdelay $0x1  }
.Ltmp27:
0x8c8: {  	v5 =	vadd.f32 v5, v6;
	(pc) =	sbr.rel @p0 .LBB2_56-.Ltmp27, $4  }
0x8c9: {  	s16 =	sadd.s32 $0x10, s16  }
0x8ca: {  	v6 =	vor.u32 s16, v0;
	v8 =	vadd.f32 v5, v7  }
0x8cb: {  	v7 =	vadd.s32 s19, v1  }
0x8cc: {  	v5 =	vadd.s32 s18, v2;
	s19 =	sadd.s32 $0x30, s19;
	v8 =	vtrunc.f32 v8  }
0x8cd: {  	_ =	sdelay $0x1  }
0x8ce: {  	v8 =	vcvt.f32.s32 v8;
	_ =	sdelay $0x1  }
0x8cf: {  	[tilespmem:v6+s12+$0x0] =	vst.idx.msk $0xffff, v8  }
0x8d0: {  	v6 =	vld.idx.msk [tilespmem:v7+s1+$0x0], $0xffff;
	v7 =	vadd.s32 s18, v3  }
0x8d1: {  	v5 =	vld.idx.msk [tilespmem:v5+s1+$0x0], $0xffff;
	_ =	sdelay $0x3  }
0x8d2: {  	v7 =	vld.idx.msk [tilespmem:v7+s1+$0x0], $0xffff  }
0x8d3: {  	v6 =	vmul.f32 $6.553600000e+04, v6;
	v5 =	vmul.f32 $2.560000000e+02, v5;
	_ =	sdelay $0x1  }
0x8d4: {  	v5 =	vadd.f32 v5, v6  }
0x8d5: {  	s16 =	sadd.s32 $0x10, s16  }
0x8d6: {  	v6 =	vor.u32 s16, v0;
	v5 =	vadd.f32 v5, v7;
	_ =	sdelay $0x1  }
0x8d7: {  	v5 =	vtrunc.f32 v5  }
0x8d8: {  	v5 =	vcvt.f32.s32 v5;
	_ =	sdelay $0x1  }
0x8d9: {  	[tilespmem:v6+s12+$0x0] =	vst.idx.msk $0xffff, v5  }
0x8da: {  	[tilespmem:s14], [sflag:$0x3] =	stream.indirect.gather [hbm4b:s24+s13], $0x1, s12, s13, $0xb8;
	[tilespmem:$0xB800] =	vst v63  }
0x8db: {  	s19 =	simm.s32 $0x4800  }
0x8dc: {  	[tilespmem:s19], [sflag:$0x3] =	stream.indirect.gather [hbm4b:s28+s13], $0x1, s12, s13, $0xb8;
	[tilespmem:$0xB800] =	vst v63  }
0x8dd: {  	s18 =	simm.s32 $0x5000  }
0x8de: {  	[tilespmem:s18], [sflag:$0x3] =	stream.indirect.gather [hbm4b:s31+s13], $0x1, s12, s13, $0xb8;
	[tilespmem:$0xB800] =	vst v63  }
0x8df: {  	_ = 	snop  }
0x8e0: {  	[tilespmem:s17], [sflag:$0x5] =	stream.indirect.gather [hbm4b:s0+s13], $0x1, s12, s13, $0xb8;
	[tilespmem:$0xB800] =	vst v63  }
0x8e1: {  	s19 =	simm.s32 $0x7800  }
0x8e2: {  	[tilespmem:s19], [sflag:$0x5] =	stream.indirect.gather [hbm4b:s4+s13], $0x1, s12, s13, $0xb8;
	[tilespmem:$0xB800] =	vst v63  }
0x8e3: {  	s18 =	simm.s32 $0x8000  }
0x8e4: {  	[tilespmem:s18], [sflag:$0x5] =	stream.indirect.gather [hbm4b:s7+s13], $0x1, s12, s13, $0xb8;
	[tilespmem:$0xB800] =	vst v63  }
0x8e5: {  	_ =	swait.ge [sflag:s9], $0x800  }
0x8e6: {  	[sflag:s9] =	ssyncset.done $0x0  }
0x8e7: {  	[sflag:s9] =	ssyncadd.s32 $0xFFFFF800  }
0x8e8: {  	_ =	swait.ge [sflag:s9], $0x800  }
0x8e9: {  	s19 =	simm.s32 $0x0;
	[sflag:s9] =	ssyncset.done $0x0  }
0x8ea: {  	v5 =	vor.u32 s19, v0;
	[sflag:s9] =	ssyncadd.s32 $0xFFFFF800  }
0x8eb: {  	v6 =	vmul.u32 $0x5556, v5;
	_ =	swait.ge [sflag:s9], $0x800  }
0x8ec: {  	[sflag:s9] =	ssyncset.done $0x0  }
0x8ed: {  	v6 =	vshrl.u32 v6, $0x10;
	[sflag:s9] =	ssyncadd.s32 $0xFFFFF800  }
0x8ee: {  	v7 =	vmul.u32 $0x1FFFFD, v6;
	_ =	swait.ge [sflag:s10], $0x800  }
0x8ef: {  	[sflag:s10] =	ssyncset.done $0x0  }
0x8f0: {  	v5 =	vadd.s32 v5, v7;
	[sflag:s10] =	ssyncadd.s32 $0xFFFFF800  }
0x8f1: {  	v5 =	vshll.u32 v5, $0xB;
	_ =	swait.ge [sflag:s10], $0x800  }
0x8f2: {  	v5 =	vadd.s32 v6, v5;
	[sflag:s10] =	ssyncset.done $0x0  }
0x8f3: {  	[sflag:s10] =	ssyncadd.s32 $0xFFFFF800  }
0x8f4: {  	_ =	swait.ge [sflag:s10], $0x800  }
0x8f5: {  	[sflag:s10] =	ssyncset.done $0x0  }
0x8f6: {  	[sflag:s10] =	ssyncadd.s32 $0xFFFFF800  }
0x8f7: {  	s18 =	simm.s32 $0x1800;
	v6 =	vld.idx.msk [tilespmem:v5+s23+$0x0], $0xffff  }
0x8f8: {  	v7 =	vld [tilespmem:s18+$0x0];
	_ =	sdelay $0x1  }
0x8f9: {  	v5 =	vld.idx.msk [tilespmem:v5+s29+$0x0], $0xffff;
	_ =	sdelay $0x2  }
0x8fa: {  	v6 =	vmul.f32 v7, v6;
	_ =	sdelay $0x1  }
0x8fb: {  	v5 =	vadd.f32 v6, v5;
	_ =	sdelay $0x1  }
0x8fc: {  	v6 =	vand.u32 $0x7FFFFFFF, v5  }
0x8fd: {  	v6 =	vmul.f32 $-2.000000000e+00, v6;
	_ =	sdelay $0x1  }
0x8fe: {  	v6 =	vmul.f32 $1.442695020e+00, v6;
	_ =	sdelay $0x1  }
0x8ff: {  	(erf) = vpow2.f32 v6;
	_ =	sdelay $0x8  }
0x900: {  	v6 =	vpop (erf)  }
0x901: {  	v7 =	vadd.f32 $1.000000000e+00, v6;
	_ =	sdelay $0x1  }
0x902: {  	s19 =	simm.s32 $0x10;
	(erf) = vrcp.f32 v7  }
0x903: {  	v8 =	vor.u32 s19, v0  }
0x904: {  	v7 =	vmul.u32 $0x5556, v8;
	_ =	sdelay $0x1  }
0x905: {  	v7 =	vshrl.u32 v7, $0x10  }
0x906: {  	v9 =	vmul.u32 $0x1FFFFD, v7;
	_ =	sdelay $0x1  }
0x907: {  	v8 =	vadd.s32 v8, v9  }
0x908: {  	vm0 =	vlt.f32 v5, $0.0e+00;
	v6 =	vsub.f32 $1.000000000e+00, v6;
	v8 =	vshll.u32 v8, $0xB  }
0x909: {  	vm1 =	vgt.f32 v5, $0.0e+00;
	v7 =	vadd.s32 v7, v8;
	v8 =	vand.u32 $0x80000000, v5;
	v9 =	vpop (erf)  }
0x90a: {  	vm0 =	vmor vm1, vm0;
	v8 =	vor.u32 v8, v4;
	v6 =	vmul.f32 v9, v6  }
0x90b: {  	v5 =	vsel vm0, v8, v5  }
0x90c: {  	v5 =	vmul.f32 v6, v5  }
0x90d: {  	s16 =	simm.s32 $0xA000  }
0x90e: {  	[tilespmem:s16+$0x0] =	vst v5  }
0x90f: {  	s18 =	simm.s32 $0x1810;
	v5 =	vld.idx.msk [tilespmem:v7+s23+$0x0], $0xffff  }
0x910: {  	v6 =	vld [tilespmem:s18+$0x0];
	_ =	sdelay $0x1  }
0x911: {  	v7 =	vld.idx.msk [tilespmem:v7+s29+$0x0], $0xffff;
	_ =	sdelay $0x2  }
0x912: {  	v5 =	vmul.f32 v6, v5;
	_ =	sdelay $0x1  }
0x913: {  	v5 =	vadd.f32 v5, v7;
	_ =	sdelay $0x1  }
0x914: {  	v6 =	vand.u32 $0x7FFFFFFF, v5  }
0x915: {  	v6 =	vmul.f32 $-2.000000000e+00, v6;
	_ =	sdelay $0x1  }
0x916: {  	v6 =	vmul.f32 $1.442695020e+00, v6;
	_ =	sdelay $0x1  }
0x917: {  	(erf) = vpow2.f32 v6;
	_ =	sdelay $0x8  }
0x918: {  	v6 =	vpop (erf)  }
0x919: {  	v8 =	vadd.f32 $1.000000000e+00, v6  }
0x91a: {  	s19 =	simm.s32 $0x20  }
0x91b: {  	v7 =	vor.u32 s19, v0;
	(erf) = vrcp.f32 v8  }
0x91c: {  	v8 =	vmul.u32 $0x5556, v7  }
0x91d: {  	s19 =	simm.s32 $0x30  }
.LBB2_58:
0x91e: {  	p0 =	sne.s32 s19, $0x17F0;
	v8 =	vshrl.u32 v8, $0x10  }
0x91f: {  	v9 =	vmul.u32 $0x1FFFFD, v8;
	_ =	sdelay $0x1  }
0x920: {  	v7 =	vadd.s32 v7, v9  }
0x921: {  	v7 =	vshll.u32 v7, $0xB  }
0x922: {  	v6 =	vsub.f32 $1.000000000e+00, v6;
	v7 =	vadd.s32 v8, v7  }
0x923: {  	vm0 =	vlt.f32 v5, $0.0e+00;
	vm1 =	vgt.f32 v5, $0.0e+00;
	v8 =	vand.u32 $0x80000000, v5;
	v9 =	vpop (erf)  }
0x924: {  	vm0 =	vmor vm1, vm0;
	v8 =	vor.u32 v8, v4;
	v6 =	vmul.f32 v9, v6  }
0x925: {  	v5 =	vsel vm0, v8, v5  }
0x926: {  	v5 =	vmul.f32 v6, v5  }
0x927: {  	s16 =	sadd.s32 $0x10, s16  }
0x928: {  	[tilespmem:s16+$0x0] =	vst v5  }
0x929: {  	s18 =	sadd.s32 $0x10, s18;
	v5 =	vld.idx.msk [tilespmem:v7+s23+$0x0], $0xffff  }
0x92a: {  	v6 =	vld [tilespmem:s18+$0x0]  }
0x92b: {  	v7 =	vld.idx.msk [tilespmem:v7+s29+$0x0], $0xffff;
	_ =	sdelay $0x3  }
0x92c: {  	v5 =	vmul.f32 v6, v5;
	_ =	sdelay $0x1  }
0x92d: {  	v5 =	vadd.f32 v5, v7;
	_ =	sdelay $0x1  }
0x92e: {  	v6 =	vand.u32 $0x7FFFFFFF, v5  }
0x92f: {  	v6 =	vmul.f32 $-2.000000000e+00, v6;
	_ =	sdelay $0x1  }
0x930: {  	v6 =	vmul.f32 $1.442695020e+00, v6;
	_ =	sdelay $0x1  }
0x931: {  	(erf) = vpow2.f32 v6;
	_ =	sdelay $0x8  }
0x932: {  	v6 =	vpop (erf)  }
.Ltmp28:
0x933: {  	v8 =	vadd.f32 $1.000000000e+00, v6;
	(pc) =	sbr.rel @p0 .LBB2_58-.Ltmp28, $4  }
0x934: {  	_ = 	snop  }
0x935: {  	v7 =	vor.u32 s19, v0;
	(erf) = vrcp.f32 v8  }
0x936: {  	v8 =	vmul.u32 $0x5556, v7  }
0x937: {  	s19 =	sadd.s32 $0x10, s19  }
0x938: {  	_ = 	snop  }
0x939: {  	v8 =	vshrl.u32 v8, $0x10  }
0x93a: {  	v9 =	vmul.u32 $0x1FFFFD, v8;
	_ =	sdelay $0x1  }
0x93b: {  	v7 =	vadd.s32 v7, v9  }
0x93c: {  	v6 =	vsub.f32 $1.000000000e+00, v6;
	vm0 =	vlt.f32 v5, $0.0e+00;
	v7 =	vshll.u32 v7, $0xB  }
0x93d: {  	vm1 =	vgt.f32 v5, $0.0e+00;
	v7 =	vadd.s32 v8, v7;
	v8 =	vand.u32 $0x80000000, v5;
	v9 =	vpop (erf)  }
0x93e: {  	vm0 =	vmor vm1, vm0;
	v8 =	vor.u32 v8, v4;
	v6 =	vmul.f32 v9, v6  }
0x93f: {  	v5 =	vsel vm0, v8, v5  }
0x940: {  	v5 =	vmul.f32 v6, v5  }
0x941: {  	s16 =	sadd.s32 $0x10, s16  }
0x942: {  	[tilespmem:s16+$0x0] =	vst v5  }
0x943: {  	s18 =	sadd.s32 $0x10, s18;
	v5 =	vld.idx.msk [tilespmem:v7+s23+$0x0], $0xffff  }
0x944: {  	v6 =	vld [tilespmem:s18+$0x0];
	_ =	sdelay $0x1  }
0x945: {  	v7 =	vld.idx.msk [tilespmem:v7+s29+$0x0], $0xffff;
	_ =	sdelay $0x2  }
0x946: {  	v5 =	vmul.f32 v6, v5;
	_ =	sdelay $0x1  }
0x947: {  	v5 =	vadd.f32 v5, v7;
	_ =	sdelay $0x1  }
0x948: {  	v6 =	vand.u32 $0x7FFFFFFF, v5  }
0x949: {  	v6 =	vmul.f32 $-2.000000000e+00, v6;
	_ =	sdelay $0x1  }
0x94a: {  	v6 =	vmul.f32 $1.442695020e+00, v6;
	_ =	sdelay $0x1  }
0x94b: {  	(erf) = vpow2.f32 v6;
	_ =	sdelay $0x8  }
0x94c: {  	v6 =	vpop (erf)  }
0x94d: {  	v7 =	vadd.f32 $1.000000000e+00, v6;
	_ =	sdelay $0x1  }
0x94e: {  	(erf) = vrcp.f32 v7;
	_ =	sdelay $0x7  }
0x94f: {  	v6 =	vsub.f32 $1.000000000e+00, v6  }
0x950: {  	vm14 =	vlt.f32 v5, $0.0e+00;
	vm15 =	vgt.f32 v5, $0.0e+00;
	v7 =	vand.u32 $0x80000000, v5;
	v8 =	vpop (erf)  }
0x951: {  	vm0 =	vmor vm15, vm14;
	v7 =	vor.u32 v7, v4;
	v6 =	vmul.f32 v8, v6  }
0x952: {  	v5 =	vsel vm0, v7, v5  }
0x953: {  	s19 =	sld [smem:$0x7F6];
	v5 =	vmul.f32 v6, v5  }
0x954: {  	s16 =	sadd.s32 $0x10, s16  }
0x955: {  	[tilespmem:s16+$0x0] =	vst v5;
	s16 =	simm.s32 $0x0  }
0x956: {  	[hbm4b:s19+s16] =	stream.linear.scatter [tilespmem:s6], [sflag:$0x7], $0x1800, $0x38;
	[tilespmem:$0xB800] =	vst v63  }
0x957: {  	_ =	swait.ge [sflag:s8], $0x1800  }
0x958: {  	s19 =	sld [smem:$0x7FA]  }
0x959: {  	[sflag:s8] =	ssyncset.done $0x0  }
0x95a: {  	v5 =	vadd.s32 s16, v1;
	[sflag:s8] =	ssyncadd.s32 $0xFFFFE800  }
0x95b: {  	v6 =	vadd.s32 s16, v2;
	[tilespmem:s20], [sflag:$0x2] =	stream.linear.gather [hbm4b:s19+s16], $0x1800, $0x38;
	[tilespmem:$0xB800] =	vst v63  }
0x95c: {  	_ =	swait.ge [sflag:s21], $0x1800  }
0x95d: {  	[sflag:s21] =	ssyncset.done $0x0  }
0x95e: {  	[sflag:s21] =	ssyncadd.s32 $0xFFFFE800  }
0x95f: {  	v7 =	vadd.s32 s16, v3;
	v5 =	vld.idx.msk [tilespmem:v5+s20+$0x0], $0xffff  }
0x960: {  	v6 =	vld.idx.msk [tilespmem:v6+s20+$0x0], $0xffff;
	_ =	sdelay $0x3  }
0x961: {  	v7 =	vld.idx.msk [tilespmem:v7+s20+$0x0], $0xffff  }
0x962: {  	v5 =	vmul.f32 $6.553600000e+04, v5;
	v6 =	vmul.f32 $2.560000000e+02, v6;
	_ =	sdelay $0x1  }
0x963: {  	v5 =	vadd.f32 v6, v5;
	_ =	sdelay $0x1  }
0x964: {  	s18 =	simm.s32 $0x30;
	v6 =	vor.u32 s16, v0;
	v8 =	vadd.f32 v5, v7  }
0x965: {  	v7 =	vadd.s32 s18, v1  }
0x966: {  	s19 =	simm.s32 $0x60;
	v5 =	vadd.s32 s18, v2;
	v8 =	vtrunc.f32 v8  }
.LBB2_60:
0x967: {  	p0 =	sne.s32 s19, $0x17D0;
	v8 =	vcvt.f32.s32 v8;
	_ =	sdelay $0x1  }
0x968: {  	[tilespmem:v6+s22+$0x0] =	vst.idx.msk $0xffff, v8  }
0x969: {  	v6 =	vld.idx.msk [tilespmem:v7+s20+$0x0], $0xffff;
	v7 =	vadd.s32 s18, v3;
	s18 =	smov.u32 s19  }
0x96a: {  	v5 =	vld.idx.msk [tilespmem:v5+s20+$0x0], $0xffff;
	_ =	sdelay $0x3  }
0x96b: {  	v7 =	vld.idx.msk [tilespmem:v7+s20+$0x0], $0xffff;
	_ =	sdelay $0x1  }
0x96c: {  	v6 =	vmul.f32 $6.553600000e+04, v6;
	v5 =	vmul.f32 $2.560000000e+02, v5;
	_ =	sdelay $0x1  }
.Ltmp29:
0x96d: {  	v5 =	vadd.f32 v5, v6;
	(pc) =	sbr.rel @p0 .LBB2_60-.Ltmp29, $4  }
0x96e: {  	s16 =	sadd.s32 $0x10, s16  }
0x96f: {  	v6 =	vor.u32 s16, v0;
	v8 =	vadd.f32 v5, v7  }
0x970: {  	v7 =	vadd.s32 s19, v1  }
0x971: {  	v5 =	vadd.s32 s18, v2;
	s19 =	sadd.s32 $0x30, s19;
	v8 =	vtrunc.f32 v8  }
0x972: {  	_ =	sdelay $0x1  }
0x973: {  	v8 =	vcvt.f32.s32 v8;
	_ =	sdelay $0x1  }
0x974: {  	[tilespmem:v6+s22+$0x0] =	vst.idx.msk $0xffff, v8  }
0x975: {  	v6 =	vld.idx.msk [tilespmem:v7+s20+$0x0], $0xffff;
	v7 =	vadd.s32 s18, v3  }
0x976: {  	v5 =	vld.idx.msk [tilespmem:v5+s20+$0x0], $0xffff;
	_ =	sdelay $0x3  }
0x977: {  	v7 =	vld.idx.msk [tilespmem:v7+s20+$0x0], $0xffff  }
0x978: {  	v6 =	vmul.f32 $6.553600000e+04, v6;
	v5 =	vmul.f32 $2.560000000e+02, v5;
	_ =	sdelay $0x1  }
0x979: {  	v5 =	vadd.f32 v5, v6  }
0x97a: {  	s16 =	sadd.s32 $0x10, s16  }
0x97b: {  	v6 =	vor.u32 s16, v0;
	v5 =	vadd.f32 v5, v7;
	_ =	sdelay $0x1  }
0x97c: {  	v5 =	vtrunc.f32 v5  }
0x97d: {  	v5 =	vcvt.f32.s32 v5;
	_ =	sdelay $0x1  }
0x97e: {  	[tilespmem:v6+s22+$0x0] =	vst.idx.msk $0xffff, v5  }
0x97f: {  	[tilespmem:s23], [sflag:$0x4] =	stream.indirect.gather [hbm4b:s24+s13], $0x1, s22, s13, $0xb8;
	[tilespmem:$0xB800] =	vst v63  }
0x980: {  	_ = 	snop  }
0x981: {  	[tilespmem:s25], [sflag:$0x4] =	stream.indirect.gather [hbm4b:s28+s13], $0x1, s22, s13, $0xb8;
	[tilespmem:$0xB800] =	vst v63  }
0x982: {  	_ = 	snop  }
0x983: {  	[tilespmem:s26], [sflag:$0x4] =	stream.indirect.gather [hbm4b:s31+s13], $0x1, s22, s13, $0xb8;
	[tilespmem:$0xB800] =	vst v63  }
0x984: {  	_ = 	snop  }
0x985: {  	[tilespmem:s29], [sflag:$0x6] =	stream.indirect.gather [hbm4b:s0+s13], $0x1, s22, s13, $0xb8;
	[tilespmem:$0xB800] =	vst v63  }
0x986: {  	_ = 	snop  }
0x987: {  	[tilespmem:s30], [sflag:$0x6] =	stream.indirect.gather [hbm4b:s4+s13], $0x1, s22, s13, $0xb8;
	[tilespmem:$0xB800] =	vst v63  }
0x988: {  	_ = 	snop  }
0x989: {  	[tilespmem:s2], [sflag:$0x6] =	stream.indirect.gather [hbm4b:s7+s13], $0x1, s22, s13, $0xb8;
	[tilespmem:$0xB800] =	vst v63  }
0x98a: {  	_ =	swait.ge [sflag:s3], $0x800  }
0x98b: {  	[sflag:s3] =	ssyncset.done $0x0  }
0x98c: {  	[sflag:s3] =	ssyncadd.s32 $0xFFFFF800  }
0x98d: {  	_ =	swait.ge [sflag:s3], $0x800  }
0x98e: {  	s19 =	simm.s32 $0x0;
	[sflag:s3] =	ssyncset.done $0x0  }
0x98f: {  	v5 =	vor.u32 s19, v0;
	[sflag:s3] =	ssyncadd.s32 $0xFFFFF800  }
0x990: {  	v6 =	vmul.u32 $0x5556, v5;
	_ =	swait.ge [sflag:s3], $0x800  }
0x991: {  	[sflag:s3] =	ssyncset.done $0x0  }
0x992: {  	v6 =	vshrl.u32 v6, $0x10;
	[sflag:s3] =	ssyncadd.s32 $0xFFFFF800  }
0x993: {  	v7 =	vmul.u32 $0x1FFFFD, v6;
	_ =	swait.ge [sflag:s5], $0x800  }
0x994: {  	[sflag:s5] =	ssyncset.done $0x0  }
0x995: {  	v5 =	vadd.s32 v5, v7;
	[sflag:s5] =	ssyncadd.s32 $0xFFFFF800  }
0x996: {  	v5 =	vshll.u32 v5, $0xB;
	_ =	swait.ge [sflag:s5], $0x800  }
0x997: {  	v5 =	vadd.s32 v6, v5;
	[sflag:s5] =	ssyncset.done $0x0  }
0x998: {  	[sflag:s5] =	ssyncadd.s32 $0xFFFFF800  }
0x999: {  	_ =	swait.ge [sflag:s5], $0x800  }
0x99a: {  	[sflag:s5] =	ssyncset.done $0x0  }
0x99b: {  	[sflag:s5] =	ssyncadd.s32 $0xFFFFF800  }
0x99c: {  	v6 =	vld.idx.msk [tilespmem:v5+s14+$0x0], $0xffff  }
0x99d: {  	v7 =	vld [tilespmem:s19+$0x0];
	_ =	sdelay $0x1  }
0x99e: {  	v5 =	vld.idx.msk [tilespmem:v5+s17+$0x0], $0xffff;
	_ =	sdelay $0x2  }
0x99f: {  	v6 =	vmul.f32 v7, v6;
	_ =	sdelay $0x1  }
0x9a0: {  	v5 =	vadd.f32 v6, v5;
	_ =	sdelay $0x1  }
0x9a1: {  	v6 =	vand.u32 $0x7FFFFFFF, v5  }
0x9a2: {  	v6 =	vmul.f32 $-2.000000000e+00, v6;
	_ =	sdelay $0x1  }
0x9a3: {  	v6 =	vmul.f32 $1.442695020e+00, v6;
	_ =	sdelay $0x1  }
0x9a4: {  	(erf) = vpow2.f32 v6;
	_ =	sdelay $0x8  }
0x9a5: {  	v6 =	vpop (erf)  }
0x9a6: {  	v7 =	vadd.f32 $1.000000000e+00, v6;
	_ =	sdelay $0x1  }
0x9a7: {  	s16 =	simm.s32 $0x10;
	(erf) = vrcp.f32 v7  }
0x9a8: {  	v8 =	vor.u32 s16, v0  }
0x9a9: {  	v7 =	vmul.u32 $0x5556, v8;
	_ =	sdelay $0x1  }
0x9aa: {  	v7 =	vshrl.u32 v7, $0x10  }
0x9ab: {  	v9 =	vmul.u32 $0x1FFFFD, v7;
	_ =	sdelay $0x1  }
0x9ac: {  	v8 =	vadd.s32 v8, v9  }
0x9ad: {  	vm0 =	vlt.f32 v5, $0.0e+00;
	v6 =	vsub.f32 $1.000000000e+00, v6;
	v8 =	vshll.u32 v8, $0xB  }
0x9ae: {  	vm1 =	vgt.f32 v5, $0.0e+00;
	v7 =	vadd.s32 v7, v8;
	v8 =	vand.u32 $0x80000000, v5;
	v9 =	vpop (erf)  }
0x9af: {  	vm0 =	vmor vm1, vm0;
	v8 =	vor.u32 v8, v4;
	v6 =	vmul.f32 v9, v6  }
0x9b0: {  	v5 =	vsel vm0, v8, v5  }
0x9b1: {  	v5 =	vmul.f32 v6, v5  }
0x9b2: {  	s18 =	simm.s32 $0xA000  }
0x9b3: {  	[tilespmem:s18+$0x0] =	vst v5  }
0x9b4: {  	v5 =	vld.idx.msk [tilespmem:v7+s14+$0x0], $0xffff  }
0x9b5: {  	v6 =	vld [tilespmem:s16+$0x0];
	_ =	sdelay $0x1  }
0x9b6: {  	v7 =	vld.idx.msk [tilespmem:v7+s17+$0x0], $0xffff;
	_ =	sdelay $0x2  }
0x9b7: {  	v5 =	vmul.f32 v6, v5;
	_ =	sdelay $0x1  }
0x9b8: {  	v5 =	vadd.f32 v5, v7;
	_ =	sdelay $0x1  }
0x9b9: {  	v6 =	vand.u32 $0x7FFFFFFF, v5  }
0x9ba: {  	v6 =	vmul.f32 $-2.000000000e+00, v6;
	_ =	sdelay $0x1  }
0x9bb: {  	v6 =	vmul.f32 $1.442695020e+00, v6;
	_ =	sdelay $0x1  }
0x9bc: {  	(erf) = vpow2.f32 v6;
	_ =	sdelay $0x8  }
0x9bd: {  	v6 =	vpop (erf)  }
0x9be: {  	v8 =	vadd.f32 $1.000000000e+00, v6  }
0x9bf: {  	s19 =	simm.s32 $0x20  }
0x9c0: {  	v7 =	vor.u32 s19, v0;
	(erf) = vrcp.f32 v8  }
0x9c1: {  	v8 =	vmul.u32 $0x5556, v7  }
0x9c2: {  	s19 =	simm.s32 $0x30  }
.LBB2_62:
0x9c3: {  	p0 =	sne.s32 s19, $0x17F0;
	v8 =	vshrl.u32 v8, $0x10  }
0x9c4: {  	v9 =	vmul.u32 $0x1FFFFD, v8;
	_ =	sdelay $0x1  }
0x9c5: {  	v7 =	vadd.s32 v7, v9  }
0x9c6: {  	v7 =	vshll.u32 v7, $0xB  }
0x9c7: {  	v6 =	vsub.f32 $1.000000000e+00, v6;
	v7 =	vadd.s32 v8, v7  }
0x9c8: {  	vm0 =	vlt.f32 v5, $0.0e+00;
	vm1 =	vgt.f32 v5, $0.0e+00;
	v8 =	vand.u32 $0x80000000, v5;
	v9 =	vpop (erf)  }
0x9c9: {  	vm0 =	vmor vm1, vm0;
	v8 =	vor.u32 v8, v4;
	v6 =	vmul.f32 v9, v6  }
0x9ca: {  	v5 =	vsel vm0, v8, v5  }
0x9cb: {  	v5 =	vmul.f32 v6, v5  }
0x9cc: {  	s18 =	sadd.s32 $0x10, s18  }
0x9cd: {  	[tilespmem:s18+$0x0] =	vst v5  }
0x9ce: {  	s16 =	sadd.s32 $0x10, s16;
	v5 =	vld.idx.msk [tilespmem:v7+s14+$0x0], $0xffff  }
0x9cf: {  	v6 =	vld [tilespmem:s16+$0x0]  }
0x9d0: {  	v7 =	vld.idx.msk [tilespmem:v7+s17+$0x0], $0xffff;
	_ =	sdelay $0x3  }
0x9d1: {  	v5 =	vmul.f32 v6, v5;
	_ =	sdelay $0x1  }
0x9d2: {  	v5 =	vadd.f32 v5, v7;
	_ =	sdelay $0x1  }
0x9d3: {  	v6 =	vand.u32 $0x7FFFFFFF, v5  }
0x9d4: {  	v6 =	vmul.f32 $-2.000000000e+00, v6;
	_ =	sdelay $0x1  }
0x9d5: {  	v6 =	vmul.f32 $1.442695020e+00, v6;
	_ =	sdelay $0x1  }
0x9d6: {  	(erf) = vpow2.f32 v6;
	_ =	sdelay $0x8  }
0x9d7: {  	v6 =	vpop (erf)  }
.Ltmp30:
0x9d8: {  	v8 =	vadd.f32 $1.000000000e+00, v6;
	(pc) =	sbr.rel @p0 .LBB2_62-.Ltmp30, $4  }
0x9d9: {  	_ = 	snop  }
0x9da: {  	v7 =	vor.u32 s19, v0;
	(erf) = vrcp.f32 v8  }
0x9db: {  	v8 =	vmul.u32 $0x5556, v7  }
0x9dc: {  	s19 =	sadd.s32 $0x10, s19  }
0x9dd: {  	_ = 	snop  }
0x9de: {  	v8 =	vshrl.u32 v8, $0x10  }
0x9df: {  	v9 =	vmul.u32 $0x1FFFFD, v8;
	_ =	sdelay $0x1  }
0x9e0: {  	v7 =	vadd.s32 v7, v9  }
0x9e1: {  	v6 =	vsub.f32 $1.000000000e+00, v6;
	vm0 =	vlt.f32 v5, $0.0e+00;
	v7 =	vshll.u32 v7, $0xB  }
0x9e2: {  	vm1 =	vgt.f32 v5, $0.0e+00;
	v7 =	vadd.s32 v8, v7;
	v8 =	vand.u32 $0x80000000, v5;
	v9 =	vpop (erf)  }
0x9e3: {  	vm0 =	vmor vm1, vm0;
	v8 =	vor.u32 v8, v4;
	v6 =	vmul.f32 v9, v6  }
0x9e4: {  	v5 =	vsel vm0, v8, v5  }
0x9e5: {  	v5 =	vmul.f32 v6, v5  }
0x9e6: {  	s18 =	sadd.s32 $0x10, s18  }
0x9e7: {  	[tilespmem:s18+$0x0] =	vst v5  }
0x9e8: {  	s16 =	sadd.s32 $0x10, s16;
	v5 =	vld.idx.msk [tilespmem:v7+s14+$0x0], $0xffff  }
0x9e9: {  	v6 =	vld [tilespmem:s16+$0x0];
	_ =	sdelay $0x1  }
0x9ea: {  	v7 =	vld.idx.msk [tilespmem:v7+s17+$0x0], $0xffff;
	_ =	sdelay $0x2  }
0x9eb: {  	v5 =	vmul.f32 v6, v5;
	_ =	sdelay $0x1  }
0x9ec: {  	v5 =	vadd.f32 v5, v7;
	_ =	sdelay $0x1  }
0x9ed: {  	v6 =	vand.u32 $0x7FFFFFFF, v5  }
0x9ee: {  	v6 =	vmul.f32 $-2.000000000e+00, v6;
	_ =	sdelay $0x1  }
0x9ef: {  	v6 =	vmul.f32 $1.442695020e+00, v6;
	_ =	sdelay $0x1  }
0x9f0: {  	(erf) = vpow2.f32 v6;
	_ =	sdelay $0x8  }
0x9f1: {  	v6 =	vpop (erf)  }
0x9f2: {  	v7 =	vadd.f32 $1.000000000e+00, v6;
	_ =	sdelay $0x1  }
0x9f3: {  	(erf) = vrcp.f32 v7;
	_ =	sdelay $0x7  }
0x9f4: {  	v6 =	vsub.f32 $1.000000000e+00, v6  }
0x9f5: {  	vm12 =	vlt.f32 v5, $0.0e+00;
	vm13 =	vgt.f32 v5, $0.0e+00;
	v7 =	vand.u32 $0x80000000, v5;
	v8 =	vpop (erf)  }
0x9f6: {  	vm0 =	vmor vm13, vm12;
	v7 =	vor.u32 v7, v4;
	v6 =	vmul.f32 v8, v6  }
0x9f7: {  	v5 =	vsel vm0, v7, v5  }
0x9f8: {  	s19 =	sld [smem:$0x7FB];
	v5 =	vmul.f32 v6, v5  }
0x9f9: {  	s18 =	sadd.s32 $0x10, s18  }
0x9fa: {  	s16 =	simm.s32 $0xA000;
	[tilespmem:s18+$0x0] =	vst v5;
	s18 =	simm.s32 $0x0  }
0x9fb: {  	[hbm4b:s19+s18] =	stream.linear.scatter [tilespmem:s16], [sflag:$0x7], $0x1800, $0x38;
	[tilespmem:$0xB800] =	vst v63  }
0x9fc: {  	_ =	swait.ge [sflag:s8], $0x1800  }
0x9fd: {  	[sflag:s8] =	ssyncset.done $0x0  }
0x9fe: {  	[sflag:s8] =	ssyncadd.s32 $0xFFFFE800  }
0x9ff: {  	_ =	swait.ge [sflag:s9], $0x800  }
0xa00: {  	[sflag:s9] =	ssyncset.done $0x0  }
0xa01: {  	[sflag:s9] =	ssyncadd.s32 $0xFFFFF800  }
0xa02: {  	_ =	swait.ge [sflag:s9], $0x800  }
0xa03: {  	[sflag:s9] =	ssyncset.done $0x0  }
0xa04: {  	v5 =	vor.u32 s18, v0;
	[sflag:s9] =	ssyncadd.s32 $0xFFFFF800  }
0xa05: {  	v6 =	vmul.u32 $0x5556, v5;
	_ =	swait.ge [sflag:s9], $0x800  }
0xa06: {  	[sflag:s9] =	ssyncset.done $0x0  }
0xa07: {  	v6 =	vshrl.u32 v6, $0x10;
	[sflag:s9] =	ssyncadd.s32 $0xFFFFF800  }
0xa08: {  	v7 =	vmul.u32 $0x1FFFFD, v6;
	_ =	swait.ge [sflag:s10], $0x800  }
0xa09: {  	[sflag:s10] =	ssyncset.done $0x0  }
0xa0a: {  	v5 =	vadd.s32 v5, v7;
	[sflag:s10] =	ssyncadd.s32 $0xFFFFF800  }
0xa0b: {  	v5 =	vshll.u32 v5, $0xB;
	_ =	swait.ge [sflag:s10], $0x800  }
0xa0c: {  	v5 =	vadd.s32 v6, v5;
	[sflag:s10] =	ssyncset.done $0x0  }
0xa0d: {  	[sflag:s10] =	ssyncadd.s32 $0xFFFFF800  }
0xa0e: {  	_ =	swait.ge [sflag:s10], $0x800  }
0xa0f: {  	[sflag:s10] =	ssyncset.done $0x0  }
0xa10: {  	[sflag:s10] =	ssyncadd.s32 $0xFFFFF800  }
0xa11: {  	s19 =	simm.s32 $0x1800;
	v6 =	vld.idx.msk [tilespmem:v5+s23+$0x0], $0xffff  }
0xa12: {  	v7 =	vld [tilespmem:s19+$0x0];
	_ =	sdelay $0x1  }
0xa13: {  	v5 =	vld.idx.msk [tilespmem:v5+s29+$0x0], $0xffff;
	_ =	sdelay $0x2  }
0xa14: {  	v6 =	vmul.f32 v7, v6;
	_ =	sdelay $0x1  }
0xa15: {  	v5 =	vadd.f32 v6, v5;
	_ =	sdelay $0x1  }
0xa16: {  	v6 =	vand.u32 $0x7FFFFFFF, v5  }
0xa17: {  	v6 =	vmul.f32 $-2.000000000e+00, v6;
	_ =	sdelay $0x1  }
0xa18: {  	v6 =	vmul.f32 $1.442695020e+00, v6;
	_ =	sdelay $0x1  }
0xa19: {  	(erf) = vpow2.f32 v6;
	_ =	sdelay $0x8  }
0xa1a: {  	v6 =	vpop (erf)  }
0xa1b: {  	v7 =	vadd.f32 $1.000000000e+00, v6;
	_ =	sdelay $0x1  }
0xa1c: {  	s19 =	simm.s32 $0x10;
	(erf) = vrcp.f32 v7  }
0xa1d: {  	v8 =	vor.u32 s19, v0  }
0xa1e: {  	v7 =	vmul.u32 $0x5556, v8;
	_ =	sdelay $0x1  }
0xa1f: {  	v7 =	vshrl.u32 v7, $0x10  }
0xa20: {  	v9 =	vmul.u32 $0x1FFFFD, v7;
	_ =	sdelay $0x1  }
0xa21: {  	v8 =	vadd.s32 v8, v9  }
0xa22: {  	vm14 =	vlt.f32 v5, $0.0e+00;
	v6 =	vsub.f32 $1.000000000e+00, v6;
	v8 =	vshll.u32 v8, $0xB  }
0xa23: {  	vm15 =	vgt.f32 v5, $0.0e+00;
	v7 =	vadd.s32 v7, v8;
	v8 =	vand.u32 $0x80000000, v5;
	v9 =	vpop (erf)  }
0xa24: {  	vm0 =	vmor vm15, vm14;
	v8 =	vor.u32 v8, v4;
	v6 =	vmul.f32 v9, v6  }
0xa25: {  	v5 =	vsel vm0, v8, v5  }
0xa26: {  	v5 =	vmul.f32 v6, v5;
	_ =	sdelay $0x1  }
0xa27: {  	[tilespmem:s16+$0x0] =	vst v5  }
0xa28: {  	s18 =	simm.s32 $0x1810;
	v5 =	vld.idx.msk [tilespmem:v7+s23+$0x0], $0xffff  }
0xa29: {  	v6 =	vld [tilespmem:s18+$0x0];
	_ =	sdelay $0x1  }
0xa2a: {  	v7 =	vld.idx.msk [tilespmem:v7+s29+$0x0], $0xffff;
	_ =	sdelay $0x2  }
0xa2b: {  	v5 =	vmul.f32 v6, v5;
	_ =	sdelay $0x1  }
0xa2c: {  	v5 =	vadd.f32 v5, v7;
	_ =	sdelay $0x1  }
0xa2d: {  	v6 =	vand.u32 $0x7FFFFFFF, v5  }
0xa2e: {  	v6 =	vmul.f32 $-2.000000000e+00, v6;
	_ =	sdelay $0x1  }
0xa2f: {  	v6 =	vmul.f32 $1.442695020e+00, v6;
	_ =	sdelay $0x1  }
0xa30: {  	(erf) = vpow2.f32 v6;
	_ =	sdelay $0x8  }
0xa31: {  	v6 =	vpop (erf)  }
0xa32: {  	v8 =	vadd.f32 $1.000000000e+00, v6  }
0xa33: {  	s19 =	simm.s32 $0x20  }
0xa34: {  	v7 =	vor.u32 s19, v0;
	(erf) = vrcp.f32 v8  }
0xa35: {  	v8 =	vmul.u32 $0x5556, v7  }
0xa36: {  	s19 =	simm.s32 $0x30  }
.LBB2_64:
0xa37: {  	p0 =	sne.s32 s19, $0x17F0;
	v8 =	vshrl.u32 v8, $0x10  }
0xa38: {  	v9 =	vmul.u32 $0x1FFFFD, v8;
	_ =	sdelay $0x1  }
0xa39: {  	v7 =	vadd.s32 v7, v9  }
0xa3a: {  	v7 =	vshll.u32 v7, $0xB  }
0xa3b: {  	v6 =	vsub.f32 $1.000000000e+00, v6;
	v7 =	vadd.s32 v8, v7  }
0xa3c: {  	vm0 =	vlt.f32 v5, $0.0e+00;
	vm1 =	vgt.f32 v5, $0.0e+00;
	v8 =	vand.u32 $0x80000000, v5;
	v9 =	vpop (erf)  }
0xa3d: {  	vm0 =	vmor vm1, vm0;
	v8 =	vor.u32 v8, v4;
	v6 =	vmul.f32 v9, v6  }
0xa3e: {  	v5 =	vsel vm0, v8, v5  }
0xa3f: {  	v5 =	vmul.f32 v6, v5  }
0xa40: {  	s16 =	sadd.s32 $0x10, s16  }
0xa41: {  	[tilespmem:s16+$0x0] =	vst v5  }
0xa42: {  	s18 =	sadd.s32 $0x10, s18;
	v5 =	vld.idx.msk [tilespmem:v7+s23+$0x0], $0xffff  }
0xa43: {  	v6 =	vld [tilespmem:s18+$0x0]  }
0xa44: {  	v7 =	vld.idx.msk [tilespmem:v7+s29+$0x0], $0xffff;
	_ =	sdelay $0x3  }
0xa45: {  	v5 =	vmul.f32 v6, v5;
	_ =	sdelay $0x1  }
0xa46: {  	v5 =	vadd.f32 v5, v7;
	_ =	sdelay $0x1  }
0xa47: {  	v6 =	vand.u32 $0x7FFFFFFF, v5  }
0xa48: {  	v6 =	vmul.f32 $-2.000000000e+00, v6;
	_ =	sdelay $0x1  }
0xa49: {  	v6 =	vmul.f32 $1.442695020e+00, v6;
	_ =	sdelay $0x1  }
0xa4a: {  	(erf) = vpow2.f32 v6;
	_ =	sdelay $0x8  }
0xa4b: {  	v6 =	vpop (erf)  }
.Ltmp31:
0xa4c: {  	v8 =	vadd.f32 $1.000000000e+00, v6;
	(pc) =	sbr.rel @p0 .LBB2_64-.Ltmp31, $4  }
0xa4d: {  	_ = 	snop  }
0xa4e: {  	v7 =	vor.u32 s19, v0;
	(erf) = vrcp.f32 v8  }
0xa4f: {  	v8 =	vmul.u32 $0x5556, v7  }
0xa50: {  	s19 =	sadd.s32 $0x10, s19  }
0xa51: {  	_ =	sdelay $0x1  }
0xa52: {  	v8 =	vshrl.u32 v8, $0x10  }
0xa53: {  	v9 =	vmul.u32 $0x1FFFFD, v8  }
0xa54: {  	v6 =	vsub.f32 $1.000000000e+00, v6  }
0xa55: {  	vm0 =	vlt.f32 v5, $0.0e+00;
	vm1 =	vgt.f32 v5, $0.0e+00;
	v7 =	vadd.s32 v7, v9  }
0xa56: {  	v61 =	vand.u32 $0x80000000, v5;
	vm0 =	vmor vm1, vm0;
	v7 =	vshll.u32 v7, $0xB;
	v62 =	vpop (erf)  }
0xa57: {  	v7 =	vadd.s32 v8, v7;
	v8 =	vor.u32 v61, v4;
	v6 =	vmul.f32 v62, v6  }
0xa58: {  	v5 =	vsel vm0, v8, v5  }
0xa59: {  	v5 =	vmul.f32 v6, v5  }
0xa5a: {  	s16 =	sadd.s32 $0x10, s16  }
0xa5b: {  	[tilespmem:s16+$0x0] =	vst v5  }
0xa5c: {  	s18 =	sadd.s32 $0x10, s18;
	v5 =	vld.idx.msk [tilespmem:v7+s23+$0x0], $0xffff  }
0xa5d: {  	v6 =	vld [tilespmem:s18+$0x0];
	_ =	sdelay $0x1  }
0xa5e: {  	v7 =	vld.idx.msk [tilespmem:v7+s29+$0x0], $0xffff;
	_ =	sdelay $0x2  }
0xa5f: {  	v5 =	vmul.f32 v6, v5;
	_ =	sdelay $0x1  }
0xa60: {  	v5 =	vadd.f32 v5, v7;
	_ =	sdelay $0x1  }
0xa61: {  	v6 =	vand.u32 $0x7FFFFFFF, v5  }
0xa62: {  	v6 =	vmul.f32 $-2.000000000e+00, v6;
	_ =	sdelay $0x1  }
0xa63: {  	v6 =	vmul.f32 $1.442695020e+00, v6;
	_ =	sdelay $0x1  }
0xa64: {  	(erf) = vpow2.f32 v6;
	_ =	sdelay $0x8  }
0xa65: {  	v6 =	vpop (erf)  }
0xa66: {  	v7 =	vadd.f32 $1.000000000e+00, v6;
	_ =	sdelay $0x1  }
0xa67: {  	(erf) = vrcp.f32 v7;
	_ =	sdelay $0x7  }
0xa68: {  	v6 =	vsub.f32 $1.000000000e+00, v6  }
0xa69: {  	vm14 =	vlt.f32 v5, $0.0e+00;
	vm15 =	vgt.f32 v5, $0.0e+00;
	v7 =	vand.u32 $0x80000000, v5;
	v63 =	vpop (erf)  }
0xa6a: {  	vm0 =	vmor vm15, vm14;
	v7 =	vor.u32 v7, v4;
	v6 =	vmul.f32 v63, v6  }
0xa6b: {  	v5 =	vsel vm0, v7, v5  }
0xa6c: {  	s18 =	sld [smem:$0x7FC];
	v5 =	vmul.f32 v6, v5  }
0xa6d: {  	s16 =	sadd.s32 $0x10, s16  }
0xa6e: {  	[tilespmem:s16+$0x0] =	vst v5  }
0xa6f: {  	[hbm4b:s18+s1] =	stream.linear.scatter [tilespmem:s6], [sflag:$0x7], $0x1800, $0x38;
	[tilespmem:$0xB800] =	vst v63  }
0xa70: {  	_ =	swait.ge [sflag:s8], $0x1800  }
0xa71: {  	s19 =	sld [smem:$0x7FD];
	_ =	sdelay $0x1  }
0xa72: {  	s15 =	sadd.s32 $0x1, s15  }
0xa73: {  	p0 =	sne.s32 s15, s19  }
.Ltmp32:
0xa74: {  	_ = 	snop;
	(pc) =	sbr.rel @p0 .LBB2_1-.Ltmp32, $3  }
0xa75: {  	_ =	sdelay $0x1  }
0xa76: {  	[sflag:s8] =	ssyncset.done $0x0  }
0xa77: {  	[sflag:s8] =	ssyncadd.s32 $0xFFFFE800  }
0xa78: {  	_ =	sfence.sel $0x180000  }
0xa79: {  	[bflag:$0x0] =	sbarrier.arrive $0xFFFF  }
0xa7a: {  	_ =	strace $0x90000047  }
0xa7b: {  	s0 =	stileid.u32;
	[bflag:$0x2] =	sbarrier.arrive $0xFFFF  }
0xa7c: {  	p0 =	sne.s32 s0, $0x0;
	s0 =	rddreg [dreg:$0x8]  }
0xa7d: {  	s0 =	sadd.s32 @!p0 $0x100000, s0  }
0xa7e: {  	[sflag:s0] =	ssyncadd.tile.s32 @!p0 $0x1;
	_ =	shalt  }
.Lfunc_end2:
_tile_overlayer_lowered:
.L_overlay_start_2:
0xa7f: {  	(tag) =	ssettag $0x2  }
0xa80: {  	s0 =	rddreg [dreg:$0x0];
	s2 =	stileid.u32  }
0xa81: {  	s1 =	rddreg [dreg:$0x1];
	p0 =	sne.s32 s2, $0x0  }
0xa82: {  	s3 =	rddreg [dreg:$0x2];
	[bflag:$0x3] =	sbarrier.arrive $0xFFFF;
	s2 =	simm.s32 @!p0 $0x1C07  }
0xa83: {  	[timem:s3], [sflag:s2] =	dma.local @!p0 [hbm:s0], s1  }
0xa84: {  	s0 =	simm.s32 @!p0 $0x7  }
0xa85: {  	_ =	swait.ge @!p0 [sflag:s0], s1  }
0xa86: {  	s1 =	ssub.s32 @!p0 $0x0, s1;
	[sflag:s0] =	ssyncset.done @!p0 $0x0  }
0xa87: {  	[sflag:s0] =	ssyncadd.s32 @!p0 s1  }
0xa88: {  	[bflag:$0x3] =	sbarrier.arrive $0xFFFF  }
0xa89: {  	_ =	shalt  }

</sc_bundles>
